<compile_context>
chip_gen: v7x
topology: tpu7x:2x2x1
jax: 0.10.2.dev20260603
libtpu: 0.0.44.dev20260713+nightly
codegen_flags: <defaults>
</compile_context>

<pallas_src>
import functools

import jax
import jax.numpy as jnp
from jax import lax
from jax.experimental import pallas as pl
from jax.experimental.pallas import tpu as pltpu
from jax.experimental.pallas import tpu_sc as plsc

D = 128
V0, V1, V2 = 5, 6, 2
NC, NS = 2, 16
NW = NC * NS
SUB = 32


def _make_prep_body(lo, n_hi):
    def _prep_body(c0_ref, c1_ref, c2_ref, w0_ref, w1_ref, w2_ref,
                   codes_ref, t_ref):
        i0 = jnp.clip(c0_ref[...], 0, V0 - 1)
        i1 = jnp.clip(c1_ref[...], 0, V1 - 1)
        i2 = jnp.clip(c2_ref[...], 0, V2 - 1)
        code = i0 * (V1 * V2) + i1 * V2 + i2
        g = lax.broadcasted_iota(jnp.int32, code.shape, 0)
        c = g // 2
        owner = jnp.where(c < (lo + 1) * n_hi,
                          c // (lo + 1), (c - n_hi) // lo)
        lane = lax.broadcasted_iota(jnp.int32, code.shape, 1)
        rep = owner * SUB + (lane % SUB)
        codes_ref[...] = code + rep * (V0 * V1 * V2)

        w0 = w0_ref[...] * (1.0 / 3.0)
        w1 = w1_ref[...] * (1.0 / 3.0)
        w2 = w2_ref[...] * (1.0 / 3.0)
        rows = []
        for a in range(V0):
            for b in range(V1):
                rows.append((w0[a:a + 1, :] + w1[b:b + 1, :]) + w2)
        t = jnp.concatenate(rows, axis=0)
        for w in range(NW * SUB):
            t_ref[pl.ds(w * (V0 * V1 * V2), V0 * V1 * V2), :] = t

    return _prep_body


def _make_sc_gather(n_groups, lo, n_hi):
    mesh = plsc.VectorSubcoreMesh(core_axis_name="c", subcore_axis_name="s")
    CH = 2
    NSLOT = 3
    PF = NSLOT - 1
    n_full = lo + (1 if n_hi else 0)
    assert n_full >= NSLOT
    n_bodies = (n_full + NSLOT - 1) // NSLOT

    @functools.partial(
        pl.kernel,
        out_type=jax.ShapeDtypeStruct((n_groups, D, D), jnp.float32),
        mesh=mesh,
        scratch_types=[
            pltpu.VMEM((n_full, CH, D), jnp.int32),
            pltpu.VMEM((NSLOT, CH, D, D), jnp.float32),
        ] + [pltpu.SemaphoreType.DMA] * (2 * NSLOT),
    )
    def sc_gather(t_hbm, codes_hbm, out_hbm, idx_v, rows_v, *sems):
        wid = lax.axis_index("s") * NC + lax.axis_index("c")
        base_c = wid * lo + jnp.minimum(wid, n_hi)
        n_w = lo + (wid < n_hi).astype(jnp.int32)
        gsems = sems[:NSLOT]
        osems = sems[NSLOT:]

        pltpu.sync_copy(codes_hbm.at[pl.ds(base_c, lo)],
                        idx_v.at[pl.ds(0, lo)])
        if n_hi:
            @pl.when(wid < n_hi)
            def _():
                pltpu.sync_copy(codes_hbm.at[pl.ds(base_c + lo, 1)],
                                idx_v.at[pl.ds(lo, 1)])

        def fire(k, s):
            for j in range(CH):
                pltpu.async_copy(t_hbm.at[idx_v.at[k, j]],
                                 rows_v.at[s, j], gsems[s])

        def drain_g(s):
            pltpu.make_async_copy(out_hbm.at[pl.ds(0, CH)],
                                  rows_v.at[s], gsems[s]).wait()

        def fire_out(k, s):
            pltpu.async_copy(rows_v.at[s],
                             out_hbm.at[pl.ds((base_c + k) * CH, CH)],
                             osems[s])

        def drain_out(s):
            pltpu.make_async_copy(rows_v.at[s],
                                  out_hbm.at[pl.ds(0, CH)], osems[s]).wait()

        for p in range(PF):
            fire(p, p)

        def body(m, carry):
            for t in range(NSLOT):
                k = m * NSLOT + t

                @pl.when(k < n_w)
                def _():
                    drain_g(t)
                    fire_out(k, t)
                s2 = (t + PF) % NSLOT

                @pl.when(jnp.logical_and(k >= 1, k + PF < n_w))
                def _():
                    drain_out(s2)

                @pl.when(k + PF < n_w)
                def _():
                    fire(k + PF, s2)

            return carry

        lax.fori_loop(0, n_bodies, body, 0)
        for s in range(NSLOT):
            drain_out(s)

    return sc_gather


def kernel(edge_attr, W0, W1, W2):
    E = edge_attr.shape[0]
    n_groups = E // D
    assert n_groups * D == E

    ea = edge_attr.astype(jnp.int32)
    c0 = ea[:, 0].reshape(n_groups, D)
    c1 = ea[:, 1].reshape(n_groups, D)
    c2 = ea[:, 2].reshape(n_groups, D)

    n_chunks = n_groups // 2
    lo = n_chunks // NW
    n_hi = n_chunks - lo * NW
    codes2d, table = pl.pallas_call(
        _make_prep_body(lo, n_hi),
        out_shape=[
            jax.ShapeDtypeStruct((n_groups, D), jnp.int32),
            jax.ShapeDtypeStruct((NW * SUB * V0 * V1 * V2, D), jnp.float32),
        ],
    )(c0, c1, c2, W0, W1, W2)

    codes3d = codes2d.reshape(n_chunks, 2, D)
    out3d = _make_sc_gather(n_groups, lo, n_hi)(table, codes3d)
    return out3d.reshape(E, D)

# --- scband reference (transcript-rebuilt; emitter-appended) ---
"""Pipeline reference for scband-bond-embedding-53369263620704 (READ-ONLY COPY).

The authoritative reference and input builder live on the scoring server;
editing this copy changes nothing except your own understanding.
"""

import jax, jax.numpy as jnp
import numpy as np

VOCAB_DIMS = [5, 6, 2]
EMBED_DIM = 128
E = 320000

def setup_inputs(seed: int = 0) -> dict:
    key = jax.random.key(seed)
    k0, k1, k2, k3 = jax.random.split(key, 4)
    edge_attr = jax.random.randint(k0, (E, 3), 0, 2, dtype=jnp.int64)
    # Xavier-uniform initialized embedding tables per vocab dim
    def xavier(k, fan_in, fan_out):
        a = float(np.sqrt(6.0 / (fan_in + fan_out)))
        return jax.random.uniform(k, (fan_in, fan_out), minval=-a, maxval=a, dtype=jnp.float32)
    W0 = xavier(k1, VOCAB_DIMS[0], EMBED_DIM)
    W1 = xavier(k2, VOCAB_DIMS[1], EMBED_DIM)
    W2 = xavier(k3, VOCAB_DIMS[2], EMBED_DIM)
    return {"edge_attr": edge_attr, "W0": W0, "W1": W1, "W2": W2}

def reference(edge_attr, W0, W1, W2):
    # torch.split(edge_attr, 1, dim=1) -> three (E,1) index tensors
    # embedding lookup -> (E,1,D) each; cat dim=1 -> (E,3,D); mean dim=1 -> (E,D)
    e0 = jnp.take(W0, edge_attr[:, 0], axis=0)  # (E, D)
    e1 = jnp.take(W1, edge_attr[:, 1], axis=0)
    e2 = jnp.take(W2, edge_attr[:, 2], axis=0)
    stacked = jnp.stack([e0, e1, e2], axis=1)   # (E, 3, D)
    return jnp.mean(stacked, axis=1)            # (E, D)

if __name__ == "__main__":
    import jax
    _d = setup_inputs()
    print(jax.jit(kernel)(*tuple(_d.values())))

</pallas_src>

<mosaic_0001>
#map = affine_map<(d0, d1) -> (0, 0)>
#map1 = affine_map<(d0, d1) -> (0, 0, 0)>
module attributes {stable_mosaic.version = 14 : i64} {
  func.func @sc_gather(%arg0: i32, %arg1: i32, %arg2: memref<61440x128xf32, #tpu.memory_space<hbm>>, %arg3: memref<1250x2x128xi32, #tpu.memory_space<hbm>>, %arg4: memref<2500x128x128xf32, #tpu.memory_space<hbm>>, %arg5: memref<40x2x128xi32, #tpu.memory_space<vmem>>, %arg6: memref<3x2x128x128xf32, #tpu.memory_space<vmem>>, %arg7: memref<!tpu.dma_semaphore, #tpu.memory_space<semaphore_mem>>, %arg8: memref<!tpu.dma_semaphore, #tpu.memory_space<semaphore_mem>>, %arg9: memref<!tpu.dma_semaphore, #tpu.memory_space<semaphore_mem>>, %arg10: memref<!tpu.dma_semaphore, #tpu.memory_space<semaphore_mem>>, %arg11: memref<!tpu.dma_semaphore, #tpu.memory_space<semaphore_mem>>, %arg12: memref<!tpu.dma_semaphore, #tpu.memory_space<semaphore_mem>>) attributes {dimension_semantics = [#tpu.dimension_semantics<core_parallel>, #tpu.dimension_semantics<subcore_parallel>], iteration_bounds = array<i64: 2, 16>, scalar_prefetch = 0 : i64, scratch_operands = 8 : i64, tpu.core_type = #tpu.core_type<sc_vector_subcore>, window_params = [{transform_indices = #map}, {transform_indices = #map1}, {transform_indices = #map1}]} {
    %mul3A = arith.constant 2 : i32
    %mul3A_0 = arith.muli %arg1, %mul3A : i32
    %add3A = arith.addi %mul3A_0, %arg0 : i32
    %mul3A_1 = arith.constant 39 : i32
    %mul3A_2 = arith.muli %add3A, %mul3A_1 : i32
    %min3A = arith.constant 2 : i32
    %min3A_3 = arith.minsi %add3A, %min3A : i32
    %add3A_4 = arith.addi %mul3A_2, %min3A_3 : i32
    %lt3A = arith.constant 2 : i32
    %lt3A_5 = arith.cmpi slt, %add3A, %lt3A : i32
    %convert_element_type3A = arith.extui %lt3A_5 : i1 to i32
    %add3A_6 = arith.constant 39 : i32
    %add3A_7 = arith.addi %add3A_6, %convert_element_type3A : i32
    "tpu.region"() ({
      %run_scoped3A = tpu.sem_alloc : memref<!tpu.dma_semaphore, #tpu.memory_space<semaphore_mem>>
      %dma_start3A_128 = arith.constant 0 : i32
      %dma_start3A_129 = arith.constant 0 : i32
      %dma_start3A_130 = arith.constant 0 : i32
      %dma_start3A_131 = tpu.memref_slice %arg5[%dma_start3A_128, %dma_start3A_129, %dma_start3A_130] : memref<40x2x128xi32, #tpu.memory_space<vmem>> -> memref<39x2x128xi32, #tpu.memory_space<vmem>>
      %dma_start3A_132 = arith.constant 0 : i32
      %dma_start3A_133 = arith.constant 0 : i32
      %dma_start3A_134 = tpu.memref_slice %arg3[%add3A_4, %dma_start3A_132, %dma_start3A_133] : memref<1250x2x128xi32, #tpu.memory_space<hbm>> -> memref<39x2x128xi32, #tpu.memory_space<hbm>>
      %dma_start3A_135 = arith.constant 0 : i32
      %dma_start3A_136 = arith.constant 0 : i32
      %dma_start3A_137 = arith.constant 0 : i32
      %dma_start3A_138 = tpu.memref_slice %arg5[%dma_start3A_135, %dma_start3A_136, %dma_start3A_137] : memref<40x2x128xi32, #tpu.memory_space<vmem>> -> memref<39x2x128xi32, #tpu.memory_space<vmem>>
      %dma_start3A_139 = arith.constant 0 : i32
      %dma_start3A_140 = arith.constant 0 : i32
      %dma_start3A_141 = tpu.memref_slice %arg3[%add3A_4, %dma_start3A_139, %dma_start3A_140] : memref<1250x2x128xi32, #tpu.memory_space<hbm>> -> memref<39x2x128xi32, #tpu.memory_space<hbm>>
      tpu.enqueue_dma source(%dma_start3A_141 : memref<39x2x128xi32, #tpu.memory_space<hbm>>) target(%dma_start3A_138 : memref<39x2x128xi32, #tpu.memory_space<vmem>>) target_semaphore(%run_scoped3A : memref<!tpu.dma_semaphore, #tpu.memory_space<semaphore_mem>>)
      %dma_wait3A_142 = arith.constant 0 : i32
      %dma_wait3A_143 = arith.constant 0 : i32
      %dma_wait3A_144 = arith.constant 0 : i32
      %dma_wait3A_145 = tpu.memref_slice %arg5[%dma_wait3A_142, %dma_wait3A_143, %dma_wait3A_144] : memref<40x2x128xi32, #tpu.memory_space<vmem>> -> memref<39x2x128xi32, #tpu.memory_space<vmem>>
      %dma_wait3A_146 = arith.constant 0 : i32
      %dma_wait3A_147 = arith.constant 0 : i32
      %dma_wait3A_148 = tpu.memref_slice %arg3[%add3A_4, %dma_wait3A_146, %dma_wait3A_147] : memref<1250x2x128xi32, #tpu.memory_space<hbm>> -> memref<39x2x128xi32, #tpu.memory_space<hbm>>
      %dma_wait3A_149 = arith.constant 0 : i32
      %dma_wait3A_150 = arith.constant 0 : i32
      %dma_wait3A_151 = arith.constant 0 : i32
      %dma_wait3A_152 = tpu.memref_slice %arg5[%dma_wait3A_149, %dma_wait3A_150, %dma_wait3A_151] : memref<40x2x128xi32, #tpu.memory_space<vmem>> -> memref<39x2x128xi32, #tpu.memory_space<vmem>>
      %dma_wait3A_153 = arith.constant 0 : i32
      %dma_wait3A_154 = arith.constant 0 : i32
      %dma_wait3A_155 = tpu.memref_slice %arg3[%add3A_4, %dma_wait3A_153, %dma_wait3A_154] : memref<1250x2x128xi32, #tpu.memory_space<hbm>> -> memref<39x2x128xi32, #tpu.memory_space<hbm>>
      tpu.wait_dma2 semaphore(%run_scoped3A : memref<!tpu.dma_semaphore, #tpu.memory_space<semaphore_mem>>) src(%dma_wait3A_155 : memref<39x2x128xi32, #tpu.memory_space<hbm>>) dst(%dma_wait3A_152 : memref<39x2x128xi32, #tpu.memory_space<vmem>>)
      tpu.yield
    }) : () -> ()
    %lt3A_8 = arith.constant 2 : i32
    %lt3A_9 = arith.cmpi slt, %add3A, %lt3A_8 : i32
    %convert_element_type3A_10 = arith.extui %lt3A_9 : i1 to i32
    %cond3A = arith.constant 0 : i32
    %cond3A_11 = arith.cmpi ne, %convert_element_type3A_10, %cond3A : i32
    scf.if %cond3A_11 {
      %add3A_128 = arith.constant 39 : i32
      %add3A_129 = arith.addi %add3A_4, %add3A_128 : i32
      "tpu.region"() ({
        %run_scoped3A = tpu.sem_alloc : memref<!tpu.dma_semaphore, #tpu.memory_space<semaphore_mem>>
        %dma_start3A_130 = arith.constant 39 : i32
        %dma_start3A_131 = arith.constant 0 : i32
        %dma_start3A_132 = arith.constant 0 : i32
        %dma_start3A_133 = tpu.memref_slice %arg5[%dma_start3A_130, %dma_start3A_131, %dma_start3A_132] : memref<40x2x128xi32, #tpu.memory_space<vmem>> -> memref<1x2x128xi32, #tpu.memory_space<vmem>>
        %dma_start3A_134 = arith.constant 0 : i32
        %dma_start3A_135 = arith.constant 0 : i32
        %dma_start3A_136 = tpu.memref_slice %arg3[%add3A_129, %dma_start3A_134, %dma_start3A_135] : memref<1250x2x128xi32, #tpu.memory_space<hbm>> -> memref<1x2x128xi32, #tpu.memory_space<hbm>>
        %dma_start3A_137 = arith.constant 39 : i32
        %dma_start3A_138 = arith.constant 0 : i32
        %dma_start3A_139 = arith.constant 0 : i32
        %dma_start3A_140 = tpu.memref_slice %arg5[%dma_start3A_137, %dma_start3A_138, %dma_start3A_139] : memref<40x2x128xi32, #tpu.memory_space<vmem>> -> memref<1x2x128xi32, #tpu.memory_space<vmem>>
        %dma_start3A_141 = arith.constant 0 : i32
        %dma_start3A_142 = arith.constant 0 : i32
        %dma_start3A_143 = tpu.memref_slice %arg3[%add3A_129, %dma_start3A_141, %dma_start3A_142] : memref<1250x2x128xi32, #tpu.memory_space<hbm>> -> memref<1x2x128xi32, #tpu.memory_space<hbm>>
        tpu.enqueue_dma source(%dma_start3A_143 : memref<1x2x128xi32, #tpu.memory_space<hbm>>) target(%dma_start3A_140 : memref<1x2x128xi32, #tpu.memory_space<vmem>>) target_semaphore(%run_scoped3A : memref<!tpu.dma_semaphore, #tpu.memory_space<semaphore_mem>>)
        %dma_wait3A_144 = arith.constant 39 : i32
        %dma_wait3A_145 = arith.constant 0 : i32
        %dma_wait3A_146 = arith.constant 0 : i32
        %dma_wait3A_147 = tpu.memref_slice %arg5[%dma_wait3A_144, %dma_wait3A_145, %dma_wait3A_146] : memref<40x2x128xi32, #tpu.memory_space<vmem>> -> memref<1x2x128xi32, #tpu.memory_space<vmem>>
        %dma_wait3A_148 = arith.constant 0 : i32
        %dma_wait3A_149 = arith.constant 0 : i32
        %dma_wait3A_150 = tpu.memref_slice %arg3[%add3A_129, %dma_wait3A_148, %dma_wait3A_149] : memref<1250x2x128xi32, #tpu.memory_space<hbm>> -> memref<1x2x128xi32, #tpu.memory_space<hbm>>
        %dma_wait3A_151 = arith.constant 39 : i32
        %dma_wait3A_152 = arith.constant 0 : i32
        %dma_wait3A_153 = arith.constant 0 : i32
        %dma_wait3A_154 = tpu.memref_slice %arg5[%dma_wait3A_151, %dma_wait3A_152, %dma_wait3A_153] : memref<40x2x128xi32, #tpu.memory_space<vmem>> -> memref<1x2x128xi32, #tpu.memory_space<vmem>>
        %dma_wait3A_155 = arith.constant 0 : i32
        %dma_wait3A_156 = arith.constant 0 : i32
        %dma_wait3A_157 = tpu.memref_slice %arg3[%add3A_129, %dma_wait3A_155, %dma_wait3A_156] : memref<1250x2x128xi32, #tpu.memory_space<hbm>> -> memref<1x2x128xi32, #tpu.memory_space<hbm>>
        tpu.wait_dma2 semaphore(%run_scoped3A : memref<!tpu.dma_semaphore, #tpu.memory_space<semaphore_mem>>) src(%dma_wait3A_157 : memref<1x2x128xi32, #tpu.memory_space<hbm>>) dst(%dma_wait3A_154 : memref<1x2x128xi32, #tpu.memory_space<vmem>>)
        tpu.yield
      }) : () -> ()
    } else {
    }
    %dma_start3A = arith.constant 0 : i32
    %dma_start3A_12 = arith.constant 0 : i32
    %dma_start3A_13 = arith.constant 0 : i32
    %dma_start3A_14 = arith.constant 0 : i32
    %dma_start3A_15 = arith.constant 0 : i32
    %dma_start3A_16 = arith.constant 0 : i32
    %dma_start3A_17 = tpu.memref_slice %arg6[%dma_start3A_13, %dma_start3A_14, %dma_start3A_15, %dma_start3A_16] : memref<3x2x128x128xf32, #tpu.memory_space<vmem>> -> memref<1x1x128x128xf32, #tpu.memory_space<vmem>>
    %dma_start3A_18 = tpu.memref_squeeze %dma_start3A_17 : memref<1x1x128x128xf32, #tpu.memory_space<vmem>> -> memref<128x128xf32, #tpu.memory_space<vmem>>
    %dma_start3A_19 = arith.constant 0 : i32
    %dma_start3A_20 = tpu.memref_slice %arg5[%dma_start3A, %dma_start3A_12, %dma_start3A_19] : memref<40x2x128xi32, #tpu.memory_space<vmem>> -> memref<1x1x128xi32, #tpu.memory_space<vmem>>
    %dma_start3A_21 = tpu.memref_squeeze %dma_start3A_20 : memref<1x1x128xi32, #tpu.memory_space<vmem>> -> memref<128xi32, #tpu.memory_space<vmem>>
    %dma_start3A_22 = arith.constant 0 : i32
    %dma_start3A_23 = arith.constant 0 : i32
    %dma_start3A_24 = tpu.memref_slice %arg2[%dma_start3A_22, %dma_start3A_23] : memref<61440x128xf32, #tpu.memory_space<hbm>> -> memref<61440x128xf32, #tpu.memory_space<hbm>>
    tpu.enqueue_indirect_dma source(%dma_start3A_24 : memref<61440x128xf32, #tpu.memory_space<hbm>>) target(%dma_start3A_18 : memref<128x128xf32, #tpu.memory_space<vmem>>) offsets(%dma_start3A_21 : memref<128xi32, #tpu.memory_space<vmem>>) semaphore(%arg7 : memref<!tpu.dma_semaphore, #tpu.memory_space<semaphore_mem>>)
    %dma_start3A_25 = arith.constant 0 : i32
    %dma_start3A_26 = arith.constant 1 : i32
    %dma_start3A_27 = arith.constant 0 : i32
    %dma_start3A_28 = arith.constant 1 : i32
    %dma_start3A_29 = arith.constant 0 : i32
    %dma_start3A_30 = arith.constant 0 : i32
    %dma_start3A_31 = tpu.memref_slice %arg6[%dma_start3A_27, %dma_start3A_28, %dma_start3A_29, %dma_start3A_30] : memref<3x2x128x128xf32, #tpu.memory_space<vmem>> -> memref<1x1x128x128xf32, #tpu.memory_space<vmem>>
    %dma_start3A_32 = tpu.memref_squeeze %dma_start3A_31 : memref<1x1x128x128xf32, #tpu.memory_space<vmem>> -> memref<128x128xf32, #tpu.memory_space<vmem>>
    %dma_start3A_33 = arith.constant 0 : i32
    %dma_start3A_34 = tpu.memref_slice %arg5[%dma_start3A_25, %dma_start3A_26, %dma_start3A_33] : memref<40x2x128xi32, #tpu.memory_space<vmem>> -> memref<1x1x128xi32, #tpu.memory_space<vmem>>
    %dma_start3A_35 = tpu.memref_squeeze %dma_start3A_34 : memref<1x1x128xi32, #tpu.memory_space<vmem>> -> memref<128xi32, #tpu.memory_space<vmem>>
    %dma_start3A_36 = arith.constant 0 : i32
    %dma_start3A_37 = arith.constant 0 : i32
    %dma_start3A_38 = tpu.memref_slice %arg2[%dma_start3A_36, %dma_start3A_37] : memref<61440x128xf32, #tpu.memory_space<hbm>> -> memref<61440x128xf32, #tpu.memory_space<hbm>>
    tpu.enqueue_indirect_dma source(%dma_start3A_38 : memref<61440x128xf32, #tpu.memory_space<hbm>>) target(%dma_start3A_32 : memref<128x128xf32, #tpu.memory_space<vmem>>) offsets(%dma_start3A_35 : memref<128xi32, #tpu.memory_space<vmem>>) semaphore(%arg7 : memref<!tpu.dma_semaphore, #tpu.memory_space<semaphore_mem>>)
    %dma_start3A_39 = arith.constant 1 : i32
    %dma_start3A_40 = arith.constant 0 : i32
    %dma_start3A_41 = arith.constant 1 : i32
    %dma_start3A_42 = arith.constant 0 : i32
    %dma_start3A_43 = arith.constant 0 : i32
    %dma_start3A_44 = arith.constant 0 : i32
    %dma_start3A_45 = tpu.memref_slice %arg6[%dma_start3A_41, %dma_start3A_42, %dma_start3A_43, %dma_start3A_44] : memref<3x2x128x128xf32, #tpu.memory_space<vmem>> -> memref<1x1x128x128xf32, #tpu.memory_space<vmem>>
    %dma_start3A_46 = tpu.memref_squeeze %dma_start3A_45 : memref<1x1x128x128xf32, #tpu.memory_space<vmem>> -> memref<128x128xf32, #tpu.memory_space<vmem>>
    %dma_start3A_47 = arith.constant 0 : i32
    %dma_start3A_48 = tpu.memref_slice %arg5[%dma_start3A_39, %dma_start3A_40, %dma_start3A_47] : memref<40x2x128xi32, #tpu.memory_space<vmem>> -> memref<1x1x128xi32, #tpu.memory_space<vmem>>
    %dma_start3A_49 = tpu.memref_squeeze %dma_start3A_48 : memref<1x1x128xi32, #tpu.memory_space<vmem>> -> memref<128xi32, #tpu.memory_space<vmem>>
    %dma_start3A_50 = arith.constant 0 : i32
    %dma_start3A_51 = arith.constant 0 : i32
    %dma_start3A_52 = tpu.memref_slice %arg2[%dma_start3A_50, %dma_start3A_51] : memref<61440x128xf32, #tpu.memory_space<hbm>> -> memref<61440x128xf32, #tpu.memory_space<hbm>>
    tpu.enqueue_indirect_dma source(%dma_start3A_52 : memref<61440x128xf32, #tpu.memory_space<hbm>>) target(%dma_start3A_46 : memref<128x128xf32, #tpu.memory_space<vmem>>) offsets(%dma_start3A_49 : memref<128xi32, #tpu.memory_space<vmem>>) semaphore(%arg8 : memref<!tpu.dma_semaphore, #tpu.memory_space<semaphore_mem>>)
    %dma_start3A_53 = arith.constant 1 : i32
    %dma_start3A_54 = arith.constant 1 : i32
    %dma_start3A_55 = arith.constant 1 : i32
    %dma_start3A_56 = arith.constant 1 : i32
    %dma_start3A_57 = arith.constant 0 : i32
    %dma_start3A_58 = arith.constant 0 : i32
    %dma_start3A_59 = tpu.memref_slice %arg6[%dma_start3A_55, %dma_start3A_56, %dma_start3A_57, %dma_start3A_58] : memref<3x2x128x128xf32, #tpu.memory_space<vmem>> -> memref<1x1x128x128xf32, #tpu.memory_space<vmem>>
    %dma_start3A_60 = tpu.memref_squeeze %dma_start3A_59 : memref<1x1x128x128xf32, #tpu.memory_space<vmem>> -> memref<128x128xf32, #tpu.memory_space<vmem>>
    %dma_start3A_61 = arith.constant 0 : i32
    %dma_start3A_62 = tpu.memref_slice %arg5[%dma_start3A_53, %dma_start3A_54, %dma_start3A_61] : memref<40x2x128xi32, #tpu.memory_space<vmem>> -> memref<1x1x128xi32, #tpu.memory_space<vmem>>
    %dma_start3A_63 = tpu.memref_squeeze %dma_start3A_62 : memref<1x1x128xi32, #tpu.memory_space<vmem>> -> memref<128xi32, #tpu.memory_space<vmem>>
    %dma_start3A_64 = arith.constant 0 : i32
    %dma_start3A_65 = arith.constant 0 : i32
    %dma_start3A_66 = tpu.memref_slice %arg2[%dma_start3A_64, %dma_start3A_65] : memref<61440x128xf32, #tpu.memory_space<hbm>> -> memref<61440x128xf32, #tpu.memory_space<hbm>>
    tpu.enqueue_indirect_dma source(%dma_start3A_66 : memref<61440x128xf32, #tpu.memory_space<hbm>>) target(%dma_start3A_60 : memref<128x128xf32, #tpu.memory_space<vmem>>) offsets(%dma_start3A_63 : memref<128xi32, #tpu.memory_space<vmem>>) semaphore(%arg8 : memref<!tpu.dma_semaphore, #tpu.memory_space<semaphore_mem>>)
    %scan3A = arith.constant 0 : i32
    %scan3A_67 = arith.constant 0 : i32
    %scan3A_68 = arith.constant 14 : i32
    %scan3A_69 = arith.addi %scan3A_67, %scan3A_68 : i32
    %scan3A_70 = arith.constant 1 : i32
    scf.for %scan3A_128 = %scan3A_67 to %scan3A_69 step %scan3A_70  : i32 {
      %mul3A_129 = arith.constant 3 : i32
      %mul3A_130 = arith.muli %scan3A_128, %mul3A_129 : i32
      %add3A_131 = arith.constant 0 : i32
      %add3A_132 = arith.addi %mul3A_130, %add3A_131 : i32
      %lt3A_133 = arith.cmpi slt, %add3A_132, %add3A_7 : i32
      %convert_element_type3A_134 = arith.extui %lt3A_133 : i1 to i32
      %cond3A_135 = arith.constant 0 : i32
      %cond3A_136 = arith.cmpi ne, %convert_element_type3A_134, %cond3A_135 : i32
      scf.if %cond3A_136 {
        %dma_wait3A_196 = arith.constant 0 : i32
        %dma_wait3A_197 = arith.constant 0 : i32
        %dma_wait3A_198 = arith.constant 0 : i32
        %dma_wait3A_199 = arith.constant 0 : i32
        %dma_wait3A_200 = tpu.memref_slice %arg6[%dma_wait3A_196, %dma_wait3A_197, %dma_wait3A_198, %dma_wait3A_199] : memref<3x2x128x128xf32, #tpu.memory_space<vmem>> -> memref<1x2x128x128xf32, #tpu.memory_space<vmem>>
        %dma_wait3A_201 = tpu.memref_squeeze %dma_wait3A_200 : memref<1x2x128x128xf32, #tpu.memory_space<vmem>> -> memref<2x128x128xf32, #tpu.memory_space<vmem>>
        %dma_wait3A_202 = arith.constant 0 : i32
        %dma_wait3A_203 = arith.constant 0 : i32
        %dma_wait3A_204 = arith.constant 0 : i32
        %dma_wait3A_205 = tpu.memref_slice %arg4[%dma_wait3A_202, %dma_wait3A_203, %dma_wait3A_204] : memref<2500x128x128xf32, #tpu.memory_space<hbm>> -> memref<2x128x128xf32, #tpu.memory_space<hbm>>
        %dma_wait3A_206 = arith.constant 0 : i32
        %dma_wait3A_207 = arith.constant 0 : i32
        %dma_wait3A_208 = arith.constant 0 : i32
        %dma_wait3A_209 = tpu.memref_slice %arg6[%dma_wait3A_196, %dma_wait3A_206, %dma_wait3A_207, %dma_wait3A_208] : memref<3x2x128x128xf32, #tpu.memory_space<vmem>> -> memref<1x2x128x128xf32, #tpu.memory_space<vmem>>
        %dma_wait3A_210 = tpu.memref_squeeze %dma_wait3A_209 : memref<1x2x128x128xf32, #tpu.memory_space<vmem>> -> memref<2x128x128xf32, #tpu.memory_space<vmem>>
        %dma_wait3A_211 = arith.constant 0 : i32
        %dma_wait3A_212 = arith.constant 0 : i32
        %dma_wait3A_213 = arith.constant 0 : i32
        %dma_wait3A_214 = tpu.memref_slice %arg4[%dma_wait3A_211, %dma_wait3A_212, %dma_wait3A_213] : memref<2500x128x128xf32, #tpu.memory_space<hbm>> -> memref<2x128x128xf32, #tpu.memory_space<hbm>>
        tpu.wait_dma2 semaphore(%arg7 : memref<!tpu.dma_semaphore, #tpu.memory_space<semaphore_mem>>) src(%dma_wait3A_214 : memref<2x128x128xf32, #tpu.memory_space<hbm>>) dst(%dma_wait3A_210 : memref<2x128x128xf32, #tpu.memory_space<vmem>>)
        %add3A_215 = arith.addi %add3A_4, %add3A_132 : i32
        %mul3A_216 = arith.constant 2 : i32
        %mul3A_217 = arith.muli %add3A_215, %mul3A_216 : i32
        %dma_start3A_218 = arith.constant 0 : i32
        %dma_start3A_219 = arith.constant 0 : i32
        %dma_start3A_220 = arith.constant 0 : i32
        %dma_start3A_221 = arith.constant 0 : i32
        %dma_start3A_222 = tpu.memref_slice %arg6[%dma_start3A_218, %dma_start3A_219, %dma_start3A_220, %dma_start3A_221] : memref<3x2x128x128xf32, #tpu.memory_space<vmem>> -> memref<1x2x128x128xf32, #tpu.memory_space<vmem>>
        %dma_start3A_223 = tpu.memref_squeeze %dma_start3A_222 : memref<1x2x128x128xf32, #tpu.memory_space<vmem>> -> memref<2x128x128xf32, #tpu.memory_space<vmem>>
        %dma_start3A_224 = arith.constant 0 : i32
        %dma_start3A_225 = arith.constant 0 : i32
        %dma_start3A_226 = tpu.memref_slice %arg4[%mul3A_217, %dma_start3A_224, %dma_start3A_225] : memref<2500x128x128xf32, #tpu.memory_space<hbm>> -> memref<2x128x128xf32, #tpu.memory_space<hbm>>
        %dma_start3A_227 = arith.constant 0 : i32
        %dma_start3A_228 = arith.constant 0 : i32
        %dma_start3A_229 = tpu.memref_slice %arg4[%mul3A_217, %dma_start3A_227, %dma_start3A_228] : memref<2500x128x128xf32, #tpu.memory_space<hbm>> -> memref<2x128x128xf32, #tpu.memory_space<hbm>>
        %dma_start3A_230 = arith.constant 0 : i32
        %dma_start3A_231 = arith.constant 0 : i32
        %dma_start3A_232 = arith.constant 0 : i32
        %dma_start3A_233 = tpu.memref_slice %arg6[%dma_start3A_218, %dma_start3A_230, %dma_start3A_231, %dma_start3A_232] : memref<3x2x128x128xf32, #tpu.memory_space<vmem>> -> memref<1x2x128x128xf32, #tpu.memory_space<vmem>>
        %dma_start3A_234 = tpu.memref_squeeze %dma_start3A_233 : memref<1x2x128x128xf32, #tpu.memory_space<vmem>> -> memref<2x128x128xf32, #tpu.memory_space<vmem>>
        tpu.enqueue_dma source(%dma_start3A_234 : memref<2x128x128xf32, #tpu.memory_space<vmem>>) target(%dma_start3A_229 : memref<2x128x128xf32, #tpu.memory_space<hbm>>) target_semaphore(%arg10 : memref<!tpu.dma_semaphore, #tpu.memory_space<semaphore_mem>>)
      } else {
      }
      %ge3A = arith.constant 1 : i32
      %ge3A_137 = arith.cmpi sge, %add3A_132, %ge3A : i32
      %add3A_138 = arith.constant 2 : i32
      %add3A_139 = arith.addi %add3A_132, %add3A_138 : i32
      %lt3A_140 = arith.cmpi slt, %add3A_139, %add3A_7 : i32
      %and3A = arith.andi %ge3A_137, %lt3A_140 : i1
      %convert_element_type3A_141 = arith.extui %and3A : i1 to i32
      %cond3A_142 = arith.constant 0 : i32
      %cond3A_143 = arith.cmpi ne, %convert_element_type3A_141, %cond3A_142 : i32
      scf.if %cond3A_143 {
        %dma_wait3A_196 = arith.constant 2 : i32
        %dma_wait3A_197 = arith.constant 0 : i32
        %dma_wait3A_198 = arith.constant 0 : i32
        %dma_wait3A_199 = arith.constant 0 : i32
        %dma_wait3A_200 = tpu.memref_slice %arg6[%dma_wait3A_196, %dma_wait3A_197, %dma_wait3A_198, %dma_wait3A_199] : memref<3x2x128x128xf32, #tpu.memory_space<vmem>> -> memref<1x2x128x128xf32, #tpu.memory_space<vmem>>
        %dma_wait3A_201 = tpu.memref_squeeze %dma_wait3A_200 : memref<1x2x128x128xf32, #tpu.memory_space<vmem>> -> memref<2x128x128xf32, #tpu.memory_space<vmem>>
        %dma_wait3A_202 = arith.constant 0 : i32
        %dma_wait3A_203 = arith.constant 0 : i32
        %dma_wait3A_204 = arith.constant 0 : i32
        %dma_wait3A_205 = tpu.memref_slice %arg4[%dma_wait3A_202, %dma_wait3A_203, %dma_wait3A_204] : memref<2500x128x128xf32, #tpu.memory_space<hbm>> -> memref<2x128x128xf32, #tpu.memory_space<hbm>>
        %dma_wait3A_206 = arith.constant 0 : i32
        %dma_wait3A_207 = arith.constant 0 : i32
        %dma_wait3A_208 = arith.constant 0 : i32
        %dma_wait3A_209 = tpu.memref_slice %arg4[%dma_wait3A_206, %dma_wait3A_207, %dma_wait3A_208] : memref<2500x128x128xf32, #tpu.memory_space<hbm>> -> memref<2x128x128xf32, #tpu.memory_space<hbm>>
        %dma_wait3A_210 = arith.constant 0 : i32
        %dma_wait3A_211 = arith.constant 0 : i32
        %dma_wait3A_212 = arith.constant 0 : i32
        %dma_wait3A_213 = tpu.memref_slice %arg6[%dma_wait3A_196, %dma_wait3A_210, %dma_wait3A_211, %dma_wait3A_212] : memref<3x2x128x128xf32, #tpu.memory_space<vmem>> -> memref<1x2x128x128xf32, #tpu.memory_space<vmem>>
        %dma_wait3A_214 = tpu.memref_squeeze %dma_wait3A_213 : memref<1x2x128x128xf32, #tpu.memory_space<vmem>> -> memref<2x128x128xf32, #tpu.memory_space<vmem>>
        tpu.wait_dma2 semaphore(%arg12 : memref<!tpu.dma_semaphore, #tpu.memory_space<semaphore_mem>>) src(%dma_wait3A_214 : memref<2x128x128xf32, #tpu.memory_space<vmem>>) dst(%dma_wait3A_209 : memref<2x128x128xf32, #tpu.memory_space<hbm>>)
      } else {
      }
      %add3A_144 = arith.constant 2 : i32
      %add3A_145 = arith.addi %add3A_132, %add3A_144 : i32
      %lt3A_146 = arith.cmpi slt, %add3A_145, %add3A_7 : i32
      %convert_element_type3A_147 = arith.extui %lt3A_146 : i1 to i32
      %cond3A_148 = arith.constant 0 : i32
      %cond3A_149 = arith.cmpi ne, %convert_element_type3A_147, %cond3A_148 : i32
      scf.if %cond3A_149 {
        %add3A_196 = arith.constant 2 : i32
        %add3A_197 = arith.addi %add3A_132, %add3A_196 : i32
        %dma_start3A_198 = arith.constant 0 : i32
        %dma_start3A_199 = arith.constant 2 : i32
        %dma_start3A_200 = arith.constant 0 : i32
        %dma_start3A_201 = arith.constant 0 : i32
        %dma_start3A_202 = arith.constant 0 : i32
        %dma_start3A_203 = tpu.memref_slice %arg6[%dma_start3A_199, %dma_start3A_200, %dma_start3A_201, %dma_start3A_202] : memref<3x2x128x128xf32, #tpu.memory_space<vmem>> -> memref<1x1x128x128xf32, #tpu.memory_space<vmem>>
        %dma_start3A_204 = tpu.memref_squeeze %dma_start3A_203 : memref<1x1x128x128xf32, #tpu.memory_space<vmem>> -> memref<128x128xf32, #tpu.memory_space<vmem>>
        %dma_start3A_205 = arith.constant 0 : i32
        %dma_start3A_206 = tpu.memref_slice %arg5[%add3A_197, %dma_start3A_198, %dma_start3A_205] : memref<40x2x128xi32, #tpu.memory_space<vmem>> -> memref<1x1x128xi32, #tpu.memory_space<vmem>>
        %dma_start3A_207 = tpu.memref_squeeze %dma_start3A_206 : memref<1x1x128xi32, #tpu.memory_space<vmem>> -> memref<128xi32, #tpu.memory_space<vmem>>
        %dma_start3A_208 = arith.constant 0 : i32
        %dma_start3A_209 = arith.constant 0 : i32
        %dma_start3A_210 = tpu.memref_slice %arg2[%dma_start3A_208, %dma_start3A_209] : memref<61440x128xf32, #tpu.memory_space<hbm>> -> memref<61440x128xf32, #tpu.memory_space<hbm>>
        tpu.enqueue_indirect_dma source(%dma_start3A_210 : memref<61440x128xf32, #tpu.memory_space<hbm>>) target(%dma_start3A_204 : memref<128x128xf32, #tpu.memory_space<vmem>>) offsets(%dma_start3A_207 : memref<128xi32, #tpu.memory_space<vmem>>) semaphore(%arg9 : memref<!tpu.dma_semaphore, #tpu.memory_space<semaphore_mem>>)
        %dma_start3A_211 = arith.constant 1 : i32
        %dma_start3A_212 = arith.constant 2 : i32
        %dma_start3A_213 = arith.constant 1 : i32
        %dma_start3A_214 = arith.constant 0 : i32
        %dma_start3A_215 = arith.constant 0 : i32
        %dma_start3A_216 = tpu.memref_slice %arg6[%dma_start3A_212, %dma_start3A_213, %dma_start3A_214, %dma_start3A_215] : memref<3x2x128x128xf32, #tpu.memory_space<vmem>> -> memref<1x1x128x128xf32, #tpu.memory_space<vmem>>
        %dma_start3A_217 = tpu.memref_squeeze %dma_start3A_216 : memref<1x1x128x128xf32, #tpu.memory_space<vmem>> -> memref<128x128xf32, #tpu.memory_space<vmem>>
        %dma_start3A_218 = arith.constant 0 : i32
        %dma_start3A_219 = tpu.memref_slice %arg5[%add3A_197, %dma_start3A_211, %dma_start3A_218] : memref<40x2x128xi32, #tpu.memory_space<vmem>> -> memref<1x1x128xi32, #tpu.memory_space<vmem>>
        %dma_start3A_220 = tpu.memref_squeeze %dma_start3A_219 : memref<1x1x128xi32, #tpu.memory_space<vmem>> -> memref<128xi32, #tpu.memory_space<vmem>>
        %dma_start3A_221 = arith.constant 0 : i32
        %dma_start3A_222 = arith.constant 0 : i32
        %dma_start3A_223 = tpu.memref_slice %arg2[%dma_start3A_221, %dma_start3A_222] : memref<61440x128xf32, #tpu.memory_space<hbm>> -> memref<61440x128xf32, #tpu.memory_space<hbm>>
        tpu.enqueue_indirect_dma source(%dma_start3A_223 : memref<61440x128xf32, #tpu.memory_space<hbm>>) target(%dma_start3A_217 : memref<128x128xf32, #tpu.memory_space<vmem>>) offsets(%dma_start3A_220 : memref<128xi32, #tpu.memory_space<vmem>>) semaphore(%arg9 : memref<!tpu.dma_semaphore, #tpu.memory_space<semaphore_mem>>)
      } else {
      }
      %mul3A_150 = arith.constant 3 : i32
      %mul3A_151 = arith.muli %scan3A_128, %mul3A_150 : i32
      %add3A_152 = arith.constant 1 : i32
      %add3A_153 = arith.addi %mul3A_151, %add3A_152 : i32
      %lt3A_154 = arith.cmpi slt, %add3A_153, %add3A_7 : i32
      %convert_element_type3A_155 = arith.extui %lt3A_154 : i1 to i32
      %cond3A_156 = arith.constant 0 : i32
      %cond3A_157 = arith.cmpi ne, %convert_element_type3A_155, %cond3A_156 : i32
      scf.if %cond3A_157 {
        %dma_wait3A_196 = arith.constant 1 : i32
        %dma_wait3A_197 = arith.constant 0 : i32
        %dma_wait3A_198 = arith.constant 0 : i32
        %dma_wait3A_199 = arith.constant 0 : i32
        %dma_wait3A_200 = tpu.memref_slice %arg6[%dma_wait3A_196, %dma_wait3A_197, %dma_wait3A_198, %dma_wait3A_199] : memref<3x2x128x128xf32, #tpu.memory_space<vmem>> -> memref<1x2x128x128xf32, #tpu.memory_space<vmem>>
        %dma_wait3A_201 = tpu.memref_squeeze %dma_wait3A_200 : memref<1x2x128x128xf32, #tpu.memory_space<vmem>> -> memref<2x128x128xf32, #tpu.memory_space<vmem>>
        %dma_wait3A_202 = arith.constant 0 : i32
        %dma_wait3A_203 = arith.constant 0 : i32
        %dma_wait3A_204 = arith.constant 0 : i32
        %dma_wait3A_205 = tpu.memref_slice %arg4[%dma_wait3A_202, %dma_wait3A_203, %dma_wait3A_204] : memref<2500x128x128xf32, #tpu.memory_space<hbm>> -> memref<2x128x128xf32, #tpu.memory_space<hbm>>
        %dma_wait3A_206 = arith.constant 0 : i32
        %dma_wait3A_207 = arith.constant 0 : i32
        %dma_wait3A_208 = arith.constant 0 : i32
        %dma_wait3A_209 = tpu.memref_slice %arg6[%dma_wait3A_196, %dma_wait3A_206, %dma_wait3A_207, %dma_wait3A_208] : memref<3x2x128x128xf32, #tpu.memory_space<vmem>> -> memref<1x2x128x128xf32, #tpu.memory_space<vmem>>
        %dma_wait3A_210 = tpu.memref_squeeze %dma_wait3A_209 : memref<1x2x128x128xf32, #tpu.memory_space<vmem>> -> memref<2x128x128xf32, #tpu.memory_space<vmem>>
        %dma_wait3A_211 = arith.constant 0 : i32
        %dma_wait3A_212 = arith.constant 0 : i32
        %dma_wait3A_213 = arith.constant 0 : i32
        %dma_wait3A_214 = tpu.memref_slice %arg4[%dma_wait3A_211, %dma_wait3A_212, %dma_wait3A_213] : memref<2500x128x128xf32, #tpu.memory_space<hbm>> -> memref<2x128x128xf32, #tpu.memory_space<hbm>>
        tpu.wait_dma2 semaphore(%arg8 : memref<!tpu.dma_semaphore, #tpu.memory_space<semaphore_mem>>) src(%dma_wait3A_214 : memref<2x128x128xf32, #tpu.memory_space<hbm>>) dst(%dma_wait3A_210 : memref<2x128x128xf32, #tpu.memory_space<vmem>>)
        %add3A_215 = arith.addi %add3A_4, %add3A_153 : i32
        %mul3A_216 = arith.constant 2 : i32
        %mul3A_217 = arith.muli %add3A_215, %mul3A_216 : i32
        %dma_start3A_218 = arith.constant 1 : i32
        %dma_start3A_219 = arith.constant 0 : i32
        %dma_start3A_220 = arith.constant 0 : i32
        %dma_start3A_221 = arith.constant 0 : i32
        %dma_start3A_222 = tpu.memref_slice %arg6[%dma_start3A_218, %dma_start3A_219, %dma_start3A_220, %dma_start3A_221] : memref<3x2x128x128xf32, #tpu.memory_space<vmem>> -> memref<1x2x128x128xf32, #tpu.memory_space<vmem>>
        %dma_start3A_223 = tpu.memref_squeeze %dma_start3A_222 : memref<1x2x128x128xf32, #tpu.memory_space<vmem>> -> memref<2x128x128xf32, #tpu.memory_space<vmem>>
        %dma_start3A_224 = arith.constant 0 : i32
        %dma_start3A_225 = arith.constant 0 : i32
        %dma_start3A_226 = tpu.memref_slice %arg4[%mul3A_217, %dma_start3A_224, %dma_start3A_225] : memref<2500x128x128xf32, #tpu.memory_space<hbm>> -> memref<2x128x128xf32, #tpu.memory_space<hbm>>
        %dma_start3A_227 = arith.constant 0 : i32
        %dma_start3A_228 = arith.constant 0 : i32
        %dma_start3A_229 = tpu.memref_slice %arg4[%mul3A_217, %dma_start3A_227, %dma_start3A_228] : memref<2500x128x128xf32, #tpu.memory_space<hbm>> -> memref<2x128x128xf32, #tpu.memory_space<hbm>>
        %dma_start3A_230 = arith.constant 0 : i32
        %dma_start3A_231 = arith.constant 0 : i32
        %dma_start3A_232 = arith.constant 0 : i32
        %dma_start3A_233 = tpu.memref_slice %arg6[%dma_start3A_218, %dma_start3A_230, %dma_start3A_231, %dma_start3A_232] : memref<3x2x128x128xf32, #tpu.memory_space<vmem>> -> memref<1x2x128x128xf32, #tpu.memory_space<vmem>>
        %dma_start3A_234 = tpu.memref_squeeze %dma_start3A_233 : memref<1x2x128x128xf32, #tpu.memory_space<vmem>> -> memref<2x128x128xf32, #tpu.memory_space<vmem>>
        tpu.enqueue_dma source(%dma_start3A_234 : memref<2x128x128xf32, #tpu.memory_space<vmem>>) target(%dma_start3A_229 : memref<2x128x128xf32, #tpu.memory_space<hbm>>) target_semaphore(%arg11 : memref<!tpu.dma_semaphore, #tpu.memory_space<semaphore_mem>>)
      } else {
      }
      %ge3A_158 = arith.constant 1 : i32
      %ge3A_159 = arith.cmpi sge, %add3A_153, %ge3A_158 : i32
      %add3A_160 = arith.constant 2 : i32
      %add3A_161 = arith.addi %add3A_153, %add3A_160 : i32
      %lt3A_162 = arith.cmpi slt, %add3A_161, %add3A_7 : i32
      %and3A_163 = arith.andi %ge3A_159, %lt3A_162 : i1
      %convert_element_type3A_164 = arith.extui %and3A_163 : i1 to i32
      %cond3A_165 = arith.constant 0 : i32
      %cond3A_166 = arith.cmpi ne, %convert_element_type3A_164, %cond3A_165 : i32
      scf.if %cond3A_166 {
        %dma_wait3A_196 = arith.constant 0 : i32
        %dma_wait3A_197 = arith.constant 0 : i32
        %dma_wait3A_198 = arith.constant 0 : i32
        %dma_wait3A_199 = arith.constant 0 : i32
        %dma_wait3A_200 = tpu.memref_slice %arg6[%dma_wait3A_196, %dma_wait3A_197, %dma_wait3A_198, %dma_wait3A_199] : memref<3x2x128x128xf32, #tpu.memory_space<vmem>> -> memref<1x2x128x128xf32, #tpu.memory_space<vmem>>
        %dma_wait3A_201 = tpu.memref_squeeze %dma_wait3A_200 : memref<1x2x128x128xf32, #tpu.memory_space<vmem>> -> memref<2x128x128xf32, #tpu.memory_space<vmem>>
        %dma_wait3A_202 = arith.constant 0 : i32
        %dma_wait3A_203 = arith.constant 0 : i32
        %dma_wait3A_204 = arith.constant 0 : i32
        %dma_wait3A_205 = tpu.memref_slice %arg4[%dma_wait3A_202, %dma_wait3A_203, %dma_wait3A_204] : memref<2500x128x128xf32, #tpu.memory_space<hbm>> -> memref<2x128x128xf32, #tpu.memory_space<hbm>>
        %dma_wait3A_206 = arith.constant 0 : i32
        %dma_wait3A_207 = arith.constant 0 : i32
        %dma_wait3A_208 = arith.constant 0 : i32
        %dma_wait3A_209 = tpu.memref_slice %arg4[%dma_wait3A_206, %dma_wait3A_207, %dma_wait3A_208] : memref<2500x128x128xf32, #tpu.memory_space<hbm>> -> memref<2x128x128xf32, #tpu.memory_space<hbm>>
        %dma_wait3A_210 = arith.constant 0 : i32
        %dma_wait3A_211 = arith.constant 0 : i32
        %dma_wait3A_212 = arith.constant 0 : i32
        %dma_wait3A_213 = tpu.memref_slice %arg6[%dma_wait3A_196, %dma_wait3A_210, %dma_wait3A_211, %dma_wait3A_212] : memref<3x2x128x128xf32, #tpu.memory_space<vmem>> -> memref<1x2x128x128xf32, #tpu.memory_space<vmem>>
        %dma_wait3A_214 = tpu.memref_squeeze %dma_wait3A_213 : memref<1x2x128x128xf32, #tpu.memory_space<vmem>> -> memref<2x128x128xf32, #tpu.memory_space<vmem>>
        tpu.wait_dma2 semaphore(%arg10 : memref<!tpu.dma_semaphore, #tpu.memory_space<semaphore_mem>>) src(%dma_wait3A_214 : memref<2x128x128xf32, #tpu.memory_space<vmem>>) dst(%dma_wait3A_209 : memref<2x128x128xf32, #tpu.memory_space<hbm>>)
      } else {
      }
      %add3A_167 = arith.constant 2 : i32
      %add3A_168 = arith.addi %add3A_153, %add3A_167 : i32
      %lt3A_169 = arith.cmpi slt, %add3A_168, %add3A_7 : i32
      %convert_element_type3A_170 = arith.extui %lt3A_169 : i1 to i32
      %cond3A_171 = arith.constant 0 : i32
      %cond3A_172 = arith.cmpi ne, %convert_element_type3A_170, %cond3A_171 : i32
      scf.if %cond3A_172 {
        %add3A_196 = arith.constant 2 : i32
        %add3A_197 = arith.addi %add3A_153, %add3A_196 : i32
        %dma_start3A_198 = arith.constant 0 : i32
        %dma_start3A_199 = arith.constant 0 : i32
        %dma_start3A_200 = arith.constant 0 : i32
        %dma_start3A_201 = arith.constant 0 : i32
        %dma_start3A_202 = arith.constant 0 : i32
        %dma_start3A_203 = tpu.memref_slice %arg6[%dma_start3A_199, %dma_start3A_200, %dma_start3A_201, %dma_start3A_202] : memref<3x2x128x128xf32, #tpu.memory_space<vmem>> -> memref<1x1x128x128xf32, #tpu.memory_space<vmem>>
        %dma_start3A_204 = tpu.memref_squeeze %dma_start3A_203 : memref<1x1x128x128xf32, #tpu.memory_space<vmem>> -> memref<128x128xf32, #tpu.memory_space<vmem>>
        %dma_start3A_205 = arith.constant 0 : i32
        %dma_start3A_206 = tpu.memref_slice %arg5[%add3A_197, %dma_start3A_198, %dma_start3A_205] : memref<40x2x128xi32, #tpu.memory_space<vmem>> -> memref<1x1x128xi32, #tpu.memory_space<vmem>>
        %dma_start3A_207 = tpu.memref_squeeze %dma_start3A_206 : memref<1x1x128xi32, #tpu.memory_space<vmem>> -> memref<128xi32, #tpu.memory_space<vmem>>
        %dma_start3A_208 = arith.constant 0 : i32
        %dma_start3A_209 = arith.constant 0 : i32
        %dma_start3A_210 = tpu.memref_slice %arg2[%dma_start3A_208, %dma_start3A_209] : memref<61440x128xf32, #tpu.memory_space<hbm>> -> memref<61440x128xf32, #tpu.memory_space<hbm>>
        tpu.enqueue_indirect_dma source(%dma_start3A_210 : memref<61440x128xf32, #tpu.memory_space<hbm>>) target(%dma_start3A_204 : memref<128x128xf32, #tpu.memory_space<vmem>>) offsets(%dma_start3A_207 : memref<128xi32, #tpu.memory_space<vmem>>) semaphore(%arg7 : memref<!tpu.dma_semaphore, #tpu.memory_space<semaphore_mem>>)
        %dma_start3A_211 = arith.constant 1 : i32
        %dma_start3A_212 = arith.constant 0 : i32
        %dma_start3A_213 = arith.constant 1 : i32
        %dma_start3A_214 = arith.constant 0 : i32
        %dma_start3A_215 = arith.constant 0 : i32
        %dma_start3A_216 = tpu.memref_slice %arg6[%dma_start3A_212, %dma_start3A_213, %dma_start3A_214, %dma_start3A_215] : memref<3x2x128x128xf32, #tpu.memory_space<vmem>> -> memref<1x1x128x128xf32, #tpu.memory_space<vmem>>
        %dma_start3A_217 = tpu.memref_squeeze %dma_start3A_216 : memref<1x1x128x128xf32, #tpu.memory_space<vmem>> -> memref<128x128xf32, #tpu.memory_space<vmem>>
        %dma_start3A_218 = arith.constant 0 : i32
        %dma_start3A_219 = tpu.memref_slice %arg5[%add3A_197, %dma_start3A_211, %dma_start3A_218] : memref<40x2x128xi32, #tpu.memory_space<vmem>> -> memref<1x1x128xi32, #tpu.memory_space<vmem>>
        %dma_start3A_220 = tpu.memref_squeeze %dma_start3A_219 : memref<1x1x128xi32, #tpu.memory_space<vmem>> -> memref<128xi32, #tpu.memory_space<vmem>>
        %dma_start3A_221 = arith.constant 0 : i32
        %dma_start3A_222 = arith.constant 0 : i32
        %dma_start3A_223 = tpu.memref_slice %arg2[%dma_start3A_221, %dma_start3A_222] : memref<61440x128xf32, #tpu.memory_space<hbm>> -> memref<61440x128xf32, #tpu.memory_space<hbm>>
        tpu.enqueue_indirect_dma source(%dma_start3A_223 : memref<61440x128xf32, #tpu.memory_space<hbm>>) target(%dma_start3A_217 : memref<128x128xf32, #tpu.memory_space<vmem>>) offsets(%dma_start3A_220 : memref<128xi32, #tpu.memory_space<vmem>>) semaphore(%arg7 : memref<!tpu.dma_semaphore, #tpu.memory_space<semaphore_mem>>)
      } else {
      }
      %mul3A_173 = arith.constant 3 : i32
      %mul3A_174 = arith.muli %scan3A_128, %mul3A_173 : i32
      %add3A_175 = arith.constant 2 : i32
      %add3A_176 = arith.addi %mul3A_174, %add3A_175 : i32
      %lt3A_177 = arith.cmpi slt, %add3A_176, %add3A_7 : i32
      %convert_element_type3A_178 = arith.extui %lt3A_177 : i1 to i32
      %cond3A_179 = arith.constant 0 : i32
      %cond3A_180 = arith.cmpi ne, %convert_element_type3A_178, %cond3A_179 : i32
      scf.if %cond3A_180 {
        %dma_wait3A_196 = arith.constant 2 : i32
        %dma_wait3A_197 = arith.constant 0 : i32
        %dma_wait3A_198 = arith.constant 0 : i32
        %dma_wait3A_199 = arith.constant 0 : i32
        %dma_wait3A_200 = tpu.memref_slice %arg6[%dma_wait3A_196, %dma_wait3A_197, %dma_wait3A_198, %dma_wait3A_199] : memref<3x2x128x128xf32, #tpu.memory_space<vmem>> -> memref<1x2x128x128xf32, #tpu.memory_space<vmem>>
        %dma_wait3A_201 = tpu.memref_squeeze %dma_wait3A_200 : memref<1x2x128x128xf32, #tpu.memory_space<vmem>> -> memref<2x128x128xf32, #tpu.memory_space<vmem>>
        %dma_wait3A_202 = arith.constant 0 : i32
        %dma_wait3A_203 = arith.constant 0 : i32
        %dma_wait3A_204 = arith.constant 0 : i32
        %dma_wait3A_205 = tpu.memref_slice %arg4[%dma_wait3A_202, %dma_wait3A_203, %dma_wait3A_204] : memref<2500x128x128xf32, #tpu.memory_space<hbm>> -> memref<2x128x128xf32, #tpu.memory_space<hbm>>
        %dma_wait3A_206 = arith.constant 0 : i32
        %dma_wait3A_207 = arith.constant 0 : i32
        %dma_wait3A_208 = arith.constant 0 : i32
        %dma_wait3A_209 = tpu.memref_slice %arg6[%dma_wait3A_196, %dma_wait3A_206, %dma_wait3A_207, %dma_wait3A_208] : memref<3x2x128x128xf32, #tpu.memory_space<vmem>> -> memref<1x2x128x128xf32, #tpu.memory_space<vmem>>
        %dma_wait3A_210 = tpu.memref_squeeze %dma_wait3A_209 : memref<1x2x128x128xf32, #tpu.memory_space<vmem>> -> memref<2x128x128xf32, #tpu.memory_space<vmem>>
        %dma_wait3A_211 = arith.constant 0 : i32
        %dma_wait3A_212 = arith.constant 0 : i32
        %dma_wait3A_213 = arith.constant 0 : i32
        %dma_wait3A_214 = tpu.memref_slice %arg4[%dma_wait3A_211, %dma_wait3A_212, %dma_wait3A_213] : memref<2500x128x128xf32, #tpu.memory_space<hbm>> -> memref<2x128x128xf32, #tpu.memory_space<hbm>>
        tpu.wait_dma2 semaphore(%arg9 : memref<!tpu.dma_semaphore, #tpu.memory_space<semaphore_mem>>) src(%dma_wait3A_214 : memref<2x128x128xf32, #tpu.memory_space<hbm>>) dst(%dma_wait3A_210 : memref<2x128x128xf32, #tpu.memory_space<vmem>>)
        %add3A_215 = arith.addi %add3A_4, %add3A_176 : i32
        %mul3A_216 = arith.constant 2 : i32
        %mul3A_217 = arith.muli %add3A_215, %mul3A_216 : i32
        %dma_start3A_218 = arith.constant 2 : i32
        %dma_start3A_219 = arith.constant 0 : i32
        %dma_start3A_220 = arith.constant 0 : i32
        %dma_start3A_221 = arith.constant 0 : i32
        %dma_start3A_222 = tpu.memref_slice %arg6[%dma_start3A_218, %dma_start3A_219, %dma_start3A_220, %dma_start3A_221] : memref<3x2x128x128xf32, #tpu.memory_space<vmem>> -> memref<1x2x128x128xf32, #tpu.memory_space<vmem>>
        %dma_start3A_223 = tpu.memref_squeeze %dma_start3A_222 : memref<1x2x128x128xf32, #tpu.memory_space<vmem>> -> memref<2x128x128xf32, #tpu.memory_space<vmem>>
        %dma_start3A_224 = arith.constant 0 : i32
        %dma_start3A_225 = arith.constant 0 : i32
        %dma_start3A_226 = tpu.memref_slice %arg4[%mul3A_217, %dma_start3A_224, %dma_start3A_225] : memref<2500x128x128xf32, #tpu.memory_space<hbm>> -> memref<2x128x128xf32, #tpu.memory_space<hbm>>
        %dma_start3A_227 = arith.constant 0 : i32
        %dma_start3A_228 = arith.constant 0 : i32
        %dma_start3A_229 = tpu.memref_slice %arg4[%mul3A_217, %dma_start3A_227, %dma_start3A_228] : memref<2500x128x128xf32, #tpu.memory_space<hbm>> -> memref<2x128x128xf32, #tpu.memory_space<hbm>>
        %dma_start3A_230 = arith.constant 0 : i32
        %dma_start3A_231 = arith.constant 0 : i32
        %dma_start3A_232 = arith.constant 0 : i32
        %dma_start3A_233 = tpu.memref_slice %arg6[%dma_start3A_218, %dma_start3A_230, %dma_start3A_231, %dma_start3A_232] : memref<3x2x128x128xf32, #tpu.memory_space<vmem>> -> memref<1x2x128x128xf32, #tpu.memory_space<vmem>>
        %dma_start3A_234 = tpu.memref_squeeze %dma_start3A_233 : memref<1x2x128x128xf32, #tpu.memory_space<vmem>> -> memref<2x128x128xf32, #tpu.memory_space<vmem>>
        tpu.enqueue_dma source(%dma_start3A_234 : memref<2x128x128xf32, #tpu.memory_space<vmem>>) target(%dma_start3A_229 : memref<2x128x128xf32, #tpu.memory_space<hbm>>) target_semaphore(%arg12 : memref<!tpu.dma_semaphore, #tpu.memory_space<semaphore_mem>>)
      } else {
      }
      %ge3A_181 = arith.constant 1 : i32
      %ge3A_182 = arith.cmpi sge, %add3A_176, %ge3A_181 : i32
      %add3A_183 = arith.constant 2 : i32
      %add3A_184 = arith.addi %add3A_176, %add3A_183 : i32
      %lt3A_185 = arith.cmpi slt, %add3A_184, %add3A_7 : i32
      %and3A_186 = arith.andi %ge3A_182, %lt3A_185 : i1
      %convert_element_type3A_187 = arith.extui %and3A_186 : i1 to i32
      %cond3A_188 = arith.constant 0 : i32
      %cond3A_189 = arith.cmpi ne, %convert_element_type3A_187, %cond3A_188 : i32
      scf.if %cond3A_189 {
        %dma_wait3A_196 = arith.constant 1 : i32
        %dma_wait3A_197 = arith.constant 0 : i32
        %dma_wait3A_198 = arith.constant 0 : i32
        %dma_wait3A_199 = arith.constant 0 : i32
        %dma_wait3A_200 = tpu.memref_slice %arg6[%dma_wait3A_196, %dma_wait3A_197, %dma_wait3A_198, %dma_wait3A_199] : memref<3x2x128x128xf32, #tpu.memory_space<vmem>> -> memref<1x2x128x128xf32, #tpu.memory_space<vmem>>
        %dma_wait3A_201 = tpu.memref_squeeze %dma_wait3A_200 : memref<1x2x128x128xf32, #tpu.memory_space<vmem>> -> memref<2x128x128xf32, #tpu.memory_space<vmem>>
        %dma_wait3A_202 = arith.constant 0 : i32
        %dma_wait3A_203 = arith.constant 0 : i32
        %dma_wait3A_204 = arith.constant 0 : i32
        %dma_wait3A_205 = tpu.memref_slice %arg4[%dma_wait3A_202, %dma_wait3A_203, %dma_wait3A_204] : memref<2500x128x128xf32, #tpu.memory_space<hbm>> -> memref<2x128x128xf32, #tpu.memory_space<hbm>>
        %dma_wait3A_206 = arith.constant 0 : i32
        %dma_wait3A_207 = arith.constant 0 : i32
        %dma_wait3A_208 = arith.constant 0 : i32
        %dma_wait3A_209 = tpu.memref_slice %arg4[%dma_wait3A_206, %dma_wait3A_207, %dma_wait3A_208] : memref<2500x128x128xf32, #tpu.memory_space<hbm>> -> memref<2x128x128xf32, #tpu.memory_space<hbm>>
        %dma_wait3A_210 = arith.constant 0 : i32
        %dma_wait3A_211 = arith.constant 0 : i32
        %dma_wait3A_212 = arith.constant 0 : i32
        %dma_wait3A_213 = tpu.memref_slice %arg6[%dma_wait3A_196, %dma_wait3A_210, %dma_wait3A_211, %dma_wait3A_212] : memref<3x2x128x128xf32, #tpu.memory_space<vmem>> -> memref<1x2x128x128xf32, #tpu.memory_space<vmem>>
        %dma_wait3A_214 = tpu.memref_squeeze %dma_wait3A_213 : memref<1x2x128x128xf32, #tpu.memory_space<vmem>> -> memref<2x128x128xf32, #tpu.memory_space<vmem>>
        tpu.wait_dma2 semaphore(%arg11 : memref<!tpu.dma_semaphore, #tpu.memory_space<semaphore_mem>>) src(%dma_wait3A_214 : memref<2x128x128xf32, #tpu.memory_space<vmem>>) dst(%dma_wait3A_209 : memref<2x128x128xf32, #tpu.memory_space<hbm>>)
      } else {
      }
      %add3A_190 = arith.constant 2 : i32
      %add3A_191 = arith.addi %add3A_176, %add3A_190 : i32
      %lt3A_192 = arith.cmpi slt, %add3A_191, %add3A_7 : i32
      %convert_element_type3A_193 = arith.extui %lt3A_192 : i1 to i32
      %cond3A_194 = arith.constant 0 : i32
      %cond3A_195 = arith.cmpi ne, %convert_element_type3A_193, %cond3A_194 : i32
      scf.if %cond3A_195 {
        %add3A_196 = arith.constant 2 : i32
        %add3A_197 = arith.addi %add3A_176, %add3A_196 : i32
        %dma_start3A_198 = arith.constant 0 : i32
        %dma_start3A_199 = arith.constant 1 : i32
        %dma_start3A_200 = arith.constant 0 : i32
        %dma_start3A_201 = arith.constant 0 : i32
        %dma_start3A_202 = arith.constant 0 : i32
        %dma_start3A_203 = tpu.memref_slice %arg6[%dma_start3A_199, %dma_start3A_200, %dma_start3A_201, %dma_start3A_202] : memref<3x2x128x128xf32, #tpu.memory_space<vmem>> -> memref<1x1x128x128xf32, #tpu.memory_space<vmem>>
        %dma_start3A_204 = tpu.memref_squeeze %dma_start3A_203 : memref<1x1x128x128xf32, #tpu.memory_space<vmem>> -> memref<128x128xf32, #tpu.memory_space<vmem>>
        %dma_start3A_205 = arith.constant 0 : i32
        %dma_start3A_206 = tpu.memref_slice %arg5[%add3A_197, %dma_start3A_198, %dma_start3A_205] : memref<40x2x128xi32, #tpu.memory_space<vmem>> -> memref<1x1x128xi32, #tpu.memory_space<vmem>>
        %dma_start3A_207 = tpu.memref_squeeze %dma_start3A_206 : memref<1x1x128xi32, #tpu.memory_space<vmem>> -> memref<128xi32, #tpu.memory_space<vmem>>
        %dma_start3A_208 = arith.constant 0 : i32
        %dma_start3A_209 = arith.constant 0 : i32
        %dma_start3A_210 = tpu.memref_slice %arg2[%dma_start3A_208, %dma_start3A_209] : memref<61440x128xf32, #tpu.memory_space<hbm>> -> memref<61440x128xf32, #tpu.memory_space<hbm>>
        tpu.enqueue_indirect_dma source(%dma_start3A_210 : memref<61440x128xf32, #tpu.memory_space<hbm>>) target(%dma_start3A_204 : memref<128x128xf32, #tpu.memory_space<vmem>>) offsets(%dma_start3A_207 : memref<128xi32, #tpu.memory_space<vmem>>) semaphore(%arg8 : memref<!tpu.dma_semaphore, #tpu.memory_space<semaphore_mem>>)
        %dma_start3A_211 = arith.constant 1 : i32
        %dma_start3A_212 = arith.constant 1 : i32
        %dma_start3A_213 = arith.constant 1 : i32
        %dma_start3A_214 = arith.constant 0 : i32
        %dma_start3A_215 = arith.constant 0 : i32
        %dma_start3A_216 = tpu.memref_slice %arg6[%dma_start3A_212, %dma_start3A_213, %dma_start3A_214, %dma_start3A_215] : memref<3x2x128x128xf32, #tpu.memory_space<vmem>> -> memref<1x1x128x128xf32, #tpu.memory_space<vmem>>
        %dma_start3A_217 = tpu.memref_squeeze %dma_start3A_216 : memref<1x1x128x128xf32, #tpu.memory_space<vmem>> -> memref<128x128xf32, #tpu.memory_space<vmem>>
        %dma_start3A_218 = arith.constant 0 : i32
        %dma_start3A_219 = tpu.memref_slice %arg5[%add3A_197, %dma_start3A_211, %dma_start3A_218] : memref<40x2x128xi32, #tpu.memory_space<vmem>> -> memref<1x1x128xi32, #tpu.memory_space<vmem>>
        %dma_start3A_220 = tpu.memref_squeeze %dma_start3A_219 : memref<1x1x128xi32, #tpu.memory_space<vmem>> -> memref<128xi32, #tpu.memory_space<vmem>>
        %dma_start3A_221 = arith.constant 0 : i32
        %dma_start3A_222 = arith.constant 0 : i32
        %dma_start3A_223 = tpu.memref_slice %arg2[%dma_start3A_221, %dma_start3A_222] : memref<61440x128xf32, #tpu.memory_space<hbm>> -> memref<61440x128xf32, #tpu.memory_space<hbm>>
        tpu.enqueue_indirect_dma source(%dma_start3A_223 : memref<61440x128xf32, #tpu.memory_space<hbm>>) target(%dma_start3A_217 : memref<128x128xf32, #tpu.memory_space<vmem>>) offsets(%dma_start3A_220 : memref<128xi32, #tpu.memory_space<vmem>>) semaphore(%arg8 : memref<!tpu.dma_semaphore, #tpu.memory_space<semaphore_mem>>)
      } else {
      }
    }
    %scan3A_71 = arith.constant 14 : i32
    %dma_wait3A = arith.constant 0 : i32
    %dma_wait3A_72 = arith.constant 0 : i32
    %dma_wait3A_73 = arith.constant 0 : i32
    %dma_wait3A_74 = arith.constant 0 : i32
    %dma_wait3A_75 = tpu.memref_slice %arg6[%dma_wait3A, %dma_wait3A_72, %dma_wait3A_73, %dma_wait3A_74] : memref<3x2x128x128xf32, #tpu.memory_space<vmem>> -> memref<1x2x128x128xf32, #tpu.memory_space<vmem>>
    %dma_wait3A_76 = tpu.memref_squeeze %dma_wait3A_75 : memref<1x2x128x128xf32, #tpu.memory_space<vmem>> -> memref<2x128x128xf32, #tpu.memory_space<vmem>>
    %dma_wait3A_77 = arith.constant 0 : i32
    %dma_wait3A_78 = arith.constant 0 : i32
    %dma_wait3A_79 = arith.constant 0 : i32
    %dma_wait3A_80 = tpu.memref_slice %arg4[%dma_wait3A_77, %dma_wait3A_78, %dma_wait3A_79] : memref<2500x128x128xf32, #tpu.memory_space<hbm>> -> memref<2x128x128xf32, #tpu.memory_space<hbm>>
    %dma_wait3A_81 = arith.constant 0 : i32
    %dma_wait3A_82 = arith.constant 0 : i32
    %dma_wait3A_83 = arith.constant 0 : i32
    %dma_wait3A_84 = tpu.memref_slice %arg4[%dma_wait3A_81, %dma_wait3A_82, %dma_wait3A_83] : memref<2500x128x128xf32, #tpu.memory_space<hbm>> -> memref<2x128x128xf32, #tpu.memory_space<hbm>>
    %dma_wait3A_85 = arith.constant 0 : i32
    %dma_wait3A_86 = arith.constant 0 : i32
    %dma_wait3A_87 = arith.constant 0 : i32
    %dma_wait3A_88 = tpu.memref_slice %arg6[%dma_wait3A, %dma_wait3A_85, %dma_wait3A_86, %dma_wait3A_87] : memref<3x2x128x128xf32, #tpu.memory_space<vmem>> -> memref<1x2x128x128xf32, #tpu.memory_space<vmem>>
    %dma_wait3A_89 = tpu.memref_squeeze %dma_wait3A_88 : memref<1x2x128x128xf32, #tpu.memory_space<vmem>> -> memref<2x128x128xf32, #tpu.memory_space<vmem>>
    tpu.wait_dma2 semaphore(%arg10 : memref<!tpu.dma_semaphore, #tpu.memory_space<semaphore_mem>>) src(%dma_wait3A_89 : memref<2x128x128xf32, #tpu.memory_space<vmem>>) dst(%dma_wait3A_84 : memref<2x128x128xf32, #tpu.memory_space<hbm>>)
    %dma_wait3A_90 = arith.constant 1 : i32
    %dma_wait3A_91 = arith.constant 0 : i32
    %dma_wait3A_92 = arith.constant 0 : i32
    %dma_wait3A_93 = arith.constant 0 : i32
    %dma_wait3A_94 = tpu.memref_slice %arg6[%dma_wait3A_90, %dma_wait3A_91, %dma_wait3A_92, %dma_wait3A_93] : memref<3x2x128x128xf32, #tpu.memory_space<vmem>> -> memref<1x2x128x128xf32, #tpu.memory_space<vmem>>
    %dma_wait3A_95 = tpu.memref_squeeze %dma_wait3A_94 : memref<1x2x128x128xf32, #tpu.memory_space<vmem>> -> memref<2x128x128xf32, #tpu.memory_space<vmem>>
    %dma_wait3A_96 = arith.constant 0 : i32
    %dma_wait3A_97 = arith.constant 0 : i32
    %dma_wait3A_98 = arith.constant 0 : i32
    %dma_wait3A_99 = tpu.memref_slice %arg4[%dma_wait3A_96, %dma_wait3A_97, %dma_wait3A_98] : memref<2500x128x128xf32, #tpu.memory_space<hbm>> -> memref<2x128x128xf32, #tpu.memory_space<hbm>>
    %dma_wait3A_100 = arith.constant 0 : i32
    %dma_wait3A_101 = arith.constant 0 : i32
    %dma_wait3A_102 = arith.constant 0 : i32
    %dma_wait3A_103 = tpu.memref_slice %arg4[%dma_wait3A_100, %dma_wait3A_101, %dma_wait3A_102] : memref<2500x128x128xf32, #tpu.memory_space<hbm>> -> memref<2x128x128xf32, #tpu.memory_space<hbm>>
    %dma_wait3A_104 = arith.constant 0 : i32
    %dma_wait3A_105 = arith.constant 0 : i32
    %dma_wait3A_106 = arith.constant 0 : i32
    %dma_wait3A_107 = tpu.memref_slice %arg6[%dma_wait3A_90, %dma_wait3A_104, %dma_wait3A_105, %dma_wait3A_106] : memref<3x2x128x128xf32, #tpu.memory_space<vmem>> -> memref<1x2x128x128xf32, #tpu.memory_space<vmem>>
    %dma_wait3A_108 = tpu.memref_squeeze %dma_wait3A_107 : memref<1x2x128x128xf32, #tpu.memory_space<vmem>> -> memref<2x128x128xf32, #tpu.memory_space<vmem>>
    tpu.wait_dma2 semaphore(%arg11 : memref<!tpu.dma_semaphore, #tpu.memory_space<semaphore_mem>>) src(%dma_wait3A_108 : memref<2x128x128xf32, #tpu.memory_space<vmem>>) dst(%dma_wait3A_103 : memref<2x128x128xf32, #tpu.memory_space<hbm>>)
    %dma_wait3A_109 = arith.constant 2 : i32
    %dma_wait3A_110 = arith.constant 0 : i32
    %dma_wait3A_111 = arith.constant 0 : i32
    %dma_wait3A_112 = arith.constant 0 : i32
    %dma_wait3A_113 = tpu.memref_slice %arg6[%dma_wait3A_109, %dma_wait3A_110, %dma_wait3A_111, %dma_wait3A_112] : memref<3x2x128x128xf32, #tpu.memory_space<vmem>> -> memref<1x2x128x128xf32, #tpu.memory_space<vmem>>
    %dma_wait3A_114 = tpu.memref_squeeze %dma_wait3A_113 : memref<1x2x128x128xf32, #tpu.memory_space<vmem>> -> memref<2x128x128xf32, #tpu.memory_space<vmem>>
    %dma_wait3A_115 = arith.constant 0 : i32
    %dma_wait3A_116 = arith.constant 0 : i32
    %dma_wait3A_117 = arith.constant 0 : i32
    %dma_wait3A_118 = tpu.memref_slice %arg4[%dma_wait3A_115, %dma_wait3A_116, %dma_wait3A_117] : memref<2500x128x128xf32, #tpu.memory_space<hbm>> -> memref<2x128x128xf32, #tpu.memory_space<hbm>>
    %dma_wait3A_119 = arith.constant 0 : i32
    %dma_wait3A_120 = arith.constant 0 : i32
    %dma_wait3A_121 = arith.constant 0 : i32
    %dma_wait3A_122 = tpu.memref_slice %arg4[%dma_wait3A_119, %dma_wait3A_120, %dma_wait3A_121] : memref<2500x128x128xf32, #tpu.memory_space<hbm>> -> memref<2x128x128xf32, #tpu.memory_space<hbm>>
    %dma_wait3A_123 = arith.constant 0 : i32
    %dma_wait3A_124 = arith.constant 0 : i32
    %dma_wait3A_125 = arith.constant 0 : i32
    %dma_wait3A_126 = tpu.memref_slice %arg6[%dma_wait3A_109, %dma_wait3A_123, %dma_wait3A_124, %dma_wait3A_125] : memref<3x2x128x128xf32, #tpu.memory_space<vmem>> -> memref<1x2x128x128xf32, #tpu.memory_space<vmem>>
    %dma_wait3A_127 = tpu.memref_squeeze %dma_wait3A_126 : memref<1x2x128x128xf32, #tpu.memory_space<vmem>> -> memref<2x128x128xf32, #tpu.memory_space<vmem>>
    tpu.wait_dma2 semaphore(%arg12 : memref<!tpu.dma_semaphore, #tpu.memory_space<semaphore_mem>>) src(%dma_wait3A_127 : memref<2x128x128xf32, #tpu.memory_space<vmem>>) dst(%dma_wait3A_122 : memref<2x128x128xf32, #tpu.memory_space<hbm>>)
    return
  }
}

module attributes {stable_mosaic.version = 14 : i64} {
  func.func @_prep_body(%arg0: memref<2500x128xi32, #tpu.memory_space<vmem>>, %arg1: memref<2500x128xi32, #tpu.memory_space<vmem>>, %arg2: memref<2500x128xi32, #tpu.memory_space<vmem>>, %arg3: memref<5x128xf32, #tpu.memory_space<vmem>>, %arg4: memref<6x128xf32, #tpu.memory_space<vmem>>, %arg5: memref<2x128xf32, #tpu.memory_space<vmem>>, %arg6: memref<2500x128xi32, #tpu.memory_space<vmem>>, %arg7: memref<61440x128xf32, #tpu.memory_space<vmem>>) attributes {dimension_semantics = [], scalar_prefetch = 0 : i64, scratch_operands = 0 : i64, tpu.core_type = #tpu.core_type<tc>} {
    %get3A = arith.constant 0 : index
    %get3A_0 = arith.constant 0 : index
    %get3A_1 = vector.load %arg0[%get3A, %get3A_0] : memref<2500x128xi32, #tpu.memory_space<vmem>>, vector<2500x128xi32>
    %jit3A = arith.constant 0 : i32
    %jit3A_2 = arith.constant 4 : i32
    %max3A = vector.broadcast %jit3A : i32 to vector<2500x128xi32>
    %max3A_3 = arith.maxsi %max3A, %get3A_1 : vector<2500x128xi32>
    %min3A = vector.broadcast %jit3A_2 : i32 to vector<2500x128xi32>
    %min3A_4 = arith.minsi %min3A, %max3A_3 : vector<2500x128xi32>
    %get3A_5 = arith.constant 0 : index
    %get3A_6 = arith.constant 0 : index
    %get3A_7 = vector.load %arg1[%get3A_5, %get3A_6] : memref<2500x128xi32, #tpu.memory_space<vmem>>, vector<2500x128xi32>
    %jit3A_8 = arith.constant 0 : i32
    %jit3A_9 = arith.constant 5 : i32
    %max3A_10 = vector.broadcast %jit3A_8 : i32 to vector<2500x128xi32>
    %max3A_11 = arith.maxsi %max3A_10, %get3A_7 : vector<2500x128xi32>
    %min3A_12 = vector.broadcast %jit3A_9 : i32 to vector<2500x128xi32>
    %min3A_13 = arith.minsi %min3A_12, %max3A_11 : vector<2500x128xi32>
    %get3A_14 = arith.constant 0 : index
    %get3A_15 = arith.constant 0 : index
    %get3A_16 = vector.load %arg2[%get3A_14, %get3A_15] : memref<2500x128xi32, #tpu.memory_space<vmem>>, vector<2500x128xi32>
    %jit3A_17 = arith.constant 0 : i32
    %jit3A_18 = arith.constant 1 : i32
    %max3A_19 = vector.broadcast %jit3A_17 : i32 to vector<2500x128xi32>
    %max3A_20 = arith.maxsi %max3A_19, %get3A_16 : vector<2500x128xi32>
    %min3A_21 = vector.broadcast %jit3A_18 : i32 to vector<2500x128xi32>
    %min3A_22 = arith.minsi %min3A_21, %max3A_20 : vector<2500x128xi32>
    %mul3A = arith.constant 12 : i32
    %mul3A_23 = vector.broadcast %mul3A : i32 to vector<2500x128xi32>
    %mul3A_24 = arith.muli %min3A_4, %mul3A_23 : vector<2500x128xi32>
    %mul3A_25 = arith.constant 2 : i32
    %mul3A_26 = vector.broadcast %mul3A_25 : i32 to vector<2500x128xi32>
    %mul3A_27 = arith.muli %min3A_13, %mul3A_26 : vector<2500x128xi32>
    %add3A = arith.addi %mul3A_24, %mul3A_27 : vector<2500x128xi32>
    %add3A_28 = arith.addi %add3A, %min3A_22 : vector<2500x128xi32>
    %iota3A = tpu.iota {dimensions = array<i32: 0>} : vector<2500x128xi32>
    %jit3A_29 = arith.constant 2 : i32
    %div3A = vector.broadcast %jit3A_29 : i32 to vector<2500x128xi32>
    %div3A_30 = arith.divsi %iota3A, %div3A : vector<2500x128xi32>
    %sign3A = arith.constant 0 : i32
    %sign3A_31 = vector.broadcast %sign3A : i32 to vector<2500x128xi32>
    %sign3A_32 = arith.cmpi sgt, %iota3A, %sign3A_31 : vector<2500x128xi32>
    %sign3A_33 = arith.extui %sign3A_32 : vector<2500x128xi1> to vector<2500x128xi32>
    %sign3A_34 = arith.constant 0 : i32
    %sign3A_35 = vector.broadcast %sign3A_34 : i32 to vector<2500x128xi32>
    %sign3A_36 = arith.cmpi slt, %iota3A, %sign3A_35 : vector<2500x128xi32>
    %sign3A_37 = arith.extui %sign3A_36 : vector<2500x128xi1> to vector<2500x128xi32>
    %sign3A_38 = arith.subi %sign3A_33, %sign3A_37 : vector<2500x128xi32>
    %sign3A_39 = arith.constant 0 : i32
    %sign3A_40 = arith.cmpi sgt, %jit3A_29, %sign3A_39 : i32
    %sign3A_41 = arith.extui %sign3A_40 : i1 to i32
    %sign3A_42 = arith.constant 0 : i32
    %sign3A_43 = arith.cmpi slt, %jit3A_29, %sign3A_42 : i32
    %sign3A_44 = arith.extui %sign3A_43 : i1 to i32
    %sign3A_45 = arith.subi %sign3A_41, %sign3A_44 : i32
    %ne3A = vector.broadcast %sign3A_45 : i32 to vector<2500x128xi32>
    %ne3A_46 = arith.cmpi ne, %sign3A_38, %ne3A : vector<2500x128xi32>
    %rem3A = vector.broadcast %jit3A_29 : i32 to vector<2500x128xi32>
    %rem3A_47 = arith.remsi %iota3A, %rem3A : vector<2500x128xi32>
    %ne3A_48 = arith.constant 0 : i32
    %ne3A_49 = vector.broadcast %ne3A_48 : i32 to vector<2500x128xi32>
    %ne3A_50 = arith.cmpi ne, %rem3A_47, %ne3A_49 : vector<2500x128xi32>
    %and3A = arith.andi %ne3A_46, %ne3A_50 : vector<2500x128xi1>
    %sub3A = arith.constant 1 : i32
    %sub3A_51 = vector.broadcast %sub3A : i32 to vector<2500x128xi32>
    %sub3A_52 = arith.subi %div3A_30, %sub3A_51 : vector<2500x128xi32>
    %select_n3A = arith.select %and3A, %sub3A_52, %div3A_30 : vector<2500x128xi1>, vector<2500x128xi32>
    %lt3A = arith.constant 80 : i32
    %lt3A_53 = vector.broadcast %lt3A : i32 to vector<2500x128xi32>
    %lt3A_54 = arith.cmpi slt, %select_n3A, %lt3A_53 : vector<2500x128xi32>
    %jit3A_55 = arith.constant 40 : i32
    %div3A_56 = vector.broadcast %jit3A_55 : i32 to vector<2500x128xi32>
    %div3A_57 = arith.divsi %select_n3A, %div3A_56 : vector<2500x128xi32>
    %sign3A_58 = arith.constant 0 : i32
    %sign3A_59 = vector.broadcast %sign3A_58 : i32 to vector<2500x128xi32>
    %sign3A_60 = arith.cmpi sgt, %select_n3A, %sign3A_59 : vector<2500x128xi32>
    %sign3A_61 = arith.extui %sign3A_60 : vector<2500x128xi1> to vector<2500x128xi32>
    %sign3A_62 = arith.constant 0 : i32
    %sign3A_63 = vector.broadcast %sign3A_62 : i32 to vector<2500x128xi32>
    %sign3A_64 = arith.cmpi slt, %select_n3A, %sign3A_63 : vector<2500x128xi32>
    %sign3A_65 = arith.extui %sign3A_64 : vector<2500x128xi1> to vector<2500x128xi32>
    %sign3A_66 = arith.subi %sign3A_61, %sign3A_65 : vector<2500x128xi32>
    %sign3A_67 = arith.constant 0 : i32
    %sign3A_68 = arith.cmpi sgt, %jit3A_55, %sign3A_67 : i32
    %sign3A_69 = arith.extui %sign3A_68 : i1 to i32
    %sign3A_70 = arith.constant 0 : i32
    %sign3A_71 = arith.cmpi slt, %jit3A_55, %sign3A_70 : i32
    %sign3A_72 = arith.extui %sign3A_71 : i1 to i32
    %sign3A_73 = arith.subi %sign3A_69, %sign3A_72 : i32
    %ne3A_74 = vector.broadcast %sign3A_73 : i32 to vector<2500x128xi32>
    %ne3A_75 = arith.cmpi ne, %sign3A_66, %ne3A_74 : vector<2500x128xi32>
    %rem3A_76 = vector.broadcast %jit3A_55 : i32 to vector<2500x128xi32>
    %rem3A_77 = arith.remsi %select_n3A, %rem3A_76 : vector<2500x128xi32>
    %ne3A_78 = arith.constant 0 : i32
    %ne3A_79 = vector.broadcast %ne3A_78 : i32 to vector<2500x128xi32>
    %ne3A_80 = arith.cmpi ne, %rem3A_77, %ne3A_79 : vector<2500x128xi32>
    %and3A_81 = arith.andi %ne3A_75, %ne3A_80 : vector<2500x128xi1>
    %sub3A_82 = arith.constant 1 : i32
    %sub3A_83 = vector.broadcast %sub3A_82 : i32 to vector<2500x128xi32>
    %sub3A_84 = arith.subi %div3A_57, %sub3A_83 : vector<2500x128xi32>
    %select_n3A_85 = arith.select %and3A_81, %sub3A_84, %div3A_57 : vector<2500x128xi1>, vector<2500x128xi32>
    %sub3A_86 = arith.constant 2 : i32
    %sub3A_87 = vector.broadcast %sub3A_86 : i32 to vector<2500x128xi32>
    %sub3A_88 = arith.subi %select_n3A, %sub3A_87 : vector<2500x128xi32>
    %jit3A_89 = arith.constant 39 : i32
    %div3A_90 = vector.broadcast %jit3A_89 : i32 to vector<2500x128xi32>
    %div3A_91 = arith.divsi %sub3A_88, %div3A_90 : vector<2500x128xi32>
    %sign3A_92 = arith.constant 0 : i32
    %sign3A_93 = vector.broadcast %sign3A_92 : i32 to vector<2500x128xi32>
    %sign3A_94 = arith.cmpi sgt, %sub3A_88, %sign3A_93 : vector<2500x128xi32>
    %sign3A_95 = arith.extui %sign3A_94 : vector<2500x128xi1> to vector<2500x128xi32>
    %sign3A_96 = arith.constant 0 : i32
    %sign3A_97 = vector.broadcast %sign3A_96 : i32 to vector<2500x128xi32>
    %sign3A_98 = arith.cmpi slt, %sub3A_88, %sign3A_97 : vector<2500x128xi32>
    %sign3A_99 = arith.extui %sign3A_98 : vector<2500x128xi1> to vector<2500x128xi32>
    %sign3A_100 = arith.subi %sign3A_95, %sign3A_99 : vector<2500x128xi32>
    %sign3A_101 = arith.constant 0 : i32
    %sign3A_102 = arith.cmpi sgt, %jit3A_89, %sign3A_101 : i32
    %sign3A_103 = arith.extui %sign3A_102 : i1 to i32
    %sign3A_104 = arith.constant 0 : i32
    %sign3A_105 = arith.cmpi slt, %jit3A_89, %sign3A_104 : i32
    %sign3A_106 = arith.extui %sign3A_105 : i1 to i32
    %sign3A_107 = arith.subi %sign3A_103, %sign3A_106 : i32
    %ne3A_108 = vector.broadcast %sign3A_107 : i32 to vector<2500x128xi32>
    %ne3A_109 = arith.cmpi ne, %sign3A_100, %ne3A_108 : vector<2500x128xi32>
    %rem3A_110 = vector.broadcast %jit3A_89 : i32 to vector<2500x128xi32>
    %rem3A_111 = arith.remsi %sub3A_88, %rem3A_110 : vector<2500x128xi32>
    %ne3A_112 = arith.constant 0 : i32
    %ne3A_113 = vector.broadcast %ne3A_112 : i32 to vector<2500x128xi32>
    %ne3A_114 = arith.cmpi ne, %rem3A_111, %ne3A_113 : vector<2500x128xi32>
    %and3A_115 = arith.andi %ne3A_109, %ne3A_114 : vector<2500x128xi1>
    %sub3A_116 = arith.constant 1 : i32
    %sub3A_117 = vector.broadcast %sub3A_116 : i32 to vector<2500x128xi32>
    %sub3A_118 = arith.subi %div3A_91, %sub3A_117 : vector<2500x128xi32>
    %select_n3A_119 = arith.select %and3A_115, %sub3A_118, %div3A_91 : vector<2500x128xi1>, vector<2500x128xi32>
    %select_n3A_120 = arith.select %lt3A_54, %select_n3A_85, %select_n3A_119 : vector<2500x128xi1>, vector<2500x128xi32>
    %iota3A_121 = tpu.iota {dimensions = array<i32: 1>} : vector<2500x128xi32>
    %mul3A_122 = arith.constant 32 : i32
    %mul3A_123 = vector.broadcast %mul3A_122 : i32 to vector<2500x128xi32>
    %mul3A_124 = arith.muli %select_n3A_120, %mul3A_123 : vector<2500x128xi32>
    %jit3A_125 = arith.constant 32 : i32
    %eq3A = arith.constant 0 : i32
    %eq3A_126 = arith.cmpi eq, %jit3A_125, %eq3A : i32
    %jit3A_127 = arith.constant 1 : i32
    %select_n3A_128 = arith.select %eq3A_126, %jit3A_127, %jit3A_125 : i32
    %rem3A_129 = vector.broadcast %select_n3A_128 : i32 to vector<2500x128xi32>
    %rem3A_130 = arith.remsi %iota3A_121, %rem3A_129 : vector<2500x128xi32>
    %ne3A_131 = arith.constant 0 : i32
    %ne3A_132 = vector.broadcast %ne3A_131 : i32 to vector<2500x128xi32>
    %ne3A_133 = arith.cmpi ne, %rem3A_130, %ne3A_132 : vector<2500x128xi32>
    %lt3A_134 = arith.constant 0 : i32
    %lt3A_135 = vector.broadcast %lt3A_134 : i32 to vector<2500x128xi32>
    %lt3A_136 = arith.cmpi slt, %rem3A_130, %lt3A_135 : vector<2500x128xi32>
    %lt3A_137 = arith.constant 0 : i32
    %lt3A_138 = arith.cmpi slt, %select_n3A_128, %lt3A_137 : i32
    %ne3A_139 = vector.broadcast %lt3A_138 : i1 to vector<2500x128xi1>
    %ne3A_140 = vector.broadcast %ne3A_139 : vector<2500x128xi1> to vector<2500x128xi1>
    %ne3A_141 = arith.xori %lt3A_136, %ne3A_140 : vector<2500x128xi1>
    %and3A_142 = arith.andi %ne3A_141, %ne3A_133 : vector<2500x128xi1>
    %add3A_143 = vector.broadcast %select_n3A_128 : i32 to vector<2500x128xi32>
    %add3A_144 = arith.addi %rem3A_130, %add3A_143 : vector<2500x128xi32>
    %select_n3A_145 = arith.select %and3A_142, %add3A_144, %rem3A_130 : vector<2500x128xi1>, vector<2500x128xi32>
    %add3A_146 = arith.addi %mul3A_124, %select_n3A_145 : vector<2500x128xi32>
    %mul3A_147 = arith.constant 60 : i32
    %mul3A_148 = vector.broadcast %mul3A_147 : i32 to vector<2500x128xi32>
    %mul3A_149 = arith.muli %add3A_146, %mul3A_148 : vector<2500x128xi32>
    %add3A_150 = arith.addi %add3A_28, %mul3A_149 : vector<2500x128xi32>
    %swap3A = arith.constant 0 : index
    %swap3A_151 = arith.constant 0 : index
    %swap3A_152 = vector.load %arg6[%swap3A, %swap3A_151] : memref<2500x128xi32, #tpu.memory_space<vmem>>, vector<2500x128xi32>
    tpu.vector_store %arg6[%swap3A, %swap3A_151], %add3A_150 {strides = array<i32>} : memref<2500x128xi32, #tpu.memory_space<vmem>>, vector<2500x128xi32>,
    %get3A_153 = arith.constant 0 : index
    %get3A_154 = arith.constant 0 : index
    %get3A_155 = vector.load %arg3[%get3A_153, %get3A_154] : memref<5x128xf32, #tpu.memory_space<vmem>>, vector<5x128xf32>
    %mul3A_156 = arith.constant 0.333333343 : f32
    %mul3A_157 = vector.broadcast %mul3A_156 : f32 to vector<5x128xf32>
    %mul3A_158 = arith.mulf %get3A_155, %mul3A_157 : vector<5x128xf32>
    %get3A_159 = arith.constant 0 : index
    %get3A_160 = arith.constant 0 : index
    %get3A_161 = vector.load %arg4[%get3A_159, %get3A_160] : memref<6x128xf32, #tpu.memory_space<vmem>>, vector<6x128xf32>
    %mul3A_162 = arith.constant 0.333333343 : f32
    %mul3A_163 = vector.broadcast %mul3A_162 : f32 to vector<6x128xf32>
    %mul3A_164 = arith.mulf %get3A_161, %mul3A_163 : vector<6x128xf32>
    %get3A_165 = arith.constant 0 : index
    %get3A_166 = arith.constant 0 : index
    %get3A_167 = vector.load %arg5[%get3A_165, %get3A_166] : memref<2x128xf32, #tpu.memory_space<vmem>>, vector<2x128xf32>
    %mul3A_168 = arith.constant 0.333333343 : f32
    %mul3A_169 = vector.broadcast %mul3A_168 : f32 to vector<2x128xf32>
    %mul3A_170 = arith.mulf %get3A_167, %mul3A_169 : vector<2x128xf32>
    %slice3A = vector.extract_strided_slice %mul3A_158 {offsets = [0, 0], sizes = [1, 128], strides = [1, 1]} : vector<5x128xf32> to vector<1x128xf32>
    %slice3A_171 = vector.extract_strided_slice %mul3A_164 {offsets = [0, 0], sizes = [1, 128], strides = [1, 1]} : vector<6x128xf32> to vector<1x128xf32>
    %add3A_172 = arith.addf %slice3A, %slice3A_171 : vector<1x128xf32>
    %add3A_173 = vector.broadcast %add3A_172 : vector<1x128xf32> to vector<2x128xf32>
    %add3A_174 = arith.addf %add3A_173, %mul3A_170 : vector<2x128xf32>
    %slice3A_175 = vector.extract_strided_slice %mul3A_158 {offsets = [0, 0], sizes = [1, 128], strides = [1, 1]} : vector<5x128xf32> to vector<1x128xf32>
    %slice3A_176 = vector.extract_strided_slice %mul3A_164 {offsets = [1, 0], sizes = [1, 128], strides = [1, 1]} : vector<6x128xf32> to vector<1x128xf32>
    %add3A_177 = arith.addf %slice3A_175, %slice3A_176 : vector<1x128xf32>
    %add3A_178 = vector.broadcast %add3A_177 : vector<1x128xf32> to vector<2x128xf32>
    %add3A_179 = arith.addf %add3A_178, %mul3A_170 : vector<2x128xf32>
    %slice3A_180 = vector.extract_strided_slice %mul3A_158 {offsets = [0, 0], sizes = [1, 128], strides = [1, 1]} : vector<5x128xf32> to vector<1x128xf32>
    %slice3A_181 = vector.extract_strided_slice %mul3A_164 {offsets = [2, 0], sizes = [1, 128], strides = [1, 1]} : vector<6x128xf32> to vector<1x128xf32>
    %add3A_182 = arith.addf %slice3A_180, %slice3A_181 : vector<1x128xf32>
    %add3A_183 = vector.broadcast %add3A_182 : vector<1x128xf32> to vector<2x128xf32>
    %add3A_184 = arith.addf %add3A_183, %mul3A_170 : vector<2x128xf32>
    %slice3A_185 = vector.extract_strided_slice %mul3A_158 {offsets = [0, 0], sizes = [1, 128], strides = [1, 1]} : vector<5x128xf32> to vector<1x128xf32>
    %slice3A_186 = vector.extract_strided_slice %mul3A_164 {offsets = [3, 0], sizes = [1, 128], strides = [1, 1]} : vector<6x128xf32> to vector<1x128xf32>
    %add3A_187 = arith.addf %slice3A_185, %slice3A_186 : vector<1x128xf32>
    %add3A_188 = vector.broadcast %add3A_187 : vector<1x128xf32> to vector<2x128xf32>
    %add3A_189 = arith.addf %add3A_188, %mul3A_170 : vector<2x128xf32>
    %slice3A_190 = vector.extract_strided_slice %mul3A_158 {offsets = [0, 0], sizes = [1, 128], strides = [1, 1]} : vector<5x128xf32> to vector<1x128xf32>
    %slice3A_191 = vector.extract_strided_slice %mul3A_164 {offsets = [4, 0], sizes = [1, 128], strides = [1, 1]} : vector<6x128xf32> to vector<1x128xf32>
    %add3A_192 = arith.addf %slice3A_190, %slice3A_191 : vector<1x128xf32>
    %add3A_193 = vector.broadcast %add3A_192 : vector<1x128xf32> to vector<2x128xf32>
    %add3A_194 = arith.addf %add3A_193, %mul3A_170 : vector<2x128xf32>
    %slice3A_195 = vector.extract_strided_slice %mul3A_158 {offsets = [0, 0], sizes = [1, 128], strides = [1, 1]} : vector<5x128xf32> to vector<1x128xf32>
    %slice3A_196 = vector.extract_strided_slice %mul3A_164 {offsets = [5, 0], sizes = [1, 128], strides = [1, 1]} : vector<6x128xf32> to vector<1x128xf32>
    %add3A_197 = arith.addf %slice3A_195, %slice3A_196 : vector<1x128xf32>
    %add3A_198 = vector.broadcast %add3A_197 : vector<1x128xf32> to vector<2x128xf32>
    %add3A_199 = arith.addf %add3A_198, %mul3A_170 : vector<2x128xf32>
    %slice3A_200 = vector.extract_strided_slice %mul3A_158 {offsets = [1, 0], sizes = [1, 128], strides = [1, 1]} : vector<5x128xf32> to vector<1x128xf32>
    %slice3A_201 = vector.extract_strided_slice %mul3A_164 {offsets = [0, 0], sizes = [1, 128], strides = [1, 1]} : vector<6x128xf32> to vector<1x128xf32>
    %add3A_202 = arith.addf %slice3A_200, %slice3A_201 : vector<1x128xf32>
    %add3A_203 = vector.broadcast %add3A_202 : vector<1x128xf32> to vector<2x128xf32>
    %add3A_204 = arith.addf %add3A_203, %mul3A_170 : vector<2x128xf32>
    %slice3A_205 = vector.extract_strided_slice %mul3A_158 {offsets = [1, 0], sizes = [1, 128], strides = [1, 1]} : vector<5x128xf32> to vector<1x128xf32>
    %slice3A_206 = vector.extract_strided_slice %mul3A_164 {offsets = [1, 0], sizes = [1, 128], strides = [1, 1]} : vector<6x128xf32> to vector<1x128xf32>
    %add3A_207 = arith.addf %slice3A_205, %slice3A_206 : vector<1x128xf32>
    %add3A_208 = vector.broadcast %add3A_207 : vector<1x128xf32> to vector<2x128xf32>
    %add3A_209 = arith.addf %add3A_208, %mul3A_170 : vector<2x128xf32>
    %slice3A_210 = vector.extract_strided_slice %mul3A_158 {offsets = [1, 0], sizes = [1, 128], strides = [1, 1]} : vector<5x128xf32> to vector<1x128xf32>
    %slice3A_211 = vector.extract_strided_slice %mul3A_164 {offsets = [2, 0], sizes = [1, 128], strides = [1, 1]} : vector<6x128xf32> to vector<1x128xf32>
    %add3A_212 = arith.addf %slice3A_210, %slice3A_211 : vector<1x128xf32>
    %add3A_213 = vector.broadcast %add3A_212 : vector<1x128xf32> to vector<2x128xf32>
    %add3A_214 = arith.addf %add3A_213, %mul3A_170 : vector<2x128xf32>
    %slice3A_215 = vector.extract_strided_slice %mul3A_158 {offsets = [1, 0], sizes = [1, 128], strides = [1, 1]} : vector<5x128xf32> to vector<1x128xf32>
    %slice3A_216 = vector.extract_strided_slice %mul3A_164 {offsets = [3, 0], sizes = [1, 128], strides = [1, 1]} : vector<6x128xf32> to vector<1x128xf32>
    %add3A_217 = arith.addf %slice3A_215, %slice3A_216 : vector<1x128xf32>
    %add3A_218 = vector.broadcast %add3A_217 : vector<1x128xf32> to vector<2x128xf32>
    %add3A_219 = arith.addf %add3A_218, %mul3A_170 : vector<2x128xf32>
    %slice3A_220 = vector.extract_strided_slice %mul3A_158 {offsets = [1, 0], sizes = [1, 128], strides = [1, 1]} : vector<5x128xf32> to vector<1x128xf32>
    %slice3A_221 = vector.extract_strided_slice %mul3A_164 {offsets = [4, 0], sizes = [1, 128], strides = [1, 1]} : vector<6x128xf32> to vector<1x128xf32>
    %add3A_222 = arith.addf %slice3A_220, %slice3A_221 : vector<1x128xf32>
    %add3A_223 = vector.broadcast %add3A_222 : vector<1x128xf32> to vector<2x128xf32>
    %add3A_224 = arith.addf %add3A_223, %mul3A_170 : vector<2x128xf32>
    %slice3A_225 = vector.extract_strided_slice %mul3A_158 {offsets = [1, 0], sizes = [1, 128], strides = [1, 1]} : vector<5x128xf32> to vector<1x128xf32>
    %slice3A_226 = vector.extract_strided_slice %mul3A_164 {offsets = [5, 0], sizes = [1, 128], strides = [1, 1]} : vector<6x128xf32> to vector<1x128xf32>
    %add3A_227 = arith.addf %slice3A_225, %slice3A_226 : vector<1x128xf32>
    %add3A_228 = vector.broadcast %add3A_227 : vector<1x128xf32> to vector<2x128xf32>
    %add3A_229 = arith.addf %add3A_228, %mul3A_170 : vector<2x128xf32>
    %slice3A_230 = vector.extract_strided_slice %mul3A_158 {offsets = [2, 0], sizes = [1, 128], strides = [1, 1]} : vector<5x128xf32> to vector<1x128xf32>
    %slice3A_231 = vector.extract_strided_slice %mul3A_164 {offsets = [0, 0], sizes = [1, 128], strides = [1, 1]} : vector<6x128xf32> to vector<1x128xf32>
    %add3A_232 = arith.addf %slice3A_230, %slice3A_231 : vector<1x128xf32>
    %add3A_233 = vector.broadcast %add3A_232 : vector<1x128xf32> to vector<2x128xf32>
    %add3A_234 = arith.addf %add3A_233, %mul3A_170 : vector<2x128xf32>
    %slice3A_235 = vector.extract_strided_slice %mul3A_158 {offsets = [2, 0], sizes = [1, 128], strides = [1, 1]} : vector<5x128xf32> to vector<1x128xf32>
    %slice3A_236 = vector.extract_strided_slice %mul3A_164 {offsets = [1, 0], sizes = [1, 128], strides = [1, 1]} : vector<6x128xf32> to vector<1x128xf32>
    %add3A_237 = arith.addf %slice3A_235, %slice3A_236 : vector<1x128xf32>
    %add3A_238 = vector.broadcast %add3A_237 : vector<1x128xf32> to vector<2x128xf32>
    %add3A_239 = arith.addf %add3A_238, %mul3A_170 : vector<2x128xf32>
    %slice3A_240 = vector.extract_strided_slice %mul3A_158 {offsets = [2, 0], sizes = [1, 128], strides = [1, 1]} : vector<5x128xf32> to vector<1x128xf32>
    %slice3A_241 = vector.extract_strided_slice %mul3A_164 {offsets = [2, 0], sizes = [1, 128], strides = [1, 1]} : vector<6x128xf32> to vector<1x128xf32>
    %add3A_242 = arith.addf %slice3A_240, %slice3A_241 : vector<1x128xf32>
    %add3A_243 = vector.broadcast %add3A_242 : vector<1x128xf32> to vector<2x128xf32>
    %add3A_244 = arith.addf %add3A_243, %mul3A_170 : vector<2x128xf32>
    %slice3A_245 = vector.extract_strided_slice %mul3A_158 {offsets = [2, 0], sizes = [1, 128], strides = [1, 1]} : vector<5x128xf32> to vector<1x128xf32>
    %slice3A_246 = vector.extract_strided_slice %mul3A_164 {offsets = [3, 0], sizes = [1, 128], strides = [1, 1]} : vector<6x128xf32> to vector<1x128xf32>
    %add3A_247 = arith.addf %slice3A_245, %slice3A_246 : vector<1x128xf32>
    %add3A_248 = vector.broadcast %add3A_247 : vector<1x128xf32> to vector<2x128xf32>
    %add3A_249 = arith.addf %add3A_248, %mul3A_170 : vector<2x128xf32>
    %slice3A_250 = vector.extract_strided_slice %mul3A_158 {offsets = [2, 0], sizes = [1, 128], strides = [1, 1]} : vector<5x128xf32> to vector<1x128xf32>
    %slice3A_251 = vector.extract_strided_slice %mul3A_164 {offsets = [4, 0], sizes = [1, 128], strides = [1, 1]} : vector<6x128xf32> to vector<1x128xf32>
    %add3A_252 = arith.addf %slice3A_250, %slice3A_251 : vector<1x128xf32>
    %add3A_253 = vector.broadcast %add3A_252 : vector<1x128xf32> to vector<2x128xf32>
    %add3A_254 = arith.addf %add3A_253, %mul3A_170 : vector<2x128xf32>
    %slice3A_255 = vector.extract_strided_slice %mul3A_158 {offsets = [2, 0], sizes = [1, 128], strides = [1, 1]} : vector<5x128xf32> to vector<1x128xf32>
    %slice3A_256 = vector.extract_strided_slice %mul3A_164 {offsets = [5, 0], sizes = [1, 128], strides = [1, 1]} : vector<6x128xf32> to vector<1x128xf32>
    %add3A_257 = arith.addf %slice3A_255, %slice3A_256 : vector<1x128xf32>
    %add3A_258 = vector.broadcast %add3A_257 : vector<1x128xf32> to vector<2x128xf32>
    %add3A_259 = arith.addf %add3A_258, %mul3A_170 : vector<2x128xf32>
    %slice3A_260 = vector.extract_strided_slice %mul3A_158 {offsets = [3, 0], sizes = [1, 128], strides = [1, 1]} : vector<5x128xf32> to vector<1x128xf32>
    %slice3A_261 = vector.extract_strided_slice %mul3A_164 {offsets = [0, 0], sizes = [1, 128], strides = [1, 1]} : vector<6x128xf32> to vector<1x128xf32>
    %add3A_262 = arith.addf %slice3A_260, %slice3A_261 : vector<1x128xf32>
    %add3A_263 = vector.broadcast %add3A_262 : vector<1x128xf32> to vector<2x128xf32>
    %add3A_264 = arith.addf %add3A_263, %mul3A_170 : vector<2x128xf32>
    %slice3A_265 = vector.extract_strided_slice %mul3A_158 {offsets = [3, 0], sizes = [1, 128], strides = [1, 1]} : vector<5x128xf32> to vector<1x128xf32>
    %slice3A_266 = vector.extract_strided_slice %mul3A_164 {offsets = [1, 0], sizes = [1, 128], strides = [1, 1]} : vector<6x128xf32> to vector<1x128xf32>
    %add3A_267 = arith.addf %slice3A_265, %slice3A_266 : vector<1x128xf32>
    %add3A_268 = vector.broadcast %add3A_267 : vector<1x128xf32> to vector<2x128xf32>
    %add3A_269 = arith.addf %add3A_268, %mul3A_170 : vector<2x128xf32>
    %slice3A_270 = vector.extract_strided_slice %mul3A_158 {offsets = [3, 0], sizes = [1, 128], strides = [1, 1]} : vector<5x128xf32> to vector<1x128xf32>
    %slice3A_271 = vector.extract_strided_slice %mul3A_164 {offsets = [2, 0], sizes = [1, 128], strides = [1, 1]} : vector<6x128xf32> to vector<1x128xf32>
    %add3A_272 = arith.addf %slice3A_270, %slice3A_271 : vector<1x128xf32>
    %add3A_273 = vector.broadcast %add3A_272 : vector<1x128xf32> to vector<2x128xf32>
    %add3A_274 = arith.addf %add3A_273, %mul3A_170 : vector<2x128xf32>
    %slice3A_275 = vector.extract_strided_slice %mul3A_158 {offsets = [3, 0], sizes = [1, 128], strides = [1, 1]} : vector<5x128xf32> to vector<1x128xf32>
    %slice3A_276 = vector.extract_strided_slice %mul3A_164 {offsets = [3, 0], sizes = [1, 128], strides = [1, 1]} : vector<6x128xf32> to vector<1x128xf32>
    %add3A_277 = arith.addf %slice3A_275, %slice3A_276 : vector<1x128xf32>
    %add3A_278 = vector.broadcast %add3A_277 : vector<1x128xf32> to vector<2x128xf32>
    %add3A_279 = arith.addf %add3A_278, %mul3A_170 : vector<2x128xf32>
    %slice3A_280 = vector.extract_strided_slice %mul3A_158 {offsets = [3, 0], sizes = [1, 128], strides = [1, 1]} : vector<5x128xf32> to vector<1x128xf32>
    %slice3A_281 = vector.extract_strided_slice %mul3A_164 {offsets = [4, 0], sizes = [1, 128], strides = [1, 1]} : vector<6x128xf32> to vector<1x128xf32>
    %add3A_282 = arith.addf %slice3A_280, %slice3A_281 : vector<1x128xf32>
    %add3A_283 = vector.broadcast %add3A_282 : vector<1x128xf32> to vector<2x128xf32>
    %add3A_284 = arith.addf %add3A_283, %mul3A_170 : vector<2x128xf32>
    %slice3A_285 = vector.extract_strided_slice %mul3A_158 {offsets = [3, 0], sizes = [1, 128], strides = [1, 1]} : vector<5x128xf32> to vector<1x128xf32>
    %slice3A_286 = vector.extract_strided_slice %mul3A_164 {offsets = [5, 0], sizes = [1, 128], strides = [1, 1]} : vector<6x128xf32> to vector<1x128xf32>
    %add3A_287 = arith.addf %slice3A_285, %slice3A_286 : vector<1x128xf32>
    %add3A_288 = vector.broadcast %add3A_287 : vector<1x128xf32> to vector<2x128xf32>
    %add3A_289 = arith.addf %add3A_288, %mul3A_170 : vector<2x128xf32>
    %slice3A_290 = vector.extract_strided_slice %mul3A_158 {offsets = [4, 0], sizes = [1, 128], strides = [1, 1]} : vector<5x128xf32> to vector<1x128xf32>
    %slice3A_291 = vector.extract_strided_slice %mul3A_164 {offsets = [0, 0], sizes = [1, 128], strides = [1, 1]} : vector<6x128xf32> to vector<1x128xf32>
    %add3A_292 = arith.addf %slice3A_290, %slice3A_291 : vector<1x128xf32>
    %add3A_293 = vector.broadcast %add3A_292 : vector<1x128xf32> to vector<2x128xf32>
    %add3A_294 = arith.addf %add3A_293, %mul3A_170 : vector<2x128xf32>
    %slice3A_295 = vector.extract_strided_slice %mul3A_158 {offsets = [4, 0], sizes = [1, 128], strides = [1, 1]} : vector<5x128xf32> to vector<1x128xf32>
    %slice3A_296 = vector.extract_strided_slice %mul3A_164 {offsets = [1, 0], sizes = [1, 128], strides = [1, 1]} : vector<6x128xf32> to vector<1x128xf32>
    %add3A_297 = arith.addf %slice3A_295, %slice3A_296 : vector<1x128xf32>
    %add3A_298 = vector.broadcast %add3A_297 : vector<1x128xf32> to vector<2x128xf32>
    %add3A_299 = arith.addf %add3A_298, %mul3A_170 : vector<2x128xf32>
    %slice3A_300 = vector.extract_strided_slice %mul3A_158 {offsets = [4, 0], sizes = [1, 128], strides = [1, 1]} : vector<5x128xf32> to vector<1x128xf32>
    %slice3A_301 = vector.extract_strided_slice %mul3A_164 {offsets = [2, 0], sizes = [1, 128], strides = [1, 1]} : vector<6x128xf32> to vector<1x128xf32>
    %add3A_302 = arith.addf %slice3A_300, %slice3A_301 : vector<1x128xf32>
    %add3A_303 = vector.broadcast %add3A_302 : vector<1x128xf32> to vector<2x128xf32>
    %add3A_304 = arith.addf %add3A_303, %mul3A_170 : vector<2x128xf32>
    %slice3A_305 = vector.extract_strided_slice %mul3A_158 {offsets = [4, 0], sizes = [1, 128], strides = [1, 1]} : vector<5x128xf32> to vector<1x128xf32>
    %slice3A_306 = vector.extract_strided_slice %mul3A_164 {offsets = [3, 0], sizes = [1, 128], strides = [1, 1]} : vector<6x128xf32> to vector<1x128xf32>
    %add3A_307 = arith.addf %slice3A_305, %slice3A_306 : vector<1x128xf32>
    %add3A_308 = vector.broadcast %add3A_307 : vector<1x128xf32> to vector<2x128xf32>
    %add3A_309 = arith.addf %add3A_308, %mul3A_170 : vector<2x128xf32>
    %slice3A_310 = vector.extract_strided_slice %mul3A_158 {offsets = [4, 0], sizes = [1, 128], strides = [1, 1]} : vector<5x128xf32> to vector<1x128xf32>
    %slice3A_311 = vector.extract_strided_slice %mul3A_164 {offsets = [4, 0], sizes = [1, 128], strides = [1, 1]} : vector<6x128xf32> to vector<1x128xf32>
    %add3A_312 = arith.addf %slice3A_310, %slice3A_311 : vector<1x128xf32>
    %add3A_313 = vector.broadcast %add3A_312 : vector<1x128xf32> to vector<2x128xf32>
    %add3A_314 = arith.addf %add3A_313, %mul3A_170 : vector<2x128xf32>
    %slice3A_315 = vector.extract_strided_slice %mul3A_158 {offsets = [4, 0], sizes = [1, 128], strides = [1, 1]} : vector<5x128xf32> to vector<1x128xf32>
    %slice3A_316 = vector.extract_strided_slice %mul3A_164 {offsets = [5, 0], sizes = [1, 128], strides = [1, 1]} : vector<6x128xf32> to vector<1x128xf32>
    %add3A_317 = arith.addf %slice3A_315, %slice3A_316 : vector<1x128xf32>
    %add3A_318 = vector.broadcast %add3A_317 : vector<1x128xf32> to vector<2x128xf32>
    %add3A_319 = arith.addf %add3A_318, %mul3A_170 : vector<2x128xf32>
    %concatenate3A = tpu.concatenate %add3A_174, %add3A_179, %add3A_184, %add3A_189, %add3A_194, %add3A_199, %add3A_204, %add3A_209, %add3A_214, %add3A_219, %add3A_224, %add3A_229, %add3A_234, %add3A_239, %add3A_244, %add3A_249, %add3A_254, %add3A_259, %add3A_264, %add3A_269, %add3A_274, %add3A_279, %add3A_284, %add3A_289, %add3A_294, %add3A_299, %add3A_304, %add3A_309, %add3A_314, %add3A_319 in 0 : vector<2x128xf32>, vector<2x128xf32>, vector<2x128xf32>, vector<2x128xf32>, vector<2x128xf32>, vector<2x128xf32>, vector<2x128xf32>, vector<2x128xf32>, vector<2x128xf32>, vector<2x128xf32>, vector<2x128xf32>, vector<2x128xf32>, vector<2x128xf32>, vector<2x128xf32>, vector<2x128xf32>, vector<2x128xf32>, vector<2x128xf32>, vector<2x128xf32>, vector<2x128xf32>, vector<2x128xf32>, vector<2x128xf32>, vector<2x128xf32>, vector<2x128xf32>, vector<2x128xf32>, vector<2x128xf32>, vector<2x128xf32>, vector<2x128xf32>, vector<2x128xf32>, vector<2x128xf32>, vector<2x128xf32> -> vector<60x128xf32>
    %swap3A_320 = arith.constant 0 : index
    %swap3A_321 = arith.constant 0 : index
    %swap3A_322 = vector.load %arg7[%swap3A_320, %swap3A_321] : memref<61440x128xf32, #tpu.memory_space<vmem>>, vector<60x128xf32>
    tpu.vector_store %arg7[%swap3A_320, %swap3A_321], %concatenate3A {strides = array<i32>} : memref<61440x128xf32, #tpu.memory_space<vmem>>, vector<60x128xf32>,
    %swap3A_323 = arith.constant 60 : index
    %swap3A_324 = arith.constant 0 : index
    %swap3A_325 = vector.load %arg7[%swap3A_323, %swap3A_324] : memref<61440x128xf32, #tpu.memory_space<vmem>>, vector<60x128xf32>
    tpu.vector_store %arg7[%swap3A_323, %swap3A_324], %concatenate3A {strides = array<i32>} : memref<61440x128xf32, #tpu.memory_space<vmem>>, vector<60x128xf32>,
    %swap3A_326 = arith.constant 120 : index
    %swap3A_327 = arith.constant 0 : index
    %swap3A_328 = vector.load %arg7[%swap3A_326, %swap3A_327] : memref<61440x128xf32, #tpu.memory_space<vmem>>, vector<60x128xf32>
    tpu.vector_store %arg7[%swap3A_326, %swap3A_327], %concatenate3A {strides = array<i32>} : memref<61440x128xf32, #tpu.memory_space<vmem>>, vector<60x128xf32>,
    %swap3A_329 = arith.constant 180 : index
    %swap3A_330 = arith.constant 0 : index
    %swap3A_331 = vector.load %arg7[%swap3A_329, %swap3A_330] : memref<61440x128xf32, #tpu.memory_space<vmem>>, vector<60x128xf32>
    tpu.vector_store %arg7[%swap3A_329, %swap3A_330], %concatenate3A {strides = array<i32>} : memref<61440x128xf32, #tpu.memory_space<vmem>>, vector<60x128xf32>,
    %swap3A_332 = arith.constant 240 : index
    %swap3A_333 = arith.constant 0 : index
    %swap3A_334 = vector.load %arg7[%swap3A_332, %swap3A_333] : memref<61440x128xf32, #tpu.memory_space<vmem>>, vector<60x128xf32>
    tpu.vector_store %arg7[%swap3A_332, %swap3A_333], %concatenate3A {strides = array<i32>} : memref<61440x128xf32, #tpu.memory_space<vmem>>, vector<60x128xf32>,
    %swap3A_335 = arith.constant 300 : index
    %swap3A_336 = arith.constant 0 : index
    %swap3A_337 = vector.load %arg7[%swap3A_335, %swap3A_336] : memref<61440x128xf32, #tpu.memory_space<vmem>>, vector<60x128xf32>
    tpu.vector_store %arg7[%swap3A_335, %swap3A_336], %concatenate3A {strides = array<i32>} : memref<61440x128xf32, #tpu.memory_space<vmem>>, vector<60x128xf32>,
    %swap3A_338 = arith.constant 360 : index
    %swap3A_339 = arith.constant 0 : index
    %swap3A_340 = vector.load %arg7[%swap3A_338, %swap3A_339] : memref<61440x128xf32, #tpu.memory_space<vmem>>, vector<60x128xf32>
    tpu.vector_store %arg7[%swap3A_338, %swap3A_339], %concatenate3A {strides = array<i32>} : memref<61440x128xf32, #tpu.memory_space<vmem>>, vector<60x128xf32>,
    %swap3A_341 = arith.constant 420 : index
    %swap3A_342 = arith.constant 0 : index
    %swap3A_343 = vector.load %arg7[%swap3A_341, %swap3A_342] : memref<61440x128xf32, #tpu.memory_space<vmem>>, vector<60x128xf32>
    tpu.vector_store %arg7[%swap3A_341, %swap3A_342], %concatenate3A {strides = array<i32>} : memref<61440x128xf32, #tpu.memory_space<vmem>>, vector<60x128xf32>,
    %swap3A_344 = arith.constant 480 : index
    %swap3A_345 = arith.constant 0 : index
    %swap3A_346 = vector.load %arg7[%swap3A_344, %swap3A_345] : memref<61440x128xf32, #tpu.memory_space<vmem>>, vector<60x128xf32>
    tpu.vector_store %arg7[%swap3A_344, %swap3A_345], %concatenate3A {strides = array<i32>} : memref<61440x128xf32, #tpu.memory_space<vmem>>, vector<60x128xf32>,
    %swap3A_347 = arith.constant 540 : index
    %swap3A_348 = arith.constant 0 : index
    %swap3A_349 = vector.load %arg7[%swap3A_347, %swap3A_348] : memref<61440x128xf32, #tpu.memory_space<vmem>>, vector<60x128xf32>
    tpu.vector_store %arg7[%swap3A_347, %swap3A_348], %concatenate3A {strides = array<i32>} : memref<61440x128xf32, #tpu.memory_space<vmem>>, vector<60x128xf32>,
    %swap3A_350 = arith.constant 600 : index
    %swap3A_351 = arith.constant 0 : index
    %swap3A_352 = vector.load %arg7[%swap3A_350, %swap3A_351] : memref<61440x128xf32, #tpu.memory_space<vmem>>, vector<60x128xf32>
    tpu.vector_store %arg7[%swap3A_350, %swap3A_351], %concatenate3A {strides = array<i32>} : memref<61440x128xf32, #tpu.memory_space<vmem>>, vector<60x128xf32>,
    %swap3A_353 = arith.constant 660 : index
    %swap3A_354 = arith.constant 0 : index
    %swap3A_355 = vector.load %arg7[%swap3A_353, %swap3A_354] : memref<61440x128xf32, #tpu.memory_space<vmem>>, vector<60x128xf32>
    tpu.vector_store %arg7[%swap3A_353, %swap3A_354], %concatenate3A {strides = array<i32>} : memref<61440x128xf32, #tpu.memory_space<vmem>>, vector<60x128xf32>,
    %swap3A_356 = arith.constant 720 : index
    %swap3A_357 = arith.constant 0 : index
    %swap3A_358 = vector.load %arg7[%swap3A_356, %swap3A_357] : memref<61440x128xf32, #tpu.memory_space<vmem>>, vector<60x128xf32>
    tpu.vector_store %arg7[%swap3A_356, %swap3A_357], %concatenate3A {strides = array<i32>} : memref<61440x128xf32, #tpu.memory_space<vmem>>, vector<60x128xf32>,
    %swap3A_359 = arith.constant 780 : index
    %swap3A_360 = arith.constant 0 : index
    %swap3A_361 = vector.load %arg7[%swap3A_359, %swap3A_360] : memref<61440x128xf32, #tpu.memory_space<vmem>>, vector<60x128xf32>
    tpu.vector_store %arg7[%swap3A_359, %swap3A_360], %concatenate3A {strides = array<i32>} : memref<61440x128xf32, #tpu.memory_space<vmem>>, vector<60x128xf32>,
    %swap3A_362 = arith.constant 840 : index
    %swap3A_363 = arith.constant 0 : index
    %swap3A_364 = vector.load %arg7[%swap3A_362, %swap3A_363] : memref<61440x128xf32, #tpu.memory_space<vmem>>, vector<60x128xf32>
    tpu.vector_store %arg7[%swap3A_362, %swap3A_363], %concatenate3A {strides = array<i32>} : memref<61440x128xf32, #tpu.memory_space<vmem>>, vector<60x128xf32>,
    %swap3A_365 = arith.constant 900 : index
    %swap3A_366 = arith.constant 0 : index
    %swap3A_367 = vector.load %arg7[%swap3A_365, %swap3A_366] : memref<61440x128xf32, #tpu.memory_space<vmem>>, vector<60x128xf32>
    tpu.vector_store %arg7[%swap3A_365, %swap3A_366], %concatenate3A {strides = array<i32>} : memref<61440x128xf32, #tpu.memory_space<vmem>>, vector<60x128xf32>,
    %swap3A_368 = arith.constant 960 : index
    %swap3A_369 = arith.constant 0 : index
    %swap3A_370 = vector.load %arg7[%swap3A_368, %swap3A_369] : memref<61440x128xf32, #tpu.memory_space<vmem>>, vector<60x128xf32>
    tpu.vector_store %arg7[%swap3A_368, %swap3A_369], %concatenate3A {strides = array<i32>} : memref<61440x128xf32, #tpu.memory_space<vmem>>, vector<60x128xf32>,
    %swap3A_371 = arith.constant 1020 : index
    %swap3A_372 = arith.constant 0 : index
    %swap3A_373 = vector.load %arg7[%swap3A_371, %swap3A_372] : memref<61440x128xf32, #tpu.memory_space<vmem>>, vector<60x128xf32>
    tpu.vector_store %arg7[%swap3A_371, %swap3A_372], %concatenate3A {strides = array<i32>} : memref<61440x128xf32, #tpu.memory_space<vmem>>, vector<60x128xf32>,
    %swap3A_374 = arith.constant 1080 : index
    %swap3A_375 = arith.constant 0 : index
    %swap3A_376 = vector.load %arg7[%swap3A_374, %swap3A_375] : memref<61440x128xf32, #tpu.memory_space<vmem>>, vector<60x128xf32>
    tpu.vector_store %arg7[%swap3A_374, %swap3A_375], %concatenate3A {strides = array<i32>} : memref<61440x128xf32, #tpu.memory_space<vmem>>, vector<60x128xf32>,
    %swap3A_377 = arith.constant 1140 : index
    %swap3A_378 = arith.constant 0 : index
    %swap3A_379 = vector.load %arg7[%swap3A_377, %swap3A_378] : memref<61440x128xf32, #tpu.memory_space<vmem>>, vector<60x128xf32>
    tpu.vector_store %arg7[%swap3A_377, %swap3A_378], %concatenate3A {strides = array<i32>} : memref<61440x128xf32, #tpu.memory_space<vmem>>, vector<60x128xf32>,
    %swap3A_380 = arith.constant 1200 : index
    %swap3A_381 = arith.constant 0 : index
    %swap3A_382 = vector.load %arg7[%swap3A_380, %swap3A_381] : memref<61440x128xf32, #tpu.memory_space<vmem>>, vector<60x128xf32>
    tpu.vector_store %arg7[%swap3A_380, %swap3A_381], %concatenate3A {strides = array<i32>} : memref<61440x128xf32, #tpu.memory_space<vmem>>, vector<60x128xf32>,
    %swap3A_383 = arith.constant 1260 : index
    %swap3A_384 = arith.constant 0 : index
    %swap3A_385 = vector.load %arg7[%swap3A_383, %swap3A_384] : memref<61440x128xf32, #tpu.memory_space<vmem>>, vector<60x128xf32>
    tpu.vector_store %arg7[%swap3A_383, %swap3A_384], %concatenate3A {strides = array<i32>} : memref<61440x128xf32, #tpu.memory_space<vmem>>, vector<60x128xf32>,
    %swap3A_386 = arith.constant 1320 : index
    %swap3A_387 = arith.constant 0 : index
    %swap3A_388 = vector.load %arg7[%swap3A_386, %swap3A_387] : memref<61440x128xf32, #tpu.memory_space<vmem>>, vector<60x128xf32>
    tpu.vector_store %arg7[%swap3A_386, %swap3A_387], %concatenate3A {strides = array<i32>} : memref<61440x128xf32, #tpu.memory_space<vmem>>, vector<60x128xf32>,
    %swap3A_389 = arith.constant 1380 : index
    %swap3A_390 = arith.constant 0 : index
    %swap3A_391 = vector.load %arg7[%swap3A_389, %swap3A_390] : memref<61440x128xf32, #tpu.memory_space<vmem>>, vector<60x128xf32>
    tpu.vector_store %arg7[%swap3A_389, %swap3A_390], %concatenate3A {strides = array<i32>} : memref<61440x128xf32, #tpu.memory_space<vmem>>, vector<60x128xf32>,
    %swap3A_392 = arith.constant 1440 : index
    %swap3A_393 = arith.constant 0 : index
    %swap3A_394 = vector.load %arg7[%swap3A_392, %swap3A_393] : memref<61440x128xf32, #tpu.memory_space<vmem>>, vector<60x128xf32>
    tpu.vector_store %arg7[%swap3A_392, %swap3A_393], %concatenate3A {strides = array<i32>} : memref<61440x128xf32, #tpu.memory_space<vmem>>, vector<60x128xf32>,
    %swap3A_395 = arith.constant 1500 : index
    %swap3A_396 = arith.constant 0 : index
    %swap3A_397 = vector.load %arg7[%swap3A_395, %swap3A_396] : memref<61440x128xf32, #tpu.memory_space<vmem>>, vector<60x128xf32>
    tpu.vector_store %arg7[%swap3A_395, %swap3A_396], %concatenate3A {strides = array<i32>} : memref<61440x128xf32, #tpu.memory_space<vmem>>, vector<60x128xf32>,
    %swap3A_398 = arith.constant 1560 : index
    %swap3A_399 = arith.constant 0 : index
    %swap3A_400 = vector.load %arg7[%swap3A_398, %swap3A_399] : memref<61440x128xf32, #tpu.memory_space<vmem>>, vector<60x128xf32>
    tpu.vector_store %arg7[%swap3A_398, %swap3A_399], %concatenate3A {strides = array<i32>} : memref<61440x128xf32, #tpu.memory_space<vmem>>, vector<60x128xf32>,
    %swap3A_401 = arith.constant 1620 : index
    %swap3A_402 = arith.constant 0 : index
    %swap3A_403 = vector.load %arg7[%swap3A_401, %swap3A_402] : memref<61440x128xf32, #tpu.memory_space<vmem>>, vector<60x128xf32>
    tpu.vector_store %arg7[%swap3A_401, %swap3A_402], %concatenate3A {strides = array<i32>} : memref<61440x128xf32, #tpu.memory_space<vmem>>, vector<60x128xf32>,
    %swap3A_404 = arith.constant 1680 : index
    %swap3A_405 = arith.constant 0 : index
    %swap3A_406 = vector.load %arg7[%swap3A_404, %swap3A_405] : memref<61440x128xf32, #tpu.memory_space<vmem>>, vector<60x128xf32>
    tpu.vector_store %arg7[%swap3A_404, %swap3A_405], %concatenate3A {strides = array<i32>} : memref<61440x128xf32, #tpu.memory_space<vmem>>, vector<60x128xf32>,
    %swap3A_407 = arith.constant 1740 : index
    %swap3A_408 = arith.constant 0 : index
    %swap3A_409 = vector.load %arg7[%swap3A_407, %swap3A_408] : memref<61440x128xf32, #tpu.memory_space<vmem>>, vector<60x128xf32>
    tpu.vector_store %arg7[%swap3A_407, %swap3A_408], %concatenate3A {strides = array<i32>} : memref<61440x128xf32, #tpu.memory_space<vmem>>, vector<60x128xf32>,
    %swap3A_410 = arith.constant 1800 : index
    %swap3A_411 = arith.constant 0 : index
    %swap3A_412 = vector.load %arg7[%swap3A_410, %swap3A_411] : memref<61440x128xf32, #tpu.memory_space<vmem>>, vector<60x128xf32>
    tpu.vector_store %arg7[%swap3A_410, %swap3A_411], %concatenate3A {strides = array<i32>} : memref<61440x128xf32, #tpu.memory_space<vmem>>, vector<60x128xf32>,
    %swap3A_413 = arith.constant 1860 : index
    %swap3A_414 = arith.constant 0 : index
    %swap3A_415 = vector.load %arg7[%swap3A_413, %swap3A_414] : memref<61440x128xf32, #tpu.memory_space<vmem>>, vector<60x128xf32>
    tpu.vector_store %arg7[%swap3A_413, %swap3A_414], %concatenate3A {strides = array<i32>} : memref<61440x128xf32, #tpu.memory_space<vmem>>, vector<60x128xf32>,
    %swap3A_416 = arith.constant 1920 : index
    %swap3A_417 = arith.constant 0 : index
    %swap3A_418 = vector.load %arg7[%swap3A_416, %swap3A_417] : memref<61440x128xf32, #tpu.memory_space<vmem>>, vector<60x128xf32>
    tpu.vector_store %arg7[%swap3A_416, %swap3A_417], %concatenate3A {strides = array<i32>} : memref<61440x128xf32, #tpu.memory_space<vmem>>, vector<60x128xf32>,
    %swap3A_419 = arith.constant 1980 : index
    %swap3A_420 = arith.constant 0 : index
    %swap3A_421 = vector.load %arg7[%swap3A_419, %swap3A_420] : memref<61440x128xf32, #tpu.memory_space<vmem>>, vector<60x128xf32>
    tpu.vector_store %arg7[%swap3A_419, %swap3A_420], %concatenate3A {strides = array<i32>} : memref<61440x128xf32, #tpu.memory_space<vmem>>, vector<60x128xf32>,
    %swap3A_422 = arith.constant 2040 : index
    %swap3A_423 = arith.constant 0 : index
    %swap3A_424 = vector.load %arg7[%swap3A_422, %swap3A_423] : memref<61440x128xf32, #tpu.memory_space<vmem>>, vector<60x128xf32>
    tpu.vector_store %arg7[%swap3A_422, %swap3A_423], %concatenate3A {strides = array<i32>} : memref<61440x128xf32, #tpu.memory_space<vmem>>, vector<60x128xf32>,
    %swap3A_425 = arith.constant 2100 : index
    %swap3A_426 = arith.constant 0 : index
    %swap3A_427 = vector.load %arg7[%swap3A_425, %swap3A_426] : memref<61440x128xf32, #tpu.memory_space<vmem>>, vector<60x128xf32>
    tpu.vector_store %arg7[%swap3A_425, %swap3A_426], %concatenate3A {strides = array<i32>} : memref<61440x128xf32, #tpu.memory_space<vmem>>, vector<60x128xf32>,
    %swap3A_428 = arith.constant 2160 : index
    %swap3A_429 = arith.constant 0 : index
    %swap3A_430 = vector.load %arg7[%swap3A_428, %swap3A_429] : memref<61440x128xf32, #tpu.memory_space<vmem>>, vector<60x128xf32>
    tpu.vector_store %arg7[%swap3A_428, %swap3A_429], %concatenate3A {strides = array<i32>} : memref<61440x128xf32, #tpu.memory_space<vmem>>, vector<60x128xf32>,
    %swap3A_431 = arith.constant 2220 : index
    %swap3A_432 = arith.constant 0 : index
    %swap3A_433 = vector.load %arg7[%swap3A_431, %swap3A_432] : memref<61440x128xf32, #tpu.memory_space<vmem>>, vector<60x128xf32>
    tpu.vector_store %arg7[%swap3A_431, %swap3A_432], %concatenate3A {strides = array<i32>} : memref<61440x128xf32, #tpu.memory_space<vmem>>, vector<60x128xf32>,
    %swap3A_434 = arith.constant 2280 : index
    %swap3A_435 = arith.constant 0 : index
    %swap3A_436 = vector.load %arg7[%swap3A_434, %swap3A_435] : memref<61440x128xf32, #tpu.memory_space<vmem>>, vector<60x128xf32>
    tpu.vector_store %arg7[%swap3A_434, %swap3A_435], %concatenate3A {strides = array<i32>} : memref<61440x128xf32, #tpu.memory_space<vmem>>, vector<60x128xf32>,
    %swap3A_437 = arith.constant 2340 : index
    %swap3A_438 = arith.constant 0 : index
    %swap3A_439 = vector.load %arg7[%swap3A_437, %swap3A_438] : memref<61440x128xf32, #tpu.memory_space<vmem>>, vector<60x128xf32>
    tpu.vector_store %arg7[%swap3A_437, %swap3A_438], %concatenate3A {strides = array<i32>} : memref<61440x128xf32, #tpu.memory_space<vmem>>, vector<60x128xf32>,
    %swap3A_440 = arith.constant 2400 : index
    %swap3A_441 = arith.constant 0 : index
    %swap3A_442 = vector.load %arg7[%swap3A_440, %swap3A_441] : memref<61440x128xf32, #tpu.memory_space<vmem>>, vector<60x128xf32>
    tpu.vector_store %arg7[%swap3A_440, %swap3A_441], %concatenate3A {strides = array<i32>} : memref<61440x128xf32, #tpu.memory_space<vmem>>, vector<60x128xf32>,
    %swap3A_443 = arith.constant 2460 : index
    %swap3A_444 = arith.constant 0 : index
    %swap3A_445 = vector.load %arg7[%swap3A_443, %swap3A_444] : memref<61440x128xf32, #tpu.memory_space<vmem>>, vector<60x128xf32>
    tpu.vector_store %arg7[%swap3A_443, %swap3A_444], %concatenate3A {strides = array<i32>} : memref<61440x128xf32, #tpu.memory_space<vmem>>, vector<60x128xf32>,
    %swap3A_446 = arith.constant 2520 : index
    %swap3A_447 = arith.constant 0 : index
    %swap3A_448 = vector.load %arg7[%swap3A_446, %swap3A_447] : memref<61440x128xf32, #tpu.memory_space<vmem>>, vector<60x128xf32>
    tpu.vector_store %arg7[%swap3A_446, %swap3A_447], %concatenate3A {strides = array<i32>} : memref<61440x128xf32, #tpu.memory_space<vmem>>, vector<60x128xf32>,
    %swap3A_449 = arith.constant 2580 : index
    %swap3A_450 = arith.constant 0 : index
    %swap3A_451 = vector.load %arg7[%swap3A_449, %swap3A_450] : memref<61440x128xf32, #tpu.memory_space<vmem>>, vector<60x128xf32>
    tpu.vector_store %arg7[%swap3A_449, %swap3A_450], %concatenate3A {strides = array<i32>} : memref<61440x128xf32, #tpu.memory_space<vmem>>, vector<60x128xf32>,
    %swap3A_452 = arith.constant 2640 : index
    %swap3A_453 = arith.constant 0 : index
    %swap3A_454 = vector.load %arg7[%swap3A_452, %swap3A_453] : memref<61440x128xf32, #tpu.memory_space<vmem>>, vector<60x128xf32>
    tpu.vector_store %arg7[%swap3A_452, %swap3A_453], %concatenate3A {strides = array<i32>} : memref<61440x128xf32, #tpu.memory_space<vmem>>, vector<60x128xf32>,
    %swap3A_455 = arith.constant 2700 : index
    %swap3A_456 = arith.constant 0 : index
    %swap3A_457 = vector.load %arg7[%swap3A_455, %swap3A_456] : memref<61440x128xf32, #tpu.memory_space<vmem>>, vector<60x128xf32>
    tpu.vector_store %arg7[%swap3A_455, %swap3A_456], %concatenate3A {strides = array<i32>} : memref<61440x128xf32, #tpu.memory_space<vmem>>, vector<60x128xf32>,
    %swap3A_458 = arith.constant 2760 : index
    %swap3A_459 = arith.constant 0 : index
    %swap3A_460 = vector.load %arg7[%swap3A_458, %swap3A_459] : memref<61440x128xf32, #tpu.memory_space<vmem>>, vector<60x128xf32>
    tpu.vector_store %arg7[%swap3A_458, %swap3A_459], %concatenate3A {strides = array<i32>} : memref<61440x128xf32, #tpu.memory_space<vmem>>, vector<60x128xf32>,
    %swap3A_461 = arith.constant 2820 : index
    %swap3A_462 = arith.constant 0 : index
    %swap3A_463 = vector.load %arg7[%swap3A_461, %swap3A_462] : memref<61440x128xf32, #tpu.memory_space<vmem>>, vector<60x128xf32>
    tpu.vector_store %arg7[%swap3A_461, %swap3A_462], %concatenate3A {strides = array<i32>} : memref<61440x128xf32, #tpu.memory_space<vmem>>, vector<60x128xf32>,
    %swap3A_464 = arith.constant 2880 : index
    %swap3A_465 = arith.constant 0 : index
    %swap3A_466 = vector.load %arg7[%swap3A_464, %swap3A_465] : memref<61440x128xf32, #tpu.memory_space<vmem>>, vector<60x128xf32>
    tpu.vector_store %arg7[%swap3A_464, %swap3A_465], %concatenate3A {strides = array<i32>} : memref<61440x128xf32, #tpu.memory_space<vmem>>, vector<60x128xf32>,
    %swap3A_467 = arith.constant 2940 : index
    %swap3A_468 = arith.constant 0 : index
    %swap3A_469 = vector.load %arg7[%swap3A_467, %swap3A_468] : memref<61440x128xf32, #tpu.memory_space<vmem>>, vector<60x128xf32>
    tpu.vector_store %arg7[%swap3A_467, %swap3A_468], %concatenate3A {strides = array<i32>} : memref<61440x128xf32, #tpu.memory_space<vmem>>, vector<60x128xf32>,
    %swap3A_470 = arith.constant 3000 : index
    %swap3A_471 = arith.constant 0 : index
    %swap3A_472 = vector.load %arg7[%swap3A_470, %swap3A_471] : memref<61440x128xf32, #tpu.memory_space<vmem>>, vector<60x128xf32>
    tpu.vector_store %arg7[%swap3A_470, %swap3A_471], %concatenate3A {strides = array<i32>} : memref<61440x128xf32, #tpu.memory_space<vmem>>, vector<60x128xf32>,
    %swap3A_473 = arith.constant 3060 : index
    %swap3A_474 = arith.constant 0 : index
    %swap3A_475 = vector.load %arg7[%swap3A_473, %swap3A_474] : memref<61440x128xf32, #tpu.memory_space<vmem>>, vector<60x128xf32>
    tpu.vector_store %arg7[%swap3A_473, %swap3A_474], %concatenate3A {strides = array<i32>} : memref<61440x128xf32, #tpu.memory_space<vmem>>, vector<60x128xf32>,
    %swap3A_476 = arith.constant 3120 : index
    %swap3A_477 = arith.constant 0 : index
    %swap3A_478 = vector.load %arg7[%swap3A_476, %swap3A_477] : memref<61440x128xf32, #tpu.memory_space<vmem>>, vector<60x128xf32>
    tpu.vector_store %arg7[%swap3A_476, %swap3A_477], %concatenate3A {strides = array<i32>} : memref<61440x128xf32, #tpu.memory_space<vmem>>, vector<60x128xf32>,
    %swap3A_479 = arith.constant 3180 : index
    %swap3A_480 = arith.constant 0 : index
    %swap3A_481 = vector.load %arg7[%swap3A_479, %swap3A_480] : memref<61440x128xf32, #tpu.memory_space<vmem>>, vector<60x128xf32>
    tpu.vector_store %arg7[%swap3A_479, %swap3A_480], %concatenate3A {strides = array<i32>} : memref<61440x128xf32, #tpu.memory_space<vmem>>, vector<60x128xf32>,
    %swap3A_482 = arith.constant 3240 : index
    %swap3A_483 = arith.constant 0 : index
    %swap3A_484 = vector.load %arg7[%swap3A_482, %swap3A_483] : memref<61440x128xf32, #tpu.memory_space<vmem>>, vector<60x128xf32>
    tpu.vector_store %arg7[%swap3A_482, %swap3A_483], %concatenate3A {strides = array<i32>} : memref<61440x128xf32, #tpu.memory_space<vmem>>, vector<60x128xf32>,
    %swap3A_485 = arith.constant 3300 : index
    %swap3A_486 = arith.constant 0 : index
    %swap3A_487 = vector.load %arg7[%swap3A_485, %swap3A_486] : memref<61440x128xf32, #tpu.memory_space<vmem>>, vector<60x128xf32>
    tpu.vector_store %arg7[%swap3A_485, %swap3A_486], %concatenate3A {strides = array<i32>} : memref<61440x128xf32, #tpu.memory_space<vmem>>, vector<60x128xf32>,
    %swap3A_488 = arith.constant 3360 : index
    %swap3A_489 = arith.constant 0 : index
    %swap3A_490 = vector.load %arg7[%swap3A_488, %swap3A_489] : memref<61440x128xf32, #tpu.memory_space<vmem>>, vector<60x128xf32>
    tpu.vector_store %arg7[%swap3A_488, %swap3A_489], %concatenate3A {strides = array<i32>} : memref<61440x128xf32, #tpu.memory_space<vmem>>, vector<60x128xf32>,
    %swap3A_491 = arith.constant 3420 : index
    %swap3A_492 = arith.constant 0 : index
    %swap3A_493 = vector.load %arg7[%swap3A_491, %swap3A_492] : memref<61440x128xf32, #tpu.memory_space<vmem>>, vector<60x128xf32>
    tpu.vector_store %arg7[%swap3A_491, %swap3A_492], %concatenate3A {strides = array<i32>} : memref<61440x128xf32, #tpu.memory_space<vmem>>, vector<60x128xf32>,
    %swap3A_494 = arith.constant 3480 : index
    %swap3A_495 = arith.constant 0 : index
    %swap3A_496 = vector.load %arg7[%swap3A_494, %swap3A_495] : memref<61440x128xf32, #tpu.memory_space<vmem>>, vector<60x128xf32>
    tpu.vector_store %arg7[%swap3A_494, %swap3A_495], %concatenate3A {strides = array<i32>} : memref<61440x128xf32, #tpu.memory_space<vmem>>, vector<60x128xf32>,
    %swap3A_497 = arith.constant 3540 : index
    %swap3A_498 = arith.constant 0 : index
    %swap3A_499 = vector.load %arg7[%swap3A_497, %swap3A_498] : memref<61440x128xf32, #tpu.memory_space<vmem>>, vector<60x128xf32>
    tpu.vector_store %arg7[%swap3A_497, %swap3A_498], %concatenate3A {strides = array<i32>} : memref<61440x128xf32, #tpu.memory_space<vmem>>, vector<60x128xf32>,
    %swap3A_500 = arith.constant 3600 : index
    %swap3A_501 = arith.constant 0 : index
    %swap3A_502 = vector.load %arg7[%swap3A_500, %swap3A_501] : memref<61440x128xf32, #tpu.memory_space<vmem>>, vector<60x128xf32>
    tpu.vector_store %arg7[%swap3A_500, %swap3A_501], %concatenate3A {strides = array<i32>} : memref<61440x128xf32, #tpu.memory_space<vmem>>, vector<60x128xf32>,
    %swap3A_503 = arith.constant 3660 : index
    %swap3A_504 = arith.constant 0 : index
    %swap3A_505 = vector.load %arg7[%swap3A_503, %swap3A_504] : memref<61440x128xf32, #tpu.memory_space<vmem>>, vector<60x128xf32>
    tpu.vector_store %arg7[%swap3A_503, %swap3A_504], %concatenate3A {strides = array<i32>} : memref<61440x128xf32, #tpu.memory_space<vmem>>, vector<60x128xf32>,
    %swap3A_506 = arith.constant 3720 : index
    %swap3A_507 = arith.constant 0 : index
    %swap3A_508 = vector.load %arg7[%swap3A_506, %swap3A_507] : memref<61440x128xf32, #tpu.memory_space<vmem>>, vector<60x128xf32>
    tpu.vector_store %arg7[%swap3A_506, %swap3A_507], %concatenate3A {strides = array<i32>} : memref<61440x128xf32, #tpu.memory_space<vmem>>, vector<60x128xf32>,
    %swap3A_509 = arith.constant 3780 : index
    %swap3A_510 = arith.constant 0 : index
    %swap3A_511 = vector.load %arg7[%swap3A_509, %swap3A_510] : memref<61440x128xf32, #tpu.memory_space<vmem>>, vector<60x128xf32>
    tpu.vector_store %arg7[%swap3A_509, %swap3A_510], %concatenate3A {strides = array<i32>} : memref<61440x128xf32, #tpu.memory_space<vmem>>, vector<60x128xf32>,
    %swap3A_512 = arith.constant 3840 : index
    %swap3A_513 = arith.constant 0 : index
    %swap3A_514 = vector.load %arg7[%swap3A_512, %swap3A_513] : memref<61440x128xf32, #tpu.memory_space<vmem>>, vector<60x128xf32>
    tpu.vector_store %arg7[%swap3A_512, %swap3A_513], %concatenate3A {strides = array<i32>} : memref<61440x128xf32, #tpu.memory_space<vmem>>, vector<60x128xf32>,
    %swap3A_515 = arith.constant 3900 : index
    %swap3A_516 = arith.constant 0 : index
    %swap3A_517 = vector.load %arg7[%swap3A_515, %swap3A_516] : memref<61440x128xf32, #tpu.memory_space<vmem>>, vector<60x128xf32>
    tpu.vector_store %arg7[%swap3A_515, %swap3A_516], %concatenate3A {strides = array<i32>} : memref<61440x128xf32, #tpu.memory_space<vmem>>, vector<60x128xf32>,
    %swap3A_518 = arith.constant 3960 : index
    %swap3A_519 = arith.constant 0 : index
    %swap3A_520 = vector.load %arg7[%swap3A_518, %swap3A_519] : memref<61440x128xf32, #tpu.memory_space<vmem>>, vector<60x128xf32>
    tpu.vector_store %arg7[%swap3A_518, %swap3A_519], %concatenate3A {strides = array<i32>} : memref<61440x128xf32, #tpu.memory_space<vmem>>, vector<60x128xf32>,
    %swap3A_521 = arith.constant 4020 : index
    %swap3A_522 = arith.constant 0 : index
    %swap3A_523 = vector.load %arg7[%swap3A_521, %swap3A_522] : memref<61440x128xf32, #tpu.memory_space<vmem>>, vector<60x128xf32>
    tpu.vector_store %arg7[%swap3A_521, %swap3A_522], %concatenate3A {strides = array<i32>} : memref<61440x128xf32, #tpu.memory_space<vmem>>, vector<60x128xf32>,
    %swap3A_524 = arith.constant 4080 : index
    %swap3A_525 = arith.constant 0 : index
    %swap3A_526 = vector.load %arg7[%swap3A_524, %swap3A_525] : memref<61440x128xf32, #tpu.memory_space<vmem>>, vector<60x128xf32>
    tpu.vector_store %arg7[%swap3A_524, %swap3A_525], %concatenate3A {strides = array<i32>} : memref<61440x128xf32, #tpu.memory_space<vmem>>, vector<60x128xf32>,
    %swap3A_527 = arith.constant 4140 : index
    %swap3A_528 = arith.constant 0 : index
    %swap3A_529 = vector.load %arg7[%swap3A_527, %swap3A_528] : memref<61440x128xf32, #tpu.memory_space<vmem>>, vector<60x128xf32>
    tpu.vector_store %arg7[%swap3A_527, %swap3A_528], %concatenate3A {strides = array<i32>} : memref<61440x128xf32, #tpu.memory_space<vmem>>, vector<60x128xf32>,
    %swap3A_530 = arith.constant 4200 : index
    %swap3A_531 = arith.constant 0 : index
    %swap3A_532 = vector.load %arg7[%swap3A_530, %swap3A_531] : memref<61440x128xf32, #tpu.memory_space<vmem>>, vector<60x128xf32>
    tpu.vector_store %arg7[%swap3A_530, %swap3A_531], %concatenate3A {strides = array<i32>} : memref<61440x128xf32, #tpu.memory_space<vmem>>, vector<60x128xf32>,
    %swap3A_533 = arith.constant 4260 : index
    %swap3A_534 = arith.constant 0 : index
    %swap3A_535 = vector.load %arg7[%swap3A_533, %swap3A_534] : memref<61440x128xf32, #tpu.memory_space<vmem>>, vector<60x128xf32>
    tpu.vector_store %arg7[%swap3A_533, %swap3A_534], %concatenate3A {strides = array<i32>} : memref<61440x128xf32, #tpu.memory_space<vmem>>, vector<60x128xf32>,
    %swap3A_536 = arith.constant 4320 : index
    %swap3A_537 = arith.constant 0 : index
    %swap3A_538 = vector.load %arg7[%swap3A_536, %swap3A_537] : memref<61440x128xf32, #tpu.memory_space<vmem>>, vector<60x128xf32>
    tpu.vector_store %arg7[%swap3A_536, %swap3A_537], %concatenate3A {strides = array<i32>} : memref<61440x128xf32, #tpu.memory_space<vmem>>, vector<60x128xf32>,
    %swap3A_539 = arith.constant 4380 : index
    %swap3A_540 = arith.constant 0 : index
    %swap3A_541 = vector.load %arg7[%swap3A_539, %swap3A_540] : memref<61440x128xf32, #tpu.memory_space<vmem>>, vector<60x128xf32>
    tpu.vector_store %arg7[%swap3A_539, %swap3A_540], %concatenate3A {strides = array<i32>} : memref<61440x128xf32, #tpu.memory_space<vmem>>, vector<60x128xf32>,
    %swap3A_542 = arith.constant 4440 : index
    %swap3A_543 = arith.constant 0 : index
    %swap3A_544 = vector.load %arg7[%swap3A_542, %swap3A_543] : memref<61440x128xf32, #tpu.memory_space<vmem>>, vector<60x128xf32>
    tpu.vector_store %arg7[%swap3A_542, %swap3A_543], %concatenate3A {strides = array<i32>} : memref<61440x128xf32, #tpu.memory_space<vmem>>, vector<60x128xf32>,
    %swap3A_545 = arith.constant 4500 : index
    %swap3A_546 = arith.constant 0 : index
    %swap3A_547 = vector.load %arg7[%swap3A_545, %swap3A_546] : memref<61440x128xf32, #tpu.memory_space<vmem>>, vector<60x128xf32>
    tpu.vector_store %arg7[%swap3A_545, %swap3A_546], %concatenate3A {strides = array<i32>} : memref<61440x128xf32, #tpu.memory_space<vmem>>, vector<60x128xf32>,
    %swap3A_548 = arith.constant 4560 : index
    %swap3A_549 = arith.constant 0 : index
    %swap3A_550 = vector.load %arg7[%swap3A_548, %swap3A_549] : memref<61440x128xf32, #tpu.memory_space<vmem>>, vector<60x128xf32>
    tpu.vector_store %arg7[%swap3A_548, %swap3A_549], %concatenate3A {strides = array<i32>} : memref<61440x128xf32, #tpu.memory_space<vmem>>, vector<60x128xf32>,
    %swap3A_551 = arith.constant 4620 : index
    %swap3A_552 = arith.constant 0 : index
    %swap3A_553 = vector.load %arg7[%swap3A_551, %swap3A_552] : memref<61440x128xf32, #tpu.memory_space<vmem>>, vector<60x128xf32>
    tpu.vector_store %arg7[%swap3A_551, %swap3A_552], %concatenate3A {strides = array<i32>} : memref<61440x128xf32, #tpu.memory_space<vmem>>, vector<60x128xf32>,
    %swap3A_554 = arith.constant 4680 : index
    %swap3A_555 = arith.constant 0 : index
    %swap3A_556 = vector.load %arg7[%swap3A_554, %swap3A_555] : memref<61440x128xf32, #tpu.memory_space<vmem>>, vector<60x128xf32>
    tpu.vector_store %arg7[%swap3A_554, %swap3A_555], %concatenate3A {strides = array<i32>} : memref<61440x128xf32, #tpu.memory_space<vmem>>, vector<60x128xf32>,
    %swap3A_557 = arith.constant 4740 : index
    %swap3A_558 = arith.constant 0 : index
    %swap3A_559 = vector.load %arg7[%swap3A_557, %swap3A_558] : memref<61440x128xf32, #tpu.memory_space<vmem>>, vector<60x128xf32>
    tpu.vector_store %arg7[%swap3A_557, %swap3A_558], %concatenate3A {strides = array<i32>} : memref<61440x128xf32, #tpu.memory_space<vmem>>, vector<60x128xf32>,
    %swap3A_560 = arith.constant 4800 : index
    %swap3A_561 = arith.constant 0 : index
    %swap3A_562 = vector.load %arg7[%swap3A_560, %swap3A_561] : memref<61440x128xf32, #tpu.memory_space<vmem>>, vector<60x128xf32>
    tpu.vector_store %arg7[%swap3A_560, %swap3A_561], %concatenate3A {strides = array<i32>} : memref<61440x128xf32, #tpu.memory_space<vmem>>, vector<60x128xf32>,
    %swap3A_563 = arith.constant 4860 : index
    %swap3A_564 = arith.constant 0 : index
    %swap3A_565 = vector.load %arg7[%swap3A_563, %swap3A_564] : memref<61440x128xf32, #tpu.memory_space<vmem>>, vector<60x128xf32>
    tpu.vector_store %arg7[%swap3A_563, %swap3A_564], %concatenate3A {strides = array<i32>} : memref<61440x128xf32, #tpu.memory_space<vmem>>, vector<60x128xf32>,
    %swap3A_566 = arith.constant 4920 : index
    %swap3A_567 = arith.constant 0 : index
    %swap3A_568 = vector.load %arg7[%swap3A_566, %swap3A_567] : memref<61440x128xf32, #tpu.memory_space<vmem>>, vector<60x128xf32>
    tpu.vector_store %arg7[%swap3A_566, %swap3A_567], %concatenate3A {strides = array<i32>} : memref<61440x128xf32, #tpu.memory_space<vmem>>, vector<60x128xf32>,
    %swap3A_569 = arith.constant 4980 : index
    %swap3A_570 = arith.constant 0 : index
    %swap3A_571 = vector.load %arg7[%swap3A_569, %swap3A_570] : memref<61440x128xf32, #tpu.memory_space<vmem>>, vector<60x128xf32>
    tpu.vector_store %arg7[%swap3A_569, %swap3A_570], %concatenate3A {strides = array<i32>} : memref<61440x128xf32, #tpu.memory_space<vmem>>, vector<60x128xf32>,
    %swap3A_572 = arith.constant 5040 : index
    %swap3A_573 = arith.constant 0 : index
    %swap3A_574 = vector.load %arg7[%swap3A_572, %swap3A_573] : memref<61440x128xf32, #tpu.memory_space<vmem>>, vector<60x128xf32>
    tpu.vector_store %arg7[%swap3A_572, %swap3A_573], %concatenate3A {strides = array<i32>} : memref<61440x128xf32, #tpu.memory_space<vmem>>, vector<60x128xf32>,
    %swap3A_575 = arith.constant 5100 : index
    %swap3A_576 = arith.constant 0 : index
    %swap3A_577 = vector.load %arg7[%swap3A_575, %swap3A_576] : memref<61440x128xf32, #tpu.memory_space<vmem>>, vector<60x128xf32>
    tpu.vector_store %arg7[%swap3A_575, %swap3A_576], %concatenate3A {strides = array<i32>} : memref<61440x128xf32, #tpu.memory_space<vmem>>, vector<60x128xf32>,
    %swap3A_578 = arith.constant 5160 : index
    %swap3A_579 = arith.constant 0 : index
    %swap3A_580 = vector.load %arg7[%swap3A_578, %swap3A_579] : memref<61440x128xf32, #tpu.memory_space<vmem>>, vector<60x128xf32>
    tpu.vector_store %arg7[%swap3A_578, %swap3A_579], %concatenate3A {strides = array<i32>} : memref<61440x128xf32, #tpu.memory_space<vmem>>, vector<60x128xf32>,
    %swap3A_581 = arith.constant 5220 : index
    %swap3A_582 = arith.constant 0 : index
    %swap3A_583 = vector.load %arg7[%swap3A_581, %swap3A_582] : memref<61440x128xf32, #tpu.memory_space<vmem>>, vector<60x128xf32>
    tpu.vector_store %arg7[%swap3A_581, %swap3A_582], %concatenate3A {strides = array<i32>} : memref<61440x128xf32, #tpu.memory_space<vmem>>, vector<60x128xf32>,
    %swap3A_584 = arith.constant 5280 : index
    %swap3A_585 = arith.constant 0 : index
    %swap3A_586 = vector.load %arg7[%swap3A_584, %swap3A_585] : memref<61440x128xf32, #tpu.memory_space<vmem>>, vector<60x128xf32>
    tpu.vector_store %arg7[%swap3A_584, %swap3A_585], %concatenate3A {strides = array<i32>} : memref<61440x128xf32, #tpu.memory_space<vmem>>, vector<60x128xf32>,
    %swap3A_587 = arith.constant 5340 : index
    %swap3A_588 = arith.constant 0 : index
    %swap3A_589 = vector.load %arg7[%swap3A_587, %swap3A_588] : memref<61440x128xf32, #tpu.memory_space<vmem>>, vector<60x128xf32>
    tpu.vector_store %arg7[%swap3A_587, %swap3A_588], %concatenate3A {strides = array<i32>} : memref<61440x128xf32, #tpu.memory_space<vmem>>, vector<60x128xf32>,
    %swap3A_590 = arith.constant 5400 : index
    %swap3A_591 = arith.constant 0 : index
    %swap3A_592 = vector.load %arg7[%swap3A_590, %swap3A_591] : memref<61440x128xf32, #tpu.memory_space<vmem>>, vector<60x128xf32>
    tpu.vector_store %arg7[%swap3A_590, %swap3A_591], %concatenate3A {strides = array<i32>} : memref<61440x128xf32, #tpu.memory_space<vmem>>, vector<60x128xf32>,
    %swap3A_593 = arith.constant 5460 : index
    %swap3A_594 = arith.constant 0 : index
    %swap3A_595 = vector.load %arg7[%swap3A_593, %swap3A_594] : memref<61440x128xf32, #tpu.memory_space<vmem>>, vector<60x128xf32>
    tpu.vector_store %arg7[%swap3A_593, %swap3A_594], %concatenate3A {strides = array<i32>} : memref<61440x128xf32, #tpu.memory_space<vmem>>, vector<60x128xf32>,
    %swap3A_596 = arith.constant 5520 : index
    %swap3A_597 = arith.constant 0 : index
    %swap3A_598 = vector.load %arg7[%swap3A_596, %swap3A_597] : memref<61440x128xf32, #tpu.memory_space<vmem>>, vector<60x128xf32>
    tpu.vector_store %arg7[%swap3A_596, %swap3A_597], %concatenate3A {strides = array<i32>} : memref<61440x128xf32, #tpu.memory_space<vmem>>, vector<60x128xf32>,
    %swap3A_599 = arith.constant 5580 : index
    %swap3A_600 = arith.constant 0 : index
    %swap3A_601 = vector.load %arg7[%swap3A_599, %swap3A_600] : memref<61440x128xf32, #tpu.memory_space<vmem>>, vector<60x128xf32>
    tpu.vector_store %arg7[%swap3A_599, %swap3A_600], %concatenate3A {strides = array<i32>} : memref<61440x128xf32, #tpu.memory_space<vmem>>, vector<60x128xf32>,
    %swap3A_602 = arith.constant 5640 : index
    %swap3A_603 = arith.constant 0 : index
    %swap3A_604 = vector.load %arg7[%swap3A_602, %swap3A_603] : memref<61440x128xf32, #tpu.memory_space<vmem>>, vector<60x128xf32>
    tpu.vector_store %arg7[%swap3A_602, %swap3A_603], %concatenate3A {strides = array<i32>} : memref<61440x128xf32, #tpu.memory_space<vmem>>, vector<60x128xf32>,
    %swap3A_605 = arith.constant 5700 : index
    %swap3A_606 = arith.constant 0 : index
    %swap3A_607 = vector.load %arg7[%swap3A_605, %swap3A_606] : memref<61440x128xf32, #tpu.memory_space<vmem>>, vector<60x128xf32>
    tpu.vector_store %arg7[%swap3A_605, %swap3A_606], %concatenate3A {strides = array<i32>} : memref<61440x128xf32, #tpu.memory_space<vmem>>, vector<60x128xf32>,
    %swap3A_608 = arith.constant 5760 : index
    %swap3A_609 = arith.constant 0 : index
    %swap3A_610 = vector.load %arg7[%swap3A_608, %swap3A_609] : memref<61440x128xf32, #tpu.memory_space<vmem>>, vector<60x128xf32>
    tpu.vector_store %arg7[%swap3A_608, %swap3A_609], %concatenate3A {strides = array<i32>} : memref<61440x128xf32, #tpu.memory_space<vmem>>, vector<60x128xf32>,
    %swap3A_611 = arith.constant 5820 : index
    %swap3A_612 = arith.constant 0 : index
    %swap3A_613 = vector.load %arg7[%swap3A_611, %swap3A_612] : memref<61440x128xf32, #tpu.memory_space<vmem>>, vector<60x128xf32>
    tpu.vector_store %arg7[%swap3A_611, %swap3A_612], %concatenate3A {strides = array<i32>} : memref<61440x128xf32, #tpu.memory_space<vmem>>, vector<60x128xf32>,
    %swap3A_614 = arith.constant 5880 : index
    %swap3A_615 = arith.constant 0 : index
    %swap3A_616 = vector.load %arg7[%swap3A_614, %swap3A_615] : memref<61440x128xf32, #tpu.memory_space<vmem>>, vector<60x128xf32>
    tpu.vector_store %arg7[%swap3A_614, %swap3A_615], %concatenate3A {strides = array<i32>} : memref<61440x128xf32, #tpu.memory_space<vmem>>, vector<60x128xf32>,
    %swap3A_617 = arith.constant 5940 : index
    %swap3A_618 = arith.constant 0 : index
    %swap3A_619 = vector.load %arg7[%swap3A_617, %swap3A_618] : memref<61440x128xf32, #tpu.memory_space<vmem>>, vector<60x128xf32>
    tpu.vector_store %arg7[%swap3A_617, %swap3A_618], %concatenate3A {strides = array<i32>} : memref<61440x128xf32, #tpu.memory_space<vmem>>, vector<60x128xf32>,
    %swap3A_620 = arith.constant 6000 : index
    %swap3A_621 = arith.constant 0 : index
    %swap3A_622 = vector.load %arg7[%swap3A_620, %swap3A_621] : memref<61440x128xf32, #tpu.memory_space<vmem>>, vector<60x128xf32>
    tpu.vector_store %arg7[%swap3A_620, %swap3A_621], %concatenate3A {strides = array<i32>} : memref<61440x128xf32, #tpu.memory_space<vmem>>, vector<60x128xf32>,
    %swap3A_623 = arith.constant 6060 : index
    %swap3A_624 = arith.constant 0 : index
    %swap3A_625 = vector.load %arg7[%swap3A_623, %swap3A_624] : memref<61440x128xf32, #tpu.memory_space<vmem>>, vector<60x128xf32>
    tpu.vector_store %arg7[%swap3A_623, %swap3A_624], %concatenate3A {strides = array<i32>} : memref<61440x128xf32, #tpu.memory_space<vmem>>, vector<60x128xf32>,
    %swap3A_626 = arith.constant 6120 : index
    %swap3A_627 = arith.constant 0 : index
    %swap3A_628 = vector.load %arg7[%swap3A_626, %swap3A_627] : memref<61440x128xf32, #tpu.memory_space<vmem>>, vector<60x128xf32>
    tpu.vector_store %arg7[%swap3A_626, %swap3A_627], %concatenate3A {strides = array<i32>} : memref<61440x128xf32, #tpu.memory_space<vmem>>, vector<60x128xf32>,
    %swap3A_629 = arith.constant 6180 : index
    %swap3A_630 = arith.constant 0 : index
    %swap3A_631 = vector.load %arg7[%swap3A_629, %swap3A_630] : memref<61440x128xf32, #tpu.memory_space<vmem>>, vector<60x128xf32>
    tpu.vector_store %arg7[%swap3A_629, %swap3A_630], %concatenate3A {strides = array<i32>} : memref<61440x128xf32, #tpu.memory_space<vmem>>, vector<60x128xf32>,
    %swap3A_632 = arith.constant 6240 : index
    %swap3A_633 = arith.constant 0 : index
    %swap3A_634 = vector.load %arg7[%swap3A_632, %swap3A_633] : memref<61440x128xf32, #tpu.memory_space<vmem>>, vector<60x128xf32>
    tpu.vector_store %arg7[%swap3A_632, %swap3A_633], %concatenate3A {strides = array<i32>} : memref<61440x128xf32, #tpu.memory_space<vmem>>, vector<60x128xf32>,
    %swap3A_635 = arith.constant 6300 : index
    %swap3A_636 = arith.constant 0 : index
    %swap3A_637 = vector.load %arg7[%swap3A_635, %swap3A_636] : memref<61440x128xf32, #tpu.memory_space<vmem>>, vector<60x128xf32>
    tpu.vector_store %arg7[%swap3A_635, %swap3A_636], %concatenate3A {strides = array<i32>} : memref<61440x128xf32, #tpu.memory_space<vmem>>, vector<60x128xf32>,
    %swap3A_638 = arith.constant 6360 : index
    %swap3A_639 = arith.constant 0 : index
    %swap3A_640 = vector.load %arg7[%swap3A_638, %swap3A_639] : memref<61440x128xf32, #tpu.memory_space<vmem>>, vector<60x128xf32>
    tpu.vector_store %arg7[%swap3A_638, %swap3A_639], %concatenate3A {strides = array<i32>} : memref<61440x128xf32, #tpu.memory_space<vmem>>, vector<60x128xf32>,
    %swap3A_641 = arith.constant 6420 : index
    %swap3A_642 = arith.constant 0 : index
    %swap3A_643 = vector.load %arg7[%swap3A_641, %swap3A_642] : memref<61440x128xf32, #tpu.memory_space<vmem>>, vector<60x128xf32>
    tpu.vector_store %arg7[%swap3A_641, %swap3A_642], %concatenate3A {strides = array<i32>} : memref<61440x128xf32, #tpu.memory_space<vmem>>, vector<60x128xf32>,
    %swap3A_644 = arith.constant 6480 : index
    %swap3A_645 = arith.constant 0 : index
    %swap3A_646 = vector.load %arg7[%swap3A_644, %swap3A_645] : memref<61440x128xf32, #tpu.memory_space<vmem>>, vector<60x128xf32>
    tpu.vector_store %arg7[%swap3A_644, %swap3A_645], %concatenate3A {strides = array<i32>} : memref<61440x128xf32, #tpu.memory_space<vmem>>, vector<60x128xf32>,
    %swap3A_647 = arith.constant 6540 : index
    %swap3A_648 = arith.constant 0 : index
    %swap3A_649 = vector.load %arg7[%swap3A_647, %swap3A_648] : memref<61440x128xf32, #tpu.memory_space<vmem>>, vector<60x128xf32>
    tpu.vector_store %arg7[%swap3A_647, %swap3A_648], %concatenate3A {strides = array<i32>} : memref<61440x128xf32, #tpu.memory_space<vmem>>, vector<60x128xf32>,
    %swap3A_650 = arith.constant 6600 : index
    %swap3A_651 = arith.constant 0 : index
    %swap3A_652 = vector.load %arg7[%swap3A_650, %swap3A_651] : memref<61440x128xf32, #tpu.memory_space<vmem>>, vector<60x128xf32>
    tpu.vector_store %arg7[%swap3A_650, %swap3A_651], %concatenate3A {strides = array<i32>} : memref<61440x128xf32, #tpu.memory_space<vmem>>, vector<60x128xf32>,
    %swap3A_653 = arith.constant 6660 : index
    %swap3A_654 = arith.constant 0 : index
    %swap3A_655 = vector.load %arg7[%swap3A_653, %swap3A_654] : memref<61440x128xf32, #tpu.memory_space<vmem>>, vector<60x128xf32>
    tpu.vector_store %arg7[%swap3A_653, %swap3A_654], %concatenate3A {strides = array<i32>} : memref<61440x128xf32, #tpu.memory_space<vmem>>, vector<60x128xf32>,
    %swap3A_656 = arith.constant 6720 : index
    %swap3A_657 = arith.constant 0 : index
    %swap3A_658 = vector.load %arg7[%swap3A_656, %swap3A_657] : memref<61440x128xf32, #tpu.memory_space<vmem>>, vector<60x128xf32>
    tpu.vector_store %arg7[%swap3A_656, %swap3A_657], %concatenate3A {strides = array<i32>} : memref<61440x128xf32, #tpu.memory_space<vmem>>, vector<60x128xf32>,
    %swap3A_659 = arith.constant 6780 : index
    %swap3A_660 = arith.constant 0 : index
    %swap3A_661 = vector.load %arg7[%swap3A_659, %swap3A_660] : memref<61440x128xf32, #tpu.memory_space<vmem>>, vector<60x128xf32>
    tpu.vector_store %arg7[%swap3A_659, %swap3A_660], %concatenate3A {strides = array<i32>} : memref<61440x128xf32, #tpu.memory_space<vmem>>, vector<60x128xf32>,
    %swap3A_662 = arith.constant 6840 : index
    %swap3A_663 = arith.constant 0 : index
    %swap3A_664 = vector.load %arg7[%swap3A_662, %swap3A_663] : memref<61440x128xf32, #tpu.memory_space<vmem>>, vector<60x128xf32>
    tpu.vector_store %arg7[%swap3A_662, %swap3A_663], %concatenate3A {strides = array<i32>} : memref<61440x128xf32, #tpu.memory_space<vmem>>, vector<60x128xf32>,
    %swap3A_665 = arith.constant 6900 : index
    %swap3A_666 = arith.constant 0 : index
    %swap3A_667 = vector.load %arg7[%swap3A_665, %swap3A_666] : memref<61440x128xf32, #tpu.memory_space<vmem>>, vector<60x128xf32>
    tpu.vector_store %arg7[%swap3A_665, %swap3A_666], %concatenate3A {strides = array<i32>} : memref<61440x128xf32, #tpu.memory_space<vmem>>, vector<60x128xf32>,
    %swap3A_668 = arith.constant 6960 : index
    %swap3A_669 = arith.constant 0 : index
    %swap3A_670 = vector.load %arg7[%swap3A_668, %swap3A_669] : memref<61440x128xf32, #tpu.memory_space<vmem>>, vector<60x128xf32>
    tpu.vector_store %arg7[%swap3A_668, %swap3A_669], %concatenate3A {strides = array<i32>} : memref<61440x128xf32, #tpu.memory_space<vmem>>, vector<60x128xf32>,
    %swap3A_671 = arith.constant 7020 : index
    %swap3A_672 = arith.constant 0 : index
    %swap3A_673 = vector.load %arg7[%swap3A_671, %swap3A_672] : memref<61440x128xf32, #tpu.memory_space<vmem>>, vector<60x128xf32>
    tpu.vector_store %arg7[%swap3A_671, %swap3A_672], %concatenate3A {strides = array<i32>} : memref<61440x128xf32, #tpu.memory_space<vmem>>, vector<60x128xf32>,
    %swap3A_674 = arith.constant 7080 : index
    %swap3A_675 = arith.constant 0 : index
    %swap3A_676 = vector.load %arg7[%swap3A_674, %swap3A_675] : memref<61440x128xf32, #tpu.memory_space<vmem>>, vector<60x128xf32>
    tpu.vector_store %arg7[%swap3A_674, %swap3A_675], %concatenate3A {strides = array<i32>} : memref<61440x128xf32, #tpu.memory_space<vmem>>, vector<60x128xf32>,
    %swap3A_677 = arith.constant 7140 : index
    %swap3A_678 = arith.constant 0 : index
    %swap3A_679 = vector.load %arg7[%swap3A_677, %swap3A_678] : memref<61440x128xf32, #tpu.memory_space<vmem>>, vector<60x128xf32>
    tpu.vector_store %arg7[%swap3A_677, %swap3A_678], %concatenate3A {strides = array<i32>} : memref<61440x128xf32, #tpu.memory_space<vmem>>, vector<60x128xf32>,
    %swap3A_680 = arith.constant 7200 : index
    %swap3A_681 = arith.constant 0 : index
    %swap3A_682 = vector.load %arg7[%swap3A_680, %swap3A_681] : memref<61440x128xf32, #tpu.memory_space<vmem>>, vector<60x128xf32>
    tpu.vector_store %arg7[%swap3A_680, %swap3A_681], %concatenate3A {strides = array<i32>} : memref<61440x128xf32, #tpu.memory_space<vmem>>, vector<60x128xf32>,
    %swap3A_683 = arith.constant 7260 : index
    %swap3A_684 = arith.constant 0 : index
    %swap3A_685 = vector.load %arg7[%swap3A_683, %swap3A_684] : memref<61440x128xf32, #tpu.memory_space<vmem>>, vector<60x128xf32>
    tpu.vector_store %arg7[%swap3A_683, %swap3A_684], %concatenate3A {strides = array<i32>} : memref<61440x128xf32, #tpu.memory_space<vmem>>, vector<60x128xf32>,
    %swap3A_686 = arith.constant 7320 : index
    %swap3A_687 = arith.constant 0 : index
    %swap3A_688 = vector.load %arg7[%swap3A_686, %swap3A_687] : memref<61440x128xf32, #tpu.memory_space<vmem>>, vector<60x128xf32>
    tpu.vector_store %arg7[%swap3A_686, %swap3A_687], %concatenate3A {strides = array<i32>} : memref<61440x128xf32, #tpu.memory_space<vmem>>, vector<60x128xf32>,
    %swap3A_689 = arith.constant 7380 : index
    %swap3A_690 = arith.constant 0 : index
    %swap3A_691 = vector.load %arg7[%swap3A_689, %swap3A_690] : memref<61440x128xf32, #tpu.memory_space<vmem>>, vector<60x128xf32>
    tpu.vector_store %arg7[%swap3A_689, %swap3A_690], %concatenate3A {strides = array<i32>} : memref<61440x128xf32, #tpu.memory_space<vmem>>, vector<60x128xf32>,
    %swap3A_692 = arith.constant 7440 : index
    %swap3A_693 = arith.constant 0 : index
    %swap3A_694 = vector.load %arg7[%swap3A_692, %swap3A_693] : memref<61440x128xf32, #tpu.memory_space<vmem>>, vector<60x128xf32>
    tpu.vector_store %arg7[%swap3A_692, %swap3A_693], %concatenate3A {strides = array<i32>} : memref<61440x128xf32, #tpu.memory_space<vmem>>, vector<60x128xf32>,
    %swap3A_695 = arith.constant 7500 : index
    %swap3A_696 = arith.constant 0 : index
    %swap3A_697 = vector.load %arg7[%swap3A_695, %swap3A_696] : memref<61440x128xf32, #tpu.memory_space<vmem>>, vector<60x128xf32>
    tpu.vector_store %arg7[%swap3A_695, %swap3A_696], %concatenate3A {strides = array<i32>} : memref<61440x128xf32, #tpu.memory_space<vmem>>, vector<60x128xf32>,
    %swap3A_698 = arith.constant 7560 : index
    %swap3A_699 = arith.constant 0 : index
    %swap3A_700 = vector.load %arg7[%swap3A_698, %swap3A_699] : memref<61440x128xf32, #tpu.memory_space<vmem>>, vector<60x128xf32>
    tpu.vector_store %arg7[%swap3A_698, %swap3A_699], %concatenate3A {strides = array<i32>} : memref<61440x128xf32, #tpu.memory_space<vmem>>, vector<60x128xf32>,
    %swap3A_701 = arith.constant 7620 : index
    %swap3A_702 = arith.constant 0 : index
    %swap3A_703 = vector.load %arg7[%swap3A_701, %swap3A_702] : memref<61440x128xf32, #tpu.memory_space<vmem>>, vector<60x128xf32>
    tpu.vector_store %arg7[%swap3A_701, %swap3A_702], %concatenate3A {strides = array<i32>} : memref<61440x128xf32, #tpu.memory_space<vmem>>, vector<60x128xf32>,
    %swap3A_704 = arith.constant 7680 : index
    %swap3A_705 = arith.constant 0 : index
    %swap3A_706 = vector.load %arg7[%swap3A_704, %swap3A_705] : memref<61440x128xf32, #tpu.memory_space<vmem>>, vector<60x128xf32>
    tpu.vector_store %arg7[%swap3A_704, %swap3A_705], %concatenate3A {strides = array<i32>} : memref<61440x128xf32, #tpu.memory_space<vmem>>, vector<60x128xf32>,
    %swap3A_707 = arith.constant 7740 : index
    %swap3A_708 = arith.constant 0 : index
    %swap3A_709 = vector.load %arg7[%swap3A_707, %swap3A_708] : memref<61440x128xf32, #tpu.memory_space<vmem>>, vector<60x128xf32>
    tpu.vector_store %arg7[%swap3A_707, %swap3A_708], %concatenate3A {strides = array<i32>} : memref<61440x128xf32, #tpu.memory_space<vmem>>, vector<60x128xf32>,
    %swap3A_710 = arith.constant 7800 : index
    %swap3A_711 = arith.constant 0 : index
    %swap3A_712 = vector.load %arg7[%swap3A_710, %swap3A_711] : memref<61440x128xf32, #tpu.memory_space<vmem>>, vector<60x128xf32>
    tpu.vector_store %arg7[%swap3A_710, %swap3A_711], %concatenate3A {strides = array<i32>} : memref<61440x128xf32, #tpu.memory_space<vmem>>, vector<60x128xf32>,
    %swap3A_713 = arith.constant 7860 : index
    %swap3A_714 = arith.constant 0 : index
    %swap3A_715 = vector.load %arg7[%swap3A_713, %swap3A_714] : memref<61440x128xf32, #tpu.memory_space<vmem>>, vector<60x128xf32>
    tpu.vector_store %arg7[%swap3A_713, %swap3A_714], %concatenate3A {strides = array<i32>} : memref<61440x128xf32, #tpu.memory_space<vmem>>, vector<60x128xf32>,
    %swap3A_716 = arith.constant 7920 : index
    %swap3A_717 = arith.constant 0 : index
    %swap3A_718 = vector.load %arg7[%swap3A_716, %swap3A_717] : memref<61440x128xf32, #tpu.memory_space<vmem>>, vector<60x128xf32>
    tpu.vector_store %arg7[%swap3A_716, %swap3A_717], %concatenate3A {strides = array<i32>} : memref<61440x128xf32, #tpu.memory_space<vmem>>, vector<60x128xf32>,
    %swap3A_719 = arith.constant 7980 : index
    %swap3A_720 = arith.constant 0 : index
    %swap3A_721 = vector.load %arg7[%swap3A_719, %swap3A_720] : memref<61440x128xf32, #tpu.memory_space<vmem>>, vector<60x128xf32>
    tpu.vector_store %arg7[%swap3A_719, %swap3A_720], %concatenate3A {strides = array<i32>} : memref<61440x128xf32, #tpu.memory_space<vmem>>, vector<60x128xf32>,
    %swap3A_722 = arith.constant 8040 : index
    %swap3A_723 = arith.constant 0 : index
    %swap3A_724 = vector.load %arg7[%swap3A_722, %swap3A_723] : memref<61440x128xf32, #tpu.memory_space<vmem>>, vector<60x128xf32>
    tpu.vector_store %arg7[%swap3A_722, %swap3A_723], %concatenate3A {strides = array<i32>} : memref<61440x128xf32, #tpu.memory_space<vmem>>, vector<60x128xf32>,
    %swap3A_725 = arith.constant 8100 : index
    %swap3A_726 = arith.constant 0 : index
    %swap3A_727 = vector.load %arg7[%swap3A_725, %swap3A_726] : memref<61440x128xf32, #tpu.memory_space<vmem>>, vector<60x128xf32>
    tpu.vector_store %arg7[%swap3A_725, %swap3A_726], %concatenate3A {strides = array<i32>} : memref<61440x128xf32, #tpu.memory_space<vmem>>, vector<60x128xf32>,
    %swap3A_728 = arith.constant 8160 : index
    %swap3A_729 = arith.constant 0 : index
    %swap3A_730 = vector.load %arg7[%swap3A_728, %swap3A_729] : memref<61440x128xf32, #tpu.memory_space<vmem>>, vector<60x128xf32>
    tpu.vector_store %arg7[%swap3A_728, %swap3A_729], %concatenate3A {strides = array<i32>} : memref<61440x128xf32, #tpu.memory_space<vmem>>, vector<60x128xf32>,
    %swap3A_731 = arith.constant 8220 : index
    %swap3A_732 = arith.constant 0 : index
    %swap3A_733 = vector.load %arg7[%swap3A_731, %swap3A_732] : memref<61440x128xf32, #tpu.memory_space<vmem>>, vector<60x128xf32>
    tpu.vector_store %arg7[%swap3A_731, %swap3A_732], %concatenate3A {strides = array<i32>} : memref<61440x128xf32, #tpu.memory_space<vmem>>, vector<60x128xf32>,
    %swap3A_734 = arith.constant 8280 : index
    %swap3A_735 = arith.constant 0 : index
    %swap3A_736 = vector.load %arg7[%swap3A_734, %swap3A_735] : memref<61440x128xf32, #tpu.memory_space<vmem>>, vector<60x128xf32>
    tpu.vector_store %arg7[%swap3A_734, %swap3A_735], %concatenate3A {strides = array<i32>} : memref<61440x128xf32, #tpu.memory_space<vmem>>, vector<60x128xf32>,
    %swap3A_737 = arith.constant 8340 : index
    %swap3A_738 = arith.constant 0 : index
    %swap3A_739 = vector.load %arg7[%swap3A_737, %swap3A_738] : memref<61440x128xf32, #tpu.memory_space<vmem>>, vector<60x128xf32>
    tpu.vector_store %arg7[%swap3A_737, %swap3A_738], %concatenate3A {strides = array<i32>} : memref<61440x128xf32, #tpu.memory_space<vmem>>, vector<60x128xf32>,
    %swap3A_740 = arith.constant 8400 : index
    %swap3A_741 = arith.constant 0 : index
    %swap3A_742 = vector.load %arg7[%swap3A_740, %swap3A_741] : memref<61440x128xf32, #tpu.memory_space<vmem>>, vector<60x128xf32>
    tpu.vector_store %arg7[%swap3A_740, %swap3A_741], %concatenate3A {strides = array<i32>} : memref<61440x128xf32, #tpu.memory_space<vmem>>, vector<60x128xf32>,
    %swap3A_743 = arith.constant 8460 : index
    %swap3A_744 = arith.constant 0 : index
    %swap3A_745 = vector.load %arg7[%swap3A_743, %swap3A_744] : memref<61440x128xf32, #tpu.memory_space<vmem>>, vector<60x128xf32>
    tpu.vector_store %arg7[%swap3A_743, %swap3A_744], %concatenate3A {strides = array<i32>} : memref<61440x128xf32, #tpu.memory_space<vmem>>, vector<60x128xf32>,
    %swap3A_746 = arith.constant 8520 : index
    %swap3A_747 = arith.constant 0 : index
    %swap3A_748 = vector.load %arg7[%swap3A_746, %swap3A_747] : memref<61440x128xf32, #tpu.memory_space<vmem>>, vector<60x128xf32>
    tpu.vector_store %arg7[%swap3A_746, %swap3A_747], %concatenate3A {strides = array<i32>} : memref<61440x128xf32, #tpu.memory_space<vmem>>, vector<60x128xf32>,
    %swap3A_749 = arith.constant 8580 : index
    %swap3A_750 = arith.constant 0 : index
    %swap3A_751 = vector.load %arg7[%swap3A_749, %swap3A_750] : memref<61440x128xf32, #tpu.memory_space<vmem>>, vector<60x128xf32>
    tpu.vector_store %arg7[%swap3A_749, %swap3A_750], %concatenate3A {strides = array<i32>} : memref<61440x128xf32, #tpu.memory_space<vmem>>, vector<60x128xf32>,
    %swap3A_752 = arith.constant 8640 : index
    %swap3A_753 = arith.constant 0 : index
    %swap3A_754 = vector.load %arg7[%swap3A_752, %swap3A_753] : memref<61440x128xf32, #tpu.memory_space<vmem>>, vector<60x128xf32>
    tpu.vector_store %arg7[%swap3A_752, %swap3A_753], %concatenate3A {strides = array<i32>} : memref<61440x128xf32, #tpu.memory_space<vmem>>, vector<60x128xf32>,
    %swap3A_755 = arith.constant 8700 : index
    %swap3A_756 = arith.constant 0 : index
    %swap3A_757 = vector.load %arg7[%swap3A_755, %swap3A_756] : memref<61440x128xf32, #tpu.memory_space<vmem>>, vector<60x128xf32>
    tpu.vector_store %arg7[%swap3A_755, %swap3A_756], %concatenate3A {strides = array<i32>} : memref<61440x128xf32, #tpu.memory_space<vmem>>, vector<60x128xf32>,
    %swap3A_758 = arith.constant 8760 : index
    %swap3A_759 = arith.constant 0 : index
    %swap3A_760 = vector.load %arg7[%swap3A_758, %swap3A_759] : memref<61440x128xf32, #tpu.memory_space<vmem>>, vector<60x128xf32>
    tpu.vector_store %arg7[%swap3A_758, %swap3A_759], %concatenate3A {strides = array<i32>} : memref<61440x128xf32, #tpu.memory_space<vmem>>, vector<60x128xf32>,
    %swap3A_761 = arith.constant 8820 : index
    %swap3A_762 = arith.constant 0 : index
    %swap3A_763 = vector.load %arg7[%swap3A_761, %swap3A_762] : memref<61440x128xf32, #tpu.memory_space<vmem>>, vector<60x128xf32>
    tpu.vector_store %arg7[%swap3A_761, %swap3A_762], %concatenate3A {strides = array<i32>} : memref<61440x128xf32, #tpu.memory_space<vmem>>, vector<60x128xf32>,
    %swap3A_764 = arith.constant 8880 : index
    %swap3A_765 = arith.constant 0 : index
    %swap3A_766 = vector.load %arg7[%swap3A_764, %swap3A_765] : memref<61440x128xf32, #tpu.memory_space<vmem>>, vector<60x128xf32>
    tpu.vector_store %arg7[%swap3A_764, %swap3A_765], %concatenate3A {strides = array<i32>} : memref<61440x128xf32, #tpu.memory_space<vmem>>, vector<60x128xf32>,
    %swap3A_767 = arith.constant 8940 : index
    %swap3A_768 = arith.constant 0 : index
    %swap3A_769 = vector.load %arg7[%swap3A_767, %swap3A_768] : memref<61440x128xf32, #tpu.memory_space<vmem>>, vector<60x128xf32>
    tpu.vector_store %arg7[%swap3A_767, %swap3A_768], %concatenate3A {strides = array<i32>} : memref<61440x128xf32, #tpu.memory_space<vmem>>, vector<60x128xf32>,
    %swap3A_770 = arith.constant 9000 : index
    %swap3A_771 = arith.constant 0 : index
    %swap3A_772 = vector.load %arg7[%swap3A_770, %swap3A_771] : memref<61440x128xf32, #tpu.memory_space<vmem>>, vector<60x128xf32>
    tpu.vector_store %arg7[%swap3A_770, %swap3A_771], %concatenate3A {strides = array<i32>} : memref<61440x128xf32, #tpu.memory_space<vmem>>, vector<60x128xf32>,
    %swap3A_773 = arith.constant 9060 : index
    %swap3A_774 = arith.constant 0 : index
    %swap3A_775 = vector.load %arg7[%swap3A_773, %swap3A_774] : memref<61440x128xf32, #tpu.memory_space<vmem>>, vector<60x128xf32>
    tpu.vector_store %arg7[%swap3A_773, %swap3A_774], %concatenate3A {strides = array<i32>} : memref<61440x128xf32, #tpu.memory_space<vmem>>, vector<60x128xf32>,
    %swap3A_776 = arith.constant 9120 : index
    %swap3A_777 = arith.constant 0 : index
    %swap3A_778 = vector.load %arg7[%swap3A_776, %swap3A_777] : memref<61440x128xf32, #tpu.memory_space<vmem>>, vector<60x128xf32>
    tpu.vector_store %arg7[%swap3A_776, %swap3A_777], %concatenate3A {strides = array<i32>} : memref<61440x128xf32, #tpu.memory_space<vmem>>, vector<60x128xf32>,
    %swap3A_779 = arith.constant 9180 : index
    %swap3A_780 = arith.constant 0 : index
    %swap3A_781 = vector.load %arg7[%swap3A_779, %swap3A_780] : memref<61440x128xf32, #tpu.memory_space<vmem>>, vector<60x128xf32>
    tpu.vector_store %arg7[%swap3A_779, %swap3A_780], %concatenate3A {strides = array<i32>} : memref<61440x128xf32, #tpu.memory_space<vmem>>, vector<60x128xf32>,
    %swap3A_782 = arith.constant 9240 : index
    %swap3A_783 = arith.constant 0 : index
    %swap3A_784 = vector.load %arg7[%swap3A_782, %swap3A_783] : memref<61440x128xf32, #tpu.memory_space<vmem>>, vector<60x128xf32>
    tpu.vector_store %arg7[%swap3A_782, %swap3A_783], %concatenate3A {strides = array<i32>} : memref<61440x128xf32, #tpu.memory_space<vmem>>, vector<60x128xf32>,
    %swap3A_785 = arith.constant 9300 : index
    %swap3A_786 = arith.constant 0 : index
    %swap3A_787 = vector.load %arg7[%swap3A_785, %swap3A_786] : memref<61440x128xf32, #tpu.memory_space<vmem>>, vector<60x128xf32>
    tpu.vector_store %arg7[%swap3A_785, %swap3A_786], %concatenate3A {strides = array<i32>} : memref<61440x128xf32, #tpu.memory_space<vmem>>, vector<60x128xf32>,
    %swap3A_788 = arith.constant 9360 : index
    %swap3A_789 = arith.constant 0 : index
    %swap3A_790 = vector.load %arg7[%swap3A_788, %swap3A_789] : memref<61440x128xf32, #tpu.memory_space<vmem>>, vector<60x128xf32>
    tpu.vector_store %arg7[%swap3A_788, %swap3A_789], %concatenate3A {strides = array<i32>} : memref<61440x128xf32, #tpu.memory_space<vmem>>, vector<60x128xf32>,
    %swap3A_791 = arith.constant 9420 : index
    %swap3A_792 = arith.constant 0 : index
    %swap3A_793 = vector.load %arg7[%swap3A_791, %swap3A_792] : memref<61440x128xf32, #tpu.memory_space<vmem>>, vector<60x128xf32>
    tpu.vector_store %arg7[%swap3A_791, %swap3A_792], %concatenate3A {strides = array<i32>} : memref<61440x128xf32, #tpu.memory_space<vmem>>, vector<60x128xf32>,
    %swap3A_794 = arith.constant 9480 : index
    %swap3A_795 = arith.constant 0 : index
    %swap3A_796 = vector.load %arg7[%swap3A_794, %swap3A_795] : memref<61440x128xf32, #tpu.memory_space<vmem>>, vector<60x128xf32>
    tpu.vector_store %arg7[%swap3A_794, %swap3A_795], %concatenate3A {strides = array<i32>} : memref<61440x128xf32, #tpu.memory_space<vmem>>, vector<60x128xf32>,
    %swap3A_797 = arith.constant 9540 : index
    %swap3A_798 = arith.constant 0 : index
    %swap3A_799 = vector.load %arg7[%swap3A_797, %swap3A_798] : memref<61440x128xf32, #tpu.memory_space<vmem>>, vector<60x128xf32>
    tpu.vector_store %arg7[%swap3A_797, %swap3A_798], %concatenate3A {strides = array<i32>} : memref<61440x128xf32, #tpu.memory_space<vmem>>, vector<60x128xf32>,
    %swap3A_800 = arith.constant 9600 : index
    %swap3A_801 = arith.constant 0 : index
    %swap3A_802 = vector.load %arg7[%swap3A_800, %swap3A_801] : memref<61440x128xf32, #tpu.memory_space<vmem>>, vector<60x128xf32>
    tpu.vector_store %arg7[%swap3A_800, %swap3A_801], %concatenate3A {strides = array<i32>} : memref<61440x128xf32, #tpu.memory_space<vmem>>, vector<60x128xf32>,
    %swap3A_803 = arith.constant 9660 : index
    %swap3A_804 = arith.constant 0 : index
    %swap3A_805 = vector.load %arg7[%swap3A_803, %swap3A_804] : memref<61440x128xf32, #tpu.memory_space<vmem>>, vector<60x128xf32>
    tpu.vector_store %arg7[%swap3A_803, %swap3A_804], %concatenate3A {strides = array<i32>} : memref<61440x128xf32, #tpu.memory_space<vmem>>, vector<60x128xf32>,
    %swap3A_806 = arith.constant 9720 : index
    %swap3A_807 = arith.constant 0 : index
    %swap3A_808 = vector.load %arg7[%swap3A_806, %swap3A_807] : memref<61440x128xf32, #tpu.memory_space<vmem>>, vector<60x128xf32>
    tpu.vector_store %arg7[%swap3A_806, %swap3A_807], %concatenate3A {strides = array<i32>} : memref<61440x128xf32, #tpu.memory_space<vmem>>, vector<60x128xf32>,
    %swap3A_809 = arith.constant 9780 : index
    %swap3A_810 = arith.constant 0 : index
    %swap3A_811 = vector.load %arg7[%swap3A_809, %swap3A_810] : memref<61440x128xf32, #tpu.memory_space<vmem>>, vector<60x128xf32>
    tpu.vector_store %arg7[%swap3A_809, %swap3A_810], %concatenate3A {strides = array<i32>} : memref<61440x128xf32, #tpu.memory_space<vmem>>, vector<60x128xf32>,
    %swap3A_812 = arith.constant 9840 : index
    %swap3A_813 = arith.constant 0 : index
    %swap3A_814 = vector.load %arg7[%swap3A_812, %swap3A_813] : memref<61440x128xf32, #tpu.memory_space<vmem>>, vector<60x128xf32>
    tpu.vector_store %arg7[%swap3A_812, %swap3A_813], %concatenate3A {strides = array<i32>} : memref<61440x128xf32, #tpu.memory_space<vmem>>, vector<60x128xf32>,
    %swap3A_815 = arith.constant 9900 : index
    %swap3A_816 = arith.constant 0 : index
    %swap3A_817 = vector.load %arg7[%swap3A_815, %swap3A_816] : memref<61440x128xf32, #tpu.memory_space<vmem>>, vector<60x128xf32>
    tpu.vector_store %arg7[%swap3A_815, %swap3A_816], %concatenate3A {strides = array<i32>} : memref<61440x128xf32, #tpu.memory_space<vmem>>, vector<60x128xf32>,
    %swap3A_818 = arith.constant 9960 : index
    %swap3A_819 = arith.constant 0 : index
    %swap3A_820 = vector.load %arg7[%swap3A_818, %swap3A_819] : memref<61440x128xf32, #tpu.memory_space<vmem>>, vector<60x128xf32>
    tpu.vector_store %arg7[%swap3A_818, %swap3A_819], %concatenate3A {strides = array<i32>} : memref<61440x128xf32, #tpu.memory_space<vmem>>, vector<60x128xf32>,
    %swap3A_821 = arith.constant 10020 : index
    %swap3A_822 = arith.constant 0 : index
    %swap3A_823 = vector.load %arg7[%swap3A_821, %swap3A_822] : memref<61440x128xf32, #tpu.memory_space<vmem>>, vector<60x128xf32>
    tpu.vector_store %arg7[%swap3A_821, %swap3A_822], %concatenate3A {strides = array<i32>} : memref<61440x128xf32, #tpu.memory_space<vmem>>, vector<60x128xf32>,
    %swap3A_824 = arith.constant 10080 : index
    %swap3A_825 = arith.constant 0 : index
    %swap3A_826 = vector.load %arg7[%swap3A_824, %swap3A_825] : memref<61440x128xf32, #tpu.memory_space<vmem>>, vector<60x128xf32>
    tpu.vector_store %arg7[%swap3A_824, %swap3A_825], %concatenate3A {strides = array<i32>} : memref<61440x128xf32, #tpu.memory_space<vmem>>, vector<60x128xf32>,
    %swap3A_827 = arith.constant 10140 : index
    %swap3A_828 = arith.constant 0 : index
    %swap3A_829 = vector.load %arg7[%swap3A_827, %swap3A_828] : memref<61440x128xf32, #tpu.memory_space<vmem>>, vector<60x128xf32>
    tpu.vector_store %arg7[%swap3A_827, %swap3A_828], %concatenate3A {strides = array<i32>} : memref<61440x128xf32, #tpu.memory_space<vmem>>, vector<60x128xf32>,
    %swap3A_830 = arith.constant 10200 : index
    %swap3A_831 = arith.constant 0 : index
    %swap3A_832 = vector.load %arg7[%swap3A_830, %swap3A_831] : memref<61440x128xf32, #tpu.memory_space<vmem>>, vector<60x128xf32>
    tpu.vector_store %arg7[%swap3A_830, %swap3A_831], %concatenate3A {strides = array<i32>} : memref<61440x128xf32, #tpu.memory_space<vmem>>, vector<60x128xf32>,
    %swap3A_833 = arith.constant 10260 : index
    %swap3A_834 = arith.constant 0 : index
    %swap3A_835 = vector.load %arg7[%swap3A_833, %swap3A_834] : memref<61440x128xf32, #tpu.memory_space<vmem>>, vector<60x128xf32>
    tpu.vector_store %arg7[%swap3A_833, %swap3A_834], %concatenate3A {strides = array<i32>} : memref<61440x128xf32, #tpu.memory_space<vmem>>, vector<60x128xf32>,
    %swap3A_836 = arith.constant 10320 : index
    %swap3A_837 = arith.constant 0 : index
    %swap3A_838 = vector.load %arg7[%swap3A_836, %swap3A_837] : memref<61440x128xf32, #tpu.memory_space<vmem>>, vector<60x128xf32>
    tpu.vector_store %arg7[%swap3A_836, %swap3A_837], %concatenate3A {strides = array<i32>} : memref<61440x128xf32, #tpu.memory_space<vmem>>, vector<60x128xf32>,
    %swap3A_839 = arith.constant 10380 : index
    %swap3A_840 = arith.constant 0 : index
    %swap3A_841 = vector.load %arg7[%swap3A_839, %swap3A_840] : memref<61440x128xf32, #tpu.memory_space<vmem>>, vector<60x128xf32>
    tpu.vector_store %arg7[%swap3A_839, %swap3A_840], %concatenate3A {strides = array<i32>} : memref<61440x128xf32, #tpu.memory_space<vmem>>, vector<60x128xf32>,
    %swap3A_842 = arith.constant 10440 : index
    %swap3A_843 = arith.constant 0 : index
    %swap3A_844 = vector.load %arg7[%swap3A_842, %swap3A_843] : memref<61440x128xf32, #tpu.memory_space<vmem>>, vector<60x128xf32>
    tpu.vector_store %arg7[%swap3A_842, %swap3A_843], %concatenate3A {strides = array<i32>} : memref<61440x128xf32, #tpu.memory_space<vmem>>, vector<60x128xf32>,
    %swap3A_845 = arith.constant 10500 : index
    %swap3A_846 = arith.constant 0 : index
    %swap3A_847 = vector.load %arg7[%swap3A_845, %swap3A_846] : memref<61440x128xf32, #tpu.memory_space<vmem>>, vector<60x128xf32>
    tpu.vector_store %arg7[%swap3A_845, %swap3A_846], %concatenate3A {strides = array<i32>} : memref<61440x128xf32, #tpu.memory_space<vmem>>, vector<60x128xf32>,
    %swap3A_848 = arith.constant 10560 : index
    %swap3A_849 = arith.constant 0 : index
    %swap3A_850 = vector.load %arg7[%swap3A_848, %swap3A_849] : memref<61440x128xf32, #tpu.memory_space<vmem>>, vector<60x128xf32>
    tpu.vector_store %arg7[%swap3A_848, %swap3A_849], %concatenate3A {strides = array<i32>} : memref<61440x128xf32, #tpu.memory_space<vmem>>, vector<60x128xf32>,
    %swap3A_851 = arith.constant 10620 : index
    %swap3A_852 = arith.constant 0 : index
    %swap3A_853 = vector.load %arg7[%swap3A_851, %swap3A_852] : memref<61440x128xf32, #tpu.memory_space<vmem>>, vector<60x128xf32>
    tpu.vector_store %arg7[%swap3A_851, %swap3A_852], %concatenate3A {strides = array<i32>} : memref<61440x128xf32, #tpu.memory_space<vmem>>, vector<60x128xf32>,
    %swap3A_854 = arith.constant 10680 : index
    %swap3A_855 = arith.constant 0 : index
    %swap3A_856 = vector.load %arg7[%swap3A_854, %swap3A_855] : memref<61440x128xf32, #tpu.memory_space<vmem>>, vector<60x128xf32>
    tpu.vector_store %arg7[%swap3A_854, %swap3A_855], %concatenate3A {strides = array<i32>} : memref<61440x128xf32, #tpu.memory_space<vmem>>, vector<60x128xf32>,
    %swap3A_857 = arith.constant 10740 : index
    %swap3A_858 = arith.constant 0 : index
    %swap3A_859 = vector.load %arg7[%swap3A_857, %swap3A_858] : memref<61440x128xf32, #tpu.memory_space<vmem>>, vector<60x128xf32>
    tpu.vector_store %arg7[%swap3A_857, %swap3A_858], %concatenate3A {strides = array<i32>} : memref<61440x128xf32, #tpu.memory_space<vmem>>, vector<60x128xf32>,
    %swap3A_860 = arith.constant 10800 : index
    %swap3A_861 = arith.constant 0 : index
    %swap3A_862 = vector.load %arg7[%swap3A_860, %swap3A_861] : memref<61440x128xf32, #tpu.memory_space<vmem>>, vector<60x128xf32>
    tpu.vector_store %arg7[%swap3A_860, %swap3A_861], %concatenate3A {strides = array<i32>} : memref<61440x128xf32, #tpu.memory_space<vmem>>, vector<60x128xf32>,
    %swap3A_863 = arith.constant 10860 : index
    %swap3A_864 = arith.constant 0 : index
    %swap3A_865 = vector.load %arg7[%swap3A_863, %swap3A_864] : memref<61440x128xf32, #tpu.memory_space<vmem>>, vector<60x128xf32>
    tpu.vector_store %arg7[%swap3A_863, %swap3A_864], %concatenate3A {strides = array<i32>} : memref<61440x128xf32, #tpu.memory_space<vmem>>, vector<60x128xf32>,
    %swap3A_866 = arith.constant 10920 : index
    %swap3A_867 = arith.constant 0 : index
    %swap3A_868 = vector.load %arg7[%swap3A_866, %swap3A_867] : memref<61440x128xf32, #tpu.memory_space<vmem>>, vector<60x128xf32>
    tpu.vector_store %arg7[%swap3A_866, %swap3A_867], %concatenate3A {strides = array<i32>} : memref<61440x128xf32, #tpu.memory_space<vmem>>, vector<60x128xf32>,
    %swap3A_869 = arith.constant 10980 : index
    %swap3A_870 = arith.constant 0 : index
    %swap3A_871 = vector.load %arg7[%swap3A_869, %swap3A_870] : memref<61440x128xf32, #tpu.memory_space<vmem>>, vector<60x128xf32>
    tpu.vector_store %arg7[%swap3A_869, %swap3A_870], %concatenate3A {strides = array<i32>} : memref<61440x128xf32, #tpu.memory_space<vmem>>, vector<60x128xf32>,
    %swap3A_872 = arith.constant 11040 : index
    %swap3A_873 = arith.constant 0 : index
    %swap3A_874 = vector.load %arg7[%swap3A_872, %swap3A_873] : memref<61440x128xf32, #tpu.memory_space<vmem>>, vector<60x128xf32>
    tpu.vector_store %arg7[%swap3A_872, %swap3A_873], %concatenate3A {strides = array<i32>} : memref<61440x128xf32, #tpu.memory_space<vmem>>, vector<60x128xf32>,
    %swap3A_875 = arith.constant 11100 : index
    %swap3A_876 = arith.constant 0 : index
    %swap3A_877 = vector.load %arg7[%swap3A_875, %swap3A_876] : memref<61440x128xf32, #tpu.memory_space<vmem>>, vector<60x128xf32>
    tpu.vector_store %arg7[%swap3A_875, %swap3A_876], %concatenate3A {strides = array<i32>} : memref<61440x128xf32, #tpu.memory_space<vmem>>, vector<60x128xf32>,
    %swap3A_878 = arith.constant 11160 : index
    %swap3A_879 = arith.constant 0 : index
    %swap3A_880 = vector.load %arg7[%swap3A_878, %swap3A_879] : memref<61440x128xf32, #tpu.memory_space<vmem>>, vector<60x128xf32>
    tpu.vector_store %arg7[%swap3A_878, %swap3A_879], %concatenate3A {strides = array<i32>} : memref<61440x128xf32, #tpu.memory_space<vmem>>, vector<60x128xf32>,
    %swap3A_881 = arith.constant 11220 : index
    %swap3A_882 = arith.constant 0 : index
    %swap3A_883 = vector.load %arg7[%swap3A_881, %swap3A_882] : memref<61440x128xf32, #tpu.memory_space<vmem>>, vector<60x128xf32>
    tpu.vector_store %arg7[%swap3A_881, %swap3A_882], %concatenate3A {strides = array<i32>} : memref<61440x128xf32, #tpu.memory_space<vmem>>, vector<60x128xf32>,
    %swap3A_884 = arith.constant 11280 : index
    %swap3A_885 = arith.constant 0 : index
    %swap3A_886 = vector.load %arg7[%swap3A_884, %swap3A_885] : memref<61440x128xf32, #tpu.memory_space<vmem>>, vector<60x128xf32>
    tpu.vector_store %arg7[%swap3A_884, %swap3A_885], %concatenate3A {strides = array<i32>} : memref<61440x128xf32, #tpu.memory_space<vmem>>, vector<60x128xf32>,
    %swap3A_887 = arith.constant 11340 : index
    %swap3A_888 = arith.constant 0 : index
    %swap3A_889 = vector.load %arg7[%swap3A_887, %swap3A_888] : memref<61440x128xf32, #tpu.memory_space<vmem>>, vector<60x128xf32>
    tpu.vector_store %arg7[%swap3A_887, %swap3A_888], %concatenate3A {strides = array<i32>} : memref<61440x128xf32, #tpu.memory_space<vmem>>, vector<60x128xf32>,
    %swap3A_890 = arith.constant 11400 : index
    %swap3A_891 = arith.constant 0 : index
    %swap3A_892 = vector.load %arg7[%swap3A_890, %swap3A_891] : memref<61440x128xf32, #tpu.memory_space<vmem>>, vector<60x128xf32>
    tpu.vector_store %arg7[%swap3A_890, %swap3A_891], %concatenate3A {strides = array<i32>} : memref<61440x128xf32, #tpu.memory_space<vmem>>, vector<60x128xf32>,
    %swap3A_893 = arith.constant 11460 : index
    %swap3A_894 = arith.constant 0 : index
    %swap3A_895 = vector.load %arg7[%swap3A_893, %swap3A_894] : memref<61440x128xf32, #tpu.memory_space<vmem>>, vector<60x128xf32>
    tpu.vector_store %arg7[%swap3A_893, %swap3A_894], %concatenate3A {strides = array<i32>} : memref<61440x128xf32, #tpu.memory_space<vmem>>, vector<60x128xf32>,
    %swap3A_896 = arith.constant 11520 : index
    %swap3A_897 = arith.constant 0 : index
    %swap3A_898 = vector.load %arg7[%swap3A_896, %swap3A_897] : memref<61440x128xf32, #tpu.memory_space<vmem>>, vector<60x128xf32>
    tpu.vector_store %arg7[%swap3A_896, %swap3A_897], %concatenate3A {strides = array<i32>} : memref<61440x128xf32, #tpu.memory_space<vmem>>, vector<60x128xf32>,
    %swap3A_899 = arith.constant 11580 : index
    %swap3A_900 = arith.constant 0 : index
    %swap3A_901 = vector.load %arg7[%swap3A_899, %swap3A_900] : memref<61440x128xf32, #tpu.memory_space<vmem>>, vector<60x128xf32>
    tpu.vector_store %arg7[%swap3A_899, %swap3A_900], %concatenate3A {strides = array<i32>} : memref<61440x128xf32, #tpu.memory_space<vmem>>, vector<60x128xf32>,
    %swap3A_902 = arith.constant 11640 : index
    %swap3A_903 = arith.constant 0 : index
    %swap3A_904 = vector.load %arg7[%swap3A_902, %swap3A_903] : memref<61440x128xf32, #tpu.memory_space<vmem>>, vector<60x128xf32>
    tpu.vector_store %arg7[%swap3A_902, %swap3A_903], %concatenate3A {strides = array<i32>} : memref<61440x128xf32, #tpu.memory_space<vmem>>, vector<60x128xf32>,
    %swap3A_905 = arith.constant 11700 : index
    %swap3A_906 = arith.constant 0 : index
    %swap3A_907 = vector.load %arg7[%swap3A_905, %swap3A_906] : memref<61440x128xf32, #tpu.memory_space<vmem>>, vector<60x128xf32>
    tpu.vector_store %arg7[%swap3A_905, %swap3A_906], %concatenate3A {strides = array<i32>} : memref<61440x128xf32, #tpu.memory_space<vmem>>, vector<60x128xf32>,
    %swap3A_908 = arith.constant 11760 : index
    %swap3A_909 = arith.constant 0 : index
    %swap3A_910 = vector.load %arg7[%swap3A_908, %swap3A_909] : memref<61440x128xf32, #tpu.memory_space<vmem>>, vector<60x128xf32>
    tpu.vector_store %arg7[%swap3A_908, %swap3A_909], %concatenate3A {strides = array<i32>} : memref<61440x128xf32, #tpu.memory_space<vmem>>, vector<60x128xf32>,
    %swap3A_911 = arith.constant 11820 : index
    %swap3A_912 = arith.constant 0 : index
    %swap3A_913 = vector.load %arg7[%swap3A_911, %swap3A_912] : memref<61440x128xf32, #tpu.memory_space<vmem>>, vector<60x128xf32>
    tpu.vector_store %arg7[%swap3A_911, %swap3A_912], %concatenate3A {strides = array<i32>} : memref<61440x128xf32, #tpu.memory_space<vmem>>, vector<60x128xf32>,
    %swap3A_914 = arith.constant 11880 : index
    %swap3A_915 = arith.constant 0 : index
    %swap3A_916 = vector.load %arg7[%swap3A_914, %swap3A_915] : memref<61440x128xf32, #tpu.memory_space<vmem>>, vector<60x128xf32>
    tpu.vector_store %arg7[%swap3A_914, %swap3A_915], %concatenate3A {strides = array<i32>} : memref<61440x128xf32, #tpu.memory_space<vmem>>, vector<60x128xf32>,
    %swap3A_917 = arith.constant 11940 : index
    %swap3A_918 = arith.constant 0 : index
    %swap3A_919 = vector.load %arg7[%swap3A_917, %swap3A_918] : memref<61440x128xf32, #tpu.memory_space<vmem>>, vector<60x128xf32>
    tpu.vector_store %arg7[%swap3A_917, %swap3A_918], %concatenate3A {strides = array<i32>} : memref<61440x128xf32, #tpu.memory_space<vmem>>, vector<60x128xf32>,
    %swap3A_920 = arith.constant 12000 : index
    %swap3A_921 = arith.constant 0 : index
    %swap3A_922 = vector.load %arg7[%swap3A_920, %swap3A_921] : memref<61440x128xf32, #tpu.memory_space<vmem>>, vector<60x128xf32>
    tpu.vector_store %arg7[%swap3A_920, %swap3A_921], %concatenate3A {strides = array<i32>} : memref<61440x128xf32, #tpu.memory_space<vmem>>, vector<60x128xf32>,
    %swap3A_923 = arith.constant 12060 : index
    %swap3A_924 = arith.constant 0 : index
    %swap3A_925 = vector.load %arg7[%swap3A_923, %swap3A_924] : memref<61440x128xf32, #tpu.memory_space<vmem>>, vector<60x128xf32>
    tpu.vector_store %arg7[%swap3A_923, %swap3A_924], %concatenate3A {strides = array<i32>} : memref<61440x128xf32, #tpu.memory_space<vmem>>, vector<60x128xf32>,
    %swap3A_926 = arith.constant 12120 : index
    %swap3A_927 = arith.constant 0 : index
    %swap3A_928 = vector.load %arg7[%swap3A_926, %swap3A_927] : memref<61440x128xf32, #tpu.memory_space<vmem>>, vector<60x128xf32>
    tpu.vector_store %arg7[%swap3A_926, %swap3A_927], %concatenate3A {strides = array<i32>} : memref<61440x128xf32, #tpu.memory_space<vmem>>, vector<60x128xf32>,
    %swap3A_929 = arith.constant 12180 : index
    %swap3A_930 = arith.constant 0 : index
    %swap3A_931 = vector.load %arg7[%swap3A_929, %swap3A_930] : memref<61440x128xf32, #tpu.memory_space<vmem>>, vector<60x128xf32>
    tpu.vector_store %arg7[%swap3A_929, %swap3A_930], %concatenate3A {strides = array<i32>} : memref<61440x128xf32, #tpu.memory_space<vmem>>, vector<60x128xf32>,
    %swap3A_932 = arith.constant 12240 : index
    %swap3A_933 = arith.constant 0 : index
    %swap3A_934 = vector.load %arg7[%swap3A_932, %swap3A_933] : memref<61440x128xf32, #tpu.memory_space<vmem>>, vector<60x128xf32>
    tpu.vector_store %arg7[%swap3A_932, %swap3A_933], %concatenate3A {strides = array<i32>} : memref<61440x128xf32, #tpu.memory_space<vmem>>, vector<60x128xf32>,
    %swap3A_935 = arith.constant 12300 : index
    %swap3A_936 = arith.constant 0 : index
    %swap3A_937 = vector.load %arg7[%swap3A_935, %swap3A_936] : memref<61440x128xf32, #tpu.memory_space<vmem>>, vector<60x128xf32>
    tpu.vector_store %arg7[%swap3A_935, %swap3A_936], %concatenate3A {strides = array<i32>} : memref<61440x128xf32, #tpu.memory_space<vmem>>, vector<60x128xf32>,
    %swap3A_938 = arith.constant 12360 : index
    %swap3A_939 = arith.constant 0 : index
    %swap3A_940 = vector.load %arg7[%swap3A_938, %swap3A_939] : memref<61440x128xf32, #tpu.memory_space<vmem>>, vector<60x128xf32>
    tpu.vector_store %arg7[%swap3A_938, %swap3A_939], %concatenate3A {strides = array<i32>} : memref<61440x128xf32, #tpu.memory_space<vmem>>, vector<60x128xf32>,
    %swap3A_941 = arith.constant 12420 : index
    %swap3A_942 = arith.constant 0 : index
    %swap3A_943 = vector.load %arg7[%swap3A_941, %swap3A_942] : memref<61440x128xf32, #tpu.memory_space<vmem>>, vector<60x128xf32>
    tpu.vector_store %arg7[%swap3A_941, %swap3A_942], %concatenate3A {strides = array<i32>} : memref<61440x128xf32, #tpu.memory_space<vmem>>, vector<60x128xf32>,
    %swap3A_944 = arith.constant 12480 : index
    %swap3A_945 = arith.constant 0 : index
    %swap3A_946 = vector.load %arg7[%swap3A_944, %swap3A_945] : memref<61440x128xf32, #tpu.memory_space<vmem>>, vector<60x128xf32>
    tpu.vector_store %arg7[%swap3A_944, %swap3A_945], %concatenate3A {strides = array<i32>} : memref<61440x128xf32, #tpu.memory_space<vmem>>, vector<60x128xf32>,
    %swap3A_947 = arith.constant 12540 : index
    %swap3A_948 = arith.constant 0 : index
    %swap3A_949 = vector.load %arg7[%swap3A_947, %swap3A_948] : memref<61440x128xf32, #tpu.memory_space<vmem>>, vector<60x128xf32>
    tpu.vector_store %arg7[%swap3A_947, %swap3A_948], %concatenate3A {strides = array<i32>} : memref<61440x128xf32, #tpu.memory_space<vmem>>, vector<60x128xf32>,
    %swap3A_950 = arith.constant 12600 : index
    %swap3A_951 = arith.constant 0 : index
    %swap3A_952 = vector.load %arg7[%swap3A_950, %swap3A_951] : memref<61440x128xf32, #tpu.memory_space<vmem>>, vector<60x128xf32>
    tpu.vector_store %arg7[%swap3A_950, %swap3A_951], %concatenate3A {strides = array<i32>} : memref<61440x128xf32, #tpu.memory_space<vmem>>, vector<60x128xf32>,
    %swap3A_953 = arith.constant 12660 : index
    %swap3A_954 = arith.constant 0 : index
    %swap3A_955 = vector.load %arg7[%swap3A_953, %swap3A_954] : memref<61440x128xf32, #tpu.memory_space<vmem>>, vector<60x128xf32>
    tpu.vector_store %arg7[%swap3A_953, %swap3A_954], %concatenate3A {strides = array<i32>} : memref<61440x128xf32, #tpu.memory_space<vmem>>, vector<60x128xf32>,
    %swap3A_956 = arith.constant 12720 : index
    %swap3A_957 = arith.constant 0 : index
    %swap3A_958 = vector.load %arg7[%swap3A_956, %swap3A_957] : memref<61440x128xf32, #tpu.memory_space<vmem>>, vector<60x128xf32>
    tpu.vector_store %arg7[%swap3A_956, %swap3A_957], %concatenate3A {strides = array<i32>} : memref<61440x128xf32, #tpu.memory_space<vmem>>, vector<60x128xf32>,
    %swap3A_959 = arith.constant 12780 : index
    %swap3A_960 = arith.constant 0 : index
    %swap3A_961 = vector.load %arg7[%swap3A_959, %swap3A_960] : memref<61440x128xf32, #tpu.memory_space<vmem>>, vector<60x128xf32>
    tpu.vector_store %arg7[%swap3A_959, %swap3A_960], %concatenate3A {strides = array<i32>} : memref<61440x128xf32, #tpu.memory_space<vmem>>, vector<60x128xf32>,
    %swap3A_962 = arith.constant 12840 : index
    %swap3A_963 = arith.constant 0 : index
    %swap3A_964 = vector.load %arg7[%swap3A_962, %swap3A_963] : memref<61440x128xf32, #tpu.memory_space<vmem>>, vector<60x128xf32>
    tpu.vector_store %arg7[%swap3A_962, %swap3A_963], %concatenate3A {strides = array<i32>} : memref<61440x128xf32, #tpu.memory_space<vmem>>, vector<60x128xf32>,
    %swap3A_965 = arith.constant 12900 : index
    %swap3A_966 = arith.constant 0 : index
    %swap3A_967 = vector.load %arg7[%swap3A_965, %swap3A_966] : memref<61440x128xf32, #tpu.memory_space<vmem>>, vector<60x128xf32>
    tpu.vector_store %arg7[%swap3A_965, %swap3A_966], %concatenate3A {strides = array<i32>} : memref<61440x128xf32, #tpu.memory_space<vmem>>, vector<60x128xf32>,
    %swap3A_968 = arith.constant 12960 : index
    %swap3A_969 = arith.constant 0 : index
    %swap3A_970 = vector.load %arg7[%swap3A_968, %swap3A_969] : memref<61440x128xf32, #tpu.memory_space<vmem>>, vector<60x128xf32>
    tpu.vector_store %arg7[%swap3A_968, %swap3A_969], %concatenate3A {strides = array<i32>} : memref<61440x128xf32, #tpu.memory_space<vmem>>, vector<60x128xf32>,
    %swap3A_971 = arith.constant 13020 : index
    %swap3A_972 = arith.constant 0 : index
    %swap3A_973 = vector.load %arg7[%swap3A_971, %swap3A_972] : memref<61440x128xf32, #tpu.memory_space<vmem>>, vector<60x128xf32>
    tpu.vector_store %arg7[%swap3A_971, %swap3A_972], %concatenate3A {strides = array<i32>} : memref<61440x128xf32, #tpu.memory_space<vmem>>, vector<60x128xf32>,
    %swap3A_974 = arith.constant 13080 : index
    %swap3A_975 = arith.constant 0 : index
    %swap3A_976 = vector.load %arg7[%swap3A_974, %swap3A_975] : memref<61440x128xf32, #tpu.memory_space<vmem>>, vector<60x128xf32>
    tpu.vector_store %arg7[%swap3A_974, %swap3A_975], %concatenate3A {strides = array<i32>} : memref<61440x128xf32, #tpu.memory_space<vmem>>, vector<60x128xf32>,
    %swap3A_977 = arith.constant 13140 : index
    %swap3A_978 = arith.constant 0 : index
    %swap3A_979 = vector.load %arg7[%swap3A_977, %swap3A_978] : memref<61440x128xf32, #tpu.memory_space<vmem>>, vector<60x128xf32>
    tpu.vector_store %arg7[%swap3A_977, %swap3A_978], %concatenate3A {strides = array<i32>} : memref<61440x128xf32, #tpu.memory_space<vmem>>, vector<60x128xf32>,
    %swap3A_980 = arith.constant 13200 : index
    %swap3A_981 = arith.constant 0 : index
    %swap3A_982 = vector.load %arg7[%swap3A_980, %swap3A_981] : memref<61440x128xf32, #tpu.memory_space<vmem>>, vector<60x128xf32>
    tpu.vector_store %arg7[%swap3A_980, %swap3A_981], %concatenate3A {strides = array<i32>} : memref<61440x128xf32, #tpu.memory_space<vmem>>, vector<60x128xf32>,
    %swap3A_983 = arith.constant 13260 : index
    %swap3A_984 = arith.constant 0 : index
    %swap3A_985 = vector.load %arg7[%swap3A_983, %swap3A_984] : memref<61440x128xf32, #tpu.memory_space<vmem>>, vector<60x128xf32>
    tpu.vector_store %arg7[%swap3A_983, %swap3A_984], %concatenate3A {strides = array<i32>} : memref<61440x128xf32, #tpu.memory_space<vmem>>, vector<60x128xf32>,
    %swap3A_986 = arith.constant 13320 : index
    %swap3A_987 = arith.constant 0 : index
    %swap3A_988 = vector.load %arg7[%swap3A_986, %swap3A_987] : memref<61440x128xf32, #tpu.memory_space<vmem>>, vector<60x128xf32>
    tpu.vector_store %arg7[%swap3A_986, %swap3A_987], %concatenate3A {strides = array<i32>} : memref<61440x128xf32, #tpu.memory_space<vmem>>, vector<60x128xf32>,
    %swap3A_989 = arith.constant 13380 : index
    %swap3A_990 = arith.constant 0 : index
    %swap3A_991 = vector.load %arg7[%swap3A_989, %swap3A_990] : memref<61440x128xf32, #tpu.memory_space<vmem>>, vector<60x128xf32>
    tpu.vector_store %arg7[%swap3A_989, %swap3A_990], %concatenate3A {strides = array<i32>} : memref<61440x128xf32, #tpu.memory_space<vmem>>, vector<60x128xf32>,
    %swap3A_992 = arith.constant 13440 : index
    %swap3A_993 = arith.constant 0 : index
    %swap3A_994 = vector.load %arg7[%swap3A_992, %swap3A_993] : memref<61440x128xf32, #tpu.memory_space<vmem>>, vector<60x128xf32>
    tpu.vector_store %arg7[%swap3A_992, %swap3A_993], %concatenate3A {strides = array<i32>} : memref<61440x128xf32, #tpu.memory_space<vmem>>, vector<60x128xf32>,
    %swap3A_995 = arith.constant 13500 : index
    %swap3A_996 = arith.constant 0 : index
    %swap3A_997 = vector.load %arg7[%swap3A_995, %swap3A_996] : memref<61440x128xf32, #tpu.memory_space<vmem>>, vector<60x128xf32>
    tpu.vector_store %arg7[%swap3A_995, %swap3A_996], %concatenate3A {strides = array<i32>} : memref<61440x128xf32, #tpu.memory_space<vmem>>, vector<60x128xf32>,
    %swap3A_998 = arith.constant 13560 : index
    %swap3A_999 = arith.constant 0 : index
    %swap3A_1000 = vector.load %arg7[%swap3A_998, %swap3A_999] : memref<61440x128xf32, #tpu.memory_space<vmem>>, vector<60x128xf32>
    tpu.vector_store %arg7[%swap3A_998, %swap3A_999], %concatenate3A {strides = array<i32>} : memref<61440x128xf32, #tpu.memory_space<vmem>>, vector<60x128xf32>,
    %swap3A_1001 = arith.constant 13620 : index
    %swap3A_1002 = arith.constant 0 : index
    %swap3A_1003 = vector.load %arg7[%swap3A_1001, %swap3A_1002] : memref<61440x128xf32, #tpu.memory_space<vmem>>, vector<60x128xf32>
    tpu.vector_store %arg7[%swap3A_1001, %swap3A_1002], %concatenate3A {strides = array<i32>} : memref<61440x128xf32, #tpu.memory_space<vmem>>, vector<60x128xf32>,
    %swap3A_1004 = arith.constant 13680 : index
    %swap3A_1005 = arith.constant 0 : index
    %swap3A_1006 = vector.load %arg7[%swap3A_1004, %swap3A_1005] : memref<61440x128xf32, #tpu.memory_space<vmem>>, vector<60x128xf32>
    tpu.vector_store %arg7[%swap3A_1004, %swap3A_1005], %concatenate3A {strides = array<i32>} : memref<61440x128xf32, #tpu.memory_space<vmem>>, vector<60x128xf32>,
    %swap3A_1007 = arith.constant 13740 : index
    %swap3A_1008 = arith.constant 0 : index
    %swap3A_1009 = vector.load %arg7[%swap3A_1007, %swap3A_1008] : memref<61440x128xf32, #tpu.memory_space<vmem>>, vector<60x128xf32>
    tpu.vector_store %arg7[%swap3A_1007, %swap3A_1008], %concatenate3A {strides = array<i32>} : memref<61440x128xf32, #tpu.memory_space<vmem>>, vector<60x128xf32>,
    %swap3A_1010 = arith.constant 13800 : index
    %swap3A_1011 = arith.constant 0 : index
    %swap3A_1012 = vector.load %arg7[%swap3A_1010, %swap3A_1011] : memref<61440x128xf32, #tpu.memory_space<vmem>>, vector<60x128xf32>
    tpu.vector_store %arg7[%swap3A_1010, %swap3A_1011], %concatenate3A {strides = array<i32>} : memref<61440x128xf32, #tpu.memory_space<vmem>>, vector<60x128xf32>,
    %swap3A_1013 = arith.constant 13860 : index
    %swap3A_1014 = arith.constant 0 : index
    %swap3A_1015 = vector.load %arg7[%swap3A_1013, %swap3A_1014] : memref<61440x128xf32, #tpu.memory_space<vmem>>, vector<60x128xf32>
    tpu.vector_store %arg7[%swap3A_1013, %swap3A_1014], %concatenate3A {strides = array<i32>} : memref<61440x128xf32, #tpu.memory_space<vmem>>, vector<60x128xf32>,
    %swap3A_1016 = arith.constant 13920 : index
    %swap3A_1017 = arith.constant 0 : index
    %swap3A_1018 = vector.load %arg7[%swap3A_1016, %swap3A_1017] : memref<61440x128xf32, #tpu.memory_space<vmem>>, vector<60x128xf32>
    tpu.vector_store %arg7[%swap3A_1016, %swap3A_1017], %concatenate3A {strides = array<i32>} : memref<61440x128xf32, #tpu.memory_space<vmem>>, vector<60x128xf32>,
    %swap3A_1019 = arith.constant 13980 : index
    %swap3A_1020 = arith.constant 0 : index
    %swap3A_1021 = vector.load %arg7[%swap3A_1019, %swap3A_1020] : memref<61440x128xf32, #tpu.memory_space<vmem>>, vector<60x128xf32>
    tpu.vector_store %arg7[%swap3A_1019, %swap3A_1020], %concatenate3A {strides = array<i32>} : memref<61440x128xf32, #tpu.memory_space<vmem>>, vector<60x128xf32>,
    %swap3A_1022 = arith.constant 14040 : index
    %swap3A_1023 = arith.constant 0 : index
    %swap3A_1024 = vector.load %arg7[%swap3A_1022, %swap3A_1023] : memref<61440x128xf32, #tpu.memory_space<vmem>>, vector<60x128xf32>
    tpu.vector_store %arg7[%swap3A_1022, %swap3A_1023], %concatenate3A {strides = array<i32>} : memref<61440x128xf32, #tpu.memory_space<vmem>>, vector<60x128xf32>,
    %swap3A_1025 = arith.constant 14100 : index
    %swap3A_1026 = arith.constant 0 : index
    %swap3A_1027 = vector.load %arg7[%swap3A_1025, %swap3A_1026] : memref<61440x128xf32, #tpu.memory_space<vmem>>, vector<60x128xf32>
    tpu.vector_store %arg7[%swap3A_1025, %swap3A_1026], %concatenate3A {strides = array<i32>} : memref<61440x128xf32, #tpu.memory_space<vmem>>, vector<60x128xf32>,
    %swap3A_1028 = arith.constant 14160 : index
    %swap3A_1029 = arith.constant 0 : index
    %swap3A_1030 = vector.load %arg7[%swap3A_1028, %swap3A_1029] : memref<61440x128xf32, #tpu.memory_space<vmem>>, vector<60x128xf32>
    tpu.vector_store %arg7[%swap3A_1028, %swap3A_1029], %concatenate3A {strides = array<i32>} : memref<61440x128xf32, #tpu.memory_space<vmem>>, vector<60x128xf32>,
    %swap3A_1031 = arith.constant 14220 : index
    %swap3A_1032 = arith.constant 0 : index
    %swap3A_1033 = vector.load %arg7[%swap3A_1031, %swap3A_1032] : memref<61440x128xf32, #tpu.memory_space<vmem>>, vector<60x128xf32>
    tpu.vector_store %arg7[%swap3A_1031, %swap3A_1032], %concatenate3A {strides = array<i32>} : memref<61440x128xf32, #tpu.memory_space<vmem>>, vector<60x128xf32>,
    %swap3A_1034 = arith.constant 14280 : index
    %swap3A_1035 = arith.constant 0 : index
    %swap3A_1036 = vector.load %arg7[%swap3A_1034, %swap3A_1035] : memref<61440x128xf32, #tpu.memory_space<vmem>>, vector<60x128xf32>
    tpu.vector_store %arg7[%swap3A_1034, %swap3A_1035], %concatenate3A {strides = array<i32>} : memref<61440x128xf32, #tpu.memory_space<vmem>>, vector<60x128xf32>,
    %swap3A_1037 = arith.constant 14340 : index
    %swap3A_1038 = arith.constant 0 : index
    %swap3A_1039 = vector.load %arg7[%swap3A_1037, %swap3A_1038] : memref<61440x128xf32, #tpu.memory_space<vmem>>, vector<60x128xf32>
    tpu.vector_store %arg7[%swap3A_1037, %swap3A_1038], %concatenate3A {strides = array<i32>} : memref<61440x128xf32, #tpu.memory_space<vmem>>, vector<60x128xf32>,
    %swap3A_1040 = arith.constant 14400 : index
    %swap3A_1041 = arith.constant 0 : index
    %swap3A_1042 = vector.load %arg7[%swap3A_1040, %swap3A_1041] : memref<61440x128xf32, #tpu.memory_space<vmem>>, vector<60x128xf32>
    tpu.vector_store %arg7[%swap3A_1040, %swap3A_1041], %concatenate3A {strides = array<i32>} : memref<61440x128xf32, #tpu.memory_space<vmem>>, vector<60x128xf32>,
    %swap3A_1043 = arith.constant 14460 : index
    %swap3A_1044 = arith.constant 0 : index
    %swap3A_1045 = vector.load %arg7[%swap3A_1043, %swap3A_1044] : memref<61440x128xf32, #tpu.memory_space<vmem>>, vector<60x128xf32>
    tpu.vector_store %arg7[%swap3A_1043, %swap3A_1044], %concatenate3A {strides = array<i32>} : memref<61440x128xf32, #tpu.memory_space<vmem>>, vector<60x128xf32>,
    %swap3A_1046 = arith.constant 14520 : index
    %swap3A_1047 = arith.constant 0 : index
    %swap3A_1048 = vector.load %arg7[%swap3A_1046, %swap3A_1047] : memref<61440x128xf32, #tpu.memory_space<vmem>>, vector<60x128xf32>
    tpu.vector_store %arg7[%swap3A_1046, %swap3A_1047], %concatenate3A {strides = array<i32>} : memref<61440x128xf32, #tpu.memory_space<vmem>>, vector<60x128xf32>,
    %swap3A_1049 = arith.constant 14580 : index
    %swap3A_1050 = arith.constant 0 : index
    %swap3A_1051 = vector.load %arg7[%swap3A_1049, %swap3A_1050] : memref<61440x128xf32, #tpu.memory_space<vmem>>, vector<60x128xf32>
    tpu.vector_store %arg7[%swap3A_1049, %swap3A_1050], %concatenate3A {strides = array<i32>} : memref<61440x128xf32, #tpu.memory_space<vmem>>, vector<60x128xf32>,
    %swap3A_1052 = arith.constant 14640 : index
    %swap3A_1053 = arith.constant 0 : index
    %swap3A_1054 = vector.load %arg7[%swap3A_1052, %swap3A_1053] : memref<61440x128xf32, #tpu.memory_space<vmem>>, vector<60x128xf32>
    tpu.vector_store %arg7[%swap3A_1052, %swap3A_1053], %concatenate3A {strides = array<i32>} : memref<61440x128xf32, #tpu.memory_space<vmem>>, vector<60x128xf32>,
    %swap3A_1055 = arith.constant 14700 : index
    %swap3A_1056 = arith.constant 0 : index
    %swap3A_1057 = vector.load %arg7[%swap3A_1055, %swap3A_1056] : memref<61440x128xf32, #tpu.memory_space<vmem>>, vector<60x128xf32>
    tpu.vector_store %arg7[%swap3A_1055, %swap3A_1056], %concatenate3A {strides = array<i32>} : memref<61440x128xf32, #tpu.memory_space<vmem>>, vector<60x128xf32>,
    %swap3A_1058 = arith.constant 14760 : index
    %swap3A_1059 = arith.constant 0 : index
    %swap3A_1060 = vector.load %arg7[%swap3A_1058, %swap3A_1059] : memref<61440x128xf32, #tpu.memory_space<vmem>>, vector<60x128xf32>
    tpu.vector_store %arg7[%swap3A_1058, %swap3A_1059], %concatenate3A {strides = array<i32>} : memref<61440x128xf32, #tpu.memory_space<vmem>>, vector<60x128xf32>,
    %swap3A_1061 = arith.constant 14820 : index
    %swap3A_1062 = arith.constant 0 : index
    %swap3A_1063 = vector.load %arg7[%swap3A_1061, %swap3A_1062] : memref<61440x128xf32, #tpu.memory_space<vmem>>, vector<60x128xf32>
    tpu.vector_store %arg7[%swap3A_1061, %swap3A_1062], %concatenate3A {strides = array<i32>} : memref<61440x128xf32, #tpu.memory_space<vmem>>, vector<60x128xf32>,
    %swap3A_1064 = arith.constant 14880 : index
    %swap3A_1065 = arith.constant 0 : index
    %swap3A_1066 = vector.load %arg7[%swap3A_1064, %swap3A_1065] : memref<61440x128xf32, #tpu.memory_space<vmem>>, vector<60x128xf32>
    tpu.vector_store %arg7[%swap3A_1064, %swap3A_1065], %concatenate3A {strides = array<i32>} : memref<61440x128xf32, #tpu.memory_space<vmem>>, vector<60x128xf32>,
    %swap3A_1067 = arith.constant 14940 : index
    %swap3A_1068 = arith.constant 0 : index
    %swap3A_1069 = vector.load %arg7[%swap3A_1067, %swap3A_1068] : memref<61440x128xf32, #tpu.memory_space<vmem>>, vector<60x128xf32>
    tpu.vector_store %arg7[%swap3A_1067, %swap3A_1068], %concatenate3A {strides = array<i32>} : memref<61440x128xf32, #tpu.memory_space<vmem>>, vector<60x128xf32>,
    %swap3A_1070 = arith.constant 15000 : index
    %swap3A_1071 = arith.constant 0 : index
    %swap3A_1072 = vector.load %arg7[%swap3A_1070, %swap3A_1071] : memref<61440x128xf32, #tpu.memory_space<vmem>>, vector<60x128xf32>
    tpu.vector_store %arg7[%swap3A_1070, %swap3A_1071], %concatenate3A {strides = array<i32>} : memref<61440x128xf32, #tpu.memory_space<vmem>>, vector<60x128xf32>,
    %swap3A_1073 = arith.constant 15060 : index
    %swap3A_1074 = arith.constant 0 : index
    %swap3A_1075 = vector.load %arg7[%swap3A_1073, %swap3A_1074] : memref<61440x128xf32, #tpu.memory_space<vmem>>, vector<60x128xf32>
    tpu.vector_store %arg7[%swap3A_1073, %swap3A_1074], %concatenate3A {strides = array<i32>} : memref<61440x128xf32, #tpu.memory_space<vmem>>, vector<60x128xf32>,
    %swap3A_1076 = arith.constant 15120 : index
    %swap3A_1077 = arith.constant 0 : index
    %swap3A_1078 = vector.load %arg7[%swap3A_1076, %swap3A_1077] : memref<61440x128xf32, #tpu.memory_space<vmem>>, vector<60x128xf32>
    tpu.vector_store %arg7[%swap3A_1076, %swap3A_1077], %concatenate3A {strides = array<i32>} : memref<61440x128xf32, #tpu.memory_space<vmem>>, vector<60x128xf32>,
    %swap3A_1079 = arith.constant 15180 : index
    %swap3A_1080 = arith.constant 0 : index
    %swap3A_1081 = vector.load %arg7[%swap3A_1079, %swap3A_1080] : memref<61440x128xf32, #tpu.memory_space<vmem>>, vector<60x128xf32>
    tpu.vector_store %arg7[%swap3A_1079, %swap3A_1080], %concatenate3A {strides = array<i32>} : memref<61440x128xf32, #tpu.memory_space<vmem>>, vector<60x128xf32>,
    %swap3A_1082 = arith.constant 15240 : index
    %swap3A_1083 = arith.constant 0 : index
    %swap3A_1084 = vector.load %arg7[%swap3A_1082, %swap3A_1083] : memref<61440x128xf32, #tpu.memory_space<vmem>>, vector<60x128xf32>
    tpu.vector_store %arg7[%swap3A_1082, %swap3A_1083], %concatenate3A {strides = array<i32>} : memref<61440x128xf32, #tpu.memory_space<vmem>>, vector<60x128xf32>,
    %swap3A_1085 = arith.constant 15300 : index
    %swap3A_1086 = arith.constant 0 : index
    %swap3A_1087 = vector.load %arg7[%swap3A_1085, %swap3A_1086] : memref<61440x128xf32, #tpu.memory_space<vmem>>, vector<60x128xf32>
    tpu.vector_store %arg7[%swap3A_1085, %swap3A_1086], %concatenate3A {strides = array<i32>} : memref<61440x128xf32, #tpu.memory_space<vmem>>, vector<60x128xf32>,
    %swap3A_1088 = arith.constant 15360 : index
    %swap3A_1089 = arith.constant 0 : index
    %swap3A_1090 = vector.load %arg7[%swap3A_1088, %swap3A_1089] : memref<61440x128xf32, #tpu.memory_space<vmem>>, vector<60x128xf32>
    tpu.vector_store %arg7[%swap3A_1088, %swap3A_1089], %concatenate3A {strides = array<i32>} : memref<61440x128xf32, #tpu.memory_space<vmem>>, vector<60x128xf32>,
    %swap3A_1091 = arith.constant 15420 : index
    %swap3A_1092 = arith.constant 0 : index
    %swap3A_1093 = vector.load %arg7[%swap3A_1091, %swap3A_1092] : memref<61440x128xf32, #tpu.memory_space<vmem>>, vector<60x128xf32>
    tpu.vector_store %arg7[%swap3A_1091, %swap3A_1092], %concatenate3A {strides = array<i32>} : memref<61440x128xf32, #tpu.memory_space<vmem>>, vector<60x128xf32>,
    %swap3A_1094 = arith.constant 15480 : index
    %swap3A_1095 = arith.constant 0 : index
    %swap3A_1096 = vector.load %arg7[%swap3A_1094, %swap3A_1095] : memref<61440x128xf32, #tpu.memory_space<vmem>>, vector<60x128xf32>
    tpu.vector_store %arg7[%swap3A_1094, %swap3A_1095], %concatenate3A {strides = array<i32>} : memref<61440x128xf32, #tpu.memory_space<vmem>>, vector<60x128xf32>,
    %swap3A_1097 = arith.constant 15540 : index
    %swap3A_1098 = arith.constant 0 : index
    %swap3A_1099 = vector.load %arg7[%swap3A_1097, %swap3A_1098] : memref<61440x128xf32, #tpu.memory_space<vmem>>, vector<60x128xf32>
    tpu.vector_store %arg7[%swap3A_1097, %swap3A_1098], %concatenate3A {strides = array<i32>} : memref<61440x128xf32, #tpu.memory_space<vmem>>, vector<60x128xf32>,
    %swap3A_1100 = arith.constant 15600 : index
    %swap3A_1101 = arith.constant 0 : index
    %swap3A_1102 = vector.load %arg7[%swap3A_1100, %swap3A_1101] : memref<61440x128xf32, #tpu.memory_space<vmem>>, vector<60x128xf32>
    tpu.vector_store %arg7[%swap3A_1100, %swap3A_1101], %concatenate3A {strides = array<i32>} : memref<61440x128xf32, #tpu.memory_space<vmem>>, vector<60x128xf32>,
    %swap3A_1103 = arith.constant 15660 : index
    %swap3A_1104 = arith.constant 0 : index
    %swap3A_1105 = vector.load %arg7[%swap3A_1103, %swap3A_1104] : memref<61440x128xf32, #tpu.memory_space<vmem>>, vector<60x128xf32>
    tpu.vector_store %arg7[%swap3A_1103, %swap3A_1104], %concatenate3A {strides = array<i32>} : memref<61440x128xf32, #tpu.memory_space<vmem>>, vector<60x128xf32>,
    %swap3A_1106 = arith.constant 15720 : index
    %swap3A_1107 = arith.constant 0 : index
    %swap3A_1108 = vector.load %arg7[%swap3A_1106, %swap3A_1107] : memref<61440x128xf32, #tpu.memory_space<vmem>>, vector<60x128xf32>
    tpu.vector_store %arg7[%swap3A_1106, %swap3A_1107], %concatenate3A {strides = array<i32>} : memref<61440x128xf32, #tpu.memory_space<vmem>>, vector<60x128xf32>,
    %swap3A_1109 = arith.constant 15780 : index
    %swap3A_1110 = arith.constant 0 : index
    %swap3A_1111 = vector.load %arg7[%swap3A_1109, %swap3A_1110] : memref<61440x128xf32, #tpu.memory_space<vmem>>, vector<60x128xf32>
    tpu.vector_store %arg7[%swap3A_1109, %swap3A_1110], %concatenate3A {strides = array<i32>} : memref<61440x128xf32, #tpu.memory_space<vmem>>, vector<60x128xf32>,
    %swap3A_1112 = arith.constant 15840 : index
    %swap3A_1113 = arith.constant 0 : index
    %swap3A_1114 = vector.load %arg7[%swap3A_1112, %swap3A_1113] : memref<61440x128xf32, #tpu.memory_space<vmem>>, vector<60x128xf32>
    tpu.vector_store %arg7[%swap3A_1112, %swap3A_1113], %concatenate3A {strides = array<i32>} : memref<61440x128xf32, #tpu.memory_space<vmem>>, vector<60x128xf32>,
    %swap3A_1115 = arith.constant 15900 : index
    %swap3A_1116 = arith.constant 0 : index
    %swap3A_1117 = vector.load %arg7[%swap3A_1115, %swap3A_1116] : memref<61440x128xf32, #tpu.memory_space<vmem>>, vector<60x128xf32>
    tpu.vector_store %arg7[%swap3A_1115, %swap3A_1116], %concatenate3A {strides = array<i32>} : memref<61440x128xf32, #tpu.memory_space<vmem>>, vector<60x128xf32>,
    %swap3A_1118 = arith.constant 15960 : index
    %swap3A_1119 = arith.constant 0 : index
    %swap3A_1120 = vector.load %arg7[%swap3A_1118, %swap3A_1119] : memref<61440x128xf32, #tpu.memory_space<vmem>>, vector<60x128xf32>
    tpu.vector_store %arg7[%swap3A_1118, %swap3A_1119], %concatenate3A {strides = array<i32>} : memref<61440x128xf32, #tpu.memory_space<vmem>>, vector<60x128xf32>,
    %swap3A_1121 = arith.constant 16020 : index
    %swap3A_1122 = arith.constant 0 : index
    %swap3A_1123 = vector.load %arg7[%swap3A_1121, %swap3A_1122] : memref<61440x128xf32, #tpu.memory_space<vmem>>, vector<60x128xf32>
    tpu.vector_store %arg7[%swap3A_1121, %swap3A_1122], %concatenate3A {strides = array<i32>} : memref<61440x128xf32, #tpu.memory_space<vmem>>, vector<60x128xf32>,
    %swap3A_1124 = arith.constant 16080 : index
    %swap3A_1125 = arith.constant 0 : index
    %swap3A_1126 = vector.load %arg7[%swap3A_1124, %swap3A_1125] : memref<61440x128xf32, #tpu.memory_space<vmem>>, vector<60x128xf32>
    tpu.vector_store %arg7[%swap3A_1124, %swap3A_1125], %concatenate3A {strides = array<i32>} : memref<61440x128xf32, #tpu.memory_space<vmem>>, vector<60x128xf32>,
    %swap3A_1127 = arith.constant 16140 : index
    %swap3A_1128 = arith.constant 0 : index
    %swap3A_1129 = vector.load %arg7[%swap3A_1127, %swap3A_1128] : memref<61440x128xf32, #tpu.memory_space<vmem>>, vector<60x128xf32>
    tpu.vector_store %arg7[%swap3A_1127, %swap3A_1128], %concatenate3A {strides = array<i32>} : memref<61440x128xf32, #tpu.memory_space<vmem>>, vector<60x128xf32>,
    %swap3A_1130 = arith.constant 16200 : index
    %swap3A_1131 = arith.constant 0 : index
    %swap3A_1132 = vector.load %arg7[%swap3A_1130, %swap3A_1131] : memref<61440x128xf32, #tpu.memory_space<vmem>>, vector<60x128xf32>
    tpu.vector_store %arg7[%swap3A_1130, %swap3A_1131], %concatenate3A {strides = array<i32>} : memref<61440x128xf32, #tpu.memory_space<vmem>>, vector<60x128xf32>,
    %swap3A_1133 = arith.constant 16260 : index
    %swap3A_1134 = arith.constant 0 : index
    %swap3A_1135 = vector.load %arg7[%swap3A_1133, %swap3A_1134] : memref<61440x128xf32, #tpu.memory_space<vmem>>, vector<60x128xf32>
    tpu.vector_store %arg7[%swap3A_1133, %swap3A_1134], %concatenate3A {strides = array<i32>} : memref<61440x128xf32, #tpu.memory_space<vmem>>, vector<60x128xf32>,
    %swap3A_1136 = arith.constant 16320 : index
    %swap3A_1137 = arith.constant 0 : index
    %swap3A_1138 = vector.load %arg7[%swap3A_1136, %swap3A_1137] : memref<61440x128xf32, #tpu.memory_space<vmem>>, vector<60x128xf32>
    tpu.vector_store %arg7[%swap3A_1136, %swap3A_1137], %concatenate3A {strides = array<i32>} : memref<61440x128xf32, #tpu.memory_space<vmem>>, vector<60x128xf32>,
    %swap3A_1139 = arith.constant 16380 : index
    %swap3A_1140 = arith.constant 0 : index
    %swap3A_1141 = vector.load %arg7[%swap3A_1139, %swap3A_1140] : memref<61440x128xf32, #tpu.memory_space<vmem>>, vector<60x128xf32>
    tpu.vector_store %arg7[%swap3A_1139, %swap3A_1140], %concatenate3A {strides = array<i32>} : memref<61440x128xf32, #tpu.memory_space<vmem>>, vector<60x128xf32>,
    %swap3A_1142 = arith.constant 16440 : index
    %swap3A_1143 = arith.constant 0 : index
    %swap3A_1144 = vector.load %arg7[%swap3A_1142, %swap3A_1143] : memref<61440x128xf32, #tpu.memory_space<vmem>>, vector<60x128xf32>
    tpu.vector_store %arg7[%swap3A_1142, %swap3A_1143], %concatenate3A {strides = array<i32>} : memref<61440x128xf32, #tpu.memory_space<vmem>>, vector<60x128xf32>,
    %swap3A_1145 = arith.constant 16500 : index
    %swap3A_1146 = arith.constant 0 : index
    %swap3A_1147 = vector.load %arg7[%swap3A_1145, %swap3A_1146] : memref<61440x128xf32, #tpu.memory_space<vmem>>, vector<60x128xf32>
    tpu.vector_store %arg7[%swap3A_1145, %swap3A_1146], %concatenate3A {strides = array<i32>} : memref<61440x128xf32, #tpu.memory_space<vmem>>, vector<60x128xf32>,
    %swap3A_1148 = arith.constant 16560 : index
    %swap3A_1149 = arith.constant 0 : index
    %swap3A_1150 = vector.load %arg7[%swap3A_1148, %swap3A_1149] : memref<61440x128xf32, #tpu.memory_space<vmem>>, vector<60x128xf32>
    tpu.vector_store %arg7[%swap3A_1148, %swap3A_1149], %concatenate3A {strides = array<i32>} : memref<61440x128xf32, #tpu.memory_space<vmem>>, vector<60x128xf32>,
    %swap3A_1151 = arith.constant 16620 : index
    %swap3A_1152 = arith.constant 0 : index
    %swap3A_1153 = vector.load %arg7[%swap3A_1151, %swap3A_1152] : memref<61440x128xf32, #tpu.memory_space<vmem>>, vector<60x128xf32>
    tpu.vector_store %arg7[%swap3A_1151, %swap3A_1152], %concatenate3A {strides = array<i32>} : memref<61440x128xf32, #tpu.memory_space<vmem>>, vector<60x128xf32>,
    %swap3A_1154 = arith.constant 16680 : index
    %swap3A_1155 = arith.constant 0 : index
    %swap3A_1156 = vector.load %arg7[%swap3A_1154, %swap3A_1155] : memref<61440x128xf32, #tpu.memory_space<vmem>>, vector<60x128xf32>
    tpu.vector_store %arg7[%swap3A_1154, %swap3A_1155], %concatenate3A {strides = array<i32>} : memref<61440x128xf32, #tpu.memory_space<vmem>>, vector<60x128xf32>,
    %swap3A_1157 = arith.constant 16740 : index
    %swap3A_1158 = arith.constant 0 : index
    %swap3A_1159 = vector.load %arg7[%swap3A_1157, %swap3A_1158] : memref<61440x128xf32, #tpu.memory_space<vmem>>, vector<60x128xf32>
    tpu.vector_store %arg7[%swap3A_1157, %swap3A_1158], %concatenate3A {strides = array<i32>} : memref<61440x128xf32, #tpu.memory_space<vmem>>, vector<60x128xf32>,
    %swap3A_1160 = arith.constant 16800 : index
    %swap3A_1161 = arith.constant 0 : index
    %swap3A_1162 = vector.load %arg7[%swap3A_1160, %swap3A_1161] : memref<61440x128xf32, #tpu.memory_space<vmem>>, vector<60x128xf32>
    tpu.vector_store %arg7[%swap3A_1160, %swap3A_1161], %concatenate3A {strides = array<i32>} : memref<61440x128xf32, #tpu.memory_space<vmem>>, vector<60x128xf32>,
    %swap3A_1163 = arith.constant 16860 : index
    %swap3A_1164 = arith.constant 0 : index
    %swap3A_1165 = vector.load %arg7[%swap3A_1163, %swap3A_1164] : memref<61440x128xf32, #tpu.memory_space<vmem>>, vector<60x128xf32>
    tpu.vector_store %arg7[%swap3A_1163, %swap3A_1164], %concatenate3A {strides = array<i32>} : memref<61440x128xf32, #tpu.memory_space<vmem>>, vector<60x128xf32>,
    %swap3A_1166 = arith.constant 16920 : index
    %swap3A_1167 = arith.constant 0 : index
    %swap3A_1168 = vector.load %arg7[%swap3A_1166, %swap3A_1167] : memref<61440x128xf32, #tpu.memory_space<vmem>>, vector<60x128xf32>
    tpu.vector_store %arg7[%swap3A_1166, %swap3A_1167], %concatenate3A {strides = array<i32>} : memref<61440x128xf32, #tpu.memory_space<vmem>>, vector<60x128xf32>,
    %swap3A_1169 = arith.constant 16980 : index
    %swap3A_1170 = arith.constant 0 : index
    %swap3A_1171 = vector.load %arg7[%swap3A_1169, %swap3A_1170] : memref<61440x128xf32, #tpu.memory_space<vmem>>, vector<60x128xf32>
    tpu.vector_store %arg7[%swap3A_1169, %swap3A_1170], %concatenate3A {strides = array<i32>} : memref<61440x128xf32, #tpu.memory_space<vmem>>, vector<60x128xf32>,
    %swap3A_1172 = arith.constant 17040 : index
    %swap3A_1173 = arith.constant 0 : index
    %swap3A_1174 = vector.load %arg7[%swap3A_1172, %swap3A_1173] : memref<61440x128xf32, #tpu.memory_space<vmem>>, vector<60x128xf32>
    tpu.vector_store %arg7[%swap3A_1172, %swap3A_1173], %concatenate3A {strides = array<i32>} : memref<61440x128xf32, #tpu.memory_space<vmem>>, vector<60x128xf32>,
    %swap3A_1175 = arith.constant 17100 : index
    %swap3A_1176 = arith.constant 0 : index
    %swap3A_1177 = vector.load %arg7[%swap3A_1175, %swap3A_1176] : memref<61440x128xf32, #tpu.memory_space<vmem>>, vector<60x128xf32>
    tpu.vector_store %arg7[%swap3A_1175, %swap3A_1176], %concatenate3A {strides = array<i32>} : memref<61440x128xf32, #tpu.memory_space<vmem>>, vector<60x128xf32>,
    %swap3A_1178 = arith.constant 17160 : index
    %swap3A_1179 = arith.constant 0 : index
    %swap3A_1180 = vector.load %arg7[%swap3A_1178, %swap3A_1179] : memref<61440x128xf32, #tpu.memory_space<vmem>>, vector<60x128xf32>
    tpu.vector_store %arg7[%swap3A_1178, %swap3A_1179], %concatenate3A {strides = array<i32>} : memref<61440x128xf32, #tpu.memory_space<vmem>>, vector<60x128xf32>,
    %swap3A_1181 = arith.constant 17220 : index
    %swap3A_1182 = arith.constant 0 : index
    %swap3A_1183 = vector.load %arg7[%swap3A_1181, %swap3A_1182] : memref<61440x128xf32, #tpu.memory_space<vmem>>, vector<60x128xf32>
    tpu.vector_store %arg7[%swap3A_1181, %swap3A_1182], %concatenate3A {strides = array<i32>} : memref<61440x128xf32, #tpu.memory_space<vmem>>, vector<60x128xf32>,
    %swap3A_1184 = arith.constant 17280 : index
    %swap3A_1185 = arith.constant 0 : index
    %swap3A_1186 = vector.load %arg7[%swap3A_1184, %swap3A_1185] : memref<61440x128xf32, #tpu.memory_space<vmem>>, vector<60x128xf32>
    tpu.vector_store %arg7[%swap3A_1184, %swap3A_1185], %concatenate3A {strides = array<i32>} : memref<61440x128xf32, #tpu.memory_space<vmem>>, vector<60x128xf32>,
    %swap3A_1187 = arith.constant 17340 : index
    %swap3A_1188 = arith.constant 0 : index
    %swap3A_1189 = vector.load %arg7[%swap3A_1187, %swap3A_1188] : memref<61440x128xf32, #tpu.memory_space<vmem>>, vector<60x128xf32>
    tpu.vector_store %arg7[%swap3A_1187, %swap3A_1188], %concatenate3A {strides = array<i32>} : memref<61440x128xf32, #tpu.memory_space<vmem>>, vector<60x128xf32>,
    %swap3A_1190 = arith.constant 17400 : index
    %swap3A_1191 = arith.constant 0 : index
    %swap3A_1192 = vector.load %arg7[%swap3A_1190, %swap3A_1191] : memref<61440x128xf32, #tpu.memory_space<vmem>>, vector<60x128xf32>
    tpu.vector_store %arg7[%swap3A_1190, %swap3A_1191], %concatenate3A {strides = array<i32>} : memref<61440x128xf32, #tpu.memory_space<vmem>>, vector<60x128xf32>,
    %swap3A_1193 = arith.constant 17460 : index
    %swap3A_1194 = arith.constant 0 : index
    %swap3A_1195 = vector.load %arg7[%swap3A_1193, %swap3A_1194] : memref<61440x128xf32, #tpu.memory_space<vmem>>, vector<60x128xf32>
    tpu.vector_store %arg7[%swap3A_1193, %swap3A_1194], %concatenate3A {strides = array<i32>} : memref<61440x128xf32, #tpu.memory_space<vmem>>, vector<60x128xf32>,
    %swap3A_1196 = arith.constant 17520 : index
    %swap3A_1197 = arith.constant 0 : index
    %swap3A_1198 = vector.load %arg7[%swap3A_1196, %swap3A_1197] : memref<61440x128xf32, #tpu.memory_space<vmem>>, vector<60x128xf32>
    tpu.vector_store %arg7[%swap3A_1196, %swap3A_1197], %concatenate3A {strides = array<i32>} : memref<61440x128xf32, #tpu.memory_space<vmem>>, vector<60x128xf32>,
    %swap3A_1199 = arith.constant 17580 : index
    %swap3A_1200 = arith.constant 0 : index
    %swap3A_1201 = vector.load %arg7[%swap3A_1199, %swap3A_1200] : memref<61440x128xf32, #tpu.memory_space<vmem>>, vector<60x128xf32>
    tpu.vector_store %arg7[%swap3A_1199, %swap3A_1200], %concatenate3A {strides = array<i32>} : memref<61440x128xf32, #tpu.memory_space<vmem>>, vector<60x128xf32>,
    %swap3A_1202 = arith.constant 17640 : index
    %swap3A_1203 = arith.constant 0 : index
    %swap3A_1204 = vector.load %arg7[%swap3A_1202, %swap3A_1203] : memref<61440x128xf32, #tpu.memory_space<vmem>>, vector<60x128xf32>
    tpu.vector_store %arg7[%swap3A_1202, %swap3A_1203], %concatenate3A {strides = array<i32>} : memref<61440x128xf32, #tpu.memory_space<vmem>>, vector<60x128xf32>,
    %swap3A_1205 = arith.constant 17700 : index
    %swap3A_1206 = arith.constant 0 : index
    %swap3A_1207 = vector.load %arg7[%swap3A_1205, %swap3A_1206] : memref<61440x128xf32, #tpu.memory_space<vmem>>, vector<60x128xf32>
    tpu.vector_store %arg7[%swap3A_1205, %swap3A_1206], %concatenate3A {strides = array<i32>} : memref<61440x128xf32, #tpu.memory_space<vmem>>, vector<60x128xf32>,
    %swap3A_1208 = arith.constant 17760 : index
    %swap3A_1209 = arith.constant 0 : index
    %swap3A_1210 = vector.load %arg7[%swap3A_1208, %swap3A_1209] : memref<61440x128xf32, #tpu.memory_space<vmem>>, vector<60x128xf32>
    tpu.vector_store %arg7[%swap3A_1208, %swap3A_1209], %concatenate3A {strides = array<i32>} : memref<61440x128xf32, #tpu.memory_space<vmem>>, vector<60x128xf32>,
    %swap3A_1211 = arith.constant 17820 : index
    %swap3A_1212 = arith.constant 0 : index
    %swap3A_1213 = vector.load %arg7[%swap3A_1211, %swap3A_1212] : memref<61440x128xf32, #tpu.memory_space<vmem>>, vector<60x128xf32>
    tpu.vector_store %arg7[%swap3A_1211, %swap3A_1212], %concatenate3A {strides = array<i32>} : memref<61440x128xf32, #tpu.memory_space<vmem>>, vector<60x128xf32>,
    %swap3A_1214 = arith.constant 17880 : index
    %swap3A_1215 = arith.constant 0 : index
    %swap3A_1216 = vector.load %arg7[%swap3A_1214, %swap3A_1215] : memref<61440x128xf32, #tpu.memory_space<vmem>>, vector<60x128xf32>
    tpu.vector_store %arg7[%swap3A_1214, %swap3A_1215], %concatenate3A {strides = array<i32>} : memref<61440x128xf32, #tpu.memory_space<vmem>>, vector<60x128xf32>,
    %swap3A_1217 = arith.constant 17940 : index
    %swap3A_1218 = arith.constant 0 : index
    %swap3A_1219 = vector.load %arg7[%swap3A_1217, %swap3A_1218] : memref<61440x128xf32, #tpu.memory_space<vmem>>, vector<60x128xf32>
    tpu.vector_store %arg7[%swap3A_1217, %swap3A_1218], %concatenate3A {strides = array<i32>} : memref<61440x128xf32, #tpu.memory_space<vmem>>, vector<60x128xf32>,
    %swap3A_1220 = arith.constant 18000 : index
    %swap3A_1221 = arith.constant 0 : index
    %swap3A_1222 = vector.load %arg7[%swap3A_1220, %swap3A_1221] : memref<61440x128xf32, #tpu.memory_space<vmem>>, vector<60x128xf32>
    tpu.vector_store %arg7[%swap3A_1220, %swap3A_1221], %concatenate3A {strides = array<i32>} : memref<61440x128xf32, #tpu.memory_space<vmem>>, vector<60x128xf32>,
    %swap3A_1223 = arith.constant 18060 : index
    %swap3A_1224 = arith.constant 0 : index
    %swap3A_1225 = vector.load %arg7[%swap3A_1223, %swap3A_1224] : memref<61440x128xf32, #tpu.memory_space<vmem>>, vector<60x128xf32>
    tpu.vector_store %arg7[%swap3A_1223, %swap3A_1224], %concatenate3A {strides = array<i32>} : memref<61440x128xf32, #tpu.memory_space<vmem>>, vector<60x128xf32>,
    %swap3A_1226 = arith.constant 18120 : index
    %swap3A_1227 = arith.constant 0 : index
    %swap3A_1228 = vector.load %arg7[%swap3A_1226, %swap3A_1227] : memref<61440x128xf32, #tpu.memory_space<vmem>>, vector<60x128xf32>
    tpu.vector_store %arg7[%swap3A_1226, %swap3A_1227], %concatenate3A {strides = array<i32>} : memref<61440x128xf32, #tpu.memory_space<vmem>>, vector<60x128xf32>,
    %swap3A_1229 = arith.constant 18180 : index
    %swap3A_1230 = arith.constant 0 : index
    %swap3A_1231 = vector.load %arg7[%swap3A_1229, %swap3A_1230] : memref<61440x128xf32, #tpu.memory_space<vmem>>, vector<60x128xf32>
    tpu.vector_store %arg7[%swap3A_1229, %swap3A_1230], %concatenate3A {strides = array<i32>} : memref<61440x128xf32, #tpu.memory_space<vmem>>, vector<60x128xf32>,
    %swap3A_1232 = arith.constant 18240 : index
    %swap3A_1233 = arith.constant 0 : index
    %swap3A_1234 = vector.load %arg7[%swap3A_1232, %swap3A_1233] : memref<61440x128xf32, #tpu.memory_space<vmem>>, vector<60x128xf32>
    tpu.vector_store %arg7[%swap3A_1232, %swap3A_1233], %concatenate3A {strides = array<i32>} : memref<61440x128xf32, #tpu.memory_space<vmem>>, vector<60x128xf32>,
    %swap3A_1235 = arith.constant 18300 : index
    %swap3A_1236 = arith.constant 0 : index
    %swap3A_1237 = vector.load %arg7[%swap3A_1235, %swap3A_1236] : memref<61440x128xf32, #tpu.memory_space<vmem>>, vector<60x128xf32>
    tpu.vector_store %arg7[%swap3A_1235, %swap3A_1236], %concatenate3A {strides = array<i32>} : memref<61440x128xf32, #tpu.memory_space<vmem>>, vector<60x128xf32>,
    %swap3A_1238 = arith.constant 18360 : index
    %swap3A_1239 = arith.constant 0 : index
    %swap3A_1240 = vector.load %arg7[%swap3A_1238, %swap3A_1239] : memref<61440x128xf32, #tpu.memory_space<vmem>>, vector<60x128xf32>
    tpu.vector_store %arg7[%swap3A_1238, %swap3A_1239], %concatenate3A {strides = array<i32>} : memref<61440x128xf32, #tpu.memory_space<vmem>>, vector<60x128xf32>,
    %swap3A_1241 = arith.constant 18420 : index
    %swap3A_1242 = arith.constant 0 : index
    %swap3A_1243 = vector.load %arg7[%swap3A_1241, %swap3A_1242] : memref<61440x128xf32, #tpu.memory_space<vmem>>, vector<60x128xf32>
    tpu.vector_store %arg7[%swap3A_1241, %swap3A_1242], %concatenate3A {strides = array<i32>} : memref<61440x128xf32, #tpu.memory_space<vmem>>, vector<60x128xf32>,
    %swap3A_1244 = arith.constant 18480 : index
    %swap3A_1245 = arith.constant 0 : index
    %swap3A_1246 = vector.load %arg7[%swap3A_1244, %swap3A_1245] : memref<61440x128xf32, #tpu.memory_space<vmem>>, vector<60x128xf32>
    tpu.vector_store %arg7[%swap3A_1244, %swap3A_1245], %concatenate3A {strides = array<i32>} : memref<61440x128xf32, #tpu.memory_space<vmem>>, vector<60x128xf32>,
    %swap3A_1247 = arith.constant 18540 : index
    %swap3A_1248 = arith.constant 0 : index
    %swap3A_1249 = vector.load %arg7[%swap3A_1247, %swap3A_1248] : memref<61440x128xf32, #tpu.memory_space<vmem>>, vector<60x128xf32>
    tpu.vector_store %arg7[%swap3A_1247, %swap3A_1248], %concatenate3A {strides = array<i32>} : memref<61440x128xf32, #tpu.memory_space<vmem>>, vector<60x128xf32>,
    %swap3A_1250 = arith.constant 18600 : index
    %swap3A_1251 = arith.constant 0 : index
    %swap3A_1252 = vector.load %arg7[%swap3A_1250, %swap3A_1251] : memref<61440x128xf32, #tpu.memory_space<vmem>>, vector<60x128xf32>
    tpu.vector_store %arg7[%swap3A_1250, %swap3A_1251], %concatenate3A {strides = array<i32>} : memref<61440x128xf32, #tpu.memory_space<vmem>>, vector<60x128xf32>,
    %swap3A_1253 = arith.constant 18660 : index
    %swap3A_1254 = arith.constant 0 : index
    %swap3A_1255 = vector.load %arg7[%swap3A_1253, %swap3A_1254] : memref<61440x128xf32, #tpu.memory_space<vmem>>, vector<60x128xf32>
    tpu.vector_store %arg7[%swap3A_1253, %swap3A_1254], %concatenate3A {strides = array<i32>} : memref<61440x128xf32, #tpu.memory_space<vmem>>, vector<60x128xf32>,
    %swap3A_1256 = arith.constant 18720 : index
    %swap3A_1257 = arith.constant 0 : index
    %swap3A_1258 = vector.load %arg7[%swap3A_1256, %swap3A_1257] : memref<61440x128xf32, #tpu.memory_space<vmem>>, vector<60x128xf32>
    tpu.vector_store %arg7[%swap3A_1256, %swap3A_1257], %concatenate3A {strides = array<i32>} : memref<61440x128xf32, #tpu.memory_space<vmem>>, vector<60x128xf32>,
    %swap3A_1259 = arith.constant 18780 : index
    %swap3A_1260 = arith.constant 0 : index
    %swap3A_1261 = vector.load %arg7[%swap3A_1259, %swap3A_1260] : memref<61440x128xf32, #tpu.memory_space<vmem>>, vector<60x128xf32>
    tpu.vector_store %arg7[%swap3A_1259, %swap3A_1260], %concatenate3A {strides = array<i32>} : memref<61440x128xf32, #tpu.memory_space<vmem>>, vector<60x128xf32>,
    %swap3A_1262 = arith.constant 18840 : index
    %swap3A_1263 = arith.constant 0 : index
    %swap3A_1264 = vector.load %arg7[%swap3A_1262, %swap3A_1263] : memref<61440x128xf32, #tpu.memory_space<vmem>>, vector<60x128xf32>
    tpu.vector_store %arg7[%swap3A_1262, %swap3A_1263], %concatenate3A {strides = array<i32>} : memref<61440x128xf32, #tpu.memory_space<vmem>>, vector<60x128xf32>,
    %swap3A_1265 = arith.constant 18900 : index
    %swap3A_1266 = arith.constant 0 : index
    %swap3A_1267 = vector.load %arg7[%swap3A_1265, %swap3A_1266] : memref<61440x128xf32, #tpu.memory_space<vmem>>, vector<60x128xf32>
    tpu.vector_store %arg7[%swap3A_1265, %swap3A_1266], %concatenate3A {strides = array<i32>} : memref<61440x128xf32, #tpu.memory_space<vmem>>, vector<60x128xf32>,
    %swap3A_1268 = arith.constant 18960 : index
    %swap3A_1269 = arith.constant 0 : index
    %swap3A_1270 = vector.load %arg7[%swap3A_1268, %swap3A_1269] : memref<61440x128xf32, #tpu.memory_space<vmem>>, vector<60x128xf32>
    tpu.vector_store %arg7[%swap3A_1268, %swap3A_1269], %concatenate3A {strides = array<i32>} : memref<61440x128xf32, #tpu.memory_space<vmem>>, vector<60x128xf32>,
    %swap3A_1271 = arith.constant 19020 : index
    %swap3A_1272 = arith.constant 0 : index
    %swap3A_1273 = vector.load %arg7[%swap3A_1271, %swap3A_1272] : memref<61440x128xf32, #tpu.memory_space<vmem>>, vector<60x128xf32>
    tpu.vector_store %arg7[%swap3A_1271, %swap3A_1272], %concatenate3A {strides = array<i32>} : memref<61440x128xf32, #tpu.memory_space<vmem>>, vector<60x128xf32>,
    %swap3A_1274 = arith.constant 19080 : index
    %swap3A_1275 = arith.constant 0 : index
    %swap3A_1276 = vector.load %arg7[%swap3A_1274, %swap3A_1275] : memref<61440x128xf32, #tpu.memory_space<vmem>>, vector<60x128xf32>
    tpu.vector_store %arg7[%swap3A_1274, %swap3A_1275], %concatenate3A {strides = array<i32>} : memref<61440x128xf32, #tpu.memory_space<vmem>>, vector<60x128xf32>,
    %swap3A_1277 = arith.constant 19140 : index
    %swap3A_1278 = arith.constant 0 : index
    %swap3A_1279 = vector.load %arg7[%swap3A_1277, %swap3A_1278] : memref<61440x128xf32, #tpu.memory_space<vmem>>, vector<60x128xf32>
    tpu.vector_store %arg7[%swap3A_1277, %swap3A_1278], %concatenate3A {strides = array<i32>} : memref<61440x128xf32, #tpu.memory_space<vmem>>, vector<60x128xf32>,
    %swap3A_1280 = arith.constant 19200 : index
    %swap3A_1281 = arith.constant 0 : index
    %swap3A_1282 = vector.load %arg7[%swap3A_1280, %swap3A_1281] : memref<61440x128xf32, #tpu.memory_space<vmem>>, vector<60x128xf32>
    tpu.vector_store %arg7[%swap3A_1280, %swap3A_1281], %concatenate3A {strides = array<i32>} : memref<61440x128xf32, #tpu.memory_space<vmem>>, vector<60x128xf32>,
    %swap3A_1283 = arith.constant 19260 : index
    %swap3A_1284 = arith.constant 0 : index
    %swap3A_1285 = vector.load %arg7[%swap3A_1283, %swap3A_1284] : memref<61440x128xf32, #tpu.memory_space<vmem>>, vector<60x128xf32>
    tpu.vector_store %arg7[%swap3A_1283, %swap3A_1284], %concatenate3A {strides = array<i32>} : memref<61440x128xf32, #tpu.memory_space<vmem>>, vector<60x128xf32>,
    %swap3A_1286 = arith.constant 19320 : index
    %swap3A_1287 = arith.constant 0 : index
    %swap3A_1288 = vector.load %arg7[%swap3A_1286, %swap3A_1287] : memref<61440x128xf32, #tpu.memory_space<vmem>>, vector<60x128xf32>
    tpu.vector_store %arg7[%swap3A_1286, %swap3A_1287], %concatenate3A {strides = array<i32>} : memref<61440x128xf32, #tpu.memory_space<vmem>>, vector<60x128xf32>,
    %swap3A_1289 = arith.constant 19380 : index
    %swap3A_1290 = arith.constant 0 : index
    %swap3A_1291 = vector.load %arg7[%swap3A_1289, %swap3A_1290] : memref<61440x128xf32, #tpu.memory_space<vmem>>, vector<60x128xf32>
    tpu.vector_store %arg7[%swap3A_1289, %swap3A_1290], %concatenate3A {strides = array<i32>} : memref<61440x128xf32, #tpu.memory_space<vmem>>, vector<60x128xf32>,
    %swap3A_1292 = arith.constant 19440 : index
    %swap3A_1293 = arith.constant 0 : index
    %swap3A_1294 = vector.load %arg7[%swap3A_1292, %swap3A_1293] : memref<61440x128xf32, #tpu.memory_space<vmem>>, vector<60x128xf32>
    tpu.vector_store %arg7[%swap3A_1292, %swap3A_1293], %concatenate3A {strides = array<i32>} : memref<61440x128xf32, #tpu.memory_space<vmem>>, vector<60x128xf32>,
    %swap3A_1295 = arith.constant 19500 : index
    %swap3A_1296 = arith.constant 0 : index
    %swap3A_1297 = vector.load %arg7[%swap3A_1295, %swap3A_1296] : memref<61440x128xf32, #tpu.memory_space<vmem>>, vector<60x128xf32>
    tpu.vector_store %arg7[%swap3A_1295, %swap3A_1296], %concatenate3A {strides = array<i32>} : memref<61440x128xf32, #tpu.memory_space<vmem>>, vector<60x128xf32>,
    %swap3A_1298 = arith.constant 19560 : index
    %swap3A_1299 = arith.constant 0 : index
    %swap3A_1300 = vector.load %arg7[%swap3A_1298, %swap3A_1299] : memref<61440x128xf32, #tpu.memory_space<vmem>>, vector<60x128xf32>
    tpu.vector_store %arg7[%swap3A_1298, %swap3A_1299], %concatenate3A {strides = array<i32>} : memref<61440x128xf32, #tpu.memory_space<vmem>>, vector<60x128xf32>,
    %swap3A_1301 = arith.constant 19620 : index
    %swap3A_1302 = arith.constant 0 : index
    %swap3A_1303 = vector.load %arg7[%swap3A_1301, %swap3A_1302] : memref<61440x128xf32, #tpu.memory_space<vmem>>, vector<60x128xf32>
    tpu.vector_store %arg7[%swap3A_1301, %swap3A_1302], %concatenate3A {strides = array<i32>} : memref<61440x128xf32, #tpu.memory_space<vmem>>, vector<60x128xf32>,
    %swap3A_1304 = arith.constant 19680 : index
    %swap3A_1305 = arith.constant 0 : index
    %swap3A_1306 = vector.load %arg7[%swap3A_1304, %swap3A_1305] : memref<61440x128xf32, #tpu.memory_space<vmem>>, vector<60x128xf32>
    tpu.vector_store %arg7[%swap3A_1304, %swap3A_1305], %concatenate3A {strides = array<i32>} : memref<61440x128xf32, #tpu.memory_space<vmem>>, vector<60x128xf32>,
    %swap3A_1307 = arith.constant 19740 : index
    %swap3A_1308 = arith.constant 0 : index
    %swap3A_1309 = vector.load %arg7[%swap3A_1307, %swap3A_1308] : memref<61440x128xf32, #tpu.memory_space<vmem>>, vector<60x128xf32>
    tpu.vector_store %arg7[%swap3A_1307, %swap3A_1308], %concatenate3A {strides = array<i32>} : memref<61440x128xf32, #tpu.memory_space<vmem>>, vector<60x128xf32>,
    %swap3A_1310 = arith.constant 19800 : index
    %swap3A_1311 = arith.constant 0 : index
    %swap3A_1312 = vector.load %arg7[%swap3A_1310, %swap3A_1311] : memref<61440x128xf32, #tpu.memory_space<vmem>>, vector<60x128xf32>
    tpu.vector_store %arg7[%swap3A_1310, %swap3A_1311], %concatenate3A {strides = array<i32>} : memref<61440x128xf32, #tpu.memory_space<vmem>>, vector<60x128xf32>,
    %swap3A_1313 = arith.constant 19860 : index
    %swap3A_1314 = arith.constant 0 : index
    %swap3A_1315 = vector.load %arg7[%swap3A_1313, %swap3A_1314] : memref<61440x128xf32, #tpu.memory_space<vmem>>, vector<60x128xf32>
    tpu.vector_store %arg7[%swap3A_1313, %swap3A_1314], %concatenate3A {strides = array<i32>} : memref<61440x128xf32, #tpu.memory_space<vmem>>, vector<60x128xf32>,
    %swap3A_1316 = arith.constant 19920 : index
    %swap3A_1317 = arith.constant 0 : index
    %swap3A_1318 = vector.load %arg7[%swap3A_1316, %swap3A_1317] : memref<61440x128xf32, #tpu.memory_space<vmem>>, vector<60x128xf32>
    tpu.vector_store %arg7[%swap3A_1316, %swap3A_1317], %concatenate3A {strides = array<i32>} : memref<61440x128xf32, #tpu.memory_space<vmem>>, vector<60x128xf32>,
    %swap3A_1319 = arith.constant 19980 : index
    %swap3A_1320 = arith.constant 0 : index
    %swap3A_1321 = vector.load %arg7[%swap3A_1319, %swap3A_1320] : memref<61440x128xf32, #tpu.memory_space<vmem>>, vector<60x128xf32>
    tpu.vector_store %arg7[%swap3A_1319, %swap3A_1320], %concatenate3A {strides = array<i32>} : memref<61440x128xf32, #tpu.memory_space<vmem>>, vector<60x128xf32>,
    %swap3A_1322 = arith.constant 20040 : index
    %swap3A_1323 = arith.constant 0 : index
    %swap3A_1324 = vector.load %arg7[%swap3A_1322, %swap3A_1323] : memref<61440x128xf32, #tpu.memory_space<vmem>>, vector<60x128xf32>
    tpu.vector_store %arg7[%swap3A_1322, %swap3A_1323], %concatenate3A {strides = array<i32>} : memref<61440x128xf32, #tpu.memory_space<vmem>>, vector<60x128xf32>,
    %swap3A_1325 = arith.constant 20100 : index
    %swap3A_1326 = arith.constant 0 : index
    %swap3A_1327 = vector.load %arg7[%swap3A_1325, %swap3A_1326] : memref<61440x128xf32, #tpu.memory_space<vmem>>, vector<60x128xf32>
    tpu.vector_store %arg7[%swap3A_1325, %swap3A_1326], %concatenate3A {strides = array<i32>} : memref<61440x128xf32, #tpu.memory_space<vmem>>, vector<60x128xf32>,
    %swap3A_1328 = arith.constant 20160 : index
    %swap3A_1329 = arith.constant 0 : index
    %swap3A_1330 = vector.load %arg7[%swap3A_1328, %swap3A_1329] : memref<61440x128xf32, #tpu.memory_space<vmem>>, vector<60x128xf32>
    tpu.vector_store %arg7[%swap3A_1328, %swap3A_1329], %concatenate3A {strides = array<i32>} : memref<61440x128xf32, #tpu.memory_space<vmem>>, vector<60x128xf32>,
    %swap3A_1331 = arith.constant 20220 : index
    %swap3A_1332 = arith.constant 0 : index
    %swap3A_1333 = vector.load %arg7[%swap3A_1331, %swap3A_1332] : memref<61440x128xf32, #tpu.memory_space<vmem>>, vector<60x128xf32>
    tpu.vector_store %arg7[%swap3A_1331, %swap3A_1332], %concatenate3A {strides = array<i32>} : memref<61440x128xf32, #tpu.memory_space<vmem>>, vector<60x128xf32>,
    %swap3A_1334 = arith.constant 20280 : index
    %swap3A_1335 = arith.constant 0 : index
    %swap3A_1336 = vector.load %arg7[%swap3A_1334, %swap3A_1335] : memref<61440x128xf32, #tpu.memory_space<vmem>>, vector<60x128xf32>
    tpu.vector_store %arg7[%swap3A_1334, %swap3A_1335], %concatenate3A {strides = array<i32>} : memref<61440x128xf32, #tpu.memory_space<vmem>>, vector<60x128xf32>,
    %swap3A_1337 = arith.constant 20340 : index
    %swap3A_1338 = arith.constant 0 : index
    %swap3A_1339 = vector.load %arg7[%swap3A_1337, %swap3A_1338] : memref<61440x128xf32, #tpu.memory_space<vmem>>, vector<60x128xf32>
    tpu.vector_store %arg7[%swap3A_1337, %swap3A_1338], %concatenate3A {strides = array<i32>} : memref<61440x128xf32, #tpu.memory_space<vmem>>, vector<60x128xf32>,
    %swap3A_1340 = arith.constant 20400 : index
    %swap3A_1341 = arith.constant 0 : index
    %swap3A_1342 = vector.load %arg7[%swap3A_1340, %swap3A_1341] : memref<61440x128xf32, #tpu.memory_space<vmem>>, vector<60x128xf32>
    tpu.vector_store %arg7[%swap3A_1340, %swap3A_1341], %concatenate3A {strides = array<i32>} : memref<61440x128xf32, #tpu.memory_space<vmem>>, vector<60x128xf32>,
    %swap3A_1343 = arith.constant 20460 : index
    %swap3A_1344 = arith.constant 0 : index
    %swap3A_1345 = vector.load %arg7[%swap3A_1343, %swap3A_1344] : memref<61440x128xf32, #tpu.memory_space<vmem>>, vector<60x128xf32>
    tpu.vector_store %arg7[%swap3A_1343, %swap3A_1344], %concatenate3A {strides = array<i32>} : memref<61440x128xf32, #tpu.memory_space<vmem>>, vector<60x128xf32>,
    %swap3A_1346 = arith.constant 20520 : index
    %swap3A_1347 = arith.constant 0 : index
    %swap3A_1348 = vector.load %arg7[%swap3A_1346, %swap3A_1347] : memref<61440x128xf32, #tpu.memory_space<vmem>>, vector<60x128xf32>
    tpu.vector_store %arg7[%swap3A_1346, %swap3A_1347], %concatenate3A {strides = array<i32>} : memref<61440x128xf32, #tpu.memory_space<vmem>>, vector<60x128xf32>,
    %swap3A_1349 = arith.constant 20580 : index
    %swap3A_1350 = arith.constant 0 : index
    %swap3A_1351 = vector.load %arg7[%swap3A_1349, %swap3A_1350] : memref<61440x128xf32, #tpu.memory_space<vmem>>, vector<60x128xf32>
    tpu.vector_store %arg7[%swap3A_1349, %swap3A_1350], %concatenate3A {strides = array<i32>} : memref<61440x128xf32, #tpu.memory_space<vmem>>, vector<60x128xf32>,
    %swap3A_1352 = arith.constant 20640 : index
    %swap3A_1353 = arith.constant 0 : index
    %swap3A_1354 = vector.load %arg7[%swap3A_1352, %swap3A_1353] : memref<61440x128xf32, #tpu.memory_space<vmem>>, vector<60x128xf32>
    tpu.vector_store %arg7[%swap3A_1352, %swap3A_1353], %concatenate3A {strides = array<i32>} : memref<61440x128xf32, #tpu.memory_space<vmem>>, vector<60x128xf32>,
    %swap3A_1355 = arith.constant 20700 : index
    %swap3A_1356 = arith.constant 0 : index
    %swap3A_1357 = vector.load %arg7[%swap3A_1355, %swap3A_1356] : memref<61440x128xf32, #tpu.memory_space<vmem>>, vector<60x128xf32>
    tpu.vector_store %arg7[%swap3A_1355, %swap3A_1356], %concatenate3A {strides = array<i32>} : memref<61440x128xf32, #tpu.memory_space<vmem>>, vector<60x128xf32>,
    %swap3A_1358 = arith.constant 20760 : index
    %swap3A_1359 = arith.constant 0 : index
    %swap3A_1360 = vector.load %arg7[%swap3A_1358, %swap3A_1359] : memref<61440x128xf32, #tpu.memory_space<vmem>>, vector<60x128xf32>
    tpu.vector_store %arg7[%swap3A_1358, %swap3A_1359], %concatenate3A {strides = array<i32>} : memref<61440x128xf32, #tpu.memory_space<vmem>>, vector<60x128xf32>,
    %swap3A_1361 = arith.constant 20820 : index
    %swap3A_1362 = arith.constant 0 : index
    %swap3A_1363 = vector.load %arg7[%swap3A_1361, %swap3A_1362] : memref<61440x128xf32, #tpu.memory_space<vmem>>, vector<60x128xf32>
    tpu.vector_store %arg7[%swap3A_1361, %swap3A_1362], %concatenate3A {strides = array<i32>} : memref<61440x128xf32, #tpu.memory_space<vmem>>, vector<60x128xf32>,
    %swap3A_1364 = arith.constant 20880 : index
    %swap3A_1365 = arith.constant 0 : index
    %swap3A_1366 = vector.load %arg7[%swap3A_1364, %swap3A_1365] : memref<61440x128xf32, #tpu.memory_space<vmem>>, vector<60x128xf32>
    tpu.vector_store %arg7[%swap3A_1364, %swap3A_1365], %concatenate3A {strides = array<i32>} : memref<61440x128xf32, #tpu.memory_space<vmem>>, vector<60x128xf32>,
    %swap3A_1367 = arith.constant 20940 : index
    %swap3A_1368 = arith.constant 0 : index
    %swap3A_1369 = vector.load %arg7[%swap3A_1367, %swap3A_1368] : memref<61440x128xf32, #tpu.memory_space<vmem>>, vector<60x128xf32>
    tpu.vector_store %arg7[%swap3A_1367, %swap3A_1368], %concatenate3A {strides = array<i32>} : memref<61440x128xf32, #tpu.memory_space<vmem>>, vector<60x128xf32>,
    %swap3A_1370 = arith.constant 21000 : index
    %swap3A_1371 = arith.constant 0 : index
    %swap3A_1372 = vector.load %arg7[%swap3A_1370, %swap3A_1371] : memref<61440x128xf32, #tpu.memory_space<vmem>>, vector<60x128xf32>
    tpu.vector_store %arg7[%swap3A_1370, %swap3A_1371], %concatenate3A {strides = array<i32>} : memref<61440x128xf32, #tpu.memory_space<vmem>>, vector<60x128xf32>,
    %swap3A_1373 = arith.constant 21060 : index
    %swap3A_1374 = arith.constant 0 : index
    %swap3A_1375 = vector.load %arg7[%swap3A_1373, %swap3A_1374] : memref<61440x128xf32, #tpu.memory_space<vmem>>, vector<60x128xf32>
    tpu.vector_store %arg7[%swap3A_1373, %swap3A_1374], %concatenate3A {strides = array<i32>} : memref<61440x128xf32, #tpu.memory_space<vmem>>, vector<60x128xf32>,
    %swap3A_1376 = arith.constant 21120 : index
    %swap3A_1377 = arith.constant 0 : index
    %swap3A_1378 = vector.load %arg7[%swap3A_1376, %swap3A_1377] : memref<61440x128xf32, #tpu.memory_space<vmem>>, vector<60x128xf32>
    tpu.vector_store %arg7[%swap3A_1376, %swap3A_1377], %concatenate3A {strides = array<i32>} : memref<61440x128xf32, #tpu.memory_space<vmem>>, vector<60x128xf32>,
    %swap3A_1379 = arith.constant 21180 : index
    %swap3A_1380 = arith.constant 0 : index
    %swap3A_1381 = vector.load %arg7[%swap3A_1379, %swap3A_1380] : memref<61440x128xf32, #tpu.memory_space<vmem>>, vector<60x128xf32>
    tpu.vector_store %arg7[%swap3A_1379, %swap3A_1380], %concatenate3A {strides = array<i32>} : memref<61440x128xf32, #tpu.memory_space<vmem>>, vector<60x128xf32>,
    %swap3A_1382 = arith.constant 21240 : index
    %swap3A_1383 = arith.constant 0 : index
    %swap3A_1384 = vector.load %arg7[%swap3A_1382, %swap3A_1383] : memref<61440x128xf32, #tpu.memory_space<vmem>>, vector<60x128xf32>
    tpu.vector_store %arg7[%swap3A_1382, %swap3A_1383], %concatenate3A {strides = array<i32>} : memref<61440x128xf32, #tpu.memory_space<vmem>>, vector<60x128xf32>,
    %swap3A_1385 = arith.constant 21300 : index
    %swap3A_1386 = arith.constant 0 : index
    %swap3A_1387 = vector.load %arg7[%swap3A_1385, %swap3A_1386] : memref<61440x128xf32, #tpu.memory_space<vmem>>, vector<60x128xf32>
    tpu.vector_store %arg7[%swap3A_1385, %swap3A_1386], %concatenate3A {strides = array<i32>} : memref<61440x128xf32, #tpu.memory_space<vmem>>, vector<60x128xf32>,
    %swap3A_1388 = arith.constant 21360 : index
    %swap3A_1389 = arith.constant 0 : index
    %swap3A_1390 = vector.load %arg7[%swap3A_1388, %swap3A_1389] : memref<61440x128xf32, #tpu.memory_space<vmem>>, vector<60x128xf32>
    tpu.vector_store %arg7[%swap3A_1388, %swap3A_1389], %concatenate3A {strides = array<i32>} : memref<61440x128xf32, #tpu.memory_space<vmem>>, vector<60x128xf32>,
    %swap3A_1391 = arith.constant 21420 : index
    %swap3A_1392 = arith.constant 0 : index
    %swap3A_1393 = vector.load %arg7[%swap3A_1391, %swap3A_1392] : memref<61440x128xf32, #tpu.memory_space<vmem>>, vector<60x128xf32>
    tpu.vector_store %arg7[%swap3A_1391, %swap3A_1392], %concatenate3A {strides = array<i32>} : memref<61440x128xf32, #tpu.memory_space<vmem>>, vector<60x128xf32>,
    %swap3A_1394 = arith.constant 21480 : index
    %swap3A_1395 = arith.constant 0 : index
    %swap3A_1396 = vector.load %arg7[%swap3A_1394, %swap3A_1395] : memref<61440x128xf32, #tpu.memory_space<vmem>>, vector<60x128xf32>
    tpu.vector_store %arg7[%swap3A_1394, %swap3A_1395], %concatenate3A {strides = array<i32>} : memref<61440x128xf32, #tpu.memory_space<vmem>>, vector<60x128xf32>,
    %swap3A_1397 = arith.constant 21540 : index
    %swap3A_1398 = arith.constant 0 : index
    %swap3A_1399 = vector.load %arg7[%swap3A_1397, %swap3A_1398] : memref<61440x128xf32, #tpu.memory_space<vmem>>, vector<60x128xf32>
    tpu.vector_store %arg7[%swap3A_1397, %swap3A_1398], %concatenate3A {strides = array<i32>} : memref<61440x128xf32, #tpu.memory_space<vmem>>, vector<60x128xf32>,
    %swap3A_1400 = arith.constant 21600 : index
    %swap3A_1401 = arith.constant 0 : index
    %swap3A_1402 = vector.load %arg7[%swap3A_1400, %swap3A_1401] : memref<61440x128xf32, #tpu.memory_space<vmem>>, vector<60x128xf32>
    tpu.vector_store %arg7[%swap3A_1400, %swap3A_1401], %concatenate3A {strides = array<i32>} : memref<61440x128xf32, #tpu.memory_space<vmem>>, vector<60x128xf32>,
    %swap3A_1403 = arith.constant 21660 : index
    %swap3A_1404 = arith.constant 0 : index
    %swap3A_1405 = vector.load %arg7[%swap3A_1403, %swap3A_1404] : memref<61440x128xf32, #tpu.memory_space<vmem>>, vector<60x128xf32>
    tpu.vector_store %arg7[%swap3A_1403, %swap3A_1404], %concatenate3A {strides = array<i32>} : memref<61440x128xf32, #tpu.memory_space<vmem>>, vector<60x128xf32>,
    %swap3A_1406 = arith.constant 21720 : index
    %swap3A_1407 = arith.constant 0 : index
    %swap3A_1408 = vector.load %arg7[%swap3A_1406, %swap3A_1407] : memref<61440x128xf32, #tpu.memory_space<vmem>>, vector<60x128xf32>
    tpu.vector_store %arg7[%swap3A_1406, %swap3A_1407], %concatenate3A {strides = array<i32>} : memref<61440x128xf32, #tpu.memory_space<vmem>>, vector<60x128xf32>,
    %swap3A_1409 = arith.constant 21780 : index
    %swap3A_1410 = arith.constant 0 : index
    %swap3A_1411 = vector.load %arg7[%swap3A_1409, %swap3A_1410] : memref<61440x128xf32, #tpu.memory_space<vmem>>, vector<60x128xf32>
    tpu.vector_store %arg7[%swap3A_1409, %swap3A_1410], %concatenate3A {strides = array<i32>} : memref<61440x128xf32, #tpu.memory_space<vmem>>, vector<60x128xf32>,
    %swap3A_1412 = arith.constant 21840 : index
    %swap3A_1413 = arith.constant 0 : index
    %swap3A_1414 = vector.load %arg7[%swap3A_1412, %swap3A_1413] : memref<61440x128xf32, #tpu.memory_space<vmem>>, vector<60x128xf32>
    tpu.vector_store %arg7[%swap3A_1412, %swap3A_1413], %concatenate3A {strides = array<i32>} : memref<61440x128xf32, #tpu.memory_space<vmem>>, vector<60x128xf32>,
    %swap3A_1415 = arith.constant 21900 : index
    %swap3A_1416 = arith.constant 0 : index
    %swap3A_1417 = vector.load %arg7[%swap3A_1415, %swap3A_1416] : memref<61440x128xf32, #tpu.memory_space<vmem>>, vector<60x128xf32>
    tpu.vector_store %arg7[%swap3A_1415, %swap3A_1416], %concatenate3A {strides = array<i32>} : memref<61440x128xf32, #tpu.memory_space<vmem>>, vector<60x128xf32>,
    %swap3A_1418 = arith.constant 21960 : index
    %swap3A_1419 = arith.constant 0 : index
    %swap3A_1420 = vector.load %arg7[%swap3A_1418, %swap3A_1419] : memref<61440x128xf32, #tpu.memory_space<vmem>>, vector<60x128xf32>
    tpu.vector_store %arg7[%swap3A_1418, %swap3A_1419], %concatenate3A {strides = array<i32>} : memref<61440x128xf32, #tpu.memory_space<vmem>>, vector<60x128xf32>,
    %swap3A_1421 = arith.constant 22020 : index
    %swap3A_1422 = arith.constant 0 : index
    %swap3A_1423 = vector.load %arg7[%swap3A_1421, %swap3A_1422] : memref<61440x128xf32, #tpu.memory_space<vmem>>, vector<60x128xf32>
    tpu.vector_store %arg7[%swap3A_1421, %swap3A_1422], %concatenate3A {strides = array<i32>} : memref<61440x128xf32, #tpu.memory_space<vmem>>, vector<60x128xf32>,
    %swap3A_1424 = arith.constant 22080 : index
    %swap3A_1425 = arith.constant 0 : index
    %swap3A_1426 = vector.load %arg7[%swap3A_1424, %swap3A_1425] : memref<61440x128xf32, #tpu.memory_space<vmem>>, vector<60x128xf32>
    tpu.vector_store %arg7[%swap3A_1424, %swap3A_1425], %concatenate3A {strides = array<i32>} : memref<61440x128xf32, #tpu.memory_space<vmem>>, vector<60x128xf32>,
    %swap3A_1427 = arith.constant 22140 : index
    %swap3A_1428 = arith.constant 0 : index
    %swap3A_1429 = vector.load %arg7[%swap3A_1427, %swap3A_1428] : memref<61440x128xf32, #tpu.memory_space<vmem>>, vector<60x128xf32>
    tpu.vector_store %arg7[%swap3A_1427, %swap3A_1428], %concatenate3A {strides = array<i32>} : memref<61440x128xf32, #tpu.memory_space<vmem>>, vector<60x128xf32>,
    %swap3A_1430 = arith.constant 22200 : index
    %swap3A_1431 = arith.constant 0 : index
    %swap3A_1432 = vector.load %arg7[%swap3A_1430, %swap3A_1431] : memref<61440x128xf32, #tpu.memory_space<vmem>>, vector<60x128xf32>
    tpu.vector_store %arg7[%swap3A_1430, %swap3A_1431], %concatenate3A {strides = array<i32>} : memref<61440x128xf32, #tpu.memory_space<vmem>>, vector<60x128xf32>,
    %swap3A_1433 = arith.constant 22260 : index
    %swap3A_1434 = arith.constant 0 : index
    %swap3A_1435 = vector.load %arg7[%swap3A_1433, %swap3A_1434] : memref<61440x128xf32, #tpu.memory_space<vmem>>, vector<60x128xf32>
    tpu.vector_store %arg7[%swap3A_1433, %swap3A_1434], %concatenate3A {strides = array<i32>} : memref<61440x128xf32, #tpu.memory_space<vmem>>, vector<60x128xf32>,
    %swap3A_1436 = arith.constant 22320 : index
    %swap3A_1437 = arith.constant 0 : index
    %swap3A_1438 = vector.load %arg7[%swap3A_1436, %swap3A_1437] : memref<61440x128xf32, #tpu.memory_space<vmem>>, vector<60x128xf32>
    tpu.vector_store %arg7[%swap3A_1436, %swap3A_1437], %concatenate3A {strides = array<i32>} : memref<61440x128xf32, #tpu.memory_space<vmem>>, vector<60x128xf32>,
    %swap3A_1439 = arith.constant 22380 : index
    %swap3A_1440 = arith.constant 0 : index
    %swap3A_1441 = vector.load %arg7[%swap3A_1439, %swap3A_1440] : memref<61440x128xf32, #tpu.memory_space<vmem>>, vector<60x128xf32>
    tpu.vector_store %arg7[%swap3A_1439, %swap3A_1440], %concatenate3A {strides = array<i32>} : memref<61440x128xf32, #tpu.memory_space<vmem>>, vector<60x128xf32>,
    %swap3A_1442 = arith.constant 22440 : index
    %swap3A_1443 = arith.constant 0 : index
    %swap3A_1444 = vector.load %arg7[%swap3A_1442, %swap3A_1443] : memref<61440x128xf32, #tpu.memory_space<vmem>>, vector<60x128xf32>
    tpu.vector_store %arg7[%swap3A_1442, %swap3A_1443], %concatenate3A {strides = array<i32>} : memref<61440x128xf32, #tpu.memory_space<vmem>>, vector<60x128xf32>,
    %swap3A_1445 = arith.constant 22500 : index
    %swap3A_1446 = arith.constant 0 : index
    %swap3A_1447 = vector.load %arg7[%swap3A_1445, %swap3A_1446] : memref<61440x128xf32, #tpu.memory_space<vmem>>, vector<60x128xf32>
    tpu.vector_store %arg7[%swap3A_1445, %swap3A_1446], %concatenate3A {strides = array<i32>} : memref<61440x128xf32, #tpu.memory_space<vmem>>, vector<60x128xf32>,
    %swap3A_1448 = arith.constant 22560 : index
    %swap3A_1449 = arith.constant 0 : index
    %swap3A_1450 = vector.load %arg7[%swap3A_1448, %swap3A_1449] : memref<61440x128xf32, #tpu.memory_space<vmem>>, vector<60x128xf32>
    tpu.vector_store %arg7[%swap3A_1448, %swap3A_1449], %concatenate3A {strides = array<i32>} : memref<61440x128xf32, #tpu.memory_space<vmem>>, vector<60x128xf32>,
    %swap3A_1451 = arith.constant 22620 : index
    %swap3A_1452 = arith.constant 0 : index
    %swap3A_1453 = vector.load %arg7[%swap3A_1451, %swap3A_1452] : memref<61440x128xf32, #tpu.memory_space<vmem>>, vector<60x128xf32>
    tpu.vector_store %arg7[%swap3A_1451, %swap3A_1452], %concatenate3A {strides = array<i32>} : memref<61440x128xf32, #tpu.memory_space<vmem>>, vector<60x128xf32>,
    %swap3A_1454 = arith.constant 22680 : index
    %swap3A_1455 = arith.constant 0 : index
    %swap3A_1456 = vector.load %arg7[%swap3A_1454, %swap3A_1455] : memref<61440x128xf32, #tpu.memory_space<vmem>>, vector<60x128xf32>
    tpu.vector_store %arg7[%swap3A_1454, %swap3A_1455], %concatenate3A {strides = array<i32>} : memref<61440x128xf32, #tpu.memory_space<vmem>>, vector<60x128xf32>,
    %swap3A_1457 = arith.constant 22740 : index
    %swap3A_1458 = arith.constant 0 : index
    %swap3A_1459 = vector.load %arg7[%swap3A_1457, %swap3A_1458] : memref<61440x128xf32, #tpu.memory_space<vmem>>, vector<60x128xf32>
    tpu.vector_store %arg7[%swap3A_1457, %swap3A_1458], %concatenate3A {strides = array<i32>} : memref<61440x128xf32, #tpu.memory_space<vmem>>, vector<60x128xf32>,
    %swap3A_1460 = arith.constant 22800 : index
    %swap3A_1461 = arith.constant 0 : index
    %swap3A_1462 = vector.load %arg7[%swap3A_1460, %swap3A_1461] : memref<61440x128xf32, #tpu.memory_space<vmem>>, vector<60x128xf32>
    tpu.vector_store %arg7[%swap3A_1460, %swap3A_1461], %concatenate3A {strides = array<i32>} : memref<61440x128xf32, #tpu.memory_space<vmem>>, vector<60x128xf32>,
    %swap3A_1463 = arith.constant 22860 : index
    %swap3A_1464 = arith.constant 0 : index
    %swap3A_1465 = vector.load %arg7[%swap3A_1463, %swap3A_1464] : memref<61440x128xf32, #tpu.memory_space<vmem>>, vector<60x128xf32>
    tpu.vector_store %arg7[%swap3A_1463, %swap3A_1464], %concatenate3A {strides = array<i32>} : memref<61440x128xf32, #tpu.memory_space<vmem>>, vector<60x128xf32>,
    %swap3A_1466 = arith.constant 22920 : index
    %swap3A_1467 = arith.constant 0 : index
    %swap3A_1468 = vector.load %arg7[%swap3A_1466, %swap3A_1467] : memref<61440x128xf32, #tpu.memory_space<vmem>>, vector<60x128xf32>
    tpu.vector_store %arg7[%swap3A_1466, %swap3A_1467], %concatenate3A {strides = array<i32>} : memref<61440x128xf32, #tpu.memory_space<vmem>>, vector<60x128xf32>,
    %swap3A_1469 = arith.constant 22980 : index
    %swap3A_1470 = arith.constant 0 : index
    %swap3A_1471 = vector.load %arg7[%swap3A_1469, %swap3A_1470] : memref<61440x128xf32, #tpu.memory_space<vmem>>, vector<60x128xf32>
    tpu.vector_store %arg7[%swap3A_1469, %swap3A_1470], %concatenate3A {strides = array<i32>} : memref<61440x128xf32, #tpu.memory_space<vmem>>, vector<60x128xf32>,
    %swap3A_1472 = arith.constant 23040 : index
    %swap3A_1473 = arith.constant 0 : index
    %swap3A_1474 = vector.load %arg7[%swap3A_1472, %swap3A_1473] : memref<61440x128xf32, #tpu.memory_space<vmem>>, vector<60x128xf32>
    tpu.vector_store %arg7[%swap3A_1472, %swap3A_1473], %concatenate3A {strides = array<i32>} : memref<61440x128xf32, #tpu.memory_space<vmem>>, vector<60x128xf32>,
    %swap3A_1475 = arith.constant 23100 : index
    %swap3A_1476 = arith.constant 0 : index
    %swap3A_1477 = vector.load %arg7[%swap3A_1475, %swap3A_1476] : memref<61440x128xf32, #tpu.memory_space<vmem>>, vector<60x128xf32>
    tpu.vector_store %arg7[%swap3A_1475, %swap3A_1476], %concatenate3A {strides = array<i32>} : memref<61440x128xf32, #tpu.memory_space<vmem>>, vector<60x128xf32>,
    %swap3A_1478 = arith.constant 23160 : index
    %swap3A_1479 = arith.constant 0 : index
    %swap3A_1480 = vector.load %arg7[%swap3A_1478, %swap3A_1479] : memref<61440x128xf32, #tpu.memory_space<vmem>>, vector<60x128xf32>
    tpu.vector_store %arg7[%swap3A_1478, %swap3A_1479], %concatenate3A {strides = array<i32>} : memref<61440x128xf32, #tpu.memory_space<vmem>>, vector<60x128xf32>,
    %swap3A_1481 = arith.constant 23220 : index
    %swap3A_1482 = arith.constant 0 : index
    %swap3A_1483 = vector.load %arg7[%swap3A_1481, %swap3A_1482] : memref<61440x128xf32, #tpu.memory_space<vmem>>, vector<60x128xf32>
    tpu.vector_store %arg7[%swap3A_1481, %swap3A_1482], %concatenate3A {strides = array<i32>} : memref<61440x128xf32, #tpu.memory_space<vmem>>, vector<60x128xf32>,
    %swap3A_1484 = arith.constant 23280 : index
    %swap3A_1485 = arith.constant 0 : index
    %swap3A_1486 = vector.load %arg7[%swap3A_1484, %swap3A_1485] : memref<61440x128xf32, #tpu.memory_space<vmem>>, vector<60x128xf32>
    tpu.vector_store %arg7[%swap3A_1484, %swap3A_1485], %concatenate3A {strides = array<i32>} : memref<61440x128xf32, #tpu.memory_space<vmem>>, vector<60x128xf32>,
    %swap3A_1487 = arith.constant 23340 : index
    %swap3A_1488 = arith.constant 0 : index
    %swap3A_1489 = vector.load %arg7[%swap3A_1487, %swap3A_1488] : memref<61440x128xf32, #tpu.memory_space<vmem>>, vector<60x128xf32>
    tpu.vector_store %arg7[%swap3A_1487, %swap3A_1488], %concatenate3A {strides = array<i32>} : memref<61440x128xf32, #tpu.memory_space<vmem>>, vector<60x128xf32>,
    %swap3A_1490 = arith.constant 23400 : index
    %swap3A_1491 = arith.constant 0 : index
    %swap3A_1492 = vector.load %arg7[%swap3A_1490, %swap3A_1491] : memref<61440x128xf32, #tpu.memory_space<vmem>>, vector<60x128xf32>
    tpu.vector_store %arg7[%swap3A_1490, %swap3A_1491], %concatenate3A {strides = array<i32>} : memref<61440x128xf32, #tpu.memory_space<vmem>>, vector<60x128xf32>,
    %swap3A_1493 = arith.constant 23460 : index
    %swap3A_1494 = arith.constant 0 : index
    %swap3A_1495 = vector.load %arg7[%swap3A_1493, %swap3A_1494] : memref<61440x128xf32, #tpu.memory_space<vmem>>, vector<60x128xf32>
    tpu.vector_store %arg7[%swap3A_1493, %swap3A_1494], %concatenate3A {strides = array<i32>} : memref<61440x128xf32, #tpu.memory_space<vmem>>, vector<60x128xf32>,
    %swap3A_1496 = arith.constant 23520 : index
    %swap3A_1497 = arith.constant 0 : index
    %swap3A_1498 = vector.load %arg7[%swap3A_1496, %swap3A_1497] : memref<61440x128xf32, #tpu.memory_space<vmem>>, vector<60x128xf32>
    tpu.vector_store %arg7[%swap3A_1496, %swap3A_1497], %concatenate3A {strides = array<i32>} : memref<61440x128xf32, #tpu.memory_space<vmem>>, vector<60x128xf32>,
    %swap3A_1499 = arith.constant 23580 : index
    %swap3A_1500 = arith.constant 0 : index
    %swap3A_1501 = vector.load %arg7[%swap3A_1499, %swap3A_1500] : memref<61440x128xf32, #tpu.memory_space<vmem>>, vector<60x128xf32>
    tpu.vector_store %arg7[%swap3A_1499, %swap3A_1500], %concatenate3A {strides = array<i32>} : memref<61440x128xf32, #tpu.memory_space<vmem>>, vector<60x128xf32>,
    %swap3A_1502 = arith.constant 23640 : index
    %swap3A_1503 = arith.constant 0 : index
    %swap3A_1504 = vector.load %arg7[%swap3A_1502, %swap3A_1503] : memref<61440x128xf32, #tpu.memory_space<vmem>>, vector<60x128xf32>
    tpu.vector_store %arg7[%swap3A_1502, %swap3A_1503], %concatenate3A {strides = array<i32>} : memref<61440x128xf32, #tpu.memory_space<vmem>>, vector<60x128xf32>,
    %swap3A_1505 = arith.constant 23700 : index
    %swap3A_1506 = arith.constant 0 : index
    %swap3A_1507 = vector.load %arg7[%swap3A_1505, %swap3A_1506] : memref<61440x128xf32, #tpu.memory_space<vmem>>, vector<60x128xf32>
    tpu.vector_store %arg7[%swap3A_1505, %swap3A_1506], %concatenate3A {strides = array<i32>} : memref<61440x128xf32, #tpu.memory_space<vmem>>, vector<60x128xf32>,
    %swap3A_1508 = arith.constant 23760 : index
    %swap3A_1509 = arith.constant 0 : index
    %swap3A_1510 = vector.load %arg7[%swap3A_1508, %swap3A_1509] : memref<61440x128xf32, #tpu.memory_space<vmem>>, vector<60x128xf32>
    tpu.vector_store %arg7[%swap3A_1508, %swap3A_1509], %concatenate3A {strides = array<i32>} : memref<61440x128xf32, #tpu.memory_space<vmem>>, vector<60x128xf32>,
    %swap3A_1511 = arith.constant 23820 : index
    %swap3A_1512 = arith.constant 0 : index
    %swap3A_1513 = vector.load %arg7[%swap3A_1511, %swap3A_1512] : memref<61440x128xf32, #tpu.memory_space<vmem>>, vector<60x128xf32>
    tpu.vector_store %arg7[%swap3A_1511, %swap3A_1512], %concatenate3A {strides = array<i32>} : memref<61440x128xf32, #tpu.memory_space<vmem>>, vector<60x128xf32>,
    %swap3A_1514 = arith.constant 23880 : index
    %swap3A_1515 = arith.constant 0 : index
    %swap3A_1516 = vector.load %arg7[%swap3A_1514, %swap3A_1515] : memref<61440x128xf32, #tpu.memory_space<vmem>>, vector<60x128xf32>
    tpu.vector_store %arg7[%swap3A_1514, %swap3A_1515], %concatenate3A {strides = array<i32>} : memref<61440x128xf32, #tpu.memory_space<vmem>>, vector<60x128xf32>,
    %swap3A_1517 = arith.constant 23940 : index
    %swap3A_1518 = arith.constant 0 : index
    %swap3A_1519 = vector.load %arg7[%swap3A_1517, %swap3A_1518] : memref<61440x128xf32, #tpu.memory_space<vmem>>, vector<60x128xf32>
    tpu.vector_store %arg7[%swap3A_1517, %swap3A_1518], %concatenate3A {strides = array<i32>} : memref<61440x128xf32, #tpu.memory_space<vmem>>, vector<60x128xf32>,
    %swap3A_1520 = arith.constant 24000 : index
    %swap3A_1521 = arith.constant 0 : index
    %swap3A_1522 = vector.load %arg7[%swap3A_1520, %swap3A_1521] : memref<61440x128xf32, #tpu.memory_space<vmem>>, vector<60x128xf32>
    tpu.vector_store %arg7[%swap3A_1520, %swap3A_1521], %concatenate3A {strides = array<i32>} : memref<61440x128xf32, #tpu.memory_space<vmem>>, vector<60x128xf32>,
    %swap3A_1523 = arith.constant 24060 : index
    %swap3A_1524 = arith.constant 0 : index
    %swap3A_1525 = vector.load %arg7[%swap3A_1523, %swap3A_1524] : memref<61440x128xf32, #tpu.memory_space<vmem>>, vector<60x128xf32>
    tpu.vector_store %arg7[%swap3A_1523, %swap3A_1524], %concatenate3A {strides = array<i32>} : memref<61440x128xf32, #tpu.memory_space<vmem>>, vector<60x128xf32>,
    %swap3A_1526 = arith.constant 24120 : index
    %swap3A_1527 = arith.constant 0 : index
    %swap3A_1528 = vector.load %arg7[%swap3A_1526, %swap3A_1527] : memref<61440x128xf32, #tpu.memory_space<vmem>>, vector<60x128xf32>
    tpu.vector_store %arg7[%swap3A_1526, %swap3A_1527], %concatenate3A {strides = array<i32>} : memref<61440x128xf32, #tpu.memory_space<vmem>>, vector<60x128xf32>,
    %swap3A_1529 = arith.constant 24180 : index
    %swap3A_1530 = arith.constant 0 : index
    %swap3A_1531 = vector.load %arg7[%swap3A_1529, %swap3A_1530] : memref<61440x128xf32, #tpu.memory_space<vmem>>, vector<60x128xf32>
    tpu.vector_store %arg7[%swap3A_1529, %swap3A_1530], %concatenate3A {strides = array<i32>} : memref<61440x128xf32, #tpu.memory_space<vmem>>, vector<60x128xf32>,
    %swap3A_1532 = arith.constant 24240 : index
    %swap3A_1533 = arith.constant 0 : index
    %swap3A_1534 = vector.load %arg7[%swap3A_1532, %swap3A_1533] : memref<61440x128xf32, #tpu.memory_space<vmem>>, vector<60x128xf32>
    tpu.vector_store %arg7[%swap3A_1532, %swap3A_1533], %concatenate3A {strides = array<i32>} : memref<61440x128xf32, #tpu.memory_space<vmem>>, vector<60x128xf32>,
    %swap3A_1535 = arith.constant 24300 : index
    %swap3A_1536 = arith.constant 0 : index
    %swap3A_1537 = vector.load %arg7[%swap3A_1535, %swap3A_1536] : memref<61440x128xf32, #tpu.memory_space<vmem>>, vector<60x128xf32>
    tpu.vector_store %arg7[%swap3A_1535, %swap3A_1536], %concatenate3A {strides = array<i32>} : memref<61440x128xf32, #tpu.memory_space<vmem>>, vector<60x128xf32>,
    %swap3A_1538 = arith.constant 24360 : index
    %swap3A_1539 = arith.constant 0 : index
    %swap3A_1540 = vector.load %arg7[%swap3A_1538, %swap3A_1539] : memref<61440x128xf32, #tpu.memory_space<vmem>>, vector<60x128xf32>
    tpu.vector_store %arg7[%swap3A_1538, %swap3A_1539], %concatenate3A {strides = array<i32>} : memref<61440x128xf32, #tpu.memory_space<vmem>>, vector<60x128xf32>,
    %swap3A_1541 = arith.constant 24420 : index
    %swap3A_1542 = arith.constant 0 : index
    %swap3A_1543 = vector.load %arg7[%swap3A_1541, %swap3A_1542] : memref<61440x128xf32, #tpu.memory_space<vmem>>, vector<60x128xf32>
    tpu.vector_store %arg7[%swap3A_1541, %swap3A_1542], %concatenate3A {strides = array<i32>} : memref<61440x128xf32, #tpu.memory_space<vmem>>, vector<60x128xf32>,
    %swap3A_1544 = arith.constant 24480 : index
    %swap3A_1545 = arith.constant 0 : index
    %swap3A_1546 = vector.load %arg7[%swap3A_1544, %swap3A_1545] : memref<61440x128xf32, #tpu.memory_space<vmem>>, vector<60x128xf32>
    tpu.vector_store %arg7[%swap3A_1544, %swap3A_1545], %concatenate3A {strides = array<i32>} : memref<61440x128xf32, #tpu.memory_space<vmem>>, vector<60x128xf32>,
    %swap3A_1547 = arith.constant 24540 : index
    %swap3A_1548 = arith.constant 0 : index
    %swap3A_1549 = vector.load %arg7[%swap3A_1547, %swap3A_1548] : memref<61440x128xf32, #tpu.memory_space<vmem>>, vector<60x128xf32>
    tpu.vector_store %arg7[%swap3A_1547, %swap3A_1548], %concatenate3A {strides = array<i32>} : memref<61440x128xf32, #tpu.memory_space<vmem>>, vector<60x128xf32>,
    %swap3A_1550 = arith.constant 24600 : index
    %swap3A_1551 = arith.constant 0 : index
    %swap3A_1552 = vector.load %arg7[%swap3A_1550, %swap3A_1551] : memref<61440x128xf32, #tpu.memory_space<vmem>>, vector<60x128xf32>
    tpu.vector_store %arg7[%swap3A_1550, %swap3A_1551], %concatenate3A {strides = array<i32>} : memref<61440x128xf32, #tpu.memory_space<vmem>>, vector<60x128xf32>,
    %swap3A_1553 = arith.constant 24660 : index
    %swap3A_1554 = arith.constant 0 : index
    %swap3A_1555 = vector.load %arg7[%swap3A_1553, %swap3A_1554] : memref<61440x128xf32, #tpu.memory_space<vmem>>, vector<60x128xf32>
    tpu.vector_store %arg7[%swap3A_1553, %swap3A_1554], %concatenate3A {strides = array<i32>} : memref<61440x128xf32, #tpu.memory_space<vmem>>, vector<60x128xf32>,
    %swap3A_1556 = arith.constant 24720 : index
    %swap3A_1557 = arith.constant 0 : index
    %swap3A_1558 = vector.load %arg7[%swap3A_1556, %swap3A_1557] : memref<61440x128xf32, #tpu.memory_space<vmem>>, vector<60x128xf32>
    tpu.vector_store %arg7[%swap3A_1556, %swap3A_1557], %concatenate3A {strides = array<i32>} : memref<61440x128xf32, #tpu.memory_space<vmem>>, vector<60x128xf32>,
    %swap3A_1559 = arith.constant 24780 : index
    %swap3A_1560 = arith.constant 0 : index
    %swap3A_1561 = vector.load %arg7[%swap3A_1559, %swap3A_1560] : memref<61440x128xf32, #tpu.memory_space<vmem>>, vector<60x128xf32>
    tpu.vector_store %arg7[%swap3A_1559, %swap3A_1560], %concatenate3A {strides = array<i32>} : memref<61440x128xf32, #tpu.memory_space<vmem>>, vector<60x128xf32>,
    %swap3A_1562 = arith.constant 24840 : index
    %swap3A_1563 = arith.constant 0 : index
    %swap3A_1564 = vector.load %arg7[%swap3A_1562, %swap3A_1563] : memref<61440x128xf32, #tpu.memory_space<vmem>>, vector<60x128xf32>
    tpu.vector_store %arg7[%swap3A_1562, %swap3A_1563], %concatenate3A {strides = array<i32>} : memref<61440x128xf32, #tpu.memory_space<vmem>>, vector<60x128xf32>,
    %swap3A_1565 = arith.constant 24900 : index
    %swap3A_1566 = arith.constant 0 : index
    %swap3A_1567 = vector.load %arg7[%swap3A_1565, %swap3A_1566] : memref<61440x128xf32, #tpu.memory_space<vmem>>, vector<60x128xf32>
    tpu.vector_store %arg7[%swap3A_1565, %swap3A_1566], %concatenate3A {strides = array<i32>} : memref<61440x128xf32, #tpu.memory_space<vmem>>, vector<60x128xf32>,
    %swap3A_1568 = arith.constant 24960 : index
    %swap3A_1569 = arith.constant 0 : index
    %swap3A_1570 = vector.load %arg7[%swap3A_1568, %swap3A_1569] : memref<61440x128xf32, #tpu.memory_space<vmem>>, vector<60x128xf32>
    tpu.vector_store %arg7[%swap3A_1568, %swap3A_1569], %concatenate3A {strides = array<i32>} : memref<61440x128xf32, #tpu.memory_space<vmem>>, vector<60x128xf32>,
    %swap3A_1571 = arith.constant 25020 : index
    %swap3A_1572 = arith.constant 0 : index
    %swap3A_1573 = vector.load %arg7[%swap3A_1571, %swap3A_1572] : memref<61440x128xf32, #tpu.memory_space<vmem>>, vector<60x128xf32>
    tpu.vector_store %arg7[%swap3A_1571, %swap3A_1572], %concatenate3A {strides = array<i32>} : memref<61440x128xf32, #tpu.memory_space<vmem>>, vector<60x128xf32>,
    %swap3A_1574 = arith.constant 25080 : index
    %swap3A_1575 = arith.constant 0 : index
    %swap3A_1576 = vector.load %arg7[%swap3A_1574, %swap3A_1575] : memref<61440x128xf32, #tpu.memory_space<vmem>>, vector<60x128xf32>
    tpu.vector_store %arg7[%swap3A_1574, %swap3A_1575], %concatenate3A {strides = array<i32>} : memref<61440x128xf32, #tpu.memory_space<vmem>>, vector<60x128xf32>,
    %swap3A_1577 = arith.constant 25140 : index
    %swap3A_1578 = arith.constant 0 : index
    %swap3A_1579 = vector.load %arg7[%swap3A_1577, %swap3A_1578] : memref<61440x128xf32, #tpu.memory_space<vmem>>, vector<60x128xf32>
    tpu.vector_store %arg7[%swap3A_1577, %swap3A_1578], %concatenate3A {strides = array<i32>} : memref<61440x128xf32, #tpu.memory_space<vmem>>, vector<60x128xf32>,
    %swap3A_1580 = arith.constant 25200 : index
    %swap3A_1581 = arith.constant 0 : index
    %swap3A_1582 = vector.load %arg7[%swap3A_1580, %swap3A_1581] : memref<61440x128xf32, #tpu.memory_space<vmem>>, vector<60x128xf32>
    tpu.vector_store %arg7[%swap3A_1580, %swap3A_1581], %concatenate3A {strides = array<i32>} : memref<61440x128xf32, #tpu.memory_space<vmem>>, vector<60x128xf32>,
    %swap3A_1583 = arith.constant 25260 : index
    %swap3A_1584 = arith.constant 0 : index
    %swap3A_1585 = vector.load %arg7[%swap3A_1583, %swap3A_1584] : memref<61440x128xf32, #tpu.memory_space<vmem>>, vector<60x128xf32>
    tpu.vector_store %arg7[%swap3A_1583, %swap3A_1584], %concatenate3A {strides = array<i32>} : memref<61440x128xf32, #tpu.memory_space<vmem>>, vector<60x128xf32>,
    %swap3A_1586 = arith.constant 25320 : index
    %swap3A_1587 = arith.constant 0 : index
    %swap3A_1588 = vector.load %arg7[%swap3A_1586, %swap3A_1587] : memref<61440x128xf32, #tpu.memory_space<vmem>>, vector<60x128xf32>
    tpu.vector_store %arg7[%swap3A_1586, %swap3A_1587], %concatenate3A {strides = array<i32>} : memref<61440x128xf32, #tpu.memory_space<vmem>>, vector<60x128xf32>,
    %swap3A_1589 = arith.constant 25380 : index
    %swap3A_1590 = arith.constant 0 : index
    %swap3A_1591 = vector.load %arg7[%swap3A_1589, %swap3A_1590] : memref<61440x128xf32, #tpu.memory_space<vmem>>, vector<60x128xf32>
    tpu.vector_store %arg7[%swap3A_1589, %swap3A_1590], %concatenate3A {strides = array<i32>} : memref<61440x128xf32, #tpu.memory_space<vmem>>, vector<60x128xf32>,
    %swap3A_1592 = arith.constant 25440 : index
    %swap3A_1593 = arith.constant 0 : index
    %swap3A_1594 = vector.load %arg7[%swap3A_1592, %swap3A_1593] : memref<61440x128xf32, #tpu.memory_space<vmem>>, vector<60x128xf32>
    tpu.vector_store %arg7[%swap3A_1592, %swap3A_1593], %concatenate3A {strides = array<i32>} : memref<61440x128xf32, #tpu.memory_space<vmem>>, vector<60x128xf32>,
    %swap3A_1595 = arith.constant 25500 : index
    %swap3A_1596 = arith.constant 0 : index
    %swap3A_1597 = vector.load %arg7[%swap3A_1595, %swap3A_1596] : memref<61440x128xf32, #tpu.memory_space<vmem>>, vector<60x128xf32>
    tpu.vector_store %arg7[%swap3A_1595, %swap3A_1596], %concatenate3A {strides = array<i32>} : memref<61440x128xf32, #tpu.memory_space<vmem>>, vector<60x128xf32>,
    %swap3A_1598 = arith.constant 25560 : index
    %swap3A_1599 = arith.constant 0 : index
    %swap3A_1600 = vector.load %arg7[%swap3A_1598, %swap3A_1599] : memref<61440x128xf32, #tpu.memory_space<vmem>>, vector<60x128xf32>
    tpu.vector_store %arg7[%swap3A_1598, %swap3A_1599], %concatenate3A {strides = array<i32>} : memref<61440x128xf32, #tpu.memory_space<vmem>>, vector<60x128xf32>,
    %swap3A_1601 = arith.constant 25620 : index
    %swap3A_1602 = arith.constant 0 : index
    %swap3A_1603 = vector.load %arg7[%swap3A_1601, %swap3A_1602] : memref<61440x128xf32, #tpu.memory_space<vmem>>, vector<60x128xf32>
    tpu.vector_store %arg7[%swap3A_1601, %swap3A_1602], %concatenate3A {strides = array<i32>} : memref<61440x128xf32, #tpu.memory_space<vmem>>, vector<60x128xf32>,
    %swap3A_1604 = arith.constant 25680 : index
    %swap3A_1605 = arith.constant 0 : index
    %swap3A_1606 = vector.load %arg7[%swap3A_1604, %swap3A_1605] : memref<61440x128xf32, #tpu.memory_space<vmem>>, vector<60x128xf32>
    tpu.vector_store %arg7[%swap3A_1604, %swap3A_1605], %concatenate3A {strides = array<i32>} : memref<61440x128xf32, #tpu.memory_space<vmem>>, vector<60x128xf32>,
    %swap3A_1607 = arith.constant 25740 : index
    %swap3A_1608 = arith.constant 0 : index
    %swap3A_1609 = vector.load %arg7[%swap3A_1607, %swap3A_1608] : memref<61440x128xf32, #tpu.memory_space<vmem>>, vector<60x128xf32>
    tpu.vector_store %arg7[%swap3A_1607, %swap3A_1608], %concatenate3A {strides = array<i32>} : memref<61440x128xf32, #tpu.memory_space<vmem>>, vector<60x128xf32>,
    %swap3A_1610 = arith.constant 25800 : index
    %swap3A_1611 = arith.constant 0 : index
    %swap3A_1612 = vector.load %arg7[%swap3A_1610, %swap3A_1611] : memref<61440x128xf32, #tpu.memory_space<vmem>>, vector<60x128xf32>
    tpu.vector_store %arg7[%swap3A_1610, %swap3A_1611], %concatenate3A {strides = array<i32>} : memref<61440x128xf32, #tpu.memory_space<vmem>>, vector<60x128xf32>,
    %swap3A_1613 = arith.constant 25860 : index
    %swap3A_1614 = arith.constant 0 : index
    %swap3A_1615 = vector.load %arg7[%swap3A_1613, %swap3A_1614] : memref<61440x128xf32, #tpu.memory_space<vmem>>, vector<60x128xf32>
    tpu.vector_store %arg7[%swap3A_1613, %swap3A_1614], %concatenate3A {strides = array<i32>} : memref<61440x128xf32, #tpu.memory_space<vmem>>, vector<60x128xf32>,
    %swap3A_1616 = arith.constant 25920 : index
    %swap3A_1617 = arith.constant 0 : index
    %swap3A_1618 = vector.load %arg7[%swap3A_1616, %swap3A_1617] : memref<61440x128xf32, #tpu.memory_space<vmem>>, vector<60x128xf32>
    tpu.vector_store %arg7[%swap3A_1616, %swap3A_1617], %concatenate3A {strides = array<i32>} : memref<61440x128xf32, #tpu.memory_space<vmem>>, vector<60x128xf32>,
    %swap3A_1619 = arith.constant 25980 : index
    %swap3A_1620 = arith.constant 0 : index
    %swap3A_1621 = vector.load %arg7[%swap3A_1619, %swap3A_1620] : memref<61440x128xf32, #tpu.memory_space<vmem>>, vector<60x128xf32>
    tpu.vector_store %arg7[%swap3A_1619, %swap3A_1620], %concatenate3A {strides = array<i32>} : memref<61440x128xf32, #tpu.memory_space<vmem>>, vector<60x128xf32>,
    %swap3A_1622 = arith.constant 26040 : index
    %swap3A_1623 = arith.constant 0 : index
    %swap3A_1624 = vector.load %arg7[%swap3A_1622, %swap3A_1623] : memref<61440x128xf32, #tpu.memory_space<vmem>>, vector<60x128xf32>
    tpu.vector_store %arg7[%swap3A_1622, %swap3A_1623], %concatenate3A {strides = array<i32>} : memref<61440x128xf32, #tpu.memory_space<vmem>>, vector<60x128xf32>,
    %swap3A_1625 = arith.constant 26100 : index
    %swap3A_1626 = arith.constant 0 : index
    %swap3A_1627 = vector.load %arg7[%swap3A_1625, %swap3A_1626] : memref<61440x128xf32, #tpu.memory_space<vmem>>, vector<60x128xf32>
    tpu.vector_store %arg7[%swap3A_1625, %swap3A_1626], %concatenate3A {strides = array<i32>} : memref<61440x128xf32, #tpu.memory_space<vmem>>, vector<60x128xf32>,
    %swap3A_1628 = arith.constant 26160 : index
    %swap3A_1629 = arith.constant 0 : index
    %swap3A_1630 = vector.load %arg7[%swap3A_1628, %swap3A_1629] : memref<61440x128xf32, #tpu.memory_space<vmem>>, vector<60x128xf32>
    tpu.vector_store %arg7[%swap3A_1628, %swap3A_1629], %concatenate3A {strides = array<i32>} : memref<61440x128xf32, #tpu.memory_space<vmem>>, vector<60x128xf32>,
    %swap3A_1631 = arith.constant 26220 : index
    %swap3A_1632 = arith.constant 0 : index
    %swap3A_1633 = vector.load %arg7[%swap3A_1631, %swap3A_1632] : memref<61440x128xf32, #tpu.memory_space<vmem>>, vector<60x128xf32>
    tpu.vector_store %arg7[%swap3A_1631, %swap3A_1632], %concatenate3A {strides = array<i32>} : memref<61440x128xf32, #tpu.memory_space<vmem>>, vector<60x128xf32>,
    %swap3A_1634 = arith.constant 26280 : index
    %swap3A_1635 = arith.constant 0 : index
    %swap3A_1636 = vector.load %arg7[%swap3A_1634, %swap3A_1635] : memref<61440x128xf32, #tpu.memory_space<vmem>>, vector<60x128xf32>
    tpu.vector_store %arg7[%swap3A_1634, %swap3A_1635], %concatenate3A {strides = array<i32>} : memref<61440x128xf32, #tpu.memory_space<vmem>>, vector<60x128xf32>,
    %swap3A_1637 = arith.constant 26340 : index
    %swap3A_1638 = arith.constant 0 : index
    %swap3A_1639 = vector.load %arg7[%swap3A_1637, %swap3A_1638] : memref<61440x128xf32, #tpu.memory_space<vmem>>, vector<60x128xf32>
    tpu.vector_store %arg7[%swap3A_1637, %swap3A_1638], %concatenate3A {strides = array<i32>} : memref<61440x128xf32, #tpu.memory_space<vmem>>, vector<60x128xf32>,
    %swap3A_1640 = arith.constant 26400 : index
    %swap3A_1641 = arith.constant 0 : index
    %swap3A_1642 = vector.load %arg7[%swap3A_1640, %swap3A_1641] : memref<61440x128xf32, #tpu.memory_space<vmem>>, vector<60x128xf32>
    tpu.vector_store %arg7[%swap3A_1640, %swap3A_1641], %concatenate3A {strides = array<i32>} : memref<61440x128xf32, #tpu.memory_space<vmem>>, vector<60x128xf32>,
    %swap3A_1643 = arith.constant 26460 : index
    %swap3A_1644 = arith.constant 0 : index
    %swap3A_1645 = vector.load %arg7[%swap3A_1643, %swap3A_1644] : memref<61440x128xf32, #tpu.memory_space<vmem>>, vector<60x128xf32>
    tpu.vector_store %arg7[%swap3A_1643, %swap3A_1644], %concatenate3A {strides = array<i32>} : memref<61440x128xf32, #tpu.memory_space<vmem>>, vector<60x128xf32>,
    %swap3A_1646 = arith.constant 26520 : index
    %swap3A_1647 = arith.constant 0 : index
    %swap3A_1648 = vector.load %arg7[%swap3A_1646, %swap3A_1647] : memref<61440x128xf32, #tpu.memory_space<vmem>>, vector<60x128xf32>
    tpu.vector_store %arg7[%swap3A_1646, %swap3A_1647], %concatenate3A {strides = array<i32>} : memref<61440x128xf32, #tpu.memory_space<vmem>>, vector<60x128xf32>,
    %swap3A_1649 = arith.constant 26580 : index
    %swap3A_1650 = arith.constant 0 : index
    %swap3A_1651 = vector.load %arg7[%swap3A_1649, %swap3A_1650] : memref<61440x128xf32, #tpu.memory_space<vmem>>, vector<60x128xf32>
    tpu.vector_store %arg7[%swap3A_1649, %swap3A_1650], %concatenate3A {strides = array<i32>} : memref<61440x128xf32, #tpu.memory_space<vmem>>, vector<60x128xf32>,
    %swap3A_1652 = arith.constant 26640 : index
    %swap3A_1653 = arith.constant 0 : index
    %swap3A_1654 = vector.load %arg7[%swap3A_1652, %swap3A_1653] : memref<61440x128xf32, #tpu.memory_space<vmem>>, vector<60x128xf32>
    tpu.vector_store %arg7[%swap3A_1652, %swap3A_1653], %concatenate3A {strides = array<i32>} : memref<61440x128xf32, #tpu.memory_space<vmem>>, vector<60x128xf32>,
    %swap3A_1655 = arith.constant 26700 : index
    %swap3A_1656 = arith.constant 0 : index
    %swap3A_1657 = vector.load %arg7[%swap3A_1655, %swap3A_1656] : memref<61440x128xf32, #tpu.memory_space<vmem>>, vector<60x128xf32>
    tpu.vector_store %arg7[%swap3A_1655, %swap3A_1656], %concatenate3A {strides = array<i32>} : memref<61440x128xf32, #tpu.memory_space<vmem>>, vector<60x128xf32>,
    %swap3A_1658 = arith.constant 26760 : index
    %swap3A_1659 = arith.constant 0 : index
    %swap3A_1660 = vector.load %arg7[%swap3A_1658, %swap3A_1659] : memref<61440x128xf32, #tpu.memory_space<vmem>>, vector<60x128xf32>
    tpu.vector_store %arg7[%swap3A_1658, %swap3A_1659], %concatenate3A {strides = array<i32>} : memref<61440x128xf32, #tpu.memory_space<vmem>>, vector<60x128xf32>,
    %swap3A_1661 = arith.constant 26820 : index
    %swap3A_1662 = arith.constant 0 : index
    %swap3A_1663 = vector.load %arg7[%swap3A_1661, %swap3A_1662] : memref<61440x128xf32, #tpu.memory_space<vmem>>, vector<60x128xf32>
    tpu.vector_store %arg7[%swap3A_1661, %swap3A_1662], %concatenate3A {strides = array<i32>} : memref<61440x128xf32, #tpu.memory_space<vmem>>, vector<60x128xf32>,
    %swap3A_1664 = arith.constant 26880 : index
    %swap3A_1665 = arith.constant 0 : index
    %swap3A_1666 = vector.load %arg7[%swap3A_1664, %swap3A_1665] : memref<61440x128xf32, #tpu.memory_space<vmem>>, vector<60x128xf32>
    tpu.vector_store %arg7[%swap3A_1664, %swap3A_1665], %concatenate3A {strides = array<i32>} : memref<61440x128xf32, #tpu.memory_space<vmem>>, vector<60x128xf32>,
    %swap3A_1667 = arith.constant 26940 : index
    %swap3A_1668 = arith.constant 0 : index
    %swap3A_1669 = vector.load %arg7[%swap3A_1667, %swap3A_1668] : memref<61440x128xf32, #tpu.memory_space<vmem>>, vector<60x128xf32>
    tpu.vector_store %arg7[%swap3A_1667, %swap3A_1668], %concatenate3A {strides = array<i32>} : memref<61440x128xf32, #tpu.memory_space<vmem>>, vector<60x128xf32>,
    %swap3A_1670 = arith.constant 27000 : index
    %swap3A_1671 = arith.constant 0 : index
    %swap3A_1672 = vector.load %arg7[%swap3A_1670, %swap3A_1671] : memref<61440x128xf32, #tpu.memory_space<vmem>>, vector<60x128xf32>
    tpu.vector_store %arg7[%swap3A_1670, %swap3A_1671], %concatenate3A {strides = array<i32>} : memref<61440x128xf32, #tpu.memory_space<vmem>>, vector<60x128xf32>,
    %swap3A_1673 = arith.constant 27060 : index
    %swap3A_1674 = arith.constant 0 : index
    %swap3A_1675 = vector.load %arg7[%swap3A_1673, %swap3A_1674] : memref<61440x128xf32, #tpu.memory_space<vmem>>, vector<60x128xf32>
    tpu.vector_store %arg7[%swap3A_1673, %swap3A_1674], %concatenate3A {strides = array<i32>} : memref<61440x128xf32, #tpu.memory_space<vmem>>, vector<60x128xf32>,
    %swap3A_1676 = arith.constant 27120 : index
    %swap3A_1677 = arith.constant 0 : index
    %swap3A_1678 = vector.load %arg7[%swap3A_1676, %swap3A_1677] : memref<61440x128xf32, #tpu.memory_space<vmem>>, vector<60x128xf32>
    tpu.vector_store %arg7[%swap3A_1676, %swap3A_1677], %concatenate3A {strides = array<i32>} : memref<61440x128xf32, #tpu.memory_space<vmem>>, vector<60x128xf32>,
    %swap3A_1679 = arith.constant 27180 : index
    %swap3A_1680 = arith.constant 0 : index
    %swap3A_1681 = vector.load %arg7[%swap3A_1679, %swap3A_1680] : memref<61440x128xf32, #tpu.memory_space<vmem>>, vector<60x128xf32>
    tpu.vector_store %arg7[%swap3A_1679, %swap3A_1680], %concatenate3A {strides = array<i32>} : memref<61440x128xf32, #tpu.memory_space<vmem>>, vector<60x128xf32>,
    %swap3A_1682 = arith.constant 27240 : index
    %swap3A_1683 = arith.constant 0 : index
    %swap3A_1684 = vector.load %arg7[%swap3A_1682, %swap3A_1683] : memref<61440x128xf32, #tpu.memory_space<vmem>>, vector<60x128xf32>
    tpu.vector_store %arg7[%swap3A_1682, %swap3A_1683], %concatenate3A {strides = array<i32>} : memref<61440x128xf32, #tpu.memory_space<vmem>>, vector<60x128xf32>,
    %swap3A_1685 = arith.constant 27300 : index
    %swap3A_1686 = arith.constant 0 : index
    %swap3A_1687 = vector.load %arg7[%swap3A_1685, %swap3A_1686] : memref<61440x128xf32, #tpu.memory_space<vmem>>, vector<60x128xf32>
    tpu.vector_store %arg7[%swap3A_1685, %swap3A_1686], %concatenate3A {strides = array<i32>} : memref<61440x128xf32, #tpu.memory_space<vmem>>, vector<60x128xf32>,
    %swap3A_1688 = arith.constant 27360 : index
    %swap3A_1689 = arith.constant 0 : index
    %swap3A_1690 = vector.load %arg7[%swap3A_1688, %swap3A_1689] : memref<61440x128xf32, #tpu.memory_space<vmem>>, vector<60x128xf32>
    tpu.vector_store %arg7[%swap3A_1688, %swap3A_1689], %concatenate3A {strides = array<i32>} : memref<61440x128xf32, #tpu.memory_space<vmem>>, vector<60x128xf32>,
    %swap3A_1691 = arith.constant 27420 : index
    %swap3A_1692 = arith.constant 0 : index
    %swap3A_1693 = vector.load %arg7[%swap3A_1691, %swap3A_1692] : memref<61440x128xf32, #tpu.memory_space<vmem>>, vector<60x128xf32>
    tpu.vector_store %arg7[%swap3A_1691, %swap3A_1692], %concatenate3A {strides = array<i32>} : memref<61440x128xf32, #tpu.memory_space<vmem>>, vector<60x128xf32>,
    %swap3A_1694 = arith.constant 27480 : index
    %swap3A_1695 = arith.constant 0 : index
    %swap3A_1696 = vector.load %arg7[%swap3A_1694, %swap3A_1695] : memref<61440x128xf32, #tpu.memory_space<vmem>>, vector<60x128xf32>
    tpu.vector_store %arg7[%swap3A_1694, %swap3A_1695], %concatenate3A {strides = array<i32>} : memref<61440x128xf32, #tpu.memory_space<vmem>>, vector<60x128xf32>,
    %swap3A_1697 = arith.constant 27540 : index
    %swap3A_1698 = arith.constant 0 : index
    %swap3A_1699 = vector.load %arg7[%swap3A_1697, %swap3A_1698] : memref<61440x128xf32, #tpu.memory_space<vmem>>, vector<60x128xf32>
    tpu.vector_store %arg7[%swap3A_1697, %swap3A_1698], %concatenate3A {strides = array<i32>} : memref<61440x128xf32, #tpu.memory_space<vmem>>, vector<60x128xf32>,
    %swap3A_1700 = arith.constant 27600 : index
    %swap3A_1701 = arith.constant 0 : index
    %swap3A_1702 = vector.load %arg7[%swap3A_1700, %swap3A_1701] : memref<61440x128xf32, #tpu.memory_space<vmem>>, vector<60x128xf32>
    tpu.vector_store %arg7[%swap3A_1700, %swap3A_1701], %concatenate3A {strides = array<i32>} : memref<61440x128xf32, #tpu.memory_space<vmem>>, vector<60x128xf32>,
    %swap3A_1703 = arith.constant 27660 : index
    %swap3A_1704 = arith.constant 0 : index
    %swap3A_1705 = vector.load %arg7[%swap3A_1703, %swap3A_1704] : memref<61440x128xf32, #tpu.memory_space<vmem>>, vector<60x128xf32>
    tpu.vector_store %arg7[%swap3A_1703, %swap3A_1704], %concatenate3A {strides = array<i32>} : memref<61440x128xf32, #tpu.memory_space<vmem>>, vector<60x128xf32>,
    %swap3A_1706 = arith.constant 27720 : index
    %swap3A_1707 = arith.constant 0 : index
    %swap3A_1708 = vector.load %arg7[%swap3A_1706, %swap3A_1707] : memref<61440x128xf32, #tpu.memory_space<vmem>>, vector<60x128xf32>
    tpu.vector_store %arg7[%swap3A_1706, %swap3A_1707], %concatenate3A {strides = array<i32>} : memref<61440x128xf32, #tpu.memory_space<vmem>>, vector<60x128xf32>,
    %swap3A_1709 = arith.constant 27780 : index
    %swap3A_1710 = arith.constant 0 : index
    %swap3A_1711 = vector.load %arg7[%swap3A_1709, %swap3A_1710] : memref<61440x128xf32, #tpu.memory_space<vmem>>, vector<60x128xf32>
    tpu.vector_store %arg7[%swap3A_1709, %swap3A_1710], %concatenate3A {strides = array<i32>} : memref<61440x128xf32, #tpu.memory_space<vmem>>, vector<60x128xf32>,
    %swap3A_1712 = arith.constant 27840 : index
    %swap3A_1713 = arith.constant 0 : index
    %swap3A_1714 = vector.load %arg7[%swap3A_1712, %swap3A_1713] : memref<61440x128xf32, #tpu.memory_space<vmem>>, vector<60x128xf32>
    tpu.vector_store %arg7[%swap3A_1712, %swap3A_1713], %concatenate3A {strides = array<i32>} : memref<61440x128xf32, #tpu.memory_space<vmem>>, vector<60x128xf32>,
    %swap3A_1715 = arith.constant 27900 : index
    %swap3A_1716 = arith.constant 0 : index
    %swap3A_1717 = vector.load %arg7[%swap3A_1715, %swap3A_1716] : memref<61440x128xf32, #tpu.memory_space<vmem>>, vector<60x128xf32>
    tpu.vector_store %arg7[%swap3A_1715, %swap3A_1716], %concatenate3A {strides = array<i32>} : memref<61440x128xf32, #tpu.memory_space<vmem>>, vector<60x128xf32>,
    %swap3A_1718 = arith.constant 27960 : index
    %swap3A_1719 = arith.constant 0 : index
    %swap3A_1720 = vector.load %arg7[%swap3A_1718, %swap3A_1719] : memref<61440x128xf32, #tpu.memory_space<vmem>>, vector<60x128xf32>
    tpu.vector_store %arg7[%swap3A_1718, %swap3A_1719], %concatenate3A {strides = array<i32>} : memref<61440x128xf32, #tpu.memory_space<vmem>>, vector<60x128xf32>,
    %swap3A_1721 = arith.constant 28020 : index
    %swap3A_1722 = arith.constant 0 : index
    %swap3A_1723 = vector.load %arg7[%swap3A_1721, %swap3A_1722] : memref<61440x128xf32, #tpu.memory_space<vmem>>, vector<60x128xf32>
    tpu.vector_store %arg7[%swap3A_1721, %swap3A_1722], %concatenate3A {strides = array<i32>} : memref<61440x128xf32, #tpu.memory_space<vmem>>, vector<60x128xf32>,
    %swap3A_1724 = arith.constant 28080 : index
    %swap3A_1725 = arith.constant 0 : index
    %swap3A_1726 = vector.load %arg7[%swap3A_1724, %swap3A_1725] : memref<61440x128xf32, #tpu.memory_space<vmem>>, vector<60x128xf32>
    tpu.vector_store %arg7[%swap3A_1724, %swap3A_1725], %concatenate3A {strides = array<i32>} : memref<61440x128xf32, #tpu.memory_space<vmem>>, vector<60x128xf32>,
    %swap3A_1727 = arith.constant 28140 : index
    %swap3A_1728 = arith.constant 0 : index
    %swap3A_1729 = vector.load %arg7[%swap3A_1727, %swap3A_1728] : memref<61440x128xf32, #tpu.memory_space<vmem>>, vector<60x128xf32>
    tpu.vector_store %arg7[%swap3A_1727, %swap3A_1728], %concatenate3A {strides = array<i32>} : memref<61440x128xf32, #tpu.memory_space<vmem>>, vector<60x128xf32>,
    %swap3A_1730 = arith.constant 28200 : index
    %swap3A_1731 = arith.constant 0 : index
    %swap3A_1732 = vector.load %arg7[%swap3A_1730, %swap3A_1731] : memref<61440x128xf32, #tpu.memory_space<vmem>>, vector<60x128xf32>
    tpu.vector_store %arg7[%swap3A_1730, %swap3A_1731], %concatenate3A {strides = array<i32>} : memref<61440x128xf32, #tpu.memory_space<vmem>>, vector<60x128xf32>,
    %swap3A_1733 = arith.constant 28260 : index
    %swap3A_1734 = arith.constant 0 : index
    %swap3A_1735 = vector.load %arg7[%swap3A_1733, %swap3A_1734] : memref<61440x128xf32, #tpu.memory_space<vmem>>, vector<60x128xf32>
    tpu.vector_store %arg7[%swap3A_1733, %swap3A_1734], %concatenate3A {strides = array<i32>} : memref<61440x128xf32, #tpu.memory_space<vmem>>, vector<60x128xf32>,
    %swap3A_1736 = arith.constant 28320 : index
    %swap3A_1737 = arith.constant 0 : index
    %swap3A_1738 = vector.load %arg7[%swap3A_1736, %swap3A_1737] : memref<61440x128xf32, #tpu.memory_space<vmem>>, vector<60x128xf32>
    tpu.vector_store %arg7[%swap3A_1736, %swap3A_1737], %concatenate3A {strides = array<i32>} : memref<61440x128xf32, #tpu.memory_space<vmem>>, vector<60x128xf32>,
    %swap3A_1739 = arith.constant 28380 : index
    %swap3A_1740 = arith.constant 0 : index
    %swap3A_1741 = vector.load %arg7[%swap3A_1739, %swap3A_1740] : memref<61440x128xf32, #tpu.memory_space<vmem>>, vector<60x128xf32>
    tpu.vector_store %arg7[%swap3A_1739, %swap3A_1740], %concatenate3A {strides = array<i32>} : memref<61440x128xf32, #tpu.memory_space<vmem>>, vector<60x128xf32>,
    %swap3A_1742 = arith.constant 28440 : index
    %swap3A_1743 = arith.constant 0 : index
    %swap3A_1744 = vector.load %arg7[%swap3A_1742, %swap3A_1743] : memref<61440x128xf32, #tpu.memory_space<vmem>>, vector<60x128xf32>
    tpu.vector_store %arg7[%swap3A_1742, %swap3A_1743], %concatenate3A {strides = array<i32>} : memref<61440x128xf32, #tpu.memory_space<vmem>>, vector<60x128xf32>,
    %swap3A_1745 = arith.constant 28500 : index
    %swap3A_1746 = arith.constant 0 : index
    %swap3A_1747 = vector.load %arg7[%swap3A_1745, %swap3A_1746] : memref<61440x128xf32, #tpu.memory_space<vmem>>, vector<60x128xf32>
    tpu.vector_store %arg7[%swap3A_1745, %swap3A_1746], %concatenate3A {strides = array<i32>} : memref<61440x128xf32, #tpu.memory_space<vmem>>, vector<60x128xf32>,
    %swap3A_1748 = arith.constant 28560 : index
    %swap3A_1749 = arith.constant 0 : index
    %swap3A_1750 = vector.load %arg7[%swap3A_1748, %swap3A_1749] : memref<61440x128xf32, #tpu.memory_space<vmem>>, vector<60x128xf32>
    tpu.vector_store %arg7[%swap3A_1748, %swap3A_1749], %concatenate3A {strides = array<i32>} : memref<61440x128xf32, #tpu.memory_space<vmem>>, vector<60x128xf32>,
    %swap3A_1751 = arith.constant 28620 : index
    %swap3A_1752 = arith.constant 0 : index
    %swap3A_1753 = vector.load %arg7[%swap3A_1751, %swap3A_1752] : memref<61440x128xf32, #tpu.memory_space<vmem>>, vector<60x128xf32>
    tpu.vector_store %arg7[%swap3A_1751, %swap3A_1752], %concatenate3A {strides = array<i32>} : memref<61440x128xf32, #tpu.memory_space<vmem>>, vector<60x128xf32>,
    %swap3A_1754 = arith.constant 28680 : index
    %swap3A_1755 = arith.constant 0 : index
    %swap3A_1756 = vector.load %arg7[%swap3A_1754, %swap3A_1755] : memref<61440x128xf32, #tpu.memory_space<vmem>>, vector<60x128xf32>
    tpu.vector_store %arg7[%swap3A_1754, %swap3A_1755], %concatenate3A {strides = array<i32>} : memref<61440x128xf32, #tpu.memory_space<vmem>>, vector<60x128xf32>,
    %swap3A_1757 = arith.constant 28740 : index
    %swap3A_1758 = arith.constant 0 : index
    %swap3A_1759 = vector.load %arg7[%swap3A_1757, %swap3A_1758] : memref<61440x128xf32, #tpu.memory_space<vmem>>, vector<60x128xf32>
    tpu.vector_store %arg7[%swap3A_1757, %swap3A_1758], %concatenate3A {strides = array<i32>} : memref<61440x128xf32, #tpu.memory_space<vmem>>, vector<60x128xf32>,
    %swap3A_1760 = arith.constant 28800 : index
    %swap3A_1761 = arith.constant 0 : index
    %swap3A_1762 = vector.load %arg7[%swap3A_1760, %swap3A_1761] : memref<61440x128xf32, #tpu.memory_space<vmem>>, vector<60x128xf32>
    tpu.vector_store %arg7[%swap3A_1760, %swap3A_1761], %concatenate3A {strides = array<i32>} : memref<61440x128xf32, #tpu.memory_space<vmem>>, vector<60x128xf32>,
    %swap3A_1763 = arith.constant 28860 : index
    %swap3A_1764 = arith.constant 0 : index
    %swap3A_1765 = vector.load %arg7[%swap3A_1763, %swap3A_1764] : memref<61440x128xf32, #tpu.memory_space<vmem>>, vector<60x128xf32>
    tpu.vector_store %arg7[%swap3A_1763, %swap3A_1764], %concatenate3A {strides = array<i32>} : memref<61440x128xf32, #tpu.memory_space<vmem>>, vector<60x128xf32>,
    %swap3A_1766 = arith.constant 28920 : index
    %swap3A_1767 = arith.constant 0 : index
    %swap3A_1768 = vector.load %arg7[%swap3A_1766, %swap3A_1767] : memref<61440x128xf32, #tpu.memory_space<vmem>>, vector<60x128xf32>
    tpu.vector_store %arg7[%swap3A_1766, %swap3A_1767], %concatenate3A {strides = array<i32>} : memref<61440x128xf32, #tpu.memory_space<vmem>>, vector<60x128xf32>,
    %swap3A_1769 = arith.constant 28980 : index
    %swap3A_1770 = arith.constant 0 : index
    %swap3A_1771 = vector.load %arg7[%swap3A_1769, %swap3A_1770] : memref<61440x128xf32, #tpu.memory_space<vmem>>, vector<60x128xf32>
    tpu.vector_store %arg7[%swap3A_1769, %swap3A_1770], %concatenate3A {strides = array<i32>} : memref<61440x128xf32, #tpu.memory_space<vmem>>, vector<60x128xf32>,
    %swap3A_1772 = arith.constant 29040 : index
    %swap3A_1773 = arith.constant 0 : index
    %swap3A_1774 = vector.load %arg7[%swap3A_1772, %swap3A_1773] : memref<61440x128xf32, #tpu.memory_space<vmem>>, vector<60x128xf32>
    tpu.vector_store %arg7[%swap3A_1772, %swap3A_1773], %concatenate3A {strides = array<i32>} : memref<61440x128xf32, #tpu.memory_space<vmem>>, vector<60x128xf32>,
    %swap3A_1775 = arith.constant 29100 : index
    %swap3A_1776 = arith.constant 0 : index
    %swap3A_1777 = vector.load %arg7[%swap3A_1775, %swap3A_1776] : memref<61440x128xf32, #tpu.memory_space<vmem>>, vector<60x128xf32>
    tpu.vector_store %arg7[%swap3A_1775, %swap3A_1776], %concatenate3A {strides = array<i32>} : memref<61440x128xf32, #tpu.memory_space<vmem>>, vector<60x128xf32>,
    %swap3A_1778 = arith.constant 29160 : index
    %swap3A_1779 = arith.constant 0 : index
    %swap3A_1780 = vector.load %arg7[%swap3A_1778, %swap3A_1779] : memref<61440x128xf32, #tpu.memory_space<vmem>>, vector<60x128xf32>
    tpu.vector_store %arg7[%swap3A_1778, %swap3A_1779], %concatenate3A {strides = array<i32>} : memref<61440x128xf32, #tpu.memory_space<vmem>>, vector<60x128xf32>,
    %swap3A_1781 = arith.constant 29220 : index
    %swap3A_1782 = arith.constant 0 : index
    %swap3A_1783 = vector.load %arg7[%swap3A_1781, %swap3A_1782] : memref<61440x128xf32, #tpu.memory_space<vmem>>, vector<60x128xf32>
    tpu.vector_store %arg7[%swap3A_1781, %swap3A_1782], %concatenate3A {strides = array<i32>} : memref<61440x128xf32, #tpu.memory_space<vmem>>, vector<60x128xf32>,
    %swap3A_1784 = arith.constant 29280 : index
    %swap3A_1785 = arith.constant 0 : index
    %swap3A_1786 = vector.load %arg7[%swap3A_1784, %swap3A_1785] : memref<61440x128xf32, #tpu.memory_space<vmem>>, vector<60x128xf32>
    tpu.vector_store %arg7[%swap3A_1784, %swap3A_1785], %concatenate3A {strides = array<i32>} : memref<61440x128xf32, #tpu.memory_space<vmem>>, vector<60x128xf32>,
    %swap3A_1787 = arith.constant 29340 : index
    %swap3A_1788 = arith.constant 0 : index
    %swap3A_1789 = vector.load %arg7[%swap3A_1787, %swap3A_1788] : memref<61440x128xf32, #tpu.memory_space<vmem>>, vector<60x128xf32>
    tpu.vector_store %arg7[%swap3A_1787, %swap3A_1788], %concatenate3A {strides = array<i32>} : memref<61440x128xf32, #tpu.memory_space<vmem>>, vector<60x128xf32>,
    %swap3A_1790 = arith.constant 29400 : index
    %swap3A_1791 = arith.constant 0 : index
    %swap3A_1792 = vector.load %arg7[%swap3A_1790, %swap3A_1791] : memref<61440x128xf32, #tpu.memory_space<vmem>>, vector<60x128xf32>
    tpu.vector_store %arg7[%swap3A_1790, %swap3A_1791], %concatenate3A {strides = array<i32>} : memref<61440x128xf32, #tpu.memory_space<vmem>>, vector<60x128xf32>,
    %swap3A_1793 = arith.constant 29460 : index
    %swap3A_1794 = arith.constant 0 : index
    %swap3A_1795 = vector.load %arg7[%swap3A_1793, %swap3A_1794] : memref<61440x128xf32, #tpu.memory_space<vmem>>, vector<60x128xf32>
    tpu.vector_store %arg7[%swap3A_1793, %swap3A_1794], %concatenate3A {strides = array<i32>} : memref<61440x128xf32, #tpu.memory_space<vmem>>, vector<60x128xf32>,
    %swap3A_1796 = arith.constant 29520 : index
    %swap3A_1797 = arith.constant 0 : index
    %swap3A_1798 = vector.load %arg7[%swap3A_1796, %swap3A_1797] : memref<61440x128xf32, #tpu.memory_space<vmem>>, vector<60x128xf32>
    tpu.vector_store %arg7[%swap3A_1796, %swap3A_1797], %concatenate3A {strides = array<i32>} : memref<61440x128xf32, #tpu.memory_space<vmem>>, vector<60x128xf32>,
    %swap3A_1799 = arith.constant 29580 : index
    %swap3A_1800 = arith.constant 0 : index
    %swap3A_1801 = vector.load %arg7[%swap3A_1799, %swap3A_1800] : memref<61440x128xf32, #tpu.memory_space<vmem>>, vector<60x128xf32>
    tpu.vector_store %arg7[%swap3A_1799, %swap3A_1800], %concatenate3A {strides = array<i32>} : memref<61440x128xf32, #tpu.memory_space<vmem>>, vector<60x128xf32>,
    %swap3A_1802 = arith.constant 29640 : index
    %swap3A_1803 = arith.constant 0 : index
    %swap3A_1804 = vector.load %arg7[%swap3A_1802, %swap3A_1803] : memref<61440x128xf32, #tpu.memory_space<vmem>>, vector<60x128xf32>
    tpu.vector_store %arg7[%swap3A_1802, %swap3A_1803], %concatenate3A {strides = array<i32>} : memref<61440x128xf32, #tpu.memory_space<vmem>>, vector<60x128xf32>,
    %swap3A_1805 = arith.constant 29700 : index
    %swap3A_1806 = arith.constant 0 : index
    %swap3A_1807 = vector.load %arg7[%swap3A_1805, %swap3A_1806] : memref<61440x128xf32, #tpu.memory_space<vmem>>, vector<60x128xf32>
    tpu.vector_store %arg7[%swap3A_1805, %swap3A_1806], %concatenate3A {strides = array<i32>} : memref<61440x128xf32, #tpu.memory_space<vmem>>, vector<60x128xf32>,
    %swap3A_1808 = arith.constant 29760 : index
    %swap3A_1809 = arith.constant 0 : index
    %swap3A_1810 = vector.load %arg7[%swap3A_1808, %swap3A_1809] : memref<61440x128xf32, #tpu.memory_space<vmem>>, vector<60x128xf32>
    tpu.vector_store %arg7[%swap3A_1808, %swap3A_1809], %concatenate3A {strides = array<i32>} : memref<61440x128xf32, #tpu.memory_space<vmem>>, vector<60x128xf32>,
    %swap3A_1811 = arith.constant 29820 : index
    %swap3A_1812 = arith.constant 0 : index
    %swap3A_1813 = vector.load %arg7[%swap3A_1811, %swap3A_1812] : memref<61440x128xf32, #tpu.memory_space<vmem>>, vector<60x128xf32>
    tpu.vector_store %arg7[%swap3A_1811, %swap3A_1812], %concatenate3A {strides = array<i32>} : memref<61440x128xf32, #tpu.memory_space<vmem>>, vector<60x128xf32>,
    %swap3A_1814 = arith.constant 29880 : index
    %swap3A_1815 = arith.constant 0 : index
    %swap3A_1816 = vector.load %arg7[%swap3A_1814, %swap3A_1815] : memref<61440x128xf32, #tpu.memory_space<vmem>>, vector<60x128xf32>
    tpu.vector_store %arg7[%swap3A_1814, %swap3A_1815], %concatenate3A {strides = array<i32>} : memref<61440x128xf32, #tpu.memory_space<vmem>>, vector<60x128xf32>,
    %swap3A_1817 = arith.constant 29940 : index
    %swap3A_1818 = arith.constant 0 : index
    %swap3A_1819 = vector.load %arg7[%swap3A_1817, %swap3A_1818] : memref<61440x128xf32, #tpu.memory_space<vmem>>, vector<60x128xf32>
    tpu.vector_store %arg7[%swap3A_1817, %swap3A_1818], %concatenate3A {strides = array<i32>} : memref<61440x128xf32, #tpu.memory_space<vmem>>, vector<60x128xf32>,
    %swap3A_1820 = arith.constant 30000 : index
    %swap3A_1821 = arith.constant 0 : index
    %swap3A_1822 = vector.load %arg7[%swap3A_1820, %swap3A_1821] : memref<61440x128xf32, #tpu.memory_space<vmem>>, vector<60x128xf32>
    tpu.vector_store %arg7[%swap3A_1820, %swap3A_1821], %concatenate3A {strides = array<i32>} : memref<61440x128xf32, #tpu.memory_space<vmem>>, vector<60x128xf32>,
    %swap3A_1823 = arith.constant 30060 : index
    %swap3A_1824 = arith.constant 0 : index
    %swap3A_1825 = vector.load %arg7[%swap3A_1823, %swap3A_1824] : memref<61440x128xf32, #tpu.memory_space<vmem>>, vector<60x128xf32>
    tpu.vector_store %arg7[%swap3A_1823, %swap3A_1824], %concatenate3A {strides = array<i32>} : memref<61440x128xf32, #tpu.memory_space<vmem>>, vector<60x128xf32>,
    %swap3A_1826 = arith.constant 30120 : index
    %swap3A_1827 = arith.constant 0 : index
    %swap3A_1828 = vector.load %arg7[%swap3A_1826, %swap3A_1827] : memref<61440x128xf32, #tpu.memory_space<vmem>>, vector<60x128xf32>
    tpu.vector_store %arg7[%swap3A_1826, %swap3A_1827], %concatenate3A {strides = array<i32>} : memref<61440x128xf32, #tpu.memory_space<vmem>>, vector<60x128xf32>,
    %swap3A_1829 = arith.constant 30180 : index
    %swap3A_1830 = arith.constant 0 : index
    %swap3A_1831 = vector.load %arg7[%swap3A_1829, %swap3A_1830] : memref<61440x128xf32, #tpu.memory_space<vmem>>, vector<60x128xf32>
    tpu.vector_store %arg7[%swap3A_1829, %swap3A_1830], %concatenate3A {strides = array<i32>} : memref<61440x128xf32, #tpu.memory_space<vmem>>, vector<60x128xf32>,
    %swap3A_1832 = arith.constant 30240 : index
    %swap3A_1833 = arith.constant 0 : index
    %swap3A_1834 = vector.load %arg7[%swap3A_1832, %swap3A_1833] : memref<61440x128xf32, #tpu.memory_space<vmem>>, vector<60x128xf32>
    tpu.vector_store %arg7[%swap3A_1832, %swap3A_1833], %concatenate3A {strides = array<i32>} : memref<61440x128xf32, #tpu.memory_space<vmem>>, vector<60x128xf32>,
    %swap3A_1835 = arith.constant 30300 : index
    %swap3A_1836 = arith.constant 0 : index
    %swap3A_1837 = vector.load %arg7[%swap3A_1835, %swap3A_1836] : memref<61440x128xf32, #tpu.memory_space<vmem>>, vector<60x128xf32>
    tpu.vector_store %arg7[%swap3A_1835, %swap3A_1836], %concatenate3A {strides = array<i32>} : memref<61440x128xf32, #tpu.memory_space<vmem>>, vector<60x128xf32>,
    %swap3A_1838 = arith.constant 30360 : index
    %swap3A_1839 = arith.constant 0 : index
    %swap3A_1840 = vector.load %arg7[%swap3A_1838, %swap3A_1839] : memref<61440x128xf32, #tpu.memory_space<vmem>>, vector<60x128xf32>
    tpu.vector_store %arg7[%swap3A_1838, %swap3A_1839], %concatenate3A {strides = array<i32>} : memref<61440x128xf32, #tpu.memory_space<vmem>>, vector<60x128xf32>,
    %swap3A_1841 = arith.constant 30420 : index
    %swap3A_1842 = arith.constant 0 : index
    %swap3A_1843 = vector.load %arg7[%swap3A_1841, %swap3A_1842] : memref<61440x128xf32, #tpu.memory_space<vmem>>, vector<60x128xf32>
    tpu.vector_store %arg7[%swap3A_1841, %swap3A_1842], %concatenate3A {strides = array<i32>} : memref<61440x128xf32, #tpu.memory_space<vmem>>, vector<60x128xf32>,
    %swap3A_1844 = arith.constant 30480 : index
    %swap3A_1845 = arith.constant 0 : index
    %swap3A_1846 = vector.load %arg7[%swap3A_1844, %swap3A_1845] : memref<61440x128xf32, #tpu.memory_space<vmem>>, vector<60x128xf32>
    tpu.vector_store %arg7[%swap3A_1844, %swap3A_1845], %concatenate3A {strides = array<i32>} : memref<61440x128xf32, #tpu.memory_space<vmem>>, vector<60x128xf32>,
    %swap3A_1847 = arith.constant 30540 : index
    %swap3A_1848 = arith.constant 0 : index
    %swap3A_1849 = vector.load %arg7[%swap3A_1847, %swap3A_1848] : memref<61440x128xf32, #tpu.memory_space<vmem>>, vector<60x128xf32>
    tpu.vector_store %arg7[%swap3A_1847, %swap3A_1848], %concatenate3A {strides = array<i32>} : memref<61440x128xf32, #tpu.memory_space<vmem>>, vector<60x128xf32>,
    %swap3A_1850 = arith.constant 30600 : index
    %swap3A_1851 = arith.constant 0 : index
    %swap3A_1852 = vector.load %arg7[%swap3A_1850, %swap3A_1851] : memref<61440x128xf32, #tpu.memory_space<vmem>>, vector<60x128xf32>
    tpu.vector_store %arg7[%swap3A_1850, %swap3A_1851], %concatenate3A {strides = array<i32>} : memref<61440x128xf32, #tpu.memory_space<vmem>>, vector<60x128xf32>,
    %swap3A_1853 = arith.constant 30660 : index
    %swap3A_1854 = arith.constant 0 : index
    %swap3A_1855 = vector.load %arg7[%swap3A_1853, %swap3A_1854] : memref<61440x128xf32, #tpu.memory_space<vmem>>, vector<60x128xf32>
    tpu.vector_store %arg7[%swap3A_1853, %swap3A_1854], %concatenate3A {strides = array<i32>} : memref<61440x128xf32, #tpu.memory_space<vmem>>, vector<60x128xf32>,
    %swap3A_1856 = arith.constant 30720 : index
    %swap3A_1857 = arith.constant 0 : index
    %swap3A_1858 = vector.load %arg7[%swap3A_1856, %swap3A_1857] : memref<61440x128xf32, #tpu.memory_space<vmem>>, vector<60x128xf32>
    tpu.vector_store %arg7[%swap3A_1856, %swap3A_1857], %concatenate3A {strides = array<i32>} : memref<61440x128xf32, #tpu.memory_space<vmem>>, vector<60x128xf32>,
    %swap3A_1859 = arith.constant 30780 : index
    %swap3A_1860 = arith.constant 0 : index
    %swap3A_1861 = vector.load %arg7[%swap3A_1859, %swap3A_1860] : memref<61440x128xf32, #tpu.memory_space<vmem>>, vector<60x128xf32>
    tpu.vector_store %arg7[%swap3A_1859, %swap3A_1860], %concatenate3A {strides = array<i32>} : memref<61440x128xf32, #tpu.memory_space<vmem>>, vector<60x128xf32>,
    %swap3A_1862 = arith.constant 30840 : index
    %swap3A_1863 = arith.constant 0 : index
    %swap3A_1864 = vector.load %arg7[%swap3A_1862, %swap3A_1863] : memref<61440x128xf32, #tpu.memory_space<vmem>>, vector<60x128xf32>
    tpu.vector_store %arg7[%swap3A_1862, %swap3A_1863], %concatenate3A {strides = array<i32>} : memref<61440x128xf32, #tpu.memory_space<vmem>>, vector<60x128xf32>,
    %swap3A_1865 = arith.constant 30900 : index
    %swap3A_1866 = arith.constant 0 : index
    %swap3A_1867 = vector.load %arg7[%swap3A_1865, %swap3A_1866] : memref<61440x128xf32, #tpu.memory_space<vmem>>, vector<60x128xf32>
    tpu.vector_store %arg7[%swap3A_1865, %swap3A_1866], %concatenate3A {strides = array<i32>} : memref<61440x128xf32, #tpu.memory_space<vmem>>, vector<60x128xf32>,
    %swap3A_1868 = arith.constant 30960 : index
    %swap3A_1869 = arith.constant 0 : index
    %swap3A_1870 = vector.load %arg7[%swap3A_1868, %swap3A_1869] : memref<61440x128xf32, #tpu.memory_space<vmem>>, vector<60x128xf32>
    tpu.vector_store %arg7[%swap3A_1868, %swap3A_1869], %concatenate3A {strides = array<i32>} : memref<61440x128xf32, #tpu.memory_space<vmem>>, vector<60x128xf32>,
    %swap3A_1871 = arith.constant 31020 : index
    %swap3A_1872 = arith.constant 0 : index
    %swap3A_1873 = vector.load %arg7[%swap3A_1871, %swap3A_1872] : memref<61440x128xf32, #tpu.memory_space<vmem>>, vector<60x128xf32>
    tpu.vector_store %arg7[%swap3A_1871, %swap3A_1872], %concatenate3A {strides = array<i32>} : memref<61440x128xf32, #tpu.memory_space<vmem>>, vector<60x128xf32>,
    %swap3A_1874 = arith.constant 31080 : index
    %swap3A_1875 = arith.constant 0 : index
    %swap3A_1876 = vector.load %arg7[%swap3A_1874, %swap3A_1875] : memref<61440x128xf32, #tpu.memory_space<vmem>>, vector<60x128xf32>
    tpu.vector_store %arg7[%swap3A_1874, %swap3A_1875], %concatenate3A {strides = array<i32>} : memref<61440x128xf32, #tpu.memory_space<vmem>>, vector<60x128xf32>,
    %swap3A_1877 = arith.constant 31140 : index
    %swap3A_1878 = arith.constant 0 : index
    %swap3A_1879 = vector.load %arg7[%swap3A_1877, %swap3A_1878] : memref<61440x128xf32, #tpu.memory_space<vmem>>, vector<60x128xf32>
    tpu.vector_store %arg7[%swap3A_1877, %swap3A_1878], %concatenate3A {strides = array<i32>} : memref<61440x128xf32, #tpu.memory_space<vmem>>, vector<60x128xf32>,
    %swap3A_1880 = arith.constant 31200 : index
    %swap3A_1881 = arith.constant 0 : index
    %swap3A_1882 = vector.load %arg7[%swap3A_1880, %swap3A_1881] : memref<61440x128xf32, #tpu.memory_space<vmem>>, vector<60x128xf32>
    tpu.vector_store %arg7[%swap3A_1880, %swap3A_1881], %concatenate3A {strides = array<i32>} : memref<61440x128xf32, #tpu.memory_space<vmem>>, vector<60x128xf32>,
    %swap3A_1883 = arith.constant 31260 : index
    %swap3A_1884 = arith.constant 0 : index
    %swap3A_1885 = vector.load %arg7[%swap3A_1883, %swap3A_1884] : memref<61440x128xf32, #tpu.memory_space<vmem>>, vector<60x128xf32>
    tpu.vector_store %arg7[%swap3A_1883, %swap3A_1884], %concatenate3A {strides = array<i32>} : memref<61440x128xf32, #tpu.memory_space<vmem>>, vector<60x128xf32>,
    %swap3A_1886 = arith.constant 31320 : index
    %swap3A_1887 = arith.constant 0 : index
    %swap3A_1888 = vector.load %arg7[%swap3A_1886, %swap3A_1887] : memref<61440x128xf32, #tpu.memory_space<vmem>>, vector<60x128xf32>
    tpu.vector_store %arg7[%swap3A_1886, %swap3A_1887], %concatenate3A {strides = array<i32>} : memref<61440x128xf32, #tpu.memory_space<vmem>>, vector<60x128xf32>,
    %swap3A_1889 = arith.constant 31380 : index
    %swap3A_1890 = arith.constant 0 : index
    %swap3A_1891 = vector.load %arg7[%swap3A_1889, %swap3A_1890] : memref<61440x128xf32, #tpu.memory_space<vmem>>, vector<60x128xf32>
    tpu.vector_store %arg7[%swap3A_1889, %swap3A_1890], %concatenate3A {strides = array<i32>} : memref<61440x128xf32, #tpu.memory_space<vmem>>, vector<60x128xf32>,
    %swap3A_1892 = arith.constant 31440 : index
    %swap3A_1893 = arith.constant 0 : index
    %swap3A_1894 = vector.load %arg7[%swap3A_1892, %swap3A_1893] : memref<61440x128xf32, #tpu.memory_space<vmem>>, vector<60x128xf32>
    tpu.vector_store %arg7[%swap3A_1892, %swap3A_1893], %concatenate3A {strides = array<i32>} : memref<61440x128xf32, #tpu.memory_space<vmem>>, vector<60x128xf32>,
    %swap3A_1895 = arith.constant 31500 : index
    %swap3A_1896 = arith.constant 0 : index
    %swap3A_1897 = vector.load %arg7[%swap3A_1895, %swap3A_1896] : memref<61440x128xf32, #tpu.memory_space<vmem>>, vector<60x128xf32>
    tpu.vector_store %arg7[%swap3A_1895, %swap3A_1896], %concatenate3A {strides = array<i32>} : memref<61440x128xf32, #tpu.memory_space<vmem>>, vector<60x128xf32>,
    %swap3A_1898 = arith.constant 31560 : index
    %swap3A_1899 = arith.constant 0 : index
    %swap3A_1900 = vector.load %arg7[%swap3A_1898, %swap3A_1899] : memref<61440x128xf32, #tpu.memory_space<vmem>>, vector<60x128xf32>
    tpu.vector_store %arg7[%swap3A_1898, %swap3A_1899], %concatenate3A {strides = array<i32>} : memref<61440x128xf32, #tpu.memory_space<vmem>>, vector<60x128xf32>,
    %swap3A_1901 = arith.constant 31620 : index
    %swap3A_1902 = arith.constant 0 : index
    %swap3A_1903 = vector.load %arg7[%swap3A_1901, %swap3A_1902] : memref<61440x128xf32, #tpu.memory_space<vmem>>, vector<60x128xf32>
    tpu.vector_store %arg7[%swap3A_1901, %swap3A_1902], %concatenate3A {strides = array<i32>} : memref<61440x128xf32, #tpu.memory_space<vmem>>, vector<60x128xf32>,
    %swap3A_1904 = arith.constant 31680 : index
    %swap3A_1905 = arith.constant 0 : index
    %swap3A_1906 = vector.load %arg7[%swap3A_1904, %swap3A_1905] : memref<61440x128xf32, #tpu.memory_space<vmem>>, vector<60x128xf32>
    tpu.vector_store %arg7[%swap3A_1904, %swap3A_1905], %concatenate3A {strides = array<i32>} : memref<61440x128xf32, #tpu.memory_space<vmem>>, vector<60x128xf32>,
    %swap3A_1907 = arith.constant 31740 : index
    %swap3A_1908 = arith.constant 0 : index
    %swap3A_1909 = vector.load %arg7[%swap3A_1907, %swap3A_1908] : memref<61440x128xf32, #tpu.memory_space<vmem>>, vector<60x128xf32>
    tpu.vector_store %arg7[%swap3A_1907, %swap3A_1908], %concatenate3A {strides = array<i32>} : memref<61440x128xf32, #tpu.memory_space<vmem>>, vector<60x128xf32>,
    %swap3A_1910 = arith.constant 31800 : index
    %swap3A_1911 = arith.constant 0 : index
    %swap3A_1912 = vector.load %arg7[%swap3A_1910, %swap3A_1911] : memref<61440x128xf32, #tpu.memory_space<vmem>>, vector<60x128xf32>
    tpu.vector_store %arg7[%swap3A_1910, %swap3A_1911], %concatenate3A {strides = array<i32>} : memref<61440x128xf32, #tpu.memory_space<vmem>>, vector<60x128xf32>,
    %swap3A_1913 = arith.constant 31860 : index
    %swap3A_1914 = arith.constant 0 : index
    %swap3A_1915 = vector.load %arg7[%swap3A_1913, %swap3A_1914] : memref<61440x128xf32, #tpu.memory_space<vmem>>, vector<60x128xf32>
    tpu.vector_store %arg7[%swap3A_1913, %swap3A_1914], %concatenate3A {strides = array<i32>} : memref<61440x128xf32, #tpu.memory_space<vmem>>, vector<60x128xf32>,
    %swap3A_1916 = arith.constant 31920 : index
    %swap3A_1917 = arith.constant 0 : index
    %swap3A_1918 = vector.load %arg7[%swap3A_1916, %swap3A_1917] : memref<61440x128xf32, #tpu.memory_space<vmem>>, vector<60x128xf32>
    tpu.vector_store %arg7[%swap3A_1916, %swap3A_1917], %concatenate3A {strides = array<i32>} : memref<61440x128xf32, #tpu.memory_space<vmem>>, vector<60x128xf32>,
    %swap3A_1919 = arith.constant 31980 : index
    %swap3A_1920 = arith.constant 0 : index
    %swap3A_1921 = vector.load %arg7[%swap3A_1919, %swap3A_1920] : memref<61440x128xf32, #tpu.memory_space<vmem>>, vector<60x128xf32>
    tpu.vector_store %arg7[%swap3A_1919, %swap3A_1920], %concatenate3A {strides = array<i32>} : memref<61440x128xf32, #tpu.memory_space<vmem>>, vector<60x128xf32>,
    %swap3A_1922 = arith.constant 32040 : index
    %swap3A_1923 = arith.constant 0 : index
    %swap3A_1924 = vector.load %arg7[%swap3A_1922, %swap3A_1923] : memref<61440x128xf32, #tpu.memory_space<vmem>>, vector<60x128xf32>
    tpu.vector_store %arg7[%swap3A_1922, %swap3A_1923], %concatenate3A {strides = array<i32>} : memref<61440x128xf32, #tpu.memory_space<vmem>>, vector<60x128xf32>,
    %swap3A_1925 = arith.constant 32100 : index
    %swap3A_1926 = arith.constant 0 : index
    %swap3A_1927 = vector.load %arg7[%swap3A_1925, %swap3A_1926] : memref<61440x128xf32, #tpu.memory_space<vmem>>, vector<60x128xf32>
    tpu.vector_store %arg7[%swap3A_1925, %swap3A_1926], %concatenate3A {strides = array<i32>} : memref<61440x128xf32, #tpu.memory_space<vmem>>, vector<60x128xf32>,
    %swap3A_1928 = arith.constant 32160 : index
    %swap3A_1929 = arith.constant 0 : index
    %swap3A_1930 = vector.load %arg7[%swap3A_1928, %swap3A_1929] : memref<61440x128xf32, #tpu.memory_space<vmem>>, vector<60x128xf32>
    tpu.vector_store %arg7[%swap3A_1928, %swap3A_1929], %concatenate3A {strides = array<i32>} : memref<61440x128xf32, #tpu.memory_space<vmem>>, vector<60x128xf32>,
    %swap3A_1931 = arith.constant 32220 : index
    %swap3A_1932 = arith.constant 0 : index
    %swap3A_1933 = vector.load %arg7[%swap3A_1931, %swap3A_1932] : memref<61440x128xf32, #tpu.memory_space<vmem>>, vector<60x128xf32>
    tpu.vector_store %arg7[%swap3A_1931, %swap3A_1932], %concatenate3A {strides = array<i32>} : memref<61440x128xf32, #tpu.memory_space<vmem>>, vector<60x128xf32>,
    %swap3A_1934 = arith.constant 32280 : index
    %swap3A_1935 = arith.constant 0 : index
    %swap3A_1936 = vector.load %arg7[%swap3A_1934, %swap3A_1935] : memref<61440x128xf32, #tpu.memory_space<vmem>>, vector<60x128xf32>
    tpu.vector_store %arg7[%swap3A_1934, %swap3A_1935], %concatenate3A {strides = array<i32>} : memref<61440x128xf32, #tpu.memory_space<vmem>>, vector<60x128xf32>,
    %swap3A_1937 = arith.constant 32340 : index
    %swap3A_1938 = arith.constant 0 : index
    %swap3A_1939 = vector.load %arg7[%swap3A_1937, %swap3A_1938] : memref<61440x128xf32, #tpu.memory_space<vmem>>, vector<60x128xf32>
    tpu.vector_store %arg7[%swap3A_1937, %swap3A_1938], %concatenate3A {strides = array<i32>} : memref<61440x128xf32, #tpu.memory_space<vmem>>, vector<60x128xf32>,
    %swap3A_1940 = arith.constant 32400 : index
    %swap3A_1941 = arith.constant 0 : index
    %swap3A_1942 = vector.load %arg7[%swap3A_1940, %swap3A_1941] : memref<61440x128xf32, #tpu.memory_space<vmem>>, vector<60x128xf32>
    tpu.vector_store %arg7[%swap3A_1940, %swap3A_1941], %concatenate3A {strides = array<i32>} : memref<61440x128xf32, #tpu.memory_space<vmem>>, vector<60x128xf32>,
    %swap3A_1943 = arith.constant 32460 : index
    %swap3A_1944 = arith.constant 0 : index
    %swap3A_1945 = vector.load %arg7[%swap3A_1943, %swap3A_1944] : memref<61440x128xf32, #tpu.memory_space<vmem>>, vector<60x128xf32>
    tpu.vector_store %arg7[%swap3A_1943, %swap3A_1944], %concatenate3A {strides = array<i32>} : memref<61440x128xf32, #tpu.memory_space<vmem>>, vector<60x128xf32>,
    %swap3A_1946 = arith.constant 32520 : index
    %swap3A_1947 = arith.constant 0 : index
    %swap3A_1948 = vector.load %arg7[%swap3A_1946, %swap3A_1947] : memref<61440x128xf32, #tpu.memory_space<vmem>>, vector<60x128xf32>
    tpu.vector_store %arg7[%swap3A_1946, %swap3A_1947], %concatenate3A {strides = array<i32>} : memref<61440x128xf32, #tpu.memory_space<vmem>>, vector<60x128xf32>,
    %swap3A_1949 = arith.constant 32580 : index
    %swap3A_1950 = arith.constant 0 : index
    %swap3A_1951 = vector.load %arg7[%swap3A_1949, %swap3A_1950] : memref<61440x128xf32, #tpu.memory_space<vmem>>, vector<60x128xf32>
    tpu.vector_store %arg7[%swap3A_1949, %swap3A_1950], %concatenate3A {strides = array<i32>} : memref<61440x128xf32, #tpu.memory_space<vmem>>, vector<60x128xf32>,
    %swap3A_1952 = arith.constant 32640 : index
    %swap3A_1953 = arith.constant 0 : index
    %swap3A_1954 = vector.load %arg7[%swap3A_1952, %swap3A_1953] : memref<61440x128xf32, #tpu.memory_space<vmem>>, vector<60x128xf32>
    tpu.vector_store %arg7[%swap3A_1952, %swap3A_1953], %concatenate3A {strides = array<i32>} : memref<61440x128xf32, #tpu.memory_space<vmem>>, vector<60x128xf32>,
    %swap3A_1955 = arith.constant 32700 : index
    %swap3A_1956 = arith.constant 0 : index
    %swap3A_1957 = vector.load %arg7[%swap3A_1955, %swap3A_1956] : memref<61440x128xf32, #tpu.memory_space<vmem>>, vector<60x128xf32>
    tpu.vector_store %arg7[%swap3A_1955, %swap3A_1956], %concatenate3A {strides = array<i32>} : memref<61440x128xf32, #tpu.memory_space<vmem>>, vector<60x128xf32>,
    %swap3A_1958 = arith.constant 32760 : index
    %swap3A_1959 = arith.constant 0 : index
    %swap3A_1960 = vector.load %arg7[%swap3A_1958, %swap3A_1959] : memref<61440x128xf32, #tpu.memory_space<vmem>>, vector<60x128xf32>
    tpu.vector_store %arg7[%swap3A_1958, %swap3A_1959], %concatenate3A {strides = array<i32>} : memref<61440x128xf32, #tpu.memory_space<vmem>>, vector<60x128xf32>,
    %swap3A_1961 = arith.constant 32820 : index
    %swap3A_1962 = arith.constant 0 : index
    %swap3A_1963 = vector.load %arg7[%swap3A_1961, %swap3A_1962] : memref<61440x128xf32, #tpu.memory_space<vmem>>, vector<60x128xf32>
    tpu.vector_store %arg7[%swap3A_1961, %swap3A_1962], %concatenate3A {strides = array<i32>} : memref<61440x128xf32, #tpu.memory_space<vmem>>, vector<60x128xf32>,
    %swap3A_1964 = arith.constant 32880 : index
    %swap3A_1965 = arith.constant 0 : index
    %swap3A_1966 = vector.load %arg7[%swap3A_1964, %swap3A_1965] : memref<61440x128xf32, #tpu.memory_space<vmem>>, vector<60x128xf32>
    tpu.vector_store %arg7[%swap3A_1964, %swap3A_1965], %concatenate3A {strides = array<i32>} : memref<61440x128xf32, #tpu.memory_space<vmem>>, vector<60x128xf32>,
    %swap3A_1967 = arith.constant 32940 : index
    %swap3A_1968 = arith.constant 0 : index
    %swap3A_1969 = vector.load %arg7[%swap3A_1967, %swap3A_1968] : memref<61440x128xf32, #tpu.memory_space<vmem>>, vector<60x128xf32>
    tpu.vector_store %arg7[%swap3A_1967, %swap3A_1968], %concatenate3A {strides = array<i32>} : memref<61440x128xf32, #tpu.memory_space<vmem>>, vector<60x128xf32>,
    %swap3A_1970 = arith.constant 33000 : index
    %swap3A_1971 = arith.constant 0 : index
    %swap3A_1972 = vector.load %arg7[%swap3A_1970, %swap3A_1971] : memref<61440x128xf32, #tpu.memory_space<vmem>>, vector<60x128xf32>
    tpu.vector_store %arg7[%swap3A_1970, %swap3A_1971], %concatenate3A {strides = array<i32>} : memref<61440x128xf32, #tpu.memory_space<vmem>>, vector<60x128xf32>,
    %swap3A_1973 = arith.constant 33060 : index
    %swap3A_1974 = arith.constant 0 : index
    %swap3A_1975 = vector.load %arg7[%swap3A_1973, %swap3A_1974] : memref<61440x128xf32, #tpu.memory_space<vmem>>, vector<60x128xf32>
    tpu.vector_store %arg7[%swap3A_1973, %swap3A_1974], %concatenate3A {strides = array<i32>} : memref<61440x128xf32, #tpu.memory_space<vmem>>, vector<60x128xf32>,
    %swap3A_1976 = arith.constant 33120 : index
    %swap3A_1977 = arith.constant 0 : index
    %swap3A_1978 = vector.load %arg7[%swap3A_1976, %swap3A_1977] : memref<61440x128xf32, #tpu.memory_space<vmem>>, vector<60x128xf32>
    tpu.vector_store %arg7[%swap3A_1976, %swap3A_1977], %concatenate3A {strides = array<i32>} : memref<61440x128xf32, #tpu.memory_space<vmem>>, vector<60x128xf32>,
    %swap3A_1979 = arith.constant 33180 : index
    %swap3A_1980 = arith.constant 0 : index
    %swap3A_1981 = vector.load %arg7[%swap3A_1979, %swap3A_1980] : memref<61440x128xf32, #tpu.memory_space<vmem>>, vector<60x128xf32>
    tpu.vector_store %arg7[%swap3A_1979, %swap3A_1980], %concatenate3A {strides = array<i32>} : memref<61440x128xf32, #tpu.memory_space<vmem>>, vector<60x128xf32>,
    %swap3A_1982 = arith.constant 33240 : index
    %swap3A_1983 = arith.constant 0 : index
    %swap3A_1984 = vector.load %arg7[%swap3A_1982, %swap3A_1983] : memref<61440x128xf32, #tpu.memory_space<vmem>>, vector<60x128xf32>
    tpu.vector_store %arg7[%swap3A_1982, %swap3A_1983], %concatenate3A {strides = array<i32>} : memref<61440x128xf32, #tpu.memory_space<vmem>>, vector<60x128xf32>,
    %swap3A_1985 = arith.constant 33300 : index
    %swap3A_1986 = arith.constant 0 : index
    %swap3A_1987 = vector.load %arg7[%swap3A_1985, %swap3A_1986] : memref<61440x128xf32, #tpu.memory_space<vmem>>, vector<60x128xf32>
    tpu.vector_store %arg7[%swap3A_1985, %swap3A_1986], %concatenate3A {strides = array<i32>} : memref<61440x128xf32, #tpu.memory_space<vmem>>, vector<60x128xf32>,
    %swap3A_1988 = arith.constant 33360 : index
    %swap3A_1989 = arith.constant 0 : index
    %swap3A_1990 = vector.load %arg7[%swap3A_1988, %swap3A_1989] : memref<61440x128xf32, #tpu.memory_space<vmem>>, vector<60x128xf32>
    tpu.vector_store %arg7[%swap3A_1988, %swap3A_1989], %concatenate3A {strides = array<i32>} : memref<61440x128xf32, #tpu.memory_space<vmem>>, vector<60x128xf32>,
    %swap3A_1991 = arith.constant 33420 : index
    %swap3A_1992 = arith.constant 0 : index
    %swap3A_1993 = vector.load %arg7[%swap3A_1991, %swap3A_1992] : memref<61440x128xf32, #tpu.memory_space<vmem>>, vector<60x128xf32>
    tpu.vector_store %arg7[%swap3A_1991, %swap3A_1992], %concatenate3A {strides = array<i32>} : memref<61440x128xf32, #tpu.memory_space<vmem>>, vector<60x128xf32>,
    %swap3A_1994 = arith.constant 33480 : index
    %swap3A_1995 = arith.constant 0 : index
    %swap3A_1996 = vector.load %arg7[%swap3A_1994, %swap3A_1995] : memref<61440x128xf32, #tpu.memory_space<vmem>>, vector<60x128xf32>
    tpu.vector_store %arg7[%swap3A_1994, %swap3A_1995], %concatenate3A {strides = array<i32>} : memref<61440x128xf32, #tpu.memory_space<vmem>>, vector<60x128xf32>,
    %swap3A_1997 = arith.constant 33540 : index
    %swap3A_1998 = arith.constant 0 : index
    %swap3A_1999 = vector.load %arg7[%swap3A_1997, %swap3A_1998] : memref<61440x128xf32, #tpu.memory_space<vmem>>, vector<60x128xf32>
    tpu.vector_store %arg7[%swap3A_1997, %swap3A_1998], %concatenate3A {strides = array<i32>} : memref<61440x128xf32, #tpu.memory_space<vmem>>, vector<60x128xf32>,
    %swap3A_2000 = arith.constant 33600 : index
    %swap3A_2001 = arith.constant 0 : index
    %swap3A_2002 = vector.load %arg7[%swap3A_2000, %swap3A_2001] : memref<61440x128xf32, #tpu.memory_space<vmem>>, vector<60x128xf32>
    tpu.vector_store %arg7[%swap3A_2000, %swap3A_2001], %concatenate3A {strides = array<i32>} : memref<61440x128xf32, #tpu.memory_space<vmem>>, vector<60x128xf32>,
    %swap3A_2003 = arith.constant 33660 : index
    %swap3A_2004 = arith.constant 0 : index
    %swap3A_2005 = vector.load %arg7[%swap3A_2003, %swap3A_2004] : memref<61440x128xf32, #tpu.memory_space<vmem>>, vector<60x128xf32>
    tpu.vector_store %arg7[%swap3A_2003, %swap3A_2004], %concatenate3A {strides = array<i32>} : memref<61440x128xf32, #tpu.memory_space<vmem>>, vector<60x128xf32>,
    %swap3A_2006 = arith.constant 33720 : index
    %swap3A_2007 = arith.constant 0 : index
    %swap3A_2008 = vector.load %arg7[%swap3A_2006, %swap3A_2007] : memref<61440x128xf32, #tpu.memory_space<vmem>>, vector<60x128xf32>
    tpu.vector_store %arg7[%swap3A_2006, %swap3A_2007], %concatenate3A {strides = array<i32>} : memref<61440x128xf32, #tpu.memory_space<vmem>>, vector<60x128xf32>,
    %swap3A_2009 = arith.constant 33780 : index
    %swap3A_2010 = arith.constant 0 : index
    %swap3A_2011 = vector.load %arg7[%swap3A_2009, %swap3A_2010] : memref<61440x128xf32, #tpu.memory_space<vmem>>, vector<60x128xf32>
    tpu.vector_store %arg7[%swap3A_2009, %swap3A_2010], %concatenate3A {strides = array<i32>} : memref<61440x128xf32, #tpu.memory_space<vmem>>, vector<60x128xf32>,
    %swap3A_2012 = arith.constant 33840 : index
    %swap3A_2013 = arith.constant 0 : index
    %swap3A_2014 = vector.load %arg7[%swap3A_2012, %swap3A_2013] : memref<61440x128xf32, #tpu.memory_space<vmem>>, vector<60x128xf32>
    tpu.vector_store %arg7[%swap3A_2012, %swap3A_2013], %concatenate3A {strides = array<i32>} : memref<61440x128xf32, #tpu.memory_space<vmem>>, vector<60x128xf32>,
    %swap3A_2015 = arith.constant 33900 : index
    %swap3A_2016 = arith.constant 0 : index
    %swap3A_2017 = vector.load %arg7[%swap3A_2015, %swap3A_2016] : memref<61440x128xf32, #tpu.memory_space<vmem>>, vector<60x128xf32>
    tpu.vector_store %arg7[%swap3A_2015, %swap3A_2016], %concatenate3A {strides = array<i32>} : memref<61440x128xf32, #tpu.memory_space<vmem>>, vector<60x128xf32>,
    %swap3A_2018 = arith.constant 33960 : index
    %swap3A_2019 = arith.constant 0 : index
    %swap3A_2020 = vector.load %arg7[%swap3A_2018, %swap3A_2019] : memref<61440x128xf32, #tpu.memory_space<vmem>>, vector<60x128xf32>
    tpu.vector_store %arg7[%swap3A_2018, %swap3A_2019], %concatenate3A {strides = array<i32>} : memref<61440x128xf32, #tpu.memory_space<vmem>>, vector<60x128xf32>,
    %swap3A_2021 = arith.constant 34020 : index
    %swap3A_2022 = arith.constant 0 : index
    %swap3A_2023 = vector.load %arg7[%swap3A_2021, %swap3A_2022] : memref<61440x128xf32, #tpu.memory_space<vmem>>, vector<60x128xf32>
    tpu.vector_store %arg7[%swap3A_2021, %swap3A_2022], %concatenate3A {strides = array<i32>} : memref<61440x128xf32, #tpu.memory_space<vmem>>, vector<60x128xf32>,
    %swap3A_2024 = arith.constant 34080 : index
    %swap3A_2025 = arith.constant 0 : index
    %swap3A_2026 = vector.load %arg7[%swap3A_2024, %swap3A_2025] : memref<61440x128xf32, #tpu.memory_space<vmem>>, vector<60x128xf32>
    tpu.vector_store %arg7[%swap3A_2024, %swap3A_2025], %concatenate3A {strides = array<i32>} : memref<61440x128xf32, #tpu.memory_space<vmem>>, vector<60x128xf32>,
    %swap3A_2027 = arith.constant 34140 : index
    %swap3A_2028 = arith.constant 0 : index
    %swap3A_2029 = vector.load %arg7[%swap3A_2027, %swap3A_2028] : memref<61440x128xf32, #tpu.memory_space<vmem>>, vector<60x128xf32>
    tpu.vector_store %arg7[%swap3A_2027, %swap3A_2028], %concatenate3A {strides = array<i32>} : memref<61440x128xf32, #tpu.memory_space<vmem>>, vector<60x128xf32>,
    %swap3A_2030 = arith.constant 34200 : index
    %swap3A_2031 = arith.constant 0 : index
    %swap3A_2032 = vector.load %arg7[%swap3A_2030, %swap3A_2031] : memref<61440x128xf32, #tpu.memory_space<vmem>>, vector<60x128xf32>
    tpu.vector_store %arg7[%swap3A_2030, %swap3A_2031], %concatenate3A {strides = array<i32>} : memref<61440x128xf32, #tpu.memory_space<vmem>>, vector<60x128xf32>,
    %swap3A_2033 = arith.constant 34260 : index
    %swap3A_2034 = arith.constant 0 : index
    %swap3A_2035 = vector.load %arg7[%swap3A_2033, %swap3A_2034] : memref<61440x128xf32, #tpu.memory_space<vmem>>, vector<60x128xf32>
    tpu.vector_store %arg7[%swap3A_2033, %swap3A_2034], %concatenate3A {strides = array<i32>} : memref<61440x128xf32, #tpu.memory_space<vmem>>, vector<60x128xf32>,
    %swap3A_2036 = arith.constant 34320 : index
    %swap3A_2037 = arith.constant 0 : index
    %swap3A_2038 = vector.load %arg7[%swap3A_2036, %swap3A_2037] : memref<61440x128xf32, #tpu.memory_space<vmem>>, vector<60x128xf32>
    tpu.vector_store %arg7[%swap3A_2036, %swap3A_2037], %concatenate3A {strides = array<i32>} : memref<61440x128xf32, #tpu.memory_space<vmem>>, vector<60x128xf32>,
    %swap3A_2039 = arith.constant 34380 : index
    %swap3A_2040 = arith.constant 0 : index
    %swap3A_2041 = vector.load %arg7[%swap3A_2039, %swap3A_2040] : memref<61440x128xf32, #tpu.memory_space<vmem>>, vector<60x128xf32>
    tpu.vector_store %arg7[%swap3A_2039, %swap3A_2040], %concatenate3A {strides = array<i32>} : memref<61440x128xf32, #tpu.memory_space<vmem>>, vector<60x128xf32>,
    %swap3A_2042 = arith.constant 34440 : index
    %swap3A_2043 = arith.constant 0 : index
    %swap3A_2044 = vector.load %arg7[%swap3A_2042, %swap3A_2043] : memref<61440x128xf32, #tpu.memory_space<vmem>>, vector<60x128xf32>
    tpu.vector_store %arg7[%swap3A_2042, %swap3A_2043], %concatenate3A {strides = array<i32>} : memref<61440x128xf32, #tpu.memory_space<vmem>>, vector<60x128xf32>,
    %swap3A_2045 = arith.constant 34500 : index
    %swap3A_2046 = arith.constant 0 : index
    %swap3A_2047 = vector.load %arg7[%swap3A_2045, %swap3A_2046] : memref<61440x128xf32, #tpu.memory_space<vmem>>, vector<60x128xf32>
    tpu.vector_store %arg7[%swap3A_2045, %swap3A_2046], %concatenate3A {strides = array<i32>} : memref<61440x128xf32, #tpu.memory_space<vmem>>, vector<60x128xf32>,
    %swap3A_2048 = arith.constant 34560 : index
    %swap3A_2049 = arith.constant 0 : index
    %swap3A_2050 = vector.load %arg7[%swap3A_2048, %swap3A_2049] : memref<61440x128xf32, #tpu.memory_space<vmem>>, vector<60x128xf32>
    tpu.vector_store %arg7[%swap3A_2048, %swap3A_2049], %concatenate3A {strides = array<i32>} : memref<61440x128xf32, #tpu.memory_space<vmem>>, vector<60x128xf32>,
    %swap3A_2051 = arith.constant 34620 : index
    %swap3A_2052 = arith.constant 0 : index
    %swap3A_2053 = vector.load %arg7[%swap3A_2051, %swap3A_2052] : memref<61440x128xf32, #tpu.memory_space<vmem>>, vector<60x128xf32>
    tpu.vector_store %arg7[%swap3A_2051, %swap3A_2052], %concatenate3A {strides = array<i32>} : memref<61440x128xf32, #tpu.memory_space<vmem>>, vector<60x128xf32>,
    %swap3A_2054 = arith.constant 34680 : index
    %swap3A_2055 = arith.constant 0 : index
    %swap3A_2056 = vector.load %arg7[%swap3A_2054, %swap3A_2055] : memref<61440x128xf32, #tpu.memory_space<vmem>>, vector<60x128xf32>
    tpu.vector_store %arg7[%swap3A_2054, %swap3A_2055], %concatenate3A {strides = array<i32>} : memref<61440x128xf32, #tpu.memory_space<vmem>>, vector<60x128xf32>,
    %swap3A_2057 = arith.constant 34740 : index
    %swap3A_2058 = arith.constant 0 : index
    %swap3A_2059 = vector.load %arg7[%swap3A_2057, %swap3A_2058] : memref<61440x128xf32, #tpu.memory_space<vmem>>, vector<60x128xf32>
    tpu.vector_store %arg7[%swap3A_2057, %swap3A_2058], %concatenate3A {strides = array<i32>} : memref<61440x128xf32, #tpu.memory_space<vmem>>, vector<60x128xf32>,
    %swap3A_2060 = arith.constant 34800 : index
    %swap3A_2061 = arith.constant 0 : index
    %swap3A_2062 = vector.load %arg7[%swap3A_2060, %swap3A_2061] : memref<61440x128xf32, #tpu.memory_space<vmem>>, vector<60x128xf32>
    tpu.vector_store %arg7[%swap3A_2060, %swap3A_2061], %concatenate3A {strides = array<i32>} : memref<61440x128xf32, #tpu.memory_space<vmem>>, vector<60x128xf32>,
    %swap3A_2063 = arith.constant 34860 : index
    %swap3A_2064 = arith.constant 0 : index
    %swap3A_2065 = vector.load %arg7[%swap3A_2063, %swap3A_2064] : memref<61440x128xf32, #tpu.memory_space<vmem>>, vector<60x128xf32>
    tpu.vector_store %arg7[%swap3A_2063, %swap3A_2064], %concatenate3A {strides = array<i32>} : memref<61440x128xf32, #tpu.memory_space<vmem>>, vector<60x128xf32>,
    %swap3A_2066 = arith.constant 34920 : index
    %swap3A_2067 = arith.constant 0 : index
    %swap3A_2068 = vector.load %arg7[%swap3A_2066, %swap3A_2067] : memref<61440x128xf32, #tpu.memory_space<vmem>>, vector<60x128xf32>
    tpu.vector_store %arg7[%swap3A_2066, %swap3A_2067], %concatenate3A {strides = array<i32>} : memref<61440x128xf32, #tpu.memory_space<vmem>>, vector<60x128xf32>,
    %swap3A_2069 = arith.constant 34980 : index
    %swap3A_2070 = arith.constant 0 : index
    %swap3A_2071 = vector.load %arg7[%swap3A_2069, %swap3A_2070] : memref<61440x128xf32, #tpu.memory_space<vmem>>, vector<60x128xf32>
    tpu.vector_store %arg7[%swap3A_2069, %swap3A_2070], %concatenate3A {strides = array<i32>} : memref<61440x128xf32, #tpu.memory_space<vmem>>, vector<60x128xf32>,
    %swap3A_2072 = arith.constant 35040 : index
    %swap3A_2073 = arith.constant 0 : index
    %swap3A_2074 = vector.load %arg7[%swap3A_2072, %swap3A_2073] : memref<61440x128xf32, #tpu.memory_space<vmem>>, vector<60x128xf32>
    tpu.vector_store %arg7[%swap3A_2072, %swap3A_2073], %concatenate3A {strides = array<i32>} : memref<61440x128xf32, #tpu.memory_space<vmem>>, vector<60x128xf32>,
    %swap3A_2075 = arith.constant 35100 : index
    %swap3A_2076 = arith.constant 0 : index
    %swap3A_2077 = vector.load %arg7[%swap3A_2075, %swap3A_2076] : memref<61440x128xf32, #tpu.memory_space<vmem>>, vector<60x128xf32>
    tpu.vector_store %arg7[%swap3A_2075, %swap3A_2076], %concatenate3A {strides = array<i32>} : memref<61440x128xf32, #tpu.memory_space<vmem>>, vector<60x128xf32>,
    %swap3A_2078 = arith.constant 35160 : index
    %swap3A_2079 = arith.constant 0 : index
    %swap3A_2080 = vector.load %arg7[%swap3A_2078, %swap3A_2079] : memref<61440x128xf32, #tpu.memory_space<vmem>>, vector<60x128xf32>
    tpu.vector_store %arg7[%swap3A_2078, %swap3A_2079], %concatenate3A {strides = array<i32>} : memref<61440x128xf32, #tpu.memory_space<vmem>>, vector<60x128xf32>,
    %swap3A_2081 = arith.constant 35220 : index
    %swap3A_2082 = arith.constant 0 : index
    %swap3A_2083 = vector.load %arg7[%swap3A_2081, %swap3A_2082] : memref<61440x128xf32, #tpu.memory_space<vmem>>, vector<60x128xf32>
    tpu.vector_store %arg7[%swap3A_2081, %swap3A_2082], %concatenate3A {strides = array<i32>} : memref<61440x128xf32, #tpu.memory_space<vmem>>, vector<60x128xf32>,
    %swap3A_2084 = arith.constant 35280 : index
    %swap3A_2085 = arith.constant 0 : index
    %swap3A_2086 = vector.load %arg7[%swap3A_2084, %swap3A_2085] : memref<61440x128xf32, #tpu.memory_space<vmem>>, vector<60x128xf32>
    tpu.vector_store %arg7[%swap3A_2084, %swap3A_2085], %concatenate3A {strides = array<i32>} : memref<61440x128xf32, #tpu.memory_space<vmem>>, vector<60x128xf32>,
    %swap3A_2087 = arith.constant 35340 : index
    %swap3A_2088 = arith.constant 0 : index
    %swap3A_2089 = vector.load %arg7[%swap3A_2087, %swap3A_2088] : memref<61440x128xf32, #tpu.memory_space<vmem>>, vector<60x128xf32>
    tpu.vector_store %arg7[%swap3A_2087, %swap3A_2088], %concatenate3A {strides = array<i32>} : memref<61440x128xf32, #tpu.memory_space<vmem>>, vector<60x128xf32>,
    %swap3A_2090 = arith.constant 35400 : index
    %swap3A_2091 = arith.constant 0 : index
    %swap3A_2092 = vector.load %arg7[%swap3A_2090, %swap3A_2091] : memref<61440x128xf32, #tpu.memory_space<vmem>>, vector<60x128xf32>
    tpu.vector_store %arg7[%swap3A_2090, %swap3A_2091], %concatenate3A {strides = array<i32>} : memref<61440x128xf32, #tpu.memory_space<vmem>>, vector<60x128xf32>,
    %swap3A_2093 = arith.constant 35460 : index
    %swap3A_2094 = arith.constant 0 : index
    %swap3A_2095 = vector.load %arg7[%swap3A_2093, %swap3A_2094] : memref<61440x128xf32, #tpu.memory_space<vmem>>, vector<60x128xf32>
    tpu.vector_store %arg7[%swap3A_2093, %swap3A_2094], %concatenate3A {strides = array<i32>} : memref<61440x128xf32, #tpu.memory_space<vmem>>, vector<60x128xf32>,
    %swap3A_2096 = arith.constant 35520 : index
    %swap3A_2097 = arith.constant 0 : index
    %swap3A_2098 = vector.load %arg7[%swap3A_2096, %swap3A_2097] : memref<61440x128xf32, #tpu.memory_space<vmem>>, vector<60x128xf32>
    tpu.vector_store %arg7[%swap3A_2096, %swap3A_2097], %concatenate3A {strides = array<i32>} : memref<61440x128xf32, #tpu.memory_space<vmem>>, vector<60x128xf32>,
    %swap3A_2099 = arith.constant 35580 : index
    %swap3A_2100 = arith.constant 0 : index
    %swap3A_2101 = vector.load %arg7[%swap3A_2099, %swap3A_2100] : memref<61440x128xf32, #tpu.memory_space<vmem>>, vector<60x128xf32>
    tpu.vector_store %arg7[%swap3A_2099, %swap3A_2100], %concatenate3A {strides = array<i32>} : memref<61440x128xf32, #tpu.memory_space<vmem>>, vector<60x128xf32>,
    %swap3A_2102 = arith.constant 35640 : index
    %swap3A_2103 = arith.constant 0 : index
    %swap3A_2104 = vector.load %arg7[%swap3A_2102, %swap3A_2103] : memref<61440x128xf32, #tpu.memory_space<vmem>>, vector<60x128xf32>
    tpu.vector_store %arg7[%swap3A_2102, %swap3A_2103], %concatenate3A {strides = array<i32>} : memref<61440x128xf32, #tpu.memory_space<vmem>>, vector<60x128xf32>,
    %swap3A_2105 = arith.constant 35700 : index
    %swap3A_2106 = arith.constant 0 : index
    %swap3A_2107 = vector.load %arg7[%swap3A_2105, %swap3A_2106] : memref<61440x128xf32, #tpu.memory_space<vmem>>, vector<60x128xf32>
    tpu.vector_store %arg7[%swap3A_2105, %swap3A_2106], %concatenate3A {strides = array<i32>} : memref<61440x128xf32, #tpu.memory_space<vmem>>, vector<60x128xf32>,
    %swap3A_2108 = arith.constant 35760 : index
    %swap3A_2109 = arith.constant 0 : index
    %swap3A_2110 = vector.load %arg7[%swap3A_2108, %swap3A_2109] : memref<61440x128xf32, #tpu.memory_space<vmem>>, vector<60x128xf32>
    tpu.vector_store %arg7[%swap3A_2108, %swap3A_2109], %concatenate3A {strides = array<i32>} : memref<61440x128xf32, #tpu.memory_space<vmem>>, vector<60x128xf32>,
    %swap3A_2111 = arith.constant 35820 : index
    %swap3A_2112 = arith.constant 0 : index
    %swap3A_2113 = vector.load %arg7[%swap3A_2111, %swap3A_2112] : memref<61440x128xf32, #tpu.memory_space<vmem>>, vector<60x128xf32>
    tpu.vector_store %arg7[%swap3A_2111, %swap3A_2112], %concatenate3A {strides = array<i32>} : memref<61440x128xf32, #tpu.memory_space<vmem>>, vector<60x128xf32>,
    %swap3A_2114 = arith.constant 35880 : index
    %swap3A_2115 = arith.constant 0 : index
    %swap3A_2116 = vector.load %arg7[%swap3A_2114, %swap3A_2115] : memref<61440x128xf32, #tpu.memory_space<vmem>>, vector<60x128xf32>
    tpu.vector_store %arg7[%swap3A_2114, %swap3A_2115], %concatenate3A {strides = array<i32>} : memref<61440x128xf32, #tpu.memory_space<vmem>>, vector<60x128xf32>,
    %swap3A_2117 = arith.constant 35940 : index
    %swap3A_2118 = arith.constant 0 : index
    %swap3A_2119 = vector.load %arg7[%swap3A_2117, %swap3A_2118] : memref<61440x128xf32, #tpu.memory_space<vmem>>, vector<60x128xf32>
    tpu.vector_store %arg7[%swap3A_2117, %swap3A_2118], %concatenate3A {strides = array<i32>} : memref<61440x128xf32, #tpu.memory_space<vmem>>, vector<60x128xf32>,
    %swap3A_2120 = arith.constant 36000 : index
    %swap3A_2121 = arith.constant 0 : index
    %swap3A_2122 = vector.load %arg7[%swap3A_2120, %swap3A_2121] : memref<61440x128xf32, #tpu.memory_space<vmem>>, vector<60x128xf32>
    tpu.vector_store %arg7[%swap3A_2120, %swap3A_2121], %concatenate3A {strides = array<i32>} : memref<61440x128xf32, #tpu.memory_space<vmem>>, vector<60x128xf32>,
    %swap3A_2123 = arith.constant 36060 : index
    %swap3A_2124 = arith.constant 0 : index
    %swap3A_2125 = vector.load %arg7[%swap3A_2123, %swap3A_2124] : memref<61440x128xf32, #tpu.memory_space<vmem>>, vector<60x128xf32>
    tpu.vector_store %arg7[%swap3A_2123, %swap3A_2124], %concatenate3A {strides = array<i32>} : memref<61440x128xf32, #tpu.memory_space<vmem>>, vector<60x128xf32>,
    %swap3A_2126 = arith.constant 36120 : index
    %swap3A_2127 = arith.constant 0 : index
    %swap3A_2128 = vector.load %arg7[%swap3A_2126, %swap3A_2127] : memref<61440x128xf32, #tpu.memory_space<vmem>>, vector<60x128xf32>
    tpu.vector_store %arg7[%swap3A_2126, %swap3A_2127], %concatenate3A {strides = array<i32>} : memref<61440x128xf32, #tpu.memory_space<vmem>>, vector<60x128xf32>,
    %swap3A_2129 = arith.constant 36180 : index
    %swap3A_2130 = arith.constant 0 : index
    %swap3A_2131 = vector.load %arg7[%swap3A_2129, %swap3A_2130] : memref<61440x128xf32, #tpu.memory_space<vmem>>, vector<60x128xf32>
    tpu.vector_store %arg7[%swap3A_2129, %swap3A_2130], %concatenate3A {strides = array<i32>} : memref<61440x128xf32, #tpu.memory_space<vmem>>, vector<60x128xf32>,
    %swap3A_2132 = arith.constant 36240 : index
    %swap3A_2133 = arith.constant 0 : index
    %swap3A_2134 = vector.load %arg7[%swap3A_2132, %swap3A_2133] : memref<61440x128xf32, #tpu.memory_space<vmem>>, vector<60x128xf32>
    tpu.vector_store %arg7[%swap3A_2132, %swap3A_2133], %concatenate3A {strides = array<i32>} : memref<61440x128xf32, #tpu.memory_space<vmem>>, vector<60x128xf32>,
    %swap3A_2135 = arith.constant 36300 : index
    %swap3A_2136 = arith.constant 0 : index
    %swap3A_2137 = vector.load %arg7[%swap3A_2135, %swap3A_2136] : memref<61440x128xf32, #tpu.memory_space<vmem>>, vector<60x128xf32>
    tpu.vector_store %arg7[%swap3A_2135, %swap3A_2136], %concatenate3A {strides = array<i32>} : memref<61440x128xf32, #tpu.memory_space<vmem>>, vector<60x128xf32>,
    %swap3A_2138 = arith.constant 36360 : index
    %swap3A_2139 = arith.constant 0 : index
    %swap3A_2140 = vector.load %arg7[%swap3A_2138, %swap3A_2139] : memref<61440x128xf32, #tpu.memory_space<vmem>>, vector<60x128xf32>
    tpu.vector_store %arg7[%swap3A_2138, %swap3A_2139], %concatenate3A {strides = array<i32>} : memref<61440x128xf32, #tpu.memory_space<vmem>>, vector<60x128xf32>,
    %swap3A_2141 = arith.constant 36420 : index
    %swap3A_2142 = arith.constant 0 : index
    %swap3A_2143 = vector.load %arg7[%swap3A_2141, %swap3A_2142] : memref<61440x128xf32, #tpu.memory_space<vmem>>, vector<60x128xf32>
    tpu.vector_store %arg7[%swap3A_2141, %swap3A_2142], %concatenate3A {strides = array<i32>} : memref<61440x128xf32, #tpu.memory_space<vmem>>, vector<60x128xf32>,
    %swap3A_2144 = arith.constant 36480 : index
    %swap3A_2145 = arith.constant 0 : index
    %swap3A_2146 = vector.load %arg7[%swap3A_2144, %swap3A_2145] : memref<61440x128xf32, #tpu.memory_space<vmem>>, vector<60x128xf32>
    tpu.vector_store %arg7[%swap3A_2144, %swap3A_2145], %concatenate3A {strides = array<i32>} : memref<61440x128xf32, #tpu.memory_space<vmem>>, vector<60x128xf32>,
    %swap3A_2147 = arith.constant 36540 : index
    %swap3A_2148 = arith.constant 0 : index
    %swap3A_2149 = vector.load %arg7[%swap3A_2147, %swap3A_2148] : memref<61440x128xf32, #tpu.memory_space<vmem>>, vector<60x128xf32>
    tpu.vector_store %arg7[%swap3A_2147, %swap3A_2148], %concatenate3A {strides = array<i32>} : memref<61440x128xf32, #tpu.memory_space<vmem>>, vector<60x128xf32>,
    %swap3A_2150 = arith.constant 36600 : index
    %swap3A_2151 = arith.constant 0 : index
    %swap3A_2152 = vector.load %arg7[%swap3A_2150, %swap3A_2151] : memref<61440x128xf32, #tpu.memory_space<vmem>>, vector<60x128xf32>
    tpu.vector_store %arg7[%swap3A_2150, %swap3A_2151], %concatenate3A {strides = array<i32>} : memref<61440x128xf32, #tpu.memory_space<vmem>>, vector<60x128xf32>,
    %swap3A_2153 = arith.constant 36660 : index
    %swap3A_2154 = arith.constant 0 : index
    %swap3A_2155 = vector.load %arg7[%swap3A_2153, %swap3A_2154] : memref<61440x128xf32, #tpu.memory_space<vmem>>, vector<60x128xf32>
    tpu.vector_store %arg7[%swap3A_2153, %swap3A_2154], %concatenate3A {strides = array<i32>} : memref<61440x128xf32, #tpu.memory_space<vmem>>, vector<60x128xf32>,
    %swap3A_2156 = arith.constant 36720 : index
    %swap3A_2157 = arith.constant 0 : index
    %swap3A_2158 = vector.load %arg7[%swap3A_2156, %swap3A_2157] : memref<61440x128xf32, #tpu.memory_space<vmem>>, vector<60x128xf32>
    tpu.vector_store %arg7[%swap3A_2156, %swap3A_2157], %concatenate3A {strides = array<i32>} : memref<61440x128xf32, #tpu.memory_space<vmem>>, vector<60x128xf32>,
    %swap3A_2159 = arith.constant 36780 : index
    %swap3A_2160 = arith.constant 0 : index
    %swap3A_2161 = vector.load %arg7[%swap3A_2159, %swap3A_2160] : memref<61440x128xf32, #tpu.memory_space<vmem>>, vector<60x128xf32>
    tpu.vector_store %arg7[%swap3A_2159, %swap3A_2160], %concatenate3A {strides = array<i32>} : memref<61440x128xf32, #tpu.memory_space<vmem>>, vector<60x128xf32>,
    %swap3A_2162 = arith.constant 36840 : index
    %swap3A_2163 = arith.constant 0 : index
    %swap3A_2164 = vector.load %arg7[%swap3A_2162, %swap3A_2163] : memref<61440x128xf32, #tpu.memory_space<vmem>>, vector<60x128xf32>
    tpu.vector_store %arg7[%swap3A_2162, %swap3A_2163], %concatenate3A {strides = array<i32>} : memref<61440x128xf32, #tpu.memory_space<vmem>>, vector<60x128xf32>,
    %swap3A_2165 = arith.constant 36900 : index
    %swap3A_2166 = arith.constant 0 : index
    %swap3A_2167 = vector.load %arg7[%swap3A_2165, %swap3A_2166] : memref<61440x128xf32, #tpu.memory_space<vmem>>, vector<60x128xf32>
    tpu.vector_store %arg7[%swap3A_2165, %swap3A_2166], %concatenate3A {strides = array<i32>} : memref<61440x128xf32, #tpu.memory_space<vmem>>, vector<60x128xf32>,
    %swap3A_2168 = arith.constant 36960 : index
    %swap3A_2169 = arith.constant 0 : index
    %swap3A_2170 = vector.load %arg7[%swap3A_2168, %swap3A_2169] : memref<61440x128xf32, #tpu.memory_space<vmem>>, vector<60x128xf32>
    tpu.vector_store %arg7[%swap3A_2168, %swap3A_2169], %concatenate3A {strides = array<i32>} : memref<61440x128xf32, #tpu.memory_space<vmem>>, vector<60x128xf32>,
    %swap3A_2171 = arith.constant 37020 : index
    %swap3A_2172 = arith.constant 0 : index
    %swap3A_2173 = vector.load %arg7[%swap3A_2171, %swap3A_2172] : memref<61440x128xf32, #tpu.memory_space<vmem>>, vector<60x128xf32>
    tpu.vector_store %arg7[%swap3A_2171, %swap3A_2172], %concatenate3A {strides = array<i32>} : memref<61440x128xf32, #tpu.memory_space<vmem>>, vector<60x128xf32>,
    %swap3A_2174 = arith.constant 37080 : index
    %swap3A_2175 = arith.constant 0 : index
    %swap3A_2176 = vector.load %arg7[%swap3A_2174, %swap3A_2175] : memref<61440x128xf32, #tpu.memory_space<vmem>>, vector<60x128xf32>
    tpu.vector_store %arg7[%swap3A_2174, %swap3A_2175], %concatenate3A {strides = array<i32>} : memref<61440x128xf32, #tpu.memory_space<vmem>>, vector<60x128xf32>,
    %swap3A_2177 = arith.constant 37140 : index
    %swap3A_2178 = arith.constant 0 : index
    %swap3A_2179 = vector.load %arg7[%swap3A_2177, %swap3A_2178] : memref<61440x128xf32, #tpu.memory_space<vmem>>, vector<60x128xf32>
    tpu.vector_store %arg7[%swap3A_2177, %swap3A_2178], %concatenate3A {strides = array<i32>} : memref<61440x128xf32, #tpu.memory_space<vmem>>, vector<60x128xf32>,
    %swap3A_2180 = arith.constant 37200 : index
    %swap3A_2181 = arith.constant 0 : index
    %swap3A_2182 = vector.load %arg7[%swap3A_2180, %swap3A_2181] : memref<61440x128xf32, #tpu.memory_space<vmem>>, vector<60x128xf32>
    tpu.vector_store %arg7[%swap3A_2180, %swap3A_2181], %concatenate3A {strides = array<i32>} : memref<61440x128xf32, #tpu.memory_space<vmem>>, vector<60x128xf32>,
    %swap3A_2183 = arith.constant 37260 : index
    %swap3A_2184 = arith.constant 0 : index
    %swap3A_2185 = vector.load %arg7[%swap3A_2183, %swap3A_2184] : memref<61440x128xf32, #tpu.memory_space<vmem>>, vector<60x128xf32>
    tpu.vector_store %arg7[%swap3A_2183, %swap3A_2184], %concatenate3A {strides = array<i32>} : memref<61440x128xf32, #tpu.memory_space<vmem>>, vector<60x128xf32>,
    %swap3A_2186 = arith.constant 37320 : index
    %swap3A_2187 = arith.constant 0 : index
    %swap3A_2188 = vector.load %arg7[%swap3A_2186, %swap3A_2187] : memref<61440x128xf32, #tpu.memory_space<vmem>>, vector<60x128xf32>
    tpu.vector_store %arg7[%swap3A_2186, %swap3A_2187], %concatenate3A {strides = array<i32>} : memref<61440x128xf32, #tpu.memory_space<vmem>>, vector<60x128xf32>,
    %swap3A_2189 = arith.constant 37380 : index
    %swap3A_2190 = arith.constant 0 : index
    %swap3A_2191 = vector.load %arg7[%swap3A_2189, %swap3A_2190] : memref<61440x128xf32, #tpu.memory_space<vmem>>, vector<60x128xf32>
    tpu.vector_store %arg7[%swap3A_2189, %swap3A_2190], %concatenate3A {strides = array<i32>} : memref<61440x128xf32, #tpu.memory_space<vmem>>, vector<60x128xf32>,
    %swap3A_2192 = arith.constant 37440 : index
    %swap3A_2193 = arith.constant 0 : index
    %swap3A_2194 = vector.load %arg7[%swap3A_2192, %swap3A_2193] : memref<61440x128xf32, #tpu.memory_space<vmem>>, vector<60x128xf32>
    tpu.vector_store %arg7[%swap3A_2192, %swap3A_2193], %concatenate3A {strides = array<i32>} : memref<61440x128xf32, #tpu.memory_space<vmem>>, vector<60x128xf32>,
    %swap3A_2195 = arith.constant 37500 : index
    %swap3A_2196 = arith.constant 0 : index
    %swap3A_2197 = vector.load %arg7[%swap3A_2195, %swap3A_2196] : memref<61440x128xf32, #tpu.memory_space<vmem>>, vector<60x128xf32>
    tpu.vector_store %arg7[%swap3A_2195, %swap3A_2196], %concatenate3A {strides = array<i32>} : memref<61440x128xf32, #tpu.memory_space<vmem>>, vector<60x128xf32>,
    %swap3A_2198 = arith.constant 37560 : index
    %swap3A_2199 = arith.constant 0 : index
    %swap3A_2200 = vector.load %arg7[%swap3A_2198, %swap3A_2199] : memref<61440x128xf32, #tpu.memory_space<vmem>>, vector<60x128xf32>
    tpu.vector_store %arg7[%swap3A_2198, %swap3A_2199], %concatenate3A {strides = array<i32>} : memref<61440x128xf32, #tpu.memory_space<vmem>>, vector<60x128xf32>,
    %swap3A_2201 = arith.constant 37620 : index
    %swap3A_2202 = arith.constant 0 : index
    %swap3A_2203 = vector.load %arg7[%swap3A_2201, %swap3A_2202] : memref<61440x128xf32, #tpu.memory_space<vmem>>, vector<60x128xf32>
    tpu.vector_store %arg7[%swap3A_2201, %swap3A_2202], %concatenate3A {strides = array<i32>} : memref<61440x128xf32, #tpu.memory_space<vmem>>, vector<60x128xf32>,
    %swap3A_2204 = arith.constant 37680 : index
    %swap3A_2205 = arith.constant 0 : index
    %swap3A_2206 = vector.load %arg7[%swap3A_2204, %swap3A_2205] : memref<61440x128xf32, #tpu.memory_space<vmem>>, vector<60x128xf32>
    tpu.vector_store %arg7[%swap3A_2204, %swap3A_2205], %concatenate3A {strides = array<i32>} : memref<61440x128xf32, #tpu.memory_space<vmem>>, vector<60x128xf32>,
    %swap3A_2207 = arith.constant 37740 : index
    %swap3A_2208 = arith.constant 0 : index
    %swap3A_2209 = vector.load %arg7[%swap3A_2207, %swap3A_2208] : memref<61440x128xf32, #tpu.memory_space<vmem>>, vector<60x128xf32>
    tpu.vector_store %arg7[%swap3A_2207, %swap3A_2208], %concatenate3A {strides = array<i32>} : memref<61440x128xf32, #tpu.memory_space<vmem>>, vector<60x128xf32>,
    %swap3A_2210 = arith.constant 37800 : index
    %swap3A_2211 = arith.constant 0 : index
    %swap3A_2212 = vector.load %arg7[%swap3A_2210, %swap3A_2211] : memref<61440x128xf32, #tpu.memory_space<vmem>>, vector<60x128xf32>
    tpu.vector_store %arg7[%swap3A_2210, %swap3A_2211], %concatenate3A {strides = array<i32>} : memref<61440x128xf32, #tpu.memory_space<vmem>>, vector<60x128xf32>,
    %swap3A_2213 = arith.constant 37860 : index
    %swap3A_2214 = arith.constant 0 : index
    %swap3A_2215 = vector.load %arg7[%swap3A_2213, %swap3A_2214] : memref<61440x128xf32, #tpu.memory_space<vmem>>, vector<60x128xf32>
    tpu.vector_store %arg7[%swap3A_2213, %swap3A_2214], %concatenate3A {strides = array<i32>} : memref<61440x128xf32, #tpu.memory_space<vmem>>, vector<60x128xf32>,
    %swap3A_2216 = arith.constant 37920 : index
    %swap3A_2217 = arith.constant 0 : index
    %swap3A_2218 = vector.load %arg7[%swap3A_2216, %swap3A_2217] : memref<61440x128xf32, #tpu.memory_space<vmem>>, vector<60x128xf32>
    tpu.vector_store %arg7[%swap3A_2216, %swap3A_2217], %concatenate3A {strides = array<i32>} : memref<61440x128xf32, #tpu.memory_space<vmem>>, vector<60x128xf32>,
    %swap3A_2219 = arith.constant 37980 : index
    %swap3A_2220 = arith.constant 0 : index
    %swap3A_2221 = vector.load %arg7[%swap3A_2219, %swap3A_2220] : memref<61440x128xf32, #tpu.memory_space<vmem>>, vector<60x128xf32>
    tpu.vector_store %arg7[%swap3A_2219, %swap3A_2220], %concatenate3A {strides = array<i32>} : memref<61440x128xf32, #tpu.memory_space<vmem>>, vector<60x128xf32>,
    %swap3A_2222 = arith.constant 38040 : index
    %swap3A_2223 = arith.constant 0 : index
    %swap3A_2224 = vector.load %arg7[%swap3A_2222, %swap3A_2223] : memref<61440x128xf32, #tpu.memory_space<vmem>>, vector<60x128xf32>
    tpu.vector_store %arg7[%swap3A_2222, %swap3A_2223], %concatenate3A {strides = array<i32>} : memref<61440x128xf32, #tpu.memory_space<vmem>>, vector<60x128xf32>,
    %swap3A_2225 = arith.constant 38100 : index
    %swap3A_2226 = arith.constant 0 : index
    %swap3A_2227 = vector.load %arg7[%swap3A_2225, %swap3A_2226] : memref<61440x128xf32, #tpu.memory_space<vmem>>, vector<60x128xf32>
    tpu.vector_store %arg7[%swap3A_2225, %swap3A_2226], %concatenate3A {strides = array<i32>} : memref<61440x128xf32, #tpu.memory_space<vmem>>, vector<60x128xf32>,
    %swap3A_2228 = arith.constant 38160 : index
    %swap3A_2229 = arith.constant 0 : index
    %swap3A_2230 = vector.load %arg7[%swap3A_2228, %swap3A_2229] : memref<61440x128xf32, #tpu.memory_space<vmem>>, vector<60x128xf32>
    tpu.vector_store %arg7[%swap3A_2228, %swap3A_2229], %concatenate3A {strides = array<i32>} : memref<61440x128xf32, #tpu.memory_space<vmem>>, vector<60x128xf32>,
    %swap3A_2231 = arith.constant 38220 : index
    %swap3A_2232 = arith.constant 0 : index
    %swap3A_2233 = vector.load %arg7[%swap3A_2231, %swap3A_2232] : memref<61440x128xf32, #tpu.memory_space<vmem>>, vector<60x128xf32>
    tpu.vector_store %arg7[%swap3A_2231, %swap3A_2232], %concatenate3A {strides = array<i32>} : memref<61440x128xf32, #tpu.memory_space<vmem>>, vector<60x128xf32>,
    %swap3A_2234 = arith.constant 38280 : index
    %swap3A_2235 = arith.constant 0 : index
    %swap3A_2236 = vector.load %arg7[%swap3A_2234, %swap3A_2235] : memref<61440x128xf32, #tpu.memory_space<vmem>>, vector<60x128xf32>
    tpu.vector_store %arg7[%swap3A_2234, %swap3A_2235], %concatenate3A {strides = array<i32>} : memref<61440x128xf32, #tpu.memory_space<vmem>>, vector<60x128xf32>,
    %swap3A_2237 = arith.constant 38340 : index
    %swap3A_2238 = arith.constant 0 : index
    %swap3A_2239 = vector.load %arg7[%swap3A_2237, %swap3A_2238] : memref<61440x128xf32, #tpu.memory_space<vmem>>, vector<60x128xf32>
    tpu.vector_store %arg7[%swap3A_2237, %swap3A_2238], %concatenate3A {strides = array<i32>} : memref<61440x128xf32, #tpu.memory_space<vmem>>, vector<60x128xf32>,
    %swap3A_2240 = arith.constant 38400 : index
    %swap3A_2241 = arith.constant 0 : index
    %swap3A_2242 = vector.load %arg7[%swap3A_2240, %swap3A_2241] : memref<61440x128xf32, #tpu.memory_space<vmem>>, vector<60x128xf32>
    tpu.vector_store %arg7[%swap3A_2240, %swap3A_2241], %concatenate3A {strides = array<i32>} : memref<61440x128xf32, #tpu.memory_space<vmem>>, vector<60x128xf32>,
    %swap3A_2243 = arith.constant 38460 : index
    %swap3A_2244 = arith.constant 0 : index
    %swap3A_2245 = vector.load %arg7[%swap3A_2243, %swap3A_2244] : memref<61440x128xf32, #tpu.memory_space<vmem>>, vector<60x128xf32>
    tpu.vector_store %arg7[%swap3A_2243, %swap3A_2244], %concatenate3A {strides = array<i32>} : memref<61440x128xf32, #tpu.memory_space<vmem>>, vector<60x128xf32>,
    %swap3A_2246 = arith.constant 38520 : index
    %swap3A_2247 = arith.constant 0 : index
    %swap3A_2248 = vector.load %arg7[%swap3A_2246, %swap3A_2247] : memref<61440x128xf32, #tpu.memory_space<vmem>>, vector<60x128xf32>
    tpu.vector_store %arg7[%swap3A_2246, %swap3A_2247], %concatenate3A {strides = array<i32>} : memref<61440x128xf32, #tpu.memory_space<vmem>>, vector<60x128xf32>,
    %swap3A_2249 = arith.constant 38580 : index
    %swap3A_2250 = arith.constant 0 : index
    %swap3A_2251 = vector.load %arg7[%swap3A_2249, %swap3A_2250] : memref<61440x128xf32, #tpu.memory_space<vmem>>, vector<60x128xf32>
    tpu.vector_store %arg7[%swap3A_2249, %swap3A_2250], %concatenate3A {strides = array<i32>} : memref<61440x128xf32, #tpu.memory_space<vmem>>, vector<60x128xf32>,
    %swap3A_2252 = arith.constant 38640 : index
    %swap3A_2253 = arith.constant 0 : index
    %swap3A_2254 = vector.load %arg7[%swap3A_2252, %swap3A_2253] : memref<61440x128xf32, #tpu.memory_space<vmem>>, vector<60x128xf32>
    tpu.vector_store %arg7[%swap3A_2252, %swap3A_2253], %concatenate3A {strides = array<i32>} : memref<61440x128xf32, #tpu.memory_space<vmem>>, vector<60x128xf32>,
    %swap3A_2255 = arith.constant 38700 : index
    %swap3A_2256 = arith.constant 0 : index
    %swap3A_2257 = vector.load %arg7[%swap3A_2255, %swap3A_2256] : memref<61440x128xf32, #tpu.memory_space<vmem>>, vector<60x128xf32>
    tpu.vector_store %arg7[%swap3A_2255, %swap3A_2256], %concatenate3A {strides = array<i32>} : memref<61440x128xf32, #tpu.memory_space<vmem>>, vector<60x128xf32>,
    %swap3A_2258 = arith.constant 38760 : index
    %swap3A_2259 = arith.constant 0 : index
    %swap3A_2260 = vector.load %arg7[%swap3A_2258, %swap3A_2259] : memref<61440x128xf32, #tpu.memory_space<vmem>>, vector<60x128xf32>
    tpu.vector_store %arg7[%swap3A_2258, %swap3A_2259], %concatenate3A {strides = array<i32>} : memref<61440x128xf32, #tpu.memory_space<vmem>>, vector<60x128xf32>,
    %swap3A_2261 = arith.constant 38820 : index
    %swap3A_2262 = arith.constant 0 : index
    %swap3A_2263 = vector.load %arg7[%swap3A_2261, %swap3A_2262] : memref<61440x128xf32, #tpu.memory_space<vmem>>, vector<60x128xf32>
    tpu.vector_store %arg7[%swap3A_2261, %swap3A_2262], %concatenate3A {strides = array<i32>} : memref<61440x128xf32, #tpu.memory_space<vmem>>, vector<60x128xf32>,
    %swap3A_2264 = arith.constant 38880 : index
    %swap3A_2265 = arith.constant 0 : index
    %swap3A_2266 = vector.load %arg7[%swap3A_2264, %swap3A_2265] : memref<61440x128xf32, #tpu.memory_space<vmem>>, vector<60x128xf32>
    tpu.vector_store %arg7[%swap3A_2264, %swap3A_2265], %concatenate3A {strides = array<i32>} : memref<61440x128xf32, #tpu.memory_space<vmem>>, vector<60x128xf32>,
    %swap3A_2267 = arith.constant 38940 : index
    %swap3A_2268 = arith.constant 0 : index
    %swap3A_2269 = vector.load %arg7[%swap3A_2267, %swap3A_2268] : memref<61440x128xf32, #tpu.memory_space<vmem>>, vector<60x128xf32>
    tpu.vector_store %arg7[%swap3A_2267, %swap3A_2268], %concatenate3A {strides = array<i32>} : memref<61440x128xf32, #tpu.memory_space<vmem>>, vector<60x128xf32>,
    %swap3A_2270 = arith.constant 39000 : index
    %swap3A_2271 = arith.constant 0 : index
    %swap3A_2272 = vector.load %arg7[%swap3A_2270, %swap3A_2271] : memref<61440x128xf32, #tpu.memory_space<vmem>>, vector<60x128xf32>
    tpu.vector_store %arg7[%swap3A_2270, %swap3A_2271], %concatenate3A {strides = array<i32>} : memref<61440x128xf32, #tpu.memory_space<vmem>>, vector<60x128xf32>,
    %swap3A_2273 = arith.constant 39060 : index
    %swap3A_2274 = arith.constant 0 : index
    %swap3A_2275 = vector.load %arg7[%swap3A_2273, %swap3A_2274] : memref<61440x128xf32, #tpu.memory_space<vmem>>, vector<60x128xf32>
    tpu.vector_store %arg7[%swap3A_2273, %swap3A_2274], %concatenate3A {strides = array<i32>} : memref<61440x128xf32, #tpu.memory_space<vmem>>, vector<60x128xf32>,
    %swap3A_2276 = arith.constant 39120 : index
    %swap3A_2277 = arith.constant 0 : index
    %swap3A_2278 = vector.load %arg7[%swap3A_2276, %swap3A_2277] : memref<61440x128xf32, #tpu.memory_space<vmem>>, vector<60x128xf32>
    tpu.vector_store %arg7[%swap3A_2276, %swap3A_2277], %concatenate3A {strides = array<i32>} : memref<61440x128xf32, #tpu.memory_space<vmem>>, vector<60x128xf32>,
    %swap3A_2279 = arith.constant 39180 : index
    %swap3A_2280 = arith.constant 0 : index
    %swap3A_2281 = vector.load %arg7[%swap3A_2279, %swap3A_2280] : memref<61440x128xf32, #tpu.memory_space<vmem>>, vector<60x128xf32>
    tpu.vector_store %arg7[%swap3A_2279, %swap3A_2280], %concatenate3A {strides = array<i32>} : memref<61440x128xf32, #tpu.memory_space<vmem>>, vector<60x128xf32>,
    %swap3A_2282 = arith.constant 39240 : index
    %swap3A_2283 = arith.constant 0 : index
    %swap3A_2284 = vector.load %arg7[%swap3A_2282, %swap3A_2283] : memref<61440x128xf32, #tpu.memory_space<vmem>>, vector<60x128xf32>
    tpu.vector_store %arg7[%swap3A_2282, %swap3A_2283], %concatenate3A {strides = array<i32>} : memref<61440x128xf32, #tpu.memory_space<vmem>>, vector<60x128xf32>,
    %swap3A_2285 = arith.constant 39300 : index
    %swap3A_2286 = arith.constant 0 : index
    %swap3A_2287 = vector.load %arg7[%swap3A_2285, %swap3A_2286] : memref<61440x128xf32, #tpu.memory_space<vmem>>, vector<60x128xf32>
    tpu.vector_store %arg7[%swap3A_2285, %swap3A_2286], %concatenate3A {strides = array<i32>} : memref<61440x128xf32, #tpu.memory_space<vmem>>, vector<60x128xf32>,
    %swap3A_2288 = arith.constant 39360 : index
    %swap3A_2289 = arith.constant 0 : index
    %swap3A_2290 = vector.load %arg7[%swap3A_2288, %swap3A_2289] : memref<61440x128xf32, #tpu.memory_space<vmem>>, vector<60x128xf32>
    tpu.vector_store %arg7[%swap3A_2288, %swap3A_2289], %concatenate3A {strides = array<i32>} : memref<61440x128xf32, #tpu.memory_space<vmem>>, vector<60x128xf32>,
    %swap3A_2291 = arith.constant 39420 : index
    %swap3A_2292 = arith.constant 0 : index
    %swap3A_2293 = vector.load %arg7[%swap3A_2291, %swap3A_2292] : memref<61440x128xf32, #tpu.memory_space<vmem>>, vector<60x128xf32>
    tpu.vector_store %arg7[%swap3A_2291, %swap3A_2292], %concatenate3A {strides = array<i32>} : memref<61440x128xf32, #tpu.memory_space<vmem>>, vector<60x128xf32>,
    %swap3A_2294 = arith.constant 39480 : index
    %swap3A_2295 = arith.constant 0 : index
    %swap3A_2296 = vector.load %arg7[%swap3A_2294, %swap3A_2295] : memref<61440x128xf32, #tpu.memory_space<vmem>>, vector<60x128xf32>
    tpu.vector_store %arg7[%swap3A_2294, %swap3A_2295], %concatenate3A {strides = array<i32>} : memref<61440x128xf32, #tpu.memory_space<vmem>>, vector<60x128xf32>,
    %swap3A_2297 = arith.constant 39540 : index
    %swap3A_2298 = arith.constant 0 : index
    %swap3A_2299 = vector.load %arg7[%swap3A_2297, %swap3A_2298] : memref<61440x128xf32, #tpu.memory_space<vmem>>, vector<60x128xf32>
    tpu.vector_store %arg7[%swap3A_2297, %swap3A_2298], %concatenate3A {strides = array<i32>} : memref<61440x128xf32, #tpu.memory_space<vmem>>, vector<60x128xf32>,
    %swap3A_2300 = arith.constant 39600 : index
    %swap3A_2301 = arith.constant 0 : index
    %swap3A_2302 = vector.load %arg7[%swap3A_2300, %swap3A_2301] : memref<61440x128xf32, #tpu.memory_space<vmem>>, vector<60x128xf32>
    tpu.vector_store %arg7[%swap3A_2300, %swap3A_2301], %concatenate3A {strides = array<i32>} : memref<61440x128xf32, #tpu.memory_space<vmem>>, vector<60x128xf32>,
    %swap3A_2303 = arith.constant 39660 : index
    %swap3A_2304 = arith.constant 0 : index
    %swap3A_2305 = vector.load %arg7[%swap3A_2303, %swap3A_2304] : memref<61440x128xf32, #tpu.memory_space<vmem>>, vector<60x128xf32>
    tpu.vector_store %arg7[%swap3A_2303, %swap3A_2304], %concatenate3A {strides = array<i32>} : memref<61440x128xf32, #tpu.memory_space<vmem>>, vector<60x128xf32>,
    %swap3A_2306 = arith.constant 39720 : index
    %swap3A_2307 = arith.constant 0 : index
    %swap3A_2308 = vector.load %arg7[%swap3A_2306, %swap3A_2307] : memref<61440x128xf32, #tpu.memory_space<vmem>>, vector<60x128xf32>
    tpu.vector_store %arg7[%swap3A_2306, %swap3A_2307], %concatenate3A {strides = array<i32>} : memref<61440x128xf32, #tpu.memory_space<vmem>>, vector<60x128xf32>,
    %swap3A_2309 = arith.constant 39780 : index
    %swap3A_2310 = arith.constant 0 : index
    %swap3A_2311 = vector.load %arg7[%swap3A_2309, %swap3A_2310] : memref<61440x128xf32, #tpu.memory_space<vmem>>, vector<60x128xf32>
    tpu.vector_store %arg7[%swap3A_2309, %swap3A_2310], %concatenate3A {strides = array<i32>} : memref<61440x128xf32, #tpu.memory_space<vmem>>, vector<60x128xf32>,
    %swap3A_2312 = arith.constant 39840 : index
    %swap3A_2313 = arith.constant 0 : index
    %swap3A_2314 = vector.load %arg7[%swap3A_2312, %swap3A_2313] : memref<61440x128xf32, #tpu.memory_space<vmem>>, vector<60x128xf32>
    tpu.vector_store %arg7[%swap3A_2312, %swap3A_2313], %concatenate3A {strides = array<i32>} : memref<61440x128xf32, #tpu.memory_space<vmem>>, vector<60x128xf32>,
    %swap3A_2315 = arith.constant 39900 : index
    %swap3A_2316 = arith.constant 0 : index
    %swap3A_2317 = vector.load %arg7[%swap3A_2315, %swap3A_2316] : memref<61440x128xf32, #tpu.memory_space<vmem>>, vector<60x128xf32>
    tpu.vector_store %arg7[%swap3A_2315, %swap3A_2316], %concatenate3A {strides = array<i32>} : memref<61440x128xf32, #tpu.memory_space<vmem>>, vector<60x128xf32>,
    %swap3A_2318 = arith.constant 39960 : index
    %swap3A_2319 = arith.constant 0 : index
    %swap3A_2320 = vector.load %arg7[%swap3A_2318, %swap3A_2319] : memref<61440x128xf32, #tpu.memory_space<vmem>>, vector<60x128xf32>
    tpu.vector_store %arg7[%swap3A_2318, %swap3A_2319], %concatenate3A {strides = array<i32>} : memref<61440x128xf32, #tpu.memory_space<vmem>>, vector<60x128xf32>,
    %swap3A_2321 = arith.constant 40020 : index
    %swap3A_2322 = arith.constant 0 : index
    %swap3A_2323 = vector.load %arg7[%swap3A_2321, %swap3A_2322] : memref<61440x128xf32, #tpu.memory_space<vmem>>, vector<60x128xf32>
    tpu.vector_store %arg7[%swap3A_2321, %swap3A_2322], %concatenate3A {strides = array<i32>} : memref<61440x128xf32, #tpu.memory_space<vmem>>, vector<60x128xf32>,
    %swap3A_2324 = arith.constant 40080 : index
    %swap3A_2325 = arith.constant 0 : index
    %swap3A_2326 = vector.load %arg7[%swap3A_2324, %swap3A_2325] : memref<61440x128xf32, #tpu.memory_space<vmem>>, vector<60x128xf32>
    tpu.vector_store %arg7[%swap3A_2324, %swap3A_2325], %concatenate3A {strides = array<i32>} : memref<61440x128xf32, #tpu.memory_space<vmem>>, vector<60x128xf32>,
    %swap3A_2327 = arith.constant 40140 : index
    %swap3A_2328 = arith.constant 0 : index
    %swap3A_2329 = vector.load %arg7[%swap3A_2327, %swap3A_2328] : memref<61440x128xf32, #tpu.memory_space<vmem>>, vector<60x128xf32>
    tpu.vector_store %arg7[%swap3A_2327, %swap3A_2328], %concatenate3A {strides = array<i32>} : memref<61440x128xf32, #tpu.memory_space<vmem>>, vector<60x128xf32>,
    %swap3A_2330 = arith.constant 40200 : index
    %swap3A_2331 = arith.constant 0 : index
    %swap3A_2332 = vector.load %arg7[%swap3A_2330, %swap3A_2331] : memref<61440x128xf32, #tpu.memory_space<vmem>>, vector<60x128xf32>
    tpu.vector_store %arg7[%swap3A_2330, %swap3A_2331], %concatenate3A {strides = array<i32>} : memref<61440x128xf32, #tpu.memory_space<vmem>>, vector<60x128xf32>,
    %swap3A_2333 = arith.constant 40260 : index
    %swap3A_2334 = arith.constant 0 : index
    %swap3A_2335 = vector.load %arg7[%swap3A_2333, %swap3A_2334] : memref<61440x128xf32, #tpu.memory_space<vmem>>, vector<60x128xf32>
    tpu.vector_store %arg7[%swap3A_2333, %swap3A_2334], %concatenate3A {strides = array<i32>} : memref<61440x128xf32, #tpu.memory_space<vmem>>, vector<60x128xf32>,
    %swap3A_2336 = arith.constant 40320 : index
    %swap3A_2337 = arith.constant 0 : index
    %swap3A_2338 = vector.load %arg7[%swap3A_2336, %swap3A_2337] : memref<61440x128xf32, #tpu.memory_space<vmem>>, vector<60x128xf32>
    tpu.vector_store %arg7[%swap3A_2336, %swap3A_2337], %concatenate3A {strides = array<i32>} : memref<61440x128xf32, #tpu.memory_space<vmem>>, vector<60x128xf32>,
    %swap3A_2339 = arith.constant 40380 : index
    %swap3A_2340 = arith.constant 0 : index
    %swap3A_2341 = vector.load %arg7[%swap3A_2339, %swap3A_2340] : memref<61440x128xf32, #tpu.memory_space<vmem>>, vector<60x128xf32>
    tpu.vector_store %arg7[%swap3A_2339, %swap3A_2340], %concatenate3A {strides = array<i32>} : memref<61440x128xf32, #tpu.memory_space<vmem>>, vector<60x128xf32>,
    %swap3A_2342 = arith.constant 40440 : index
    %swap3A_2343 = arith.constant 0 : index
    %swap3A_2344 = vector.load %arg7[%swap3A_2342, %swap3A_2343] : memref<61440x128xf32, #tpu.memory_space<vmem>>, vector<60x128xf32>
    tpu.vector_store %arg7[%swap3A_2342, %swap3A_2343], %concatenate3A {strides = array<i32>} : memref<61440x128xf32, #tpu.memory_space<vmem>>, vector<60x128xf32>,
    %swap3A_2345 = arith.constant 40500 : index
    %swap3A_2346 = arith.constant 0 : index
    %swap3A_2347 = vector.load %arg7[%swap3A_2345, %swap3A_2346] : memref<61440x128xf32, #tpu.memory_space<vmem>>, vector<60x128xf32>
    tpu.vector_store %arg7[%swap3A_2345, %swap3A_2346], %concatenate3A {strides = array<i32>} : memref<61440x128xf32, #tpu.memory_space<vmem>>, vector<60x128xf32>,
    %swap3A_2348 = arith.constant 40560 : index
    %swap3A_2349 = arith.constant 0 : index
    %swap3A_2350 = vector.load %arg7[%swap3A_2348, %swap3A_2349] : memref<61440x128xf32, #tpu.memory_space<vmem>>, vector<60x128xf32>
    tpu.vector_store %arg7[%swap3A_2348, %swap3A_2349], %concatenate3A {strides = array<i32>} : memref<61440x128xf32, #tpu.memory_space<vmem>>, vector<60x128xf32>,
    %swap3A_2351 = arith.constant 40620 : index
    %swap3A_2352 = arith.constant 0 : index
    %swap3A_2353 = vector.load %arg7[%swap3A_2351, %swap3A_2352] : memref<61440x128xf32, #tpu.memory_space<vmem>>, vector<60x128xf32>
    tpu.vector_store %arg7[%swap3A_2351, %swap3A_2352], %concatenate3A {strides = array<i32>} : memref<61440x128xf32, #tpu.memory_space<vmem>>, vector<60x128xf32>,
    %swap3A_2354 = arith.constant 40680 : index
    %swap3A_2355 = arith.constant 0 : index
    %swap3A_2356 = vector.load %arg7[%swap3A_2354, %swap3A_2355] : memref<61440x128xf32, #tpu.memory_space<vmem>>, vector<60x128xf32>
    tpu.vector_store %arg7[%swap3A_2354, %swap3A_2355], %concatenate3A {strides = array<i32>} : memref<61440x128xf32, #tpu.memory_space<vmem>>, vector<60x128xf32>,
    %swap3A_2357 = arith.constant 40740 : index
    %swap3A_2358 = arith.constant 0 : index
    %swap3A_2359 = vector.load %arg7[%swap3A_2357, %swap3A_2358] : memref<61440x128xf32, #tpu.memory_space<vmem>>, vector<60x128xf32>
    tpu.vector_store %arg7[%swap3A_2357, %swap3A_2358], %concatenate3A {strides = array<i32>} : memref<61440x128xf32, #tpu.memory_space<vmem>>, vector<60x128xf32>,
    %swap3A_2360 = arith.constant 40800 : index
    %swap3A_2361 = arith.constant 0 : index
    %swap3A_2362 = vector.load %arg7[%swap3A_2360, %swap3A_2361] : memref<61440x128xf32, #tpu.memory_space<vmem>>, vector<60x128xf32>
    tpu.vector_store %arg7[%swap3A_2360, %swap3A_2361], %concatenate3A {strides = array<i32>} : memref<61440x128xf32, #tpu.memory_space<vmem>>, vector<60x128xf32>,
    %swap3A_2363 = arith.constant 40860 : index
    %swap3A_2364 = arith.constant 0 : index
    %swap3A_2365 = vector.load %arg7[%swap3A_2363, %swap3A_2364] : memref<61440x128xf32, #tpu.memory_space<vmem>>, vector<60x128xf32>
    tpu.vector_store %arg7[%swap3A_2363, %swap3A_2364], %concatenate3A {strides = array<i32>} : memref<61440x128xf32, #tpu.memory_space<vmem>>, vector<60x128xf32>,
    %swap3A_2366 = arith.constant 40920 : index
    %swap3A_2367 = arith.constant 0 : index
    %swap3A_2368 = vector.load %arg7[%swap3A_2366, %swap3A_2367] : memref<61440x128xf32, #tpu.memory_space<vmem>>, vector<60x128xf32>
    tpu.vector_store %arg7[%swap3A_2366, %swap3A_2367], %concatenate3A {strides = array<i32>} : memref<61440x128xf32, #tpu.memory_space<vmem>>, vector<60x128xf32>,
    %swap3A_2369 = arith.constant 40980 : index
    %swap3A_2370 = arith.constant 0 : index
    %swap3A_2371 = vector.load %arg7[%swap3A_2369, %swap3A_2370] : memref<61440x128xf32, #tpu.memory_space<vmem>>, vector<60x128xf32>
    tpu.vector_store %arg7[%swap3A_2369, %swap3A_2370], %concatenate3A {strides = array<i32>} : memref<61440x128xf32, #tpu.memory_space<vmem>>, vector<60x128xf32>,
    %swap3A_2372 = arith.constant 41040 : index
    %swap3A_2373 = arith.constant 0 : index
    %swap3A_2374 = vector.load %arg7[%swap3A_2372, %swap3A_2373] : memref<61440x128xf32, #tpu.memory_space<vmem>>, vector<60x128xf32>
    tpu.vector_store %arg7[%swap3A_2372, %swap3A_2373], %concatenate3A {strides = array<i32>} : memref<61440x128xf32, #tpu.memory_space<vmem>>, vector<60x128xf32>,
    %swap3A_2375 = arith.constant 41100 : index
    %swap3A_2376 = arith.constant 0 : index
    %swap3A_2377 = vector.load %arg7[%swap3A_2375, %swap3A_2376] : memref<61440x128xf32, #tpu.memory_space<vmem>>, vector<60x128xf32>
    tpu.vector_store %arg7[%swap3A_2375, %swap3A_2376], %concatenate3A {strides = array<i32>} : memref<61440x128xf32, #tpu.memory_space<vmem>>, vector<60x128xf32>,
    %swap3A_2378 = arith.constant 41160 : index
    %swap3A_2379 = arith.constant 0 : index
    %swap3A_2380 = vector.load %arg7[%swap3A_2378, %swap3A_2379] : memref<61440x128xf32, #tpu.memory_space<vmem>>, vector<60x128xf32>
    tpu.vector_store %arg7[%swap3A_2378, %swap3A_2379], %concatenate3A {strides = array<i32>} : memref<61440x128xf32, #tpu.memory_space<vmem>>, vector<60x128xf32>,
    %swap3A_2381 = arith.constant 41220 : index
    %swap3A_2382 = arith.constant 0 : index
    %swap3A_2383 = vector.load %arg7[%swap3A_2381, %swap3A_2382] : memref<61440x128xf32, #tpu.memory_space<vmem>>, vector<60x128xf32>
    tpu.vector_store %arg7[%swap3A_2381, %swap3A_2382], %concatenate3A {strides = array<i32>} : memref<61440x128xf32, #tpu.memory_space<vmem>>, vector<60x128xf32>,
    %swap3A_2384 = arith.constant 41280 : index
    %swap3A_2385 = arith.constant 0 : index
    %swap3A_2386 = vector.load %arg7[%swap3A_2384, %swap3A_2385] : memref<61440x128xf32, #tpu.memory_space<vmem>>, vector<60x128xf32>
    tpu.vector_store %arg7[%swap3A_2384, %swap3A_2385], %concatenate3A {strides = array<i32>} : memref<61440x128xf32, #tpu.memory_space<vmem>>, vector<60x128xf32>,
    %swap3A_2387 = arith.constant 41340 : index
    %swap3A_2388 = arith.constant 0 : index
    %swap3A_2389 = vector.load %arg7[%swap3A_2387, %swap3A_2388] : memref<61440x128xf32, #tpu.memory_space<vmem>>, vector<60x128xf32>
    tpu.vector_store %arg7[%swap3A_2387, %swap3A_2388], %concatenate3A {strides = array<i32>} : memref<61440x128xf32, #tpu.memory_space<vmem>>, vector<60x128xf32>,
    %swap3A_2390 = arith.constant 41400 : index
    %swap3A_2391 = arith.constant 0 : index
    %swap3A_2392 = vector.load %arg7[%swap3A_2390, %swap3A_2391] : memref<61440x128xf32, #tpu.memory_space<vmem>>, vector<60x128xf32>
    tpu.vector_store %arg7[%swap3A_2390, %swap3A_2391], %concatenate3A {strides = array<i32>} : memref<61440x128xf32, #tpu.memory_space<vmem>>, vector<60x128xf32>,
    %swap3A_2393 = arith.constant 41460 : index
    %swap3A_2394 = arith.constant 0 : index
    %swap3A_2395 = vector.load %arg7[%swap3A_2393, %swap3A_2394] : memref<61440x128xf32, #tpu.memory_space<vmem>>, vector<60x128xf32>
    tpu.vector_store %arg7[%swap3A_2393, %swap3A_2394], %concatenate3A {strides = array<i32>} : memref<61440x128xf32, #tpu.memory_space<vmem>>, vector<60x128xf32>,
    %swap3A_2396 = arith.constant 41520 : index
    %swap3A_2397 = arith.constant 0 : index
    %swap3A_2398 = vector.load %arg7[%swap3A_2396, %swap3A_2397] : memref<61440x128xf32, #tpu.memory_space<vmem>>, vector<60x128xf32>
    tpu.vector_store %arg7[%swap3A_2396, %swap3A_2397], %concatenate3A {strides = array<i32>} : memref<61440x128xf32, #tpu.memory_space<vmem>>, vector<60x128xf32>,
    %swap3A_2399 = arith.constant 41580 : index
    %swap3A_2400 = arith.constant 0 : index
    %swap3A_2401 = vector.load %arg7[%swap3A_2399, %swap3A_2400] : memref<61440x128xf32, #tpu.memory_space<vmem>>, vector<60x128xf32>
    tpu.vector_store %arg7[%swap3A_2399, %swap3A_2400], %concatenate3A {strides = array<i32>} : memref<61440x128xf32, #tpu.memory_space<vmem>>, vector<60x128xf32>,
    %swap3A_2402 = arith.constant 41640 : index
    %swap3A_2403 = arith.constant 0 : index
    %swap3A_2404 = vector.load %arg7[%swap3A_2402, %swap3A_2403] : memref<61440x128xf32, #tpu.memory_space<vmem>>, vector<60x128xf32>
    tpu.vector_store %arg7[%swap3A_2402, %swap3A_2403], %concatenate3A {strides = array<i32>} : memref<61440x128xf32, #tpu.memory_space<vmem>>, vector<60x128xf32>,
    %swap3A_2405 = arith.constant 41700 : index
    %swap3A_2406 = arith.constant 0 : index
    %swap3A_2407 = vector.load %arg7[%swap3A_2405, %swap3A_2406] : memref<61440x128xf32, #tpu.memory_space<vmem>>, vector<60x128xf32>
    tpu.vector_store %arg7[%swap3A_2405, %swap3A_2406], %concatenate3A {strides = array<i32>} : memref<61440x128xf32, #tpu.memory_space<vmem>>, vector<60x128xf32>,
    %swap3A_2408 = arith.constant 41760 : index
    %swap3A_2409 = arith.constant 0 : index
    %swap3A_2410 = vector.load %arg7[%swap3A_2408, %swap3A_2409] : memref<61440x128xf32, #tpu.memory_space<vmem>>, vector<60x128xf32>
    tpu.vector_store %arg7[%swap3A_2408, %swap3A_2409], %concatenate3A {strides = array<i32>} : memref<61440x128xf32, #tpu.memory_space<vmem>>, vector<60x128xf32>,
    %swap3A_2411 = arith.constant 41820 : index
    %swap3A_2412 = arith.constant 0 : index
    %swap3A_2413 = vector.load %arg7[%swap3A_2411, %swap3A_2412] : memref<61440x128xf32, #tpu.memory_space<vmem>>, vector<60x128xf32>
    tpu.vector_store %arg7[%swap3A_2411, %swap3A_2412], %concatenate3A {strides = array<i32>} : memref<61440x128xf32, #tpu.memory_space<vmem>>, vector<60x128xf32>,
    %swap3A_2414 = arith.constant 41880 : index
    %swap3A_2415 = arith.constant 0 : index
    %swap3A_2416 = vector.load %arg7[%swap3A_2414, %swap3A_2415] : memref<61440x128xf32, #tpu.memory_space<vmem>>, vector<60x128xf32>
    tpu.vector_store %arg7[%swap3A_2414, %swap3A_2415], %concatenate3A {strides = array<i32>} : memref<61440x128xf32, #tpu.memory_space<vmem>>, vector<60x128xf32>,
    %swap3A_2417 = arith.constant 41940 : index
    %swap3A_2418 = arith.constant 0 : index
    %swap3A_2419 = vector.load %arg7[%swap3A_2417, %swap3A_2418] : memref<61440x128xf32, #tpu.memory_space<vmem>>, vector<60x128xf32>
    tpu.vector_store %arg7[%swap3A_2417, %swap3A_2418], %concatenate3A {strides = array<i32>} : memref<61440x128xf32, #tpu.memory_space<vmem>>, vector<60x128xf32>,
    %swap3A_2420 = arith.constant 42000 : index
    %swap3A_2421 = arith.constant 0 : index
    %swap3A_2422 = vector.load %arg7[%swap3A_2420, %swap3A_2421] : memref<61440x128xf32, #tpu.memory_space<vmem>>, vector<60x128xf32>
    tpu.vector_store %arg7[%swap3A_2420, %swap3A_2421], %concatenate3A {strides = array<i32>} : memref<61440x128xf32, #tpu.memory_space<vmem>>, vector<60x128xf32>,
    %swap3A_2423 = arith.constant 42060 : index
    %swap3A_2424 = arith.constant 0 : index
    %swap3A_2425 = vector.load %arg7[%swap3A_2423, %swap3A_2424] : memref<61440x128xf32, #tpu.memory_space<vmem>>, vector<60x128xf32>
    tpu.vector_store %arg7[%swap3A_2423, %swap3A_2424], %concatenate3A {strides = array<i32>} : memref<61440x128xf32, #tpu.memory_space<vmem>>, vector<60x128xf32>,
    %swap3A_2426 = arith.constant 42120 : index
    %swap3A_2427 = arith.constant 0 : index
    %swap3A_2428 = vector.load %arg7[%swap3A_2426, %swap3A_2427] : memref<61440x128xf32, #tpu.memory_space<vmem>>, vector<60x128xf32>
    tpu.vector_store %arg7[%swap3A_2426, %swap3A_2427], %concatenate3A {strides = array<i32>} : memref<61440x128xf32, #tpu.memory_space<vmem>>, vector<60x128xf32>,
    %swap3A_2429 = arith.constant 42180 : index
    %swap3A_2430 = arith.constant 0 : index
    %swap3A_2431 = vector.load %arg7[%swap3A_2429, %swap3A_2430] : memref<61440x128xf32, #tpu.memory_space<vmem>>, vector<60x128xf32>
    tpu.vector_store %arg7[%swap3A_2429, %swap3A_2430], %concatenate3A {strides = array<i32>} : memref<61440x128xf32, #tpu.memory_space<vmem>>, vector<60x128xf32>,
    %swap3A_2432 = arith.constant 42240 : index
    %swap3A_2433 = arith.constant 0 : index
    %swap3A_2434 = vector.load %arg7[%swap3A_2432, %swap3A_2433] : memref<61440x128xf32, #tpu.memory_space<vmem>>, vector<60x128xf32>
    tpu.vector_store %arg7[%swap3A_2432, %swap3A_2433], %concatenate3A {strides = array<i32>} : memref<61440x128xf32, #tpu.memory_space<vmem>>, vector<60x128xf32>,
    %swap3A_2435 = arith.constant 42300 : index
    %swap3A_2436 = arith.constant 0 : index
    %swap3A_2437 = vector.load %arg7[%swap3A_2435, %swap3A_2436] : memref<61440x128xf32, #tpu.memory_space<vmem>>, vector<60x128xf32>
    tpu.vector_store %arg7[%swap3A_2435, %swap3A_2436], %concatenate3A {strides = array<i32>} : memref<61440x128xf32, #tpu.memory_space<vmem>>, vector<60x128xf32>,
    %swap3A_2438 = arith.constant 42360 : index
    %swap3A_2439 = arith.constant 0 : index
    %swap3A_2440 = vector.load %arg7[%swap3A_2438, %swap3A_2439] : memref<61440x128xf32, #tpu.memory_space<vmem>>, vector<60x128xf32>
    tpu.vector_store %arg7[%swap3A_2438, %swap3A_2439], %concatenate3A {strides = array<i32>} : memref<61440x128xf32, #tpu.memory_space<vmem>>, vector<60x128xf32>,
    %swap3A_2441 = arith.constant 42420 : index
    %swap3A_2442 = arith.constant 0 : index
    %swap3A_2443 = vector.load %arg7[%swap3A_2441, %swap3A_2442] : memref<61440x128xf32, #tpu.memory_space<vmem>>, vector<60x128xf32>
    tpu.vector_store %arg7[%swap3A_2441, %swap3A_2442], %concatenate3A {strides = array<i32>} : memref<61440x128xf32, #tpu.memory_space<vmem>>, vector<60x128xf32>,
    %swap3A_2444 = arith.constant 42480 : index
    %swap3A_2445 = arith.constant 0 : index
    %swap3A_2446 = vector.load %arg7[%swap3A_2444, %swap3A_2445] : memref<61440x128xf32, #tpu.memory_space<vmem>>, vector<60x128xf32>
    tpu.vector_store %arg7[%swap3A_2444, %swap3A_2445], %concatenate3A {strides = array<i32>} : memref<61440x128xf32, #tpu.memory_space<vmem>>, vector<60x128xf32>,
    %swap3A_2447 = arith.constant 42540 : index
    %swap3A_2448 = arith.constant 0 : index
    %swap3A_2449 = vector.load %arg7[%swap3A_2447, %swap3A_2448] : memref<61440x128xf32, #tpu.memory_space<vmem>>, vector<60x128xf32>
    tpu.vector_store %arg7[%swap3A_2447, %swap3A_2448], %concatenate3A {strides = array<i32>} : memref<61440x128xf32, #tpu.memory_space<vmem>>, vector<60x128xf32>,
    %swap3A_2450 = arith.constant 42600 : index
    %swap3A_2451 = arith.constant 0 : index
    %swap3A_2452 = vector.load %arg7[%swap3A_2450, %swap3A_2451] : memref<61440x128xf32, #tpu.memory_space<vmem>>, vector<60x128xf32>
    tpu.vector_store %arg7[%swap3A_2450, %swap3A_2451], %concatenate3A {strides = array<i32>} : memref<61440x128xf32, #tpu.memory_space<vmem>>, vector<60x128xf32>,
    %swap3A_2453 = arith.constant 42660 : index
    %swap3A_2454 = arith.constant 0 : index
    %swap3A_2455 = vector.load %arg7[%swap3A_2453, %swap3A_2454] : memref<61440x128xf32, #tpu.memory_space<vmem>>, vector<60x128xf32>
    tpu.vector_store %arg7[%swap3A_2453, %swap3A_2454], %concatenate3A {strides = array<i32>} : memref<61440x128xf32, #tpu.memory_space<vmem>>, vector<60x128xf32>,
    %swap3A_2456 = arith.constant 42720 : index
    %swap3A_2457 = arith.constant 0 : index
    %swap3A_2458 = vector.load %arg7[%swap3A_2456, %swap3A_2457] : memref<61440x128xf32, #tpu.memory_space<vmem>>, vector<60x128xf32>
    tpu.vector_store %arg7[%swap3A_2456, %swap3A_2457], %concatenate3A {strides = array<i32>} : memref<61440x128xf32, #tpu.memory_space<vmem>>, vector<60x128xf32>,
    %swap3A_2459 = arith.constant 42780 : index
    %swap3A_2460 = arith.constant 0 : index
    %swap3A_2461 = vector.load %arg7[%swap3A_2459, %swap3A_2460] : memref<61440x128xf32, #tpu.memory_space<vmem>>, vector<60x128xf32>
    tpu.vector_store %arg7[%swap3A_2459, %swap3A_2460], %concatenate3A {strides = array<i32>} : memref<61440x128xf32, #tpu.memory_space<vmem>>, vector<60x128xf32>,
    %swap3A_2462 = arith.constant 42840 : index
    %swap3A_2463 = arith.constant 0 : index
    %swap3A_2464 = vector.load %arg7[%swap3A_2462, %swap3A_2463] : memref<61440x128xf32, #tpu.memory_space<vmem>>, vector<60x128xf32>
    tpu.vector_store %arg7[%swap3A_2462, %swap3A_2463], %concatenate3A {strides = array<i32>} : memref<61440x128xf32, #tpu.memory_space<vmem>>, vector<60x128xf32>,
    %swap3A_2465 = arith.constant 42900 : index
    %swap3A_2466 = arith.constant 0 : index
    %swap3A_2467 = vector.load %arg7[%swap3A_2465, %swap3A_2466] : memref<61440x128xf32, #tpu.memory_space<vmem>>, vector<60x128xf32>
    tpu.vector_store %arg7[%swap3A_2465, %swap3A_2466], %concatenate3A {strides = array<i32>} : memref<61440x128xf32, #tpu.memory_space<vmem>>, vector<60x128xf32>,
    %swap3A_2468 = arith.constant 42960 : index
    %swap3A_2469 = arith.constant 0 : index
    %swap3A_2470 = vector.load %arg7[%swap3A_2468, %swap3A_2469] : memref<61440x128xf32, #tpu.memory_space<vmem>>, vector<60x128xf32>
    tpu.vector_store %arg7[%swap3A_2468, %swap3A_2469], %concatenate3A {strides = array<i32>} : memref<61440x128xf32, #tpu.memory_space<vmem>>, vector<60x128xf32>,
    %swap3A_2471 = arith.constant 43020 : index
    %swap3A_2472 = arith.constant 0 : index
    %swap3A_2473 = vector.load %arg7[%swap3A_2471, %swap3A_2472] : memref<61440x128xf32, #tpu.memory_space<vmem>>, vector<60x128xf32>
    tpu.vector_store %arg7[%swap3A_2471, %swap3A_2472], %concatenate3A {strides = array<i32>} : memref<61440x128xf32, #tpu.memory_space<vmem>>, vector<60x128xf32>,
    %swap3A_2474 = arith.constant 43080 : index
    %swap3A_2475 = arith.constant 0 : index
    %swap3A_2476 = vector.load %arg7[%swap3A_2474, %swap3A_2475] : memref<61440x128xf32, #tpu.memory_space<vmem>>, vector<60x128xf32>
    tpu.vector_store %arg7[%swap3A_2474, %swap3A_2475], %concatenate3A {strides = array<i32>} : memref<61440x128xf32, #tpu.memory_space<vmem>>, vector<60x128xf32>,
    %swap3A_2477 = arith.constant 43140 : index
    %swap3A_2478 = arith.constant 0 : index
    %swap3A_2479 = vector.load %arg7[%swap3A_2477, %swap3A_2478] : memref<61440x128xf32, #tpu.memory_space<vmem>>, vector<60x128xf32>
    tpu.vector_store %arg7[%swap3A_2477, %swap3A_2478], %concatenate3A {strides = array<i32>} : memref<61440x128xf32, #tpu.memory_space<vmem>>, vector<60x128xf32>,
    %swap3A_2480 = arith.constant 43200 : index
    %swap3A_2481 = arith.constant 0 : index
    %swap3A_2482 = vector.load %arg7[%swap3A_2480, %swap3A_2481] : memref<61440x128xf32, #tpu.memory_space<vmem>>, vector<60x128xf32>
    tpu.vector_store %arg7[%swap3A_2480, %swap3A_2481], %concatenate3A {strides = array<i32>} : memref<61440x128xf32, #tpu.memory_space<vmem>>, vector<60x128xf32>,
    %swap3A_2483 = arith.constant 43260 : index
    %swap3A_2484 = arith.constant 0 : index
    %swap3A_2485 = vector.load %arg7[%swap3A_2483, %swap3A_2484] : memref<61440x128xf32, #tpu.memory_space<vmem>>, vector<60x128xf32>
    tpu.vector_store %arg7[%swap3A_2483, %swap3A_2484], %concatenate3A {strides = array<i32>} : memref<61440x128xf32, #tpu.memory_space<vmem>>, vector<60x128xf32>,
    %swap3A_2486 = arith.constant 43320 : index
    %swap3A_2487 = arith.constant 0 : index
    %swap3A_2488 = vector.load %arg7[%swap3A_2486, %swap3A_2487] : memref<61440x128xf32, #tpu.memory_space<vmem>>, vector<60x128xf32>
    tpu.vector_store %arg7[%swap3A_2486, %swap3A_2487], %concatenate3A {strides = array<i32>} : memref<61440x128xf32, #tpu.memory_space<vmem>>, vector<60x128xf32>,
    %swap3A_2489 = arith.constant 43380 : index
    %swap3A_2490 = arith.constant 0 : index
    %swap3A_2491 = vector.load %arg7[%swap3A_2489, %swap3A_2490] : memref<61440x128xf32, #tpu.memory_space<vmem>>, vector<60x128xf32>
    tpu.vector_store %arg7[%swap3A_2489, %swap3A_2490], %concatenate3A {strides = array<i32>} : memref<61440x128xf32, #tpu.memory_space<vmem>>, vector<60x128xf32>,
    %swap3A_2492 = arith.constant 43440 : index
    %swap3A_2493 = arith.constant 0 : index
    %swap3A_2494 = vector.load %arg7[%swap3A_2492, %swap3A_2493] : memref<61440x128xf32, #tpu.memory_space<vmem>>, vector<60x128xf32>
    tpu.vector_store %arg7[%swap3A_2492, %swap3A_2493], %concatenate3A {strides = array<i32>} : memref<61440x128xf32, #tpu.memory_space<vmem>>, vector<60x128xf32>,
    %swap3A_2495 = arith.constant 43500 : index
    %swap3A_2496 = arith.constant 0 : index
    %swap3A_2497 = vector.load %arg7[%swap3A_2495, %swap3A_2496] : memref<61440x128xf32, #tpu.memory_space<vmem>>, vector<60x128xf32>
    tpu.vector_store %arg7[%swap3A_2495, %swap3A_2496], %concatenate3A {strides = array<i32>} : memref<61440x128xf32, #tpu.memory_space<vmem>>, vector<60x128xf32>,
    %swap3A_2498 = arith.constant 43560 : index
    %swap3A_2499 = arith.constant 0 : index
    %swap3A_2500 = vector.load %arg7[%swap3A_2498, %swap3A_2499] : memref<61440x128xf32, #tpu.memory_space<vmem>>, vector<60x128xf32>
    tpu.vector_store %arg7[%swap3A_2498, %swap3A_2499], %concatenate3A {strides = array<i32>} : memref<61440x128xf32, #tpu.memory_space<vmem>>, vector<60x128xf32>,
    %swap3A_2501 = arith.constant 43620 : index
    %swap3A_2502 = arith.constant 0 : index
    %swap3A_2503 = vector.load %arg7[%swap3A_2501, %swap3A_2502] : memref<61440x128xf32, #tpu.memory_space<vmem>>, vector<60x128xf32>
    tpu.vector_store %arg7[%swap3A_2501, %swap3A_2502], %concatenate3A {strides = array<i32>} : memref<61440x128xf32, #tpu.memory_space<vmem>>, vector<60x128xf32>,
    %swap3A_2504 = arith.constant 43680 : index
    %swap3A_2505 = arith.constant 0 : index
    %swap3A_2506 = vector.load %arg7[%swap3A_2504, %swap3A_2505] : memref<61440x128xf32, #tpu.memory_space<vmem>>, vector<60x128xf32>
    tpu.vector_store %arg7[%swap3A_2504, %swap3A_2505], %concatenate3A {strides = array<i32>} : memref<61440x128xf32, #tpu.memory_space<vmem>>, vector<60x128xf32>,
    %swap3A_2507 = arith.constant 43740 : index
    %swap3A_2508 = arith.constant 0 : index
    %swap3A_2509 = vector.load %arg7[%swap3A_2507, %swap3A_2508] : memref<61440x128xf32, #tpu.memory_space<vmem>>, vector<60x128xf32>
    tpu.vector_store %arg7[%swap3A_2507, %swap3A_2508], %concatenate3A {strides = array<i32>} : memref<61440x128xf32, #tpu.memory_space<vmem>>, vector<60x128xf32>,
    %swap3A_2510 = arith.constant 43800 : index
    %swap3A_2511 = arith.constant 0 : index
    %swap3A_2512 = vector.load %arg7[%swap3A_2510, %swap3A_2511] : memref<61440x128xf32, #tpu.memory_space<vmem>>, vector<60x128xf32>
    tpu.vector_store %arg7[%swap3A_2510, %swap3A_2511], %concatenate3A {strides = array<i32>} : memref<61440x128xf32, #tpu.memory_space<vmem>>, vector<60x128xf32>,
    %swap3A_2513 = arith.constant 43860 : index
    %swap3A_2514 = arith.constant 0 : index
    %swap3A_2515 = vector.load %arg7[%swap3A_2513, %swap3A_2514] : memref<61440x128xf32, #tpu.memory_space<vmem>>, vector<60x128xf32>
    tpu.vector_store %arg7[%swap3A_2513, %swap3A_2514], %concatenate3A {strides = array<i32>} : memref<61440x128xf32, #tpu.memory_space<vmem>>, vector<60x128xf32>,
    %swap3A_2516 = arith.constant 43920 : index
    %swap3A_2517 = arith.constant 0 : index
    %swap3A_2518 = vector.load %arg7[%swap3A_2516, %swap3A_2517] : memref<61440x128xf32, #tpu.memory_space<vmem>>, vector<60x128xf32>
    tpu.vector_store %arg7[%swap3A_2516, %swap3A_2517], %concatenate3A {strides = array<i32>} : memref<61440x128xf32, #tpu.memory_space<vmem>>, vector<60x128xf32>,
    %swap3A_2519 = arith.constant 43980 : index
    %swap3A_2520 = arith.constant 0 : index
    %swap3A_2521 = vector.load %arg7[%swap3A_2519, %swap3A_2520] : memref<61440x128xf32, #tpu.memory_space<vmem>>, vector<60x128xf32>
    tpu.vector_store %arg7[%swap3A_2519, %swap3A_2520], %concatenate3A {strides = array<i32>} : memref<61440x128xf32, #tpu.memory_space<vmem>>, vector<60x128xf32>,
    %swap3A_2522 = arith.constant 44040 : index
    %swap3A_2523 = arith.constant 0 : index
    %swap3A_2524 = vector.load %arg7[%swap3A_2522, %swap3A_2523] : memref<61440x128xf32, #tpu.memory_space<vmem>>, vector<60x128xf32>
    tpu.vector_store %arg7[%swap3A_2522, %swap3A_2523], %concatenate3A {strides = array<i32>} : memref<61440x128xf32, #tpu.memory_space<vmem>>, vector<60x128xf32>,
    %swap3A_2525 = arith.constant 44100 : index
    %swap3A_2526 = arith.constant 0 : index
    %swap3A_2527 = vector.load %arg7[%swap3A_2525, %swap3A_2526] : memref<61440x128xf32, #tpu.memory_space<vmem>>, vector<60x128xf32>
    tpu.vector_store %arg7[%swap3A_2525, %swap3A_2526], %concatenate3A {strides = array<i32>} : memref<61440x128xf32, #tpu.memory_space<vmem>>, vector<60x128xf32>,
    %swap3A_2528 = arith.constant 44160 : index
    %swap3A_2529 = arith.constant 0 : index
    %swap3A_2530 = vector.load %arg7[%swap3A_2528, %swap3A_2529] : memref<61440x128xf32, #tpu.memory_space<vmem>>, vector<60x128xf32>
    tpu.vector_store %arg7[%swap3A_2528, %swap3A_2529], %concatenate3A {strides = array<i32>} : memref<61440x128xf32, #tpu.memory_space<vmem>>, vector<60x128xf32>,
    %swap3A_2531 = arith.constant 44220 : index
    %swap3A_2532 = arith.constant 0 : index
    %swap3A_2533 = vector.load %arg7[%swap3A_2531, %swap3A_2532] : memref<61440x128xf32, #tpu.memory_space<vmem>>, vector<60x128xf32>
    tpu.vector_store %arg7[%swap3A_2531, %swap3A_2532], %concatenate3A {strides = array<i32>} : memref<61440x128xf32, #tpu.memory_space<vmem>>, vector<60x128xf32>,
    %swap3A_2534 = arith.constant 44280 : index
    %swap3A_2535 = arith.constant 0 : index
    %swap3A_2536 = vector.load %arg7[%swap3A_2534, %swap3A_2535] : memref<61440x128xf32, #tpu.memory_space<vmem>>, vector<60x128xf32>
    tpu.vector_store %arg7[%swap3A_2534, %swap3A_2535], %concatenate3A {strides = array<i32>} : memref<61440x128xf32, #tpu.memory_space<vmem>>, vector<60x128xf32>,
    %swap3A_2537 = arith.constant 44340 : index
    %swap3A_2538 = arith.constant 0 : index
    %swap3A_2539 = vector.load %arg7[%swap3A_2537, %swap3A_2538] : memref<61440x128xf32, #tpu.memory_space<vmem>>, vector<60x128xf32>
    tpu.vector_store %arg7[%swap3A_2537, %swap3A_2538], %concatenate3A {strides = array<i32>} : memref<61440x128xf32, #tpu.memory_space<vmem>>, vector<60x128xf32>,
    %swap3A_2540 = arith.constant 44400 : index
    %swap3A_2541 = arith.constant 0 : index
    %swap3A_2542 = vector.load %arg7[%swap3A_2540, %swap3A_2541] : memref<61440x128xf32, #tpu.memory_space<vmem>>, vector<60x128xf32>
    tpu.vector_store %arg7[%swap3A_2540, %swap3A_2541], %concatenate3A {strides = array<i32>} : memref<61440x128xf32, #tpu.memory_space<vmem>>, vector<60x128xf32>,
    %swap3A_2543 = arith.constant 44460 : index
    %swap3A_2544 = arith.constant 0 : index
    %swap3A_2545 = vector.load %arg7[%swap3A_2543, %swap3A_2544] : memref<61440x128xf32, #tpu.memory_space<vmem>>, vector<60x128xf32>
    tpu.vector_store %arg7[%swap3A_2543, %swap3A_2544], %concatenate3A {strides = array<i32>} : memref<61440x128xf32, #tpu.memory_space<vmem>>, vector<60x128xf32>,
    %swap3A_2546 = arith.constant 44520 : index
    %swap3A_2547 = arith.constant 0 : index
    %swap3A_2548 = vector.load %arg7[%swap3A_2546, %swap3A_2547] : memref<61440x128xf32, #tpu.memory_space<vmem>>, vector<60x128xf32>
    tpu.vector_store %arg7[%swap3A_2546, %swap3A_2547], %concatenate3A {strides = array<i32>} : memref<61440x128xf32, #tpu.memory_space<vmem>>, vector<60x128xf32>,
    %swap3A_2549 = arith.constant 44580 : index
    %swap3A_2550 = arith.constant 0 : index
    %swap3A_2551 = vector.load %arg7[%swap3A_2549, %swap3A_2550] : memref<61440x128xf32, #tpu.memory_space<vmem>>, vector<60x128xf32>
    tpu.vector_store %arg7[%swap3A_2549, %swap3A_2550], %concatenate3A {strides = array<i32>} : memref<61440x128xf32, #tpu.memory_space<vmem>>, vector<60x128xf32>,
    %swap3A_2552 = arith.constant 44640 : index
    %swap3A_2553 = arith.constant 0 : index
    %swap3A_2554 = vector.load %arg7[%swap3A_2552, %swap3A_2553] : memref<61440x128xf32, #tpu.memory_space<vmem>>, vector<60x128xf32>
    tpu.vector_store %arg7[%swap3A_2552, %swap3A_2553], %concatenate3A {strides = array<i32>} : memref<61440x128xf32, #tpu.memory_space<vmem>>, vector<60x128xf32>,
    %swap3A_2555 = arith.constant 44700 : index
    %swap3A_2556 = arith.constant 0 : index
    %swap3A_2557 = vector.load %arg7[%swap3A_2555, %swap3A_2556] : memref<61440x128xf32, #tpu.memory_space<vmem>>, vector<60x128xf32>
    tpu.vector_store %arg7[%swap3A_2555, %swap3A_2556], %concatenate3A {strides = array<i32>} : memref<61440x128xf32, #tpu.memory_space<vmem>>, vector<60x128xf32>,
    %swap3A_2558 = arith.constant 44760 : index
    %swap3A_2559 = arith.constant 0 : index
    %swap3A_2560 = vector.load %arg7[%swap3A_2558, %swap3A_2559] : memref<61440x128xf32, #tpu.memory_space<vmem>>, vector<60x128xf32>
    tpu.vector_store %arg7[%swap3A_2558, %swap3A_2559], %concatenate3A {strides = array<i32>} : memref<61440x128xf32, #tpu.memory_space<vmem>>, vector<60x128xf32>,
    %swap3A_2561 = arith.constant 44820 : index
    %swap3A_2562 = arith.constant 0 : index
    %swap3A_2563 = vector.load %arg7[%swap3A_2561, %swap3A_2562] : memref<61440x128xf32, #tpu.memory_space<vmem>>, vector<60x128xf32>
    tpu.vector_store %arg7[%swap3A_2561, %swap3A_2562], %concatenate3A {strides = array<i32>} : memref<61440x128xf32, #tpu.memory_space<vmem>>, vector<60x128xf32>,
    %swap3A_2564 = arith.constant 44880 : index
    %swap3A_2565 = arith.constant 0 : index
    %swap3A_2566 = vector.load %arg7[%swap3A_2564, %swap3A_2565] : memref<61440x128xf32, #tpu.memory_space<vmem>>, vector<60x128xf32>
    tpu.vector_store %arg7[%swap3A_2564, %swap3A_2565], %concatenate3A {strides = array<i32>} : memref<61440x128xf32, #tpu.memory_space<vmem>>, vector<60x128xf32>,
    %swap3A_2567 = arith.constant 44940 : index
    %swap3A_2568 = arith.constant 0 : index
    %swap3A_2569 = vector.load %arg7[%swap3A_2567, %swap3A_2568] : memref<61440x128xf32, #tpu.memory_space<vmem>>, vector<60x128xf32>
    tpu.vector_store %arg7[%swap3A_2567, %swap3A_2568], %concatenate3A {strides = array<i32>} : memref<61440x128xf32, #tpu.memory_space<vmem>>, vector<60x128xf32>,
    %swap3A_2570 = arith.constant 45000 : index
    %swap3A_2571 = arith.constant 0 : index
    %swap3A_2572 = vector.load %arg7[%swap3A_2570, %swap3A_2571] : memref<61440x128xf32, #tpu.memory_space<vmem>>, vector<60x128xf32>
    tpu.vector_store %arg7[%swap3A_2570, %swap3A_2571], %concatenate3A {strides = array<i32>} : memref<61440x128xf32, #tpu.memory_space<vmem>>, vector<60x128xf32>,
    %swap3A_2573 = arith.constant 45060 : index
    %swap3A_2574 = arith.constant 0 : index
    %swap3A_2575 = vector.load %arg7[%swap3A_2573, %swap3A_2574] : memref<61440x128xf32, #tpu.memory_space<vmem>>, vector<60x128xf32>
    tpu.vector_store %arg7[%swap3A_2573, %swap3A_2574], %concatenate3A {strides = array<i32>} : memref<61440x128xf32, #tpu.memory_space<vmem>>, vector<60x128xf32>,
    %swap3A_2576 = arith.constant 45120 : index
    %swap3A_2577 = arith.constant 0 : index
    %swap3A_2578 = vector.load %arg7[%swap3A_2576, %swap3A_2577] : memref<61440x128xf32, #tpu.memory_space<vmem>>, vector<60x128xf32>
    tpu.vector_store %arg7[%swap3A_2576, %swap3A_2577], %concatenate3A {strides = array<i32>} : memref<61440x128xf32, #tpu.memory_space<vmem>>, vector<60x128xf32>,
    %swap3A_2579 = arith.constant 45180 : index
    %swap3A_2580 = arith.constant 0 : index
    %swap3A_2581 = vector.load %arg7[%swap3A_2579, %swap3A_2580] : memref<61440x128xf32, #tpu.memory_space<vmem>>, vector<60x128xf32>
    tpu.vector_store %arg7[%swap3A_2579, %swap3A_2580], %concatenate3A {strides = array<i32>} : memref<61440x128xf32, #tpu.memory_space<vmem>>, vector<60x128xf32>,
    %swap3A_2582 = arith.constant 45240 : index
    %swap3A_2583 = arith.constant 0 : index
    %swap3A_2584 = vector.load %arg7[%swap3A_2582, %swap3A_2583] : memref<61440x128xf32, #tpu.memory_space<vmem>>, vector<60x128xf32>
    tpu.vector_store %arg7[%swap3A_2582, %swap3A_2583], %concatenate3A {strides = array<i32>} : memref<61440x128xf32, #tpu.memory_space<vmem>>, vector<60x128xf32>,
    %swap3A_2585 = arith.constant 45300 : index
    %swap3A_2586 = arith.constant 0 : index
    %swap3A_2587 = vector.load %arg7[%swap3A_2585, %swap3A_2586] : memref<61440x128xf32, #tpu.memory_space<vmem>>, vector<60x128xf32>
    tpu.vector_store %arg7[%swap3A_2585, %swap3A_2586], %concatenate3A {strides = array<i32>} : memref<61440x128xf32, #tpu.memory_space<vmem>>, vector<60x128xf32>,
    %swap3A_2588 = arith.constant 45360 : index
    %swap3A_2589 = arith.constant 0 : index
    %swap3A_2590 = vector.load %arg7[%swap3A_2588, %swap3A_2589] : memref<61440x128xf32, #tpu.memory_space<vmem>>, vector<60x128xf32>
    tpu.vector_store %arg7[%swap3A_2588, %swap3A_2589], %concatenate3A {strides = array<i32>} : memref<61440x128xf32, #tpu.memory_space<vmem>>, vector<60x128xf32>,
    %swap3A_2591 = arith.constant 45420 : index
    %swap3A_2592 = arith.constant 0 : index
    %swap3A_2593 = vector.load %arg7[%swap3A_2591, %swap3A_2592] : memref<61440x128xf32, #tpu.memory_space<vmem>>, vector<60x128xf32>
    tpu.vector_store %arg7[%swap3A_2591, %swap3A_2592], %concatenate3A {strides = array<i32>} : memref<61440x128xf32, #tpu.memory_space<vmem>>, vector<60x128xf32>,
    %swap3A_2594 = arith.constant 45480 : index
    %swap3A_2595 = arith.constant 0 : index
    %swap3A_2596 = vector.load %arg7[%swap3A_2594, %swap3A_2595] : memref<61440x128xf32, #tpu.memory_space<vmem>>, vector<60x128xf32>
    tpu.vector_store %arg7[%swap3A_2594, %swap3A_2595], %concatenate3A {strides = array<i32>} : memref<61440x128xf32, #tpu.memory_space<vmem>>, vector<60x128xf32>,
    %swap3A_2597 = arith.constant 45540 : index
    %swap3A_2598 = arith.constant 0 : index
    %swap3A_2599 = vector.load %arg7[%swap3A_2597, %swap3A_2598] : memref<61440x128xf32, #tpu.memory_space<vmem>>, vector<60x128xf32>
    tpu.vector_store %arg7[%swap3A_2597, %swap3A_2598], %concatenate3A {strides = array<i32>} : memref<61440x128xf32, #tpu.memory_space<vmem>>, vector<60x128xf32>,
    %swap3A_2600 = arith.constant 45600 : index
    %swap3A_2601 = arith.constant 0 : index
    %swap3A_2602 = vector.load %arg7[%swap3A_2600, %swap3A_2601] : memref<61440x128xf32, #tpu.memory_space<vmem>>, vector<60x128xf32>
    tpu.vector_store %arg7[%swap3A_2600, %swap3A_2601], %concatenate3A {strides = array<i32>} : memref<61440x128xf32, #tpu.memory_space<vmem>>, vector<60x128xf32>,
    %swap3A_2603 = arith.constant 45660 : index
    %swap3A_2604 = arith.constant 0 : index
    %swap3A_2605 = vector.load %arg7[%swap3A_2603, %swap3A_2604] : memref<61440x128xf32, #tpu.memory_space<vmem>>, vector<60x128xf32>
    tpu.vector_store %arg7[%swap3A_2603, %swap3A_2604], %concatenate3A {strides = array<i32>} : memref<61440x128xf32, #tpu.memory_space<vmem>>, vector<60x128xf32>,
    %swap3A_2606 = arith.constant 45720 : index
    %swap3A_2607 = arith.constant 0 : index
    %swap3A_2608 = vector.load %arg7[%swap3A_2606, %swap3A_2607] : memref<61440x128xf32, #tpu.memory_space<vmem>>, vector<60x128xf32>
    tpu.vector_store %arg7[%swap3A_2606, %swap3A_2607], %concatenate3A {strides = array<i32>} : memref<61440x128xf32, #tpu.memory_space<vmem>>, vector<60x128xf32>,
    %swap3A_2609 = arith.constant 45780 : index
    %swap3A_2610 = arith.constant 0 : index
    %swap3A_2611 = vector.load %arg7[%swap3A_2609, %swap3A_2610] : memref<61440x128xf32, #tpu.memory_space<vmem>>, vector<60x128xf32>
    tpu.vector_store %arg7[%swap3A_2609, %swap3A_2610], %concatenate3A {strides = array<i32>} : memref<61440x128xf32, #tpu.memory_space<vmem>>, vector<60x128xf32>,
    %swap3A_2612 = arith.constant 45840 : index
    %swap3A_2613 = arith.constant 0 : index
    %swap3A_2614 = vector.load %arg7[%swap3A_2612, %swap3A_2613] : memref<61440x128xf32, #tpu.memory_space<vmem>>, vector<60x128xf32>
    tpu.vector_store %arg7[%swap3A_2612, %swap3A_2613], %concatenate3A {strides = array<i32>} : memref<61440x128xf32, #tpu.memory_space<vmem>>, vector<60x128xf32>,
    %swap3A_2615 = arith.constant 45900 : index
    %swap3A_2616 = arith.constant 0 : index
    %swap3A_2617 = vector.load %arg7[%swap3A_2615, %swap3A_2616] : memref<61440x128xf32, #tpu.memory_space<vmem>>, vector<60x128xf32>
    tpu.vector_store %arg7[%swap3A_2615, %swap3A_2616], %concatenate3A {strides = array<i32>} : memref<61440x128xf32, #tpu.memory_space<vmem>>, vector<60x128xf32>,
    %swap3A_2618 = arith.constant 45960 : index
    %swap3A_2619 = arith.constant 0 : index
    %swap3A_2620 = vector.load %arg7[%swap3A_2618, %swap3A_2619] : memref<61440x128xf32, #tpu.memory_space<vmem>>, vector<60x128xf32>
    tpu.vector_store %arg7[%swap3A_2618, %swap3A_2619], %concatenate3A {strides = array<i32>} : memref<61440x128xf32, #tpu.memory_space<vmem>>, vector<60x128xf32>,
    %swap3A_2621 = arith.constant 46020 : index
    %swap3A_2622 = arith.constant 0 : index
    %swap3A_2623 = vector.load %arg7[%swap3A_2621, %swap3A_2622] : memref<61440x128xf32, #tpu.memory_space<vmem>>, vector<60x128xf32>
    tpu.vector_store %arg7[%swap3A_2621, %swap3A_2622], %concatenate3A {strides = array<i32>} : memref<61440x128xf32, #tpu.memory_space<vmem>>, vector<60x128xf32>,
    %swap3A_2624 = arith.constant 46080 : index
    %swap3A_2625 = arith.constant 0 : index
    %swap3A_2626 = vector.load %arg7[%swap3A_2624, %swap3A_2625] : memref<61440x128xf32, #tpu.memory_space<vmem>>, vector<60x128xf32>
    tpu.vector_store %arg7[%swap3A_2624, %swap3A_2625], %concatenate3A {strides = array<i32>} : memref<61440x128xf32, #tpu.memory_space<vmem>>, vector<60x128xf32>,
    %swap3A_2627 = arith.constant 46140 : index
    %swap3A_2628 = arith.constant 0 : index
    %swap3A_2629 = vector.load %arg7[%swap3A_2627, %swap3A_2628] : memref<61440x128xf32, #tpu.memory_space<vmem>>, vector<60x128xf32>
    tpu.vector_store %arg7[%swap3A_2627, %swap3A_2628], %concatenate3A {strides = array<i32>} : memref<61440x128xf32, #tpu.memory_space<vmem>>, vector<60x128xf32>,
    %swap3A_2630 = arith.constant 46200 : index
    %swap3A_2631 = arith.constant 0 : index
    %swap3A_2632 = vector.load %arg7[%swap3A_2630, %swap3A_2631] : memref<61440x128xf32, #tpu.memory_space<vmem>>, vector<60x128xf32>
    tpu.vector_store %arg7[%swap3A_2630, %swap3A_2631], %concatenate3A {strides = array<i32>} : memref<61440x128xf32, #tpu.memory_space<vmem>>, vector<60x128xf32>,
    %swap3A_2633 = arith.constant 46260 : index
    %swap3A_2634 = arith.constant 0 : index
    %swap3A_2635 = vector.load %arg7[%swap3A_2633, %swap3A_2634] : memref<61440x128xf32, #tpu.memory_space<vmem>>, vector<60x128xf32>
    tpu.vector_store %arg7[%swap3A_2633, %swap3A_2634], %concatenate3A {strides = array<i32>} : memref<61440x128xf32, #tpu.memory_space<vmem>>, vector<60x128xf32>,
    %swap3A_2636 = arith.constant 46320 : index
    %swap3A_2637 = arith.constant 0 : index
    %swap3A_2638 = vector.load %arg7[%swap3A_2636, %swap3A_2637] : memref<61440x128xf32, #tpu.memory_space<vmem>>, vector<60x128xf32>
    tpu.vector_store %arg7[%swap3A_2636, %swap3A_2637], %concatenate3A {strides = array<i32>} : memref<61440x128xf32, #tpu.memory_space<vmem>>, vector<60x128xf32>,
    %swap3A_2639 = arith.constant 46380 : index
    %swap3A_2640 = arith.constant 0 : index
    %swap3A_2641 = vector.load %arg7[%swap3A_2639, %swap3A_2640] : memref<61440x128xf32, #tpu.memory_space<vmem>>, vector<60x128xf32>
    tpu.vector_store %arg7[%swap3A_2639, %swap3A_2640], %concatenate3A {strides = array<i32>} : memref<61440x128xf32, #tpu.memory_space<vmem>>, vector<60x128xf32>,
    %swap3A_2642 = arith.constant 46440 : index
    %swap3A_2643 = arith.constant 0 : index
    %swap3A_2644 = vector.load %arg7[%swap3A_2642, %swap3A_2643] : memref<61440x128xf32, #tpu.memory_space<vmem>>, vector<60x128xf32>
    tpu.vector_store %arg7[%swap3A_2642, %swap3A_2643], %concatenate3A {strides = array<i32>} : memref<61440x128xf32, #tpu.memory_space<vmem>>, vector<60x128xf32>,
    %swap3A_2645 = arith.constant 46500 : index
    %swap3A_2646 = arith.constant 0 : index
    %swap3A_2647 = vector.load %arg7[%swap3A_2645, %swap3A_2646] : memref<61440x128xf32, #tpu.memory_space<vmem>>, vector<60x128xf32>
    tpu.vector_store %arg7[%swap3A_2645, %swap3A_2646], %concatenate3A {strides = array<i32>} : memref<61440x128xf32, #tpu.memory_space<vmem>>, vector<60x128xf32>,
    %swap3A_2648 = arith.constant 46560 : index
    %swap3A_2649 = arith.constant 0 : index
    %swap3A_2650 = vector.load %arg7[%swap3A_2648, %swap3A_2649] : memref<61440x128xf32, #tpu.memory_space<vmem>>, vector<60x128xf32>
    tpu.vector_store %arg7[%swap3A_2648, %swap3A_2649], %concatenate3A {strides = array<i32>} : memref<61440x128xf32, #tpu.memory_space<vmem>>, vector<60x128xf32>,
    %swap3A_2651 = arith.constant 46620 : index
    %swap3A_2652 = arith.constant 0 : index
    %swap3A_2653 = vector.load %arg7[%swap3A_2651, %swap3A_2652] : memref<61440x128xf32, #tpu.memory_space<vmem>>, vector<60x128xf32>
    tpu.vector_store %arg7[%swap3A_2651, %swap3A_2652], %concatenate3A {strides = array<i32>} : memref<61440x128xf32, #tpu.memory_space<vmem>>, vector<60x128xf32>,
    %swap3A_2654 = arith.constant 46680 : index
    %swap3A_2655 = arith.constant 0 : index
    %swap3A_2656 = vector.load %arg7[%swap3A_2654, %swap3A_2655] : memref<61440x128xf32, #tpu.memory_space<vmem>>, vector<60x128xf32>
    tpu.vector_store %arg7[%swap3A_2654, %swap3A_2655], %concatenate3A {strides = array<i32>} : memref<61440x128xf32, #tpu.memory_space<vmem>>, vector<60x128xf32>,
    %swap3A_2657 = arith.constant 46740 : index
    %swap3A_2658 = arith.constant 0 : index
    %swap3A_2659 = vector.load %arg7[%swap3A_2657, %swap3A_2658] : memref<61440x128xf32, #tpu.memory_space<vmem>>, vector<60x128xf32>
    tpu.vector_store %arg7[%swap3A_2657, %swap3A_2658], %concatenate3A {strides = array<i32>} : memref<61440x128xf32, #tpu.memory_space<vmem>>, vector<60x128xf32>,
    %swap3A_2660 = arith.constant 46800 : index
    %swap3A_2661 = arith.constant 0 : index
    %swap3A_2662 = vector.load %arg7[%swap3A_2660, %swap3A_2661] : memref<61440x128xf32, #tpu.memory_space<vmem>>, vector<60x128xf32>
    tpu.vector_store %arg7[%swap3A_2660, %swap3A_2661], %concatenate3A {strides = array<i32>} : memref<61440x128xf32, #tpu.memory_space<vmem>>, vector<60x128xf32>,
    %swap3A_2663 = arith.constant 46860 : index
    %swap3A_2664 = arith.constant 0 : index
    %swap3A_2665 = vector.load %arg7[%swap3A_2663, %swap3A_2664] : memref<61440x128xf32, #tpu.memory_space<vmem>>, vector<60x128xf32>
    tpu.vector_store %arg7[%swap3A_2663, %swap3A_2664], %concatenate3A {strides = array<i32>} : memref<61440x128xf32, #tpu.memory_space<vmem>>, vector<60x128xf32>,
    %swap3A_2666 = arith.constant 46920 : index
    %swap3A_2667 = arith.constant 0 : index
    %swap3A_2668 = vector.load %arg7[%swap3A_2666, %swap3A_2667] : memref<61440x128xf32, #tpu.memory_space<vmem>>, vector<60x128xf32>
    tpu.vector_store %arg7[%swap3A_2666, %swap3A_2667], %concatenate3A {strides = array<i32>} : memref<61440x128xf32, #tpu.memory_space<vmem>>, vector<60x128xf32>,
    %swap3A_2669 = arith.constant 46980 : index
    %swap3A_2670 = arith.constant 0 : index
    %swap3A_2671 = vector.load %arg7[%swap3A_2669, %swap3A_2670] : memref<61440x128xf32, #tpu.memory_space<vmem>>, vector<60x128xf32>
    tpu.vector_store %arg7[%swap3A_2669, %swap3A_2670], %concatenate3A {strides = array<i32>} : memref<61440x128xf32, #tpu.memory_space<vmem>>, vector<60x128xf32>,
    %swap3A_2672 = arith.constant 47040 : index
    %swap3A_2673 = arith.constant 0 : index
    %swap3A_2674 = vector.load %arg7[%swap3A_2672, %swap3A_2673] : memref<61440x128xf32, #tpu.memory_space<vmem>>, vector<60x128xf32>
    tpu.vector_store %arg7[%swap3A_2672, %swap3A_2673], %concatenate3A {strides = array<i32>} : memref<61440x128xf32, #tpu.memory_space<vmem>>, vector<60x128xf32>,
    %swap3A_2675 = arith.constant 47100 : index
    %swap3A_2676 = arith.constant 0 : index
    %swap3A_2677 = vector.load %arg7[%swap3A_2675, %swap3A_2676] : memref<61440x128xf32, #tpu.memory_space<vmem>>, vector<60x128xf32>
    tpu.vector_store %arg7[%swap3A_2675, %swap3A_2676], %concatenate3A {strides = array<i32>} : memref<61440x128xf32, #tpu.memory_space<vmem>>, vector<60x128xf32>,
    %swap3A_2678 = arith.constant 47160 : index
    %swap3A_2679 = arith.constant 0 : index
    %swap3A_2680 = vector.load %arg7[%swap3A_2678, %swap3A_2679] : memref<61440x128xf32, #tpu.memory_space<vmem>>, vector<60x128xf32>
    tpu.vector_store %arg7[%swap3A_2678, %swap3A_2679], %concatenate3A {strides = array<i32>} : memref<61440x128xf32, #tpu.memory_space<vmem>>, vector<60x128xf32>,
    %swap3A_2681 = arith.constant 47220 : index
    %swap3A_2682 = arith.constant 0 : index
    %swap3A_2683 = vector.load %arg7[%swap3A_2681, %swap3A_2682] : memref<61440x128xf32, #tpu.memory_space<vmem>>, vector<60x128xf32>
    tpu.vector_store %arg7[%swap3A_2681, %swap3A_2682], %concatenate3A {strides = array<i32>} : memref<61440x128xf32, #tpu.memory_space<vmem>>, vector<60x128xf32>,
    %swap3A_2684 = arith.constant 47280 : index
    %swap3A_2685 = arith.constant 0 : index
    %swap3A_2686 = vector.load %arg7[%swap3A_2684, %swap3A_2685] : memref<61440x128xf32, #tpu.memory_space<vmem>>, vector<60x128xf32>
    tpu.vector_store %arg7[%swap3A_2684, %swap3A_2685], %concatenate3A {strides = array<i32>} : memref<61440x128xf32, #tpu.memory_space<vmem>>, vector<60x128xf32>,
    %swap3A_2687 = arith.constant 47340 : index
    %swap3A_2688 = arith.constant 0 : index
    %swap3A_2689 = vector.load %arg7[%swap3A_2687, %swap3A_2688] : memref<61440x128xf32, #tpu.memory_space<vmem>>, vector<60x128xf32>
    tpu.vector_store %arg7[%swap3A_2687, %swap3A_2688], %concatenate3A {strides = array<i32>} : memref<61440x128xf32, #tpu.memory_space<vmem>>, vector<60x128xf32>,
    %swap3A_2690 = arith.constant 47400 : index
    %swap3A_2691 = arith.constant 0 : index
    %swap3A_2692 = vector.load %arg7[%swap3A_2690, %swap3A_2691] : memref<61440x128xf32, #tpu.memory_space<vmem>>, vector<60x128xf32>
    tpu.vector_store %arg7[%swap3A_2690, %swap3A_2691], %concatenate3A {strides = array<i32>} : memref<61440x128xf32, #tpu.memory_space<vmem>>, vector<60x128xf32>,
    %swap3A_2693 = arith.constant 47460 : index
    %swap3A_2694 = arith.constant 0 : index
    %swap3A_2695 = vector.load %arg7[%swap3A_2693, %swap3A_2694] : memref<61440x128xf32, #tpu.memory_space<vmem>>, vector<60x128xf32>
    tpu.vector_store %arg7[%swap3A_2693, %swap3A_2694], %concatenate3A {strides = array<i32>} : memref<61440x128xf32, #tpu.memory_space<vmem>>, vector<60x128xf32>,
    %swap3A_2696 = arith.constant 47520 : index
    %swap3A_2697 = arith.constant 0 : index
    %swap3A_2698 = vector.load %arg7[%swap3A_2696, %swap3A_2697] : memref<61440x128xf32, #tpu.memory_space<vmem>>, vector<60x128xf32>
    tpu.vector_store %arg7[%swap3A_2696, %swap3A_2697], %concatenate3A {strides = array<i32>} : memref<61440x128xf32, #tpu.memory_space<vmem>>, vector<60x128xf32>,
    %swap3A_2699 = arith.constant 47580 : index
    %swap3A_2700 = arith.constant 0 : index
    %swap3A_2701 = vector.load %arg7[%swap3A_2699, %swap3A_2700] : memref<61440x128xf32, #tpu.memory_space<vmem>>, vector<60x128xf32>
    tpu.vector_store %arg7[%swap3A_2699, %swap3A_2700], %concatenate3A {strides = array<i32>} : memref<61440x128xf32, #tpu.memory_space<vmem>>, vector<60x128xf32>,
    %swap3A_2702 = arith.constant 47640 : index
    %swap3A_2703 = arith.constant 0 : index
    %swap3A_2704 = vector.load %arg7[%swap3A_2702, %swap3A_2703] : memref<61440x128xf32, #tpu.memory_space<vmem>>, vector<60x128xf32>
    tpu.vector_store %arg7[%swap3A_2702, %swap3A_2703], %concatenate3A {strides = array<i32>} : memref<61440x128xf32, #tpu.memory_space<vmem>>, vector<60x128xf32>,
    %swap3A_2705 = arith.constant 47700 : index
    %swap3A_2706 = arith.constant 0 : index
    %swap3A_2707 = vector.load %arg7[%swap3A_2705, %swap3A_2706] : memref<61440x128xf32, #tpu.memory_space<vmem>>, vector<60x128xf32>
    tpu.vector_store %arg7[%swap3A_2705, %swap3A_2706], %concatenate3A {strides = array<i32>} : memref<61440x128xf32, #tpu.memory_space<vmem>>, vector<60x128xf32>,
    %swap3A_2708 = arith.constant 47760 : index
    %swap3A_2709 = arith.constant 0 : index
    %swap3A_2710 = vector.load %arg7[%swap3A_2708, %swap3A_2709] : memref<61440x128xf32, #tpu.memory_space<vmem>>, vector<60x128xf32>
    tpu.vector_store %arg7[%swap3A_2708, %swap3A_2709], %concatenate3A {strides = array<i32>} : memref<61440x128xf32, #tpu.memory_space<vmem>>, vector<60x128xf32>,
    %swap3A_2711 = arith.constant 47820 : index
    %swap3A_2712 = arith.constant 0 : index
    %swap3A_2713 = vector.load %arg7[%swap3A_2711, %swap3A_2712] : memref<61440x128xf32, #tpu.memory_space<vmem>>, vector<60x128xf32>
    tpu.vector_store %arg7[%swap3A_2711, %swap3A_2712], %concatenate3A {strides = array<i32>} : memref<61440x128xf32, #tpu.memory_space<vmem>>, vector<60x128xf32>,
    %swap3A_2714 = arith.constant 47880 : index
    %swap3A_2715 = arith.constant 0 : index
    %swap3A_2716 = vector.load %arg7[%swap3A_2714, %swap3A_2715] : memref<61440x128xf32, #tpu.memory_space<vmem>>, vector<60x128xf32>
    tpu.vector_store %arg7[%swap3A_2714, %swap3A_2715], %concatenate3A {strides = array<i32>} : memref<61440x128xf32, #tpu.memory_space<vmem>>, vector<60x128xf32>,
    %swap3A_2717 = arith.constant 47940 : index
    %swap3A_2718 = arith.constant 0 : index
    %swap3A_2719 = vector.load %arg7[%swap3A_2717, %swap3A_2718] : memref<61440x128xf32, #tpu.memory_space<vmem>>, vector<60x128xf32>
    tpu.vector_store %arg7[%swap3A_2717, %swap3A_2718], %concatenate3A {strides = array<i32>} : memref<61440x128xf32, #tpu.memory_space<vmem>>, vector<60x128xf32>,
    %swap3A_2720 = arith.constant 48000 : index
    %swap3A_2721 = arith.constant 0 : index
    %swap3A_2722 = vector.load %arg7[%swap3A_2720, %swap3A_2721] : memref<61440x128xf32, #tpu.memory_space<vmem>>, vector<60x128xf32>
    tpu.vector_store %arg7[%swap3A_2720, %swap3A_2721], %concatenate3A {strides = array<i32>} : memref<61440x128xf32, #tpu.memory_space<vmem>>, vector<60x128xf32>,
    %swap3A_2723 = arith.constant 48060 : index
    %swap3A_2724 = arith.constant 0 : index
    %swap3A_2725 = vector.load %arg7[%swap3A_2723, %swap3A_2724] : memref<61440x128xf32, #tpu.memory_space<vmem>>, vector<60x128xf32>
    tpu.vector_store %arg7[%swap3A_2723, %swap3A_2724], %concatenate3A {strides = array<i32>} : memref<61440x128xf32, #tpu.memory_space<vmem>>, vector<60x128xf32>,
    %swap3A_2726 = arith.constant 48120 : index
    %swap3A_2727 = arith.constant 0 : index
    %swap3A_2728 = vector.load %arg7[%swap3A_2726, %swap3A_2727] : memref<61440x128xf32, #tpu.memory_space<vmem>>, vector<60x128xf32>
    tpu.vector_store %arg7[%swap3A_2726, %swap3A_2727], %concatenate3A {strides = array<i32>} : memref<61440x128xf32, #tpu.memory_space<vmem>>, vector<60x128xf32>,
    %swap3A_2729 = arith.constant 48180 : index
    %swap3A_2730 = arith.constant 0 : index
    %swap3A_2731 = vector.load %arg7[%swap3A_2729, %swap3A_2730] : memref<61440x128xf32, #tpu.memory_space<vmem>>, vector<60x128xf32>
    tpu.vector_store %arg7[%swap3A_2729, %swap3A_2730], %concatenate3A {strides = array<i32>} : memref<61440x128xf32, #tpu.memory_space<vmem>>, vector<60x128xf32>,
    %swap3A_2732 = arith.constant 48240 : index
    %swap3A_2733 = arith.constant 0 : index
    %swap3A_2734 = vector.load %arg7[%swap3A_2732, %swap3A_2733] : memref<61440x128xf32, #tpu.memory_space<vmem>>, vector<60x128xf32>
    tpu.vector_store %arg7[%swap3A_2732, %swap3A_2733], %concatenate3A {strides = array<i32>} : memref<61440x128xf32, #tpu.memory_space<vmem>>, vector<60x128xf32>,
    %swap3A_2735 = arith.constant 48300 : index
    %swap3A_2736 = arith.constant 0 : index
    %swap3A_2737 = vector.load %arg7[%swap3A_2735, %swap3A_2736] : memref<61440x128xf32, #tpu.memory_space<vmem>>, vector<60x128xf32>
    tpu.vector_store %arg7[%swap3A_2735, %swap3A_2736], %concatenate3A {strides = array<i32>} : memref<61440x128xf32, #tpu.memory_space<vmem>>, vector<60x128xf32>,
    %swap3A_2738 = arith.constant 48360 : index
    %swap3A_2739 = arith.constant 0 : index
    %swap3A_2740 = vector.load %arg7[%swap3A_2738, %swap3A_2739] : memref<61440x128xf32, #tpu.memory_space<vmem>>, vector<60x128xf32>
    tpu.vector_store %arg7[%swap3A_2738, %swap3A_2739], %concatenate3A {strides = array<i32>} : memref<61440x128xf32, #tpu.memory_space<vmem>>, vector<60x128xf32>,
    %swap3A_2741 = arith.constant 48420 : index
    %swap3A_2742 = arith.constant 0 : index
    %swap3A_2743 = vector.load %arg7[%swap3A_2741, %swap3A_2742] : memref<61440x128xf32, #tpu.memory_space<vmem>>, vector<60x128xf32>
    tpu.vector_store %arg7[%swap3A_2741, %swap3A_2742], %concatenate3A {strides = array<i32>} : memref<61440x128xf32, #tpu.memory_space<vmem>>, vector<60x128xf32>,
    %swap3A_2744 = arith.constant 48480 : index
    %swap3A_2745 = arith.constant 0 : index
    %swap3A_2746 = vector.load %arg7[%swap3A_2744, %swap3A_2745] : memref<61440x128xf32, #tpu.memory_space<vmem>>, vector<60x128xf32>
    tpu.vector_store %arg7[%swap3A_2744, %swap3A_2745], %concatenate3A {strides = array<i32>} : memref<61440x128xf32, #tpu.memory_space<vmem>>, vector<60x128xf32>,
    %swap3A_2747 = arith.constant 48540 : index
    %swap3A_2748 = arith.constant 0 : index
    %swap3A_2749 = vector.load %arg7[%swap3A_2747, %swap3A_2748] : memref<61440x128xf32, #tpu.memory_space<vmem>>, vector<60x128xf32>
    tpu.vector_store %arg7[%swap3A_2747, %swap3A_2748], %concatenate3A {strides = array<i32>} : memref<61440x128xf32, #tpu.memory_space<vmem>>, vector<60x128xf32>,
    %swap3A_2750 = arith.constant 48600 : index
    %swap3A_2751 = arith.constant 0 : index
    %swap3A_2752 = vector.load %arg7[%swap3A_2750, %swap3A_2751] : memref<61440x128xf32, #tpu.memory_space<vmem>>, vector<60x128xf32>
    tpu.vector_store %arg7[%swap3A_2750, %swap3A_2751], %concatenate3A {strides = array<i32>} : memref<61440x128xf32, #tpu.memory_space<vmem>>, vector<60x128xf32>,
    %swap3A_2753 = arith.constant 48660 : index
    %swap3A_2754 = arith.constant 0 : index
    %swap3A_2755 = vector.load %arg7[%swap3A_2753, %swap3A_2754] : memref<61440x128xf32, #tpu.memory_space<vmem>>, vector<60x128xf32>
    tpu.vector_store %arg7[%swap3A_2753, %swap3A_2754], %concatenate3A {strides = array<i32>} : memref<61440x128xf32, #tpu.memory_space<vmem>>, vector<60x128xf32>,
    %swap3A_2756 = arith.constant 48720 : index
    %swap3A_2757 = arith.constant 0 : index
    %swap3A_2758 = vector.load %arg7[%swap3A_2756, %swap3A_2757] : memref<61440x128xf32, #tpu.memory_space<vmem>>, vector<60x128xf32>
    tpu.vector_store %arg7[%swap3A_2756, %swap3A_2757], %concatenate3A {strides = array<i32>} : memref<61440x128xf32, #tpu.memory_space<vmem>>, vector<60x128xf32>,
    %swap3A_2759 = arith.constant 48780 : index
    %swap3A_2760 = arith.constant 0 : index
    %swap3A_2761 = vector.load %arg7[%swap3A_2759, %swap3A_2760] : memref<61440x128xf32, #tpu.memory_space<vmem>>, vector<60x128xf32>
    tpu.vector_store %arg7[%swap3A_2759, %swap3A_2760], %concatenate3A {strides = array<i32>} : memref<61440x128xf32, #tpu.memory_space<vmem>>, vector<60x128xf32>,
    %swap3A_2762 = arith.constant 48840 : index
    %swap3A_2763 = arith.constant 0 : index
    %swap3A_2764 = vector.load %arg7[%swap3A_2762, %swap3A_2763] : memref<61440x128xf32, #tpu.memory_space<vmem>>, vector<60x128xf32>
    tpu.vector_store %arg7[%swap3A_2762, %swap3A_2763], %concatenate3A {strides = array<i32>} : memref<61440x128xf32, #tpu.memory_space<vmem>>, vector<60x128xf32>,
    %swap3A_2765 = arith.constant 48900 : index
    %swap3A_2766 = arith.constant 0 : index
    %swap3A_2767 = vector.load %arg7[%swap3A_2765, %swap3A_2766] : memref<61440x128xf32, #tpu.memory_space<vmem>>, vector<60x128xf32>
    tpu.vector_store %arg7[%swap3A_2765, %swap3A_2766], %concatenate3A {strides = array<i32>} : memref<61440x128xf32, #tpu.memory_space<vmem>>, vector<60x128xf32>,
    %swap3A_2768 = arith.constant 48960 : index
    %swap3A_2769 = arith.constant 0 : index
    %swap3A_2770 = vector.load %arg7[%swap3A_2768, %swap3A_2769] : memref<61440x128xf32, #tpu.memory_space<vmem>>, vector<60x128xf32>
    tpu.vector_store %arg7[%swap3A_2768, %swap3A_2769], %concatenate3A {strides = array<i32>} : memref<61440x128xf32, #tpu.memory_space<vmem>>, vector<60x128xf32>,
    %swap3A_2771 = arith.constant 49020 : index
    %swap3A_2772 = arith.constant 0 : index
    %swap3A_2773 = vector.load %arg7[%swap3A_2771, %swap3A_2772] : memref<61440x128xf32, #tpu.memory_space<vmem>>, vector<60x128xf32>
    tpu.vector_store %arg7[%swap3A_2771, %swap3A_2772], %concatenate3A {strides = array<i32>} : memref<61440x128xf32, #tpu.memory_space<vmem>>, vector<60x128xf32>,
    %swap3A_2774 = arith.constant 49080 : index
    %swap3A_2775 = arith.constant 0 : index
    %swap3A_2776 = vector.load %arg7[%swap3A_2774, %swap3A_2775] : memref<61440x128xf32, #tpu.memory_space<vmem>>, vector<60x128xf32>
    tpu.vector_store %arg7[%swap3A_2774, %swap3A_2775], %concatenate3A {strides = array<i32>} : memref<61440x128xf32, #tpu.memory_space<vmem>>, vector<60x128xf32>,
    %swap3A_2777 = arith.constant 49140 : index
    %swap3A_2778 = arith.constant 0 : index
    %swap3A_2779 = vector.load %arg7[%swap3A_2777, %swap3A_2778] : memref<61440x128xf32, #tpu.memory_space<vmem>>, vector<60x128xf32>
    tpu.vector_store %arg7[%swap3A_2777, %swap3A_2778], %concatenate3A {strides = array<i32>} : memref<61440x128xf32, #tpu.memory_space<vmem>>, vector<60x128xf32>,
    %swap3A_2780 = arith.constant 49200 : index
    %swap3A_2781 = arith.constant 0 : index
    %swap3A_2782 = vector.load %arg7[%swap3A_2780, %swap3A_2781] : memref<61440x128xf32, #tpu.memory_space<vmem>>, vector<60x128xf32>
    tpu.vector_store %arg7[%swap3A_2780, %swap3A_2781], %concatenate3A {strides = array<i32>} : memref<61440x128xf32, #tpu.memory_space<vmem>>, vector<60x128xf32>,
    %swap3A_2783 = arith.constant 49260 : index
    %swap3A_2784 = arith.constant 0 : index
    %swap3A_2785 = vector.load %arg7[%swap3A_2783, %swap3A_2784] : memref<61440x128xf32, #tpu.memory_space<vmem>>, vector<60x128xf32>
    tpu.vector_store %arg7[%swap3A_2783, %swap3A_2784], %concatenate3A {strides = array<i32>} : memref<61440x128xf32, #tpu.memory_space<vmem>>, vector<60x128xf32>,
    %swap3A_2786 = arith.constant 49320 : index
    %swap3A_2787 = arith.constant 0 : index
    %swap3A_2788 = vector.load %arg7[%swap3A_2786, %swap3A_2787] : memref<61440x128xf32, #tpu.memory_space<vmem>>, vector<60x128xf32>
    tpu.vector_store %arg7[%swap3A_2786, %swap3A_2787], %concatenate3A {strides = array<i32>} : memref<61440x128xf32, #tpu.memory_space<vmem>>, vector<60x128xf32>,
    %swap3A_2789 = arith.constant 49380 : index
    %swap3A_2790 = arith.constant 0 : index
    %swap3A_2791 = vector.load %arg7[%swap3A_2789, %swap3A_2790] : memref<61440x128xf32, #tpu.memory_space<vmem>>, vector<60x128xf32>
    tpu.vector_store %arg7[%swap3A_2789, %swap3A_2790], %concatenate3A {strides = array<i32>} : memref<61440x128xf32, #tpu.memory_space<vmem>>, vector<60x128xf32>,
    %swap3A_2792 = arith.constant 49440 : index
    %swap3A_2793 = arith.constant 0 : index
    %swap3A_2794 = vector.load %arg7[%swap3A_2792, %swap3A_2793] : memref<61440x128xf32, #tpu.memory_space<vmem>>, vector<60x128xf32>
    tpu.vector_store %arg7[%swap3A_2792, %swap3A_2793], %concatenate3A {strides = array<i32>} : memref<61440x128xf32, #tpu.memory_space<vmem>>, vector<60x128xf32>,
    %swap3A_2795 = arith.constant 49500 : index
    %swap3A_2796 = arith.constant 0 : index
    %swap3A_2797 = vector.load %arg7[%swap3A_2795, %swap3A_2796] : memref<61440x128xf32, #tpu.memory_space<vmem>>, vector<60x128xf32>
    tpu.vector_store %arg7[%swap3A_2795, %swap3A_2796], %concatenate3A {strides = array<i32>} : memref<61440x128xf32, #tpu.memory_space<vmem>>, vector<60x128xf32>,
    %swap3A_2798 = arith.constant 49560 : index
    %swap3A_2799 = arith.constant 0 : index
    %swap3A_2800 = vector.load %arg7[%swap3A_2798, %swap3A_2799] : memref<61440x128xf32, #tpu.memory_space<vmem>>, vector<60x128xf32>
    tpu.vector_store %arg7[%swap3A_2798, %swap3A_2799], %concatenate3A {strides = array<i32>} : memref<61440x128xf32, #tpu.memory_space<vmem>>, vector<60x128xf32>,
    %swap3A_2801 = arith.constant 49620 : index
    %swap3A_2802 = arith.constant 0 : index
    %swap3A_2803 = vector.load %arg7[%swap3A_2801, %swap3A_2802] : memref<61440x128xf32, #tpu.memory_space<vmem>>, vector<60x128xf32>
    tpu.vector_store %arg7[%swap3A_2801, %swap3A_2802], %concatenate3A {strides = array<i32>} : memref<61440x128xf32, #tpu.memory_space<vmem>>, vector<60x128xf32>,
    %swap3A_2804 = arith.constant 49680 : index
    %swap3A_2805 = arith.constant 0 : index
    %swap3A_2806 = vector.load %arg7[%swap3A_2804, %swap3A_2805] : memref<61440x128xf32, #tpu.memory_space<vmem>>, vector<60x128xf32>
    tpu.vector_store %arg7[%swap3A_2804, %swap3A_2805], %concatenate3A {strides = array<i32>} : memref<61440x128xf32, #tpu.memory_space<vmem>>, vector<60x128xf32>,
    %swap3A_2807 = arith.constant 49740 : index
    %swap3A_2808 = arith.constant 0 : index
    %swap3A_2809 = vector.load %arg7[%swap3A_2807, %swap3A_2808] : memref<61440x128xf32, #tpu.memory_space<vmem>>, vector<60x128xf32>
    tpu.vector_store %arg7[%swap3A_2807, %swap3A_2808], %concatenate3A {strides = array<i32>} : memref<61440x128xf32, #tpu.memory_space<vmem>>, vector<60x128xf32>,
    %swap3A_2810 = arith.constant 49800 : index
    %swap3A_2811 = arith.constant 0 : index
    %swap3A_2812 = vector.load %arg7[%swap3A_2810, %swap3A_2811] : memref<61440x128xf32, #tpu.memory_space<vmem>>, vector<60x128xf32>
    tpu.vector_store %arg7[%swap3A_2810, %swap3A_2811], %concatenate3A {strides = array<i32>} : memref<61440x128xf32, #tpu.memory_space<vmem>>, vector<60x128xf32>,
    %swap3A_2813 = arith.constant 49860 : index
    %swap3A_2814 = arith.constant 0 : index
    %swap3A_2815 = vector.load %arg7[%swap3A_2813, %swap3A_2814] : memref<61440x128xf32, #tpu.memory_space<vmem>>, vector<60x128xf32>
    tpu.vector_store %arg7[%swap3A_2813, %swap3A_2814], %concatenate3A {strides = array<i32>} : memref<61440x128xf32, #tpu.memory_space<vmem>>, vector<60x128xf32>,
    %swap3A_2816 = arith.constant 49920 : index
    %swap3A_2817 = arith.constant 0 : index
    %swap3A_2818 = vector.load %arg7[%swap3A_2816, %swap3A_2817] : memref<61440x128xf32, #tpu.memory_space<vmem>>, vector<60x128xf32>
    tpu.vector_store %arg7[%swap3A_2816, %swap3A_2817], %concatenate3A {strides = array<i32>} : memref<61440x128xf32, #tpu.memory_space<vmem>>, vector<60x128xf32>,
    %swap3A_2819 = arith.constant 49980 : index
    %swap3A_2820 = arith.constant 0 : index
    %swap3A_2821 = vector.load %arg7[%swap3A_2819, %swap3A_2820] : memref<61440x128xf32, #tpu.memory_space<vmem>>, vector<60x128xf32>
    tpu.vector_store %arg7[%swap3A_2819, %swap3A_2820], %concatenate3A {strides = array<i32>} : memref<61440x128xf32, #tpu.memory_space<vmem>>, vector<60x128xf32>,
    %swap3A_2822 = arith.constant 50040 : index
    %swap3A_2823 = arith.constant 0 : index
    %swap3A_2824 = vector.load %arg7[%swap3A_2822, %swap3A_2823] : memref<61440x128xf32, #tpu.memory_space<vmem>>, vector<60x128xf32>
    tpu.vector_store %arg7[%swap3A_2822, %swap3A_2823], %concatenate3A {strides = array<i32>} : memref<61440x128xf32, #tpu.memory_space<vmem>>, vector<60x128xf32>,
    %swap3A_2825 = arith.constant 50100 : index
    %swap3A_2826 = arith.constant 0 : index
    %swap3A_2827 = vector.load %arg7[%swap3A_2825, %swap3A_2826] : memref<61440x128xf32, #tpu.memory_space<vmem>>, vector<60x128xf32>
    tpu.vector_store %arg7[%swap3A_2825, %swap3A_2826], %concatenate3A {strides = array<i32>} : memref<61440x128xf32, #tpu.memory_space<vmem>>, vector<60x128xf32>,
    %swap3A_2828 = arith.constant 50160 : index
    %swap3A_2829 = arith.constant 0 : index
    %swap3A_2830 = vector.load %arg7[%swap3A_2828, %swap3A_2829] : memref<61440x128xf32, #tpu.memory_space<vmem>>, vector<60x128xf32>
    tpu.vector_store %arg7[%swap3A_2828, %swap3A_2829], %concatenate3A {strides = array<i32>} : memref<61440x128xf32, #tpu.memory_space<vmem>>, vector<60x128xf32>,
    %swap3A_2831 = arith.constant 50220 : index
    %swap3A_2832 = arith.constant 0 : index
    %swap3A_2833 = vector.load %arg7[%swap3A_2831, %swap3A_2832] : memref<61440x128xf32, #tpu.memory_space<vmem>>, vector<60x128xf32>
    tpu.vector_store %arg7[%swap3A_2831, %swap3A_2832], %concatenate3A {strides = array<i32>} : memref<61440x128xf32, #tpu.memory_space<vmem>>, vector<60x128xf32>,
    %swap3A_2834 = arith.constant 50280 : index
    %swap3A_2835 = arith.constant 0 : index
    %swap3A_2836 = vector.load %arg7[%swap3A_2834, %swap3A_2835] : memref<61440x128xf32, #tpu.memory_space<vmem>>, vector<60x128xf32>
    tpu.vector_store %arg7[%swap3A_2834, %swap3A_2835], %concatenate3A {strides = array<i32>} : memref<61440x128xf32, #tpu.memory_space<vmem>>, vector<60x128xf32>,
    %swap3A_2837 = arith.constant 50340 : index
    %swap3A_2838 = arith.constant 0 : index
    %swap3A_2839 = vector.load %arg7[%swap3A_2837, %swap3A_2838] : memref<61440x128xf32, #tpu.memory_space<vmem>>, vector<60x128xf32>
    tpu.vector_store %arg7[%swap3A_2837, %swap3A_2838], %concatenate3A {strides = array<i32>} : memref<61440x128xf32, #tpu.memory_space<vmem>>, vector<60x128xf32>,
    %swap3A_2840 = arith.constant 50400 : index
    %swap3A_2841 = arith.constant 0 : index
    %swap3A_2842 = vector.load %arg7[%swap3A_2840, %swap3A_2841] : memref<61440x128xf32, #tpu.memory_space<vmem>>, vector<60x128xf32>
    tpu.vector_store %arg7[%swap3A_2840, %swap3A_2841], %concatenate3A {strides = array<i32>} : memref<61440x128xf32, #tpu.memory_space<vmem>>, vector<60x128xf32>,
    %swap3A_2843 = arith.constant 50460 : index
    %swap3A_2844 = arith.constant 0 : index
    %swap3A_2845 = vector.load %arg7[%swap3A_2843, %swap3A_2844] : memref<61440x128xf32, #tpu.memory_space<vmem>>, vector<60x128xf32>
    tpu.vector_store %arg7[%swap3A_2843, %swap3A_2844], %concatenate3A {strides = array<i32>} : memref<61440x128xf32, #tpu.memory_space<vmem>>, vector<60x128xf32>,
    %swap3A_2846 = arith.constant 50520 : index
    %swap3A_2847 = arith.constant 0 : index
    %swap3A_2848 = vector.load %arg7[%swap3A_2846, %swap3A_2847] : memref<61440x128xf32, #tpu.memory_space<vmem>>, vector<60x128xf32>
    tpu.vector_store %arg7[%swap3A_2846, %swap3A_2847], %concatenate3A {strides = array<i32>} : memref<61440x128xf32, #tpu.memory_space<vmem>>, vector<60x128xf32>,
    %swap3A_2849 = arith.constant 50580 : index
    %swap3A_2850 = arith.constant 0 : index
    %swap3A_2851 = vector.load %arg7[%swap3A_2849, %swap3A_2850] : memref<61440x128xf32, #tpu.memory_space<vmem>>, vector<60x128xf32>
    tpu.vector_store %arg7[%swap3A_2849, %swap3A_2850], %concatenate3A {strides = array<i32>} : memref<61440x128xf32, #tpu.memory_space<vmem>>, vector<60x128xf32>,
    %swap3A_2852 = arith.constant 50640 : index
    %swap3A_2853 = arith.constant 0 : index
    %swap3A_2854 = vector.load %arg7[%swap3A_2852, %swap3A_2853] : memref<61440x128xf32, #tpu.memory_space<vmem>>, vector<60x128xf32>
    tpu.vector_store %arg7[%swap3A_2852, %swap3A_2853], %concatenate3A {strides = array<i32>} : memref<61440x128xf32, #tpu.memory_space<vmem>>, vector<60x128xf32>,
    %swap3A_2855 = arith.constant 50700 : index
    %swap3A_2856 = arith.constant 0 : index
    %swap3A_2857 = vector.load %arg7[%swap3A_2855, %swap3A_2856] : memref<61440x128xf32, #tpu.memory_space<vmem>>, vector<60x128xf32>
    tpu.vector_store %arg7[%swap3A_2855, %swap3A_2856], %concatenate3A {strides = array<i32>} : memref<61440x128xf32, #tpu.memory_space<vmem>>, vector<60x128xf32>,
    %swap3A_2858 = arith.constant 50760 : index
    %swap3A_2859 = arith.constant 0 : index
    %swap3A_2860 = vector.load %arg7[%swap3A_2858, %swap3A_2859] : memref<61440x128xf32, #tpu.memory_space<vmem>>, vector<60x128xf32>
    tpu.vector_store %arg7[%swap3A_2858, %swap3A_2859], %concatenate3A {strides = array<i32>} : memref<61440x128xf32, #tpu.memory_space<vmem>>, vector<60x128xf32>,
    %swap3A_2861 = arith.constant 50820 : index
    %swap3A_2862 = arith.constant 0 : index
    %swap3A_2863 = vector.load %arg7[%swap3A_2861, %swap3A_2862] : memref<61440x128xf32, #tpu.memory_space<vmem>>, vector<60x128xf32>
    tpu.vector_store %arg7[%swap3A_2861, %swap3A_2862], %concatenate3A {strides = array<i32>} : memref<61440x128xf32, #tpu.memory_space<vmem>>, vector<60x128xf32>,
    %swap3A_2864 = arith.constant 50880 : index
    %swap3A_2865 = arith.constant 0 : index
    %swap3A_2866 = vector.load %arg7[%swap3A_2864, %swap3A_2865] : memref<61440x128xf32, #tpu.memory_space<vmem>>, vector<60x128xf32>
    tpu.vector_store %arg7[%swap3A_2864, %swap3A_2865], %concatenate3A {strides = array<i32>} : memref<61440x128xf32, #tpu.memory_space<vmem>>, vector<60x128xf32>,
    %swap3A_2867 = arith.constant 50940 : index
    %swap3A_2868 = arith.constant 0 : index
    %swap3A_2869 = vector.load %arg7[%swap3A_2867, %swap3A_2868] : memref<61440x128xf32, #tpu.memory_space<vmem>>, vector<60x128xf32>
    tpu.vector_store %arg7[%swap3A_2867, %swap3A_2868], %concatenate3A {strides = array<i32>} : memref<61440x128xf32, #tpu.memory_space<vmem>>, vector<60x128xf32>,
    %swap3A_2870 = arith.constant 51000 : index
    %swap3A_2871 = arith.constant 0 : index
    %swap3A_2872 = vector.load %arg7[%swap3A_2870, %swap3A_2871] : memref<61440x128xf32, #tpu.memory_space<vmem>>, vector<60x128xf32>
    tpu.vector_store %arg7[%swap3A_2870, %swap3A_2871], %concatenate3A {strides = array<i32>} : memref<61440x128xf32, #tpu.memory_space<vmem>>, vector<60x128xf32>,
    %swap3A_2873 = arith.constant 51060 : index
    %swap3A_2874 = arith.constant 0 : index
    %swap3A_2875 = vector.load %arg7[%swap3A_2873, %swap3A_2874] : memref<61440x128xf32, #tpu.memory_space<vmem>>, vector<60x128xf32>
    tpu.vector_store %arg7[%swap3A_2873, %swap3A_2874], %concatenate3A {strides = array<i32>} : memref<61440x128xf32, #tpu.memory_space<vmem>>, vector<60x128xf32>,
    %swap3A_2876 = arith.constant 51120 : index
    %swap3A_2877 = arith.constant 0 : index
    %swap3A_2878 = vector.load %arg7[%swap3A_2876, %swap3A_2877] : memref<61440x128xf32, #tpu.memory_space<vmem>>, vector<60x128xf32>
    tpu.vector_store %arg7[%swap3A_2876, %swap3A_2877], %concatenate3A {strides = array<i32>} : memref<61440x128xf32, #tpu.memory_space<vmem>>, vector<60x128xf32>,
    %swap3A_2879 = arith.constant 51180 : index
    %swap3A_2880 = arith.constant 0 : index
    %swap3A_2881 = vector.load %arg7[%swap3A_2879, %swap3A_2880] : memref<61440x128xf32, #tpu.memory_space<vmem>>, vector<60x128xf32>
    tpu.vector_store %arg7[%swap3A_2879, %swap3A_2880], %concatenate3A {strides = array<i32>} : memref<61440x128xf32, #tpu.memory_space<vmem>>, vector<60x128xf32>,
    %swap3A_2882 = arith.constant 51240 : index
    %swap3A_2883 = arith.constant 0 : index
    %swap3A_2884 = vector.load %arg7[%swap3A_2882, %swap3A_2883] : memref<61440x128xf32, #tpu.memory_space<vmem>>, vector<60x128xf32>
    tpu.vector_store %arg7[%swap3A_2882, %swap3A_2883], %concatenate3A {strides = array<i32>} : memref<61440x128xf32, #tpu.memory_space<vmem>>, vector<60x128xf32>,
    %swap3A_2885 = arith.constant 51300 : index
    %swap3A_2886 = arith.constant 0 : index
    %swap3A_2887 = vector.load %arg7[%swap3A_2885, %swap3A_2886] : memref<61440x128xf32, #tpu.memory_space<vmem>>, vector<60x128xf32>
    tpu.vector_store %arg7[%swap3A_2885, %swap3A_2886], %concatenate3A {strides = array<i32>} : memref<61440x128xf32, #tpu.memory_space<vmem>>, vector<60x128xf32>,
    %swap3A_2888 = arith.constant 51360 : index
    %swap3A_2889 = arith.constant 0 : index
    %swap3A_2890 = vector.load %arg7[%swap3A_2888, %swap3A_2889] : memref<61440x128xf32, #tpu.memory_space<vmem>>, vector<60x128xf32>
    tpu.vector_store %arg7[%swap3A_2888, %swap3A_2889], %concatenate3A {strides = array<i32>} : memref<61440x128xf32, #tpu.memory_space<vmem>>, vector<60x128xf32>,
    %swap3A_2891 = arith.constant 51420 : index
    %swap3A_2892 = arith.constant 0 : index
    %swap3A_2893 = vector.load %arg7[%swap3A_2891, %swap3A_2892] : memref<61440x128xf32, #tpu.memory_space<vmem>>, vector<60x128xf32>
    tpu.vector_store %arg7[%swap3A_2891, %swap3A_2892], %concatenate3A {strides = array<i32>} : memref<61440x128xf32, #tpu.memory_space<vmem>>, vector<60x128xf32>,
    %swap3A_2894 = arith.constant 51480 : index
    %swap3A_2895 = arith.constant 0 : index
    %swap3A_2896 = vector.load %arg7[%swap3A_2894, %swap3A_2895] : memref<61440x128xf32, #tpu.memory_space<vmem>>, vector<60x128xf32>
    tpu.vector_store %arg7[%swap3A_2894, %swap3A_2895], %concatenate3A {strides = array<i32>} : memref<61440x128xf32, #tpu.memory_space<vmem>>, vector<60x128xf32>,
    %swap3A_2897 = arith.constant 51540 : index
    %swap3A_2898 = arith.constant 0 : index
    %swap3A_2899 = vector.load %arg7[%swap3A_2897, %swap3A_2898] : memref<61440x128xf32, #tpu.memory_space<vmem>>, vector<60x128xf32>
    tpu.vector_store %arg7[%swap3A_2897, %swap3A_2898], %concatenate3A {strides = array<i32>} : memref<61440x128xf32, #tpu.memory_space<vmem>>, vector<60x128xf32>,
    %swap3A_2900 = arith.constant 51600 : index
    %swap3A_2901 = arith.constant 0 : index
    %swap3A_2902 = vector.load %arg7[%swap3A_2900, %swap3A_2901] : memref<61440x128xf32, #tpu.memory_space<vmem>>, vector<60x128xf32>
    tpu.vector_store %arg7[%swap3A_2900, %swap3A_2901], %concatenate3A {strides = array<i32>} : memref<61440x128xf32, #tpu.memory_space<vmem>>, vector<60x128xf32>,
    %swap3A_2903 = arith.constant 51660 : index
    %swap3A_2904 = arith.constant 0 : index
    %swap3A_2905 = vector.load %arg7[%swap3A_2903, %swap3A_2904] : memref<61440x128xf32, #tpu.memory_space<vmem>>, vector<60x128xf32>
    tpu.vector_store %arg7[%swap3A_2903, %swap3A_2904], %concatenate3A {strides = array<i32>} : memref<61440x128xf32, #tpu.memory_space<vmem>>, vector<60x128xf32>,
    %swap3A_2906 = arith.constant 51720 : index
    %swap3A_2907 = arith.constant 0 : index
    %swap3A_2908 = vector.load %arg7[%swap3A_2906, %swap3A_2907] : memref<61440x128xf32, #tpu.memory_space<vmem>>, vector<60x128xf32>
    tpu.vector_store %arg7[%swap3A_2906, %swap3A_2907], %concatenate3A {strides = array<i32>} : memref<61440x128xf32, #tpu.memory_space<vmem>>, vector<60x128xf32>,
    %swap3A_2909 = arith.constant 51780 : index
    %swap3A_2910 = arith.constant 0 : index
    %swap3A_2911 = vector.load %arg7[%swap3A_2909, %swap3A_2910] : memref<61440x128xf32, #tpu.memory_space<vmem>>, vector<60x128xf32>
    tpu.vector_store %arg7[%swap3A_2909, %swap3A_2910], %concatenate3A {strides = array<i32>} : memref<61440x128xf32, #tpu.memory_space<vmem>>, vector<60x128xf32>,
    %swap3A_2912 = arith.constant 51840 : index
    %swap3A_2913 = arith.constant 0 : index
    %swap3A_2914 = vector.load %arg7[%swap3A_2912, %swap3A_2913] : memref<61440x128xf32, #tpu.memory_space<vmem>>, vector<60x128xf32>
    tpu.vector_store %arg7[%swap3A_2912, %swap3A_2913], %concatenate3A {strides = array<i32>} : memref<61440x128xf32, #tpu.memory_space<vmem>>, vector<60x128xf32>,
    %swap3A_2915 = arith.constant 51900 : index
    %swap3A_2916 = arith.constant 0 : index
    %swap3A_2917 = vector.load %arg7[%swap3A_2915, %swap3A_2916] : memref<61440x128xf32, #tpu.memory_space<vmem>>, vector<60x128xf32>
    tpu.vector_store %arg7[%swap3A_2915, %swap3A_2916], %concatenate3A {strides = array<i32>} : memref<61440x128xf32, #tpu.memory_space<vmem>>, vector<60x128xf32>,
    %swap3A_2918 = arith.constant 51960 : index
    %swap3A_2919 = arith.constant 0 : index
    %swap3A_2920 = vector.load %arg7[%swap3A_2918, %swap3A_2919] : memref<61440x128xf32, #tpu.memory_space<vmem>>, vector<60x128xf32>
    tpu.vector_store %arg7[%swap3A_2918, %swap3A_2919], %concatenate3A {strides = array<i32>} : memref<61440x128xf32, #tpu.memory_space<vmem>>, vector<60x128xf32>,
    %swap3A_2921 = arith.constant 52020 : index
    %swap3A_2922 = arith.constant 0 : index
    %swap3A_2923 = vector.load %arg7[%swap3A_2921, %swap3A_2922] : memref<61440x128xf32, #tpu.memory_space<vmem>>, vector<60x128xf32>
    tpu.vector_store %arg7[%swap3A_2921, %swap3A_2922], %concatenate3A {strides = array<i32>} : memref<61440x128xf32, #tpu.memory_space<vmem>>, vector<60x128xf32>,
    %swap3A_2924 = arith.constant 52080 : index
    %swap3A_2925 = arith.constant 0 : index
    %swap3A_2926 = vector.load %arg7[%swap3A_2924, %swap3A_2925] : memref<61440x128xf32, #tpu.memory_space<vmem>>, vector<60x128xf32>
    tpu.vector_store %arg7[%swap3A_2924, %swap3A_2925], %concatenate3A {strides = array<i32>} : memref<61440x128xf32, #tpu.memory_space<vmem>>, vector<60x128xf32>,
    %swap3A_2927 = arith.constant 52140 : index
    %swap3A_2928 = arith.constant 0 : index
    %swap3A_2929 = vector.load %arg7[%swap3A_2927, %swap3A_2928] : memref<61440x128xf32, #tpu.memory_space<vmem>>, vector<60x128xf32>
    tpu.vector_store %arg7[%swap3A_2927, %swap3A_2928], %concatenate3A {strides = array<i32>} : memref<61440x128xf32, #tpu.memory_space<vmem>>, vector<60x128xf32>,
    %swap3A_2930 = arith.constant 52200 : index
    %swap3A_2931 = arith.constant 0 : index
    %swap3A_2932 = vector.load %arg7[%swap3A_2930, %swap3A_2931] : memref<61440x128xf32, #tpu.memory_space<vmem>>, vector<60x128xf32>
    tpu.vector_store %arg7[%swap3A_2930, %swap3A_2931], %concatenate3A {strides = array<i32>} : memref<61440x128xf32, #tpu.memory_space<vmem>>, vector<60x128xf32>,
    %swap3A_2933 = arith.constant 52260 : index
    %swap3A_2934 = arith.constant 0 : index
    %swap3A_2935 = vector.load %arg7[%swap3A_2933, %swap3A_2934] : memref<61440x128xf32, #tpu.memory_space<vmem>>, vector<60x128xf32>
    tpu.vector_store %arg7[%swap3A_2933, %swap3A_2934], %concatenate3A {strides = array<i32>} : memref<61440x128xf32, #tpu.memory_space<vmem>>, vector<60x128xf32>,
    %swap3A_2936 = arith.constant 52320 : index
    %swap3A_2937 = arith.constant 0 : index
    %swap3A_2938 = vector.load %arg7[%swap3A_2936, %swap3A_2937] : memref<61440x128xf32, #tpu.memory_space<vmem>>, vector<60x128xf32>
    tpu.vector_store %arg7[%swap3A_2936, %swap3A_2937], %concatenate3A {strides = array<i32>} : memref<61440x128xf32, #tpu.memory_space<vmem>>, vector<60x128xf32>,
    %swap3A_2939 = arith.constant 52380 : index
    %swap3A_2940 = arith.constant 0 : index
    %swap3A_2941 = vector.load %arg7[%swap3A_2939, %swap3A_2940] : memref<61440x128xf32, #tpu.memory_space<vmem>>, vector<60x128xf32>
    tpu.vector_store %arg7[%swap3A_2939, %swap3A_2940], %concatenate3A {strides = array<i32>} : memref<61440x128xf32, #tpu.memory_space<vmem>>, vector<60x128xf32>,
    %swap3A_2942 = arith.constant 52440 : index
    %swap3A_2943 = arith.constant 0 : index
    %swap3A_2944 = vector.load %arg7[%swap3A_2942, %swap3A_2943] : memref<61440x128xf32, #tpu.memory_space<vmem>>, vector<60x128xf32>
    tpu.vector_store %arg7[%swap3A_2942, %swap3A_2943], %concatenate3A {strides = array<i32>} : memref<61440x128xf32, #tpu.memory_space<vmem>>, vector<60x128xf32>,
    %swap3A_2945 = arith.constant 52500 : index
    %swap3A_2946 = arith.constant 0 : index
    %swap3A_2947 = vector.load %arg7[%swap3A_2945, %swap3A_2946] : memref<61440x128xf32, #tpu.memory_space<vmem>>, vector<60x128xf32>
    tpu.vector_store %arg7[%swap3A_2945, %swap3A_2946], %concatenate3A {strides = array<i32>} : memref<61440x128xf32, #tpu.memory_space<vmem>>, vector<60x128xf32>,
    %swap3A_2948 = arith.constant 52560 : index
    %swap3A_2949 = arith.constant 0 : index
    %swap3A_2950 = vector.load %arg7[%swap3A_2948, %swap3A_2949] : memref<61440x128xf32, #tpu.memory_space<vmem>>, vector<60x128xf32>
    tpu.vector_store %arg7[%swap3A_2948, %swap3A_2949], %concatenate3A {strides = array<i32>} : memref<61440x128xf32, #tpu.memory_space<vmem>>, vector<60x128xf32>,
    %swap3A_2951 = arith.constant 52620 : index
    %swap3A_2952 = arith.constant 0 : index
    %swap3A_2953 = vector.load %arg7[%swap3A_2951, %swap3A_2952] : memref<61440x128xf32, #tpu.memory_space<vmem>>, vector<60x128xf32>
    tpu.vector_store %arg7[%swap3A_2951, %swap3A_2952], %concatenate3A {strides = array<i32>} : memref<61440x128xf32, #tpu.memory_space<vmem>>, vector<60x128xf32>,
    %swap3A_2954 = arith.constant 52680 : index
    %swap3A_2955 = arith.constant 0 : index
    %swap3A_2956 = vector.load %arg7[%swap3A_2954, %swap3A_2955] : memref<61440x128xf32, #tpu.memory_space<vmem>>, vector<60x128xf32>
    tpu.vector_store %arg7[%swap3A_2954, %swap3A_2955], %concatenate3A {strides = array<i32>} : memref<61440x128xf32, #tpu.memory_space<vmem>>, vector<60x128xf32>,
    %swap3A_2957 = arith.constant 52740 : index
    %swap3A_2958 = arith.constant 0 : index
    %swap3A_2959 = vector.load %arg7[%swap3A_2957, %swap3A_2958] : memref<61440x128xf32, #tpu.memory_space<vmem>>, vector<60x128xf32>
    tpu.vector_store %arg7[%swap3A_2957, %swap3A_2958], %concatenate3A {strides = array<i32>} : memref<61440x128xf32, #tpu.memory_space<vmem>>, vector<60x128xf32>,
    %swap3A_2960 = arith.constant 52800 : index
    %swap3A_2961 = arith.constant 0 : index
    %swap3A_2962 = vector.load %arg7[%swap3A_2960, %swap3A_2961] : memref<61440x128xf32, #tpu.memory_space<vmem>>, vector<60x128xf32>
    tpu.vector_store %arg7[%swap3A_2960, %swap3A_2961], %concatenate3A {strides = array<i32>} : memref<61440x128xf32, #tpu.memory_space<vmem>>, vector<60x128xf32>,
    %swap3A_2963 = arith.constant 52860 : index
    %swap3A_2964 = arith.constant 0 : index
    %swap3A_2965 = vector.load %arg7[%swap3A_2963, %swap3A_2964] : memref<61440x128xf32, #tpu.memory_space<vmem>>, vector<60x128xf32>
    tpu.vector_store %arg7[%swap3A_2963, %swap3A_2964], %concatenate3A {strides = array<i32>} : memref<61440x128xf32, #tpu.memory_space<vmem>>, vector<60x128xf32>,
    %swap3A_2966 = arith.constant 52920 : index
    %swap3A_2967 = arith.constant 0 : index
    %swap3A_2968 = vector.load %arg7[%swap3A_2966, %swap3A_2967] : memref<61440x128xf32, #tpu.memory_space<vmem>>, vector<60x128xf32>
    tpu.vector_store %arg7[%swap3A_2966, %swap3A_2967], %concatenate3A {strides = array<i32>} : memref<61440x128xf32, #tpu.memory_space<vmem>>, vector<60x128xf32>,
    %swap3A_2969 = arith.constant 52980 : index
    %swap3A_2970 = arith.constant 0 : index
    %swap3A_2971 = vector.load %arg7[%swap3A_2969, %swap3A_2970] : memref<61440x128xf32, #tpu.memory_space<vmem>>, vector<60x128xf32>
    tpu.vector_store %arg7[%swap3A_2969, %swap3A_2970], %concatenate3A {strides = array<i32>} : memref<61440x128xf32, #tpu.memory_space<vmem>>, vector<60x128xf32>,
    %swap3A_2972 = arith.constant 53040 : index
    %swap3A_2973 = arith.constant 0 : index
    %swap3A_2974 = vector.load %arg7[%swap3A_2972, %swap3A_2973] : memref<61440x128xf32, #tpu.memory_space<vmem>>, vector<60x128xf32>
    tpu.vector_store %arg7[%swap3A_2972, %swap3A_2973], %concatenate3A {strides = array<i32>} : memref<61440x128xf32, #tpu.memory_space<vmem>>, vector<60x128xf32>,
    %swap3A_2975 = arith.constant 53100 : index
    %swap3A_2976 = arith.constant 0 : index
    %swap3A_2977 = vector.load %arg7[%swap3A_2975, %swap3A_2976] : memref<61440x128xf32, #tpu.memory_space<vmem>>, vector<60x128xf32>
    tpu.vector_store %arg7[%swap3A_2975, %swap3A_2976], %concatenate3A {strides = array<i32>} : memref<61440x128xf32, #tpu.memory_space<vmem>>, vector<60x128xf32>,
    %swap3A_2978 = arith.constant 53160 : index
    %swap3A_2979 = arith.constant 0 : index
    %swap3A_2980 = vector.load %arg7[%swap3A_2978, %swap3A_2979] : memref<61440x128xf32, #tpu.memory_space<vmem>>, vector<60x128xf32>
    tpu.vector_store %arg7[%swap3A_2978, %swap3A_2979], %concatenate3A {strides = array<i32>} : memref<61440x128xf32, #tpu.memory_space<vmem>>, vector<60x128xf32>,
    %swap3A_2981 = arith.constant 53220 : index
    %swap3A_2982 = arith.constant 0 : index
    %swap3A_2983 = vector.load %arg7[%swap3A_2981, %swap3A_2982] : memref<61440x128xf32, #tpu.memory_space<vmem>>, vector<60x128xf32>
    tpu.vector_store %arg7[%swap3A_2981, %swap3A_2982], %concatenate3A {strides = array<i32>} : memref<61440x128xf32, #tpu.memory_space<vmem>>, vector<60x128xf32>,
    %swap3A_2984 = arith.constant 53280 : index
    %swap3A_2985 = arith.constant 0 : index
    %swap3A_2986 = vector.load %arg7[%swap3A_2984, %swap3A_2985] : memref<61440x128xf32, #tpu.memory_space<vmem>>, vector<60x128xf32>
    tpu.vector_store %arg7[%swap3A_2984, %swap3A_2985], %concatenate3A {strides = array<i32>} : memref<61440x128xf32, #tpu.memory_space<vmem>>, vector<60x128xf32>,
    %swap3A_2987 = arith.constant 53340 : index
    %swap3A_2988 = arith.constant 0 : index
    %swap3A_2989 = vector.load %arg7[%swap3A_2987, %swap3A_2988] : memref<61440x128xf32, #tpu.memory_space<vmem>>, vector<60x128xf32>
    tpu.vector_store %arg7[%swap3A_2987, %swap3A_2988], %concatenate3A {strides = array<i32>} : memref<61440x128xf32, #tpu.memory_space<vmem>>, vector<60x128xf32>,
    %swap3A_2990 = arith.constant 53400 : index
    %swap3A_2991 = arith.constant 0 : index
    %swap3A_2992 = vector.load %arg7[%swap3A_2990, %swap3A_2991] : memref<61440x128xf32, #tpu.memory_space<vmem>>, vector<60x128xf32>
    tpu.vector_store %arg7[%swap3A_2990, %swap3A_2991], %concatenate3A {strides = array<i32>} : memref<61440x128xf32, #tpu.memory_space<vmem>>, vector<60x128xf32>,
    %swap3A_2993 = arith.constant 53460 : index
    %swap3A_2994 = arith.constant 0 : index
    %swap3A_2995 = vector.load %arg7[%swap3A_2993, %swap3A_2994] : memref<61440x128xf32, #tpu.memory_space<vmem>>, vector<60x128xf32>
    tpu.vector_store %arg7[%swap3A_2993, %swap3A_2994], %concatenate3A {strides = array<i32>} : memref<61440x128xf32, #tpu.memory_space<vmem>>, vector<60x128xf32>,
    %swap3A_2996 = arith.constant 53520 : index
    %swap3A_2997 = arith.constant 0 : index
    %swap3A_2998 = vector.load %arg7[%swap3A_2996, %swap3A_2997] : memref<61440x128xf32, #tpu.memory_space<vmem>>, vector<60x128xf32>
    tpu.vector_store %arg7[%swap3A_2996, %swap3A_2997], %concatenate3A {strides = array<i32>} : memref<61440x128xf32, #tpu.memory_space<vmem>>, vector<60x128xf32>,
    %swap3A_2999 = arith.constant 53580 : index
    %swap3A_3000 = arith.constant 0 : index
    %swap3A_3001 = vector.load %arg7[%swap3A_2999, %swap3A_3000] : memref<61440x128xf32, #tpu.memory_space<vmem>>, vector<60x128xf32>
    tpu.vector_store %arg7[%swap3A_2999, %swap3A_3000], %concatenate3A {strides = array<i32>} : memref<61440x128xf32, #tpu.memory_space<vmem>>, vector<60x128xf32>,
    %swap3A_3002 = arith.constant 53640 : index
    %swap3A_3003 = arith.constant 0 : index
    %swap3A_3004 = vector.load %arg7[%swap3A_3002, %swap3A_3003] : memref<61440x128xf32, #tpu.memory_space<vmem>>, vector<60x128xf32>
    tpu.vector_store %arg7[%swap3A_3002, %swap3A_3003], %concatenate3A {strides = array<i32>} : memref<61440x128xf32, #tpu.memory_space<vmem>>, vector<60x128xf32>,
    %swap3A_3005 = arith.constant 53700 : index
    %swap3A_3006 = arith.constant 0 : index
    %swap3A_3007 = vector.load %arg7[%swap3A_3005, %swap3A_3006] : memref<61440x128xf32, #tpu.memory_space<vmem>>, vector<60x128xf32>
    tpu.vector_store %arg7[%swap3A_3005, %swap3A_3006], %concatenate3A {strides = array<i32>} : memref<61440x128xf32, #tpu.memory_space<vmem>>, vector<60x128xf32>,
    %swap3A_3008 = arith.constant 53760 : index
    %swap3A_3009 = arith.constant 0 : index
    %swap3A_3010 = vector.load %arg7[%swap3A_3008, %swap3A_3009] : memref<61440x128xf32, #tpu.memory_space<vmem>>, vector<60x128xf32>
    tpu.vector_store %arg7[%swap3A_3008, %swap3A_3009], %concatenate3A {strides = array<i32>} : memref<61440x128xf32, #tpu.memory_space<vmem>>, vector<60x128xf32>,
    %swap3A_3011 = arith.constant 53820 : index
    %swap3A_3012 = arith.constant 0 : index
    %swap3A_3013 = vector.load %arg7[%swap3A_3011, %swap3A_3012] : memref<61440x128xf32, #tpu.memory_space<vmem>>, vector<60x128xf32>
    tpu.vector_store %arg7[%swap3A_3011, %swap3A_3012], %concatenate3A {strides = array<i32>} : memref<61440x128xf32, #tpu.memory_space<vmem>>, vector<60x128xf32>,
    %swap3A_3014 = arith.constant 53880 : index
    %swap3A_3015 = arith.constant 0 : index
    %swap3A_3016 = vector.load %arg7[%swap3A_3014, %swap3A_3015] : memref<61440x128xf32, #tpu.memory_space<vmem>>, vector<60x128xf32>
    tpu.vector_store %arg7[%swap3A_3014, %swap3A_3015], %concatenate3A {strides = array<i32>} : memref<61440x128xf32, #tpu.memory_space<vmem>>, vector<60x128xf32>,
    %swap3A_3017 = arith.constant 53940 : index
    %swap3A_3018 = arith.constant 0 : index
    %swap3A_3019 = vector.load %arg7[%swap3A_3017, %swap3A_3018] : memref<61440x128xf32, #tpu.memory_space<vmem>>, vector<60x128xf32>
    tpu.vector_store %arg7[%swap3A_3017, %swap3A_3018], %concatenate3A {strides = array<i32>} : memref<61440x128xf32, #tpu.memory_space<vmem>>, vector<60x128xf32>,
    %swap3A_3020 = arith.constant 54000 : index
    %swap3A_3021 = arith.constant 0 : index
    %swap3A_3022 = vector.load %arg7[%swap3A_3020, %swap3A_3021] : memref<61440x128xf32, #tpu.memory_space<vmem>>, vector<60x128xf32>
    tpu.vector_store %arg7[%swap3A_3020, %swap3A_3021], %concatenate3A {strides = array<i32>} : memref<61440x128xf32, #tpu.memory_space<vmem>>, vector<60x128xf32>,
    %swap3A_3023 = arith.constant 54060 : index
    %swap3A_3024 = arith.constant 0 : index
    %swap3A_3025 = vector.load %arg7[%swap3A_3023, %swap3A_3024] : memref<61440x128xf32, #tpu.memory_space<vmem>>, vector<60x128xf32>
    tpu.vector_store %arg7[%swap3A_3023, %swap3A_3024], %concatenate3A {strides = array<i32>} : memref<61440x128xf32, #tpu.memory_space<vmem>>, vector<60x128xf32>,
    %swap3A_3026 = arith.constant 54120 : index
    %swap3A_3027 = arith.constant 0 : index
    %swap3A_3028 = vector.load %arg7[%swap3A_3026, %swap3A_3027] : memref<61440x128xf32, #tpu.memory_space<vmem>>, vector<60x128xf32>
    tpu.vector_store %arg7[%swap3A_3026, %swap3A_3027], %concatenate3A {strides = array<i32>} : memref<61440x128xf32, #tpu.memory_space<vmem>>, vector<60x128xf32>,
    %swap3A_3029 = arith.constant 54180 : index
    %swap3A_3030 = arith.constant 0 : index
    %swap3A_3031 = vector.load %arg7[%swap3A_3029, %swap3A_3030] : memref<61440x128xf32, #tpu.memory_space<vmem>>, vector<60x128xf32>
    tpu.vector_store %arg7[%swap3A_3029, %swap3A_3030], %concatenate3A {strides = array<i32>} : memref<61440x128xf32, #tpu.memory_space<vmem>>, vector<60x128xf32>,
    %swap3A_3032 = arith.constant 54240 : index
    %swap3A_3033 = arith.constant 0 : index
    %swap3A_3034 = vector.load %arg7[%swap3A_3032, %swap3A_3033] : memref<61440x128xf32, #tpu.memory_space<vmem>>, vector<60x128xf32>
    tpu.vector_store %arg7[%swap3A_3032, %swap3A_3033], %concatenate3A {strides = array<i32>} : memref<61440x128xf32, #tpu.memory_space<vmem>>, vector<60x128xf32>,
    %swap3A_3035 = arith.constant 54300 : index
    %swap3A_3036 = arith.constant 0 : index
    %swap3A_3037 = vector.load %arg7[%swap3A_3035, %swap3A_3036] : memref<61440x128xf32, #tpu.memory_space<vmem>>, vector<60x128xf32>
    tpu.vector_store %arg7[%swap3A_3035, %swap3A_3036], %concatenate3A {strides = array<i32>} : memref<61440x128xf32, #tpu.memory_space<vmem>>, vector<60x128xf32>,
    %swap3A_3038 = arith.constant 54360 : index
    %swap3A_3039 = arith.constant 0 : index
    %swap3A_3040 = vector.load %arg7[%swap3A_3038, %swap3A_3039] : memref<61440x128xf32, #tpu.memory_space<vmem>>, vector<60x128xf32>
    tpu.vector_store %arg7[%swap3A_3038, %swap3A_3039], %concatenate3A {strides = array<i32>} : memref<61440x128xf32, #tpu.memory_space<vmem>>, vector<60x128xf32>,
    %swap3A_3041 = arith.constant 54420 : index
    %swap3A_3042 = arith.constant 0 : index
    %swap3A_3043 = vector.load %arg7[%swap3A_3041, %swap3A_3042] : memref<61440x128xf32, #tpu.memory_space<vmem>>, vector<60x128xf32>
    tpu.vector_store %arg7[%swap3A_3041, %swap3A_3042], %concatenate3A {strides = array<i32>} : memref<61440x128xf32, #tpu.memory_space<vmem>>, vector<60x128xf32>,
    %swap3A_3044 = arith.constant 54480 : index
    %swap3A_3045 = arith.constant 0 : index
    %swap3A_3046 = vector.load %arg7[%swap3A_3044, %swap3A_3045] : memref<61440x128xf32, #tpu.memory_space<vmem>>, vector<60x128xf32>
    tpu.vector_store %arg7[%swap3A_3044, %swap3A_3045], %concatenate3A {strides = array<i32>} : memref<61440x128xf32, #tpu.memory_space<vmem>>, vector<60x128xf32>,
    %swap3A_3047 = arith.constant 54540 : index
    %swap3A_3048 = arith.constant 0 : index
    %swap3A_3049 = vector.load %arg7[%swap3A_3047, %swap3A_3048] : memref<61440x128xf32, #tpu.memory_space<vmem>>, vector<60x128xf32>
    tpu.vector_store %arg7[%swap3A_3047, %swap3A_3048], %concatenate3A {strides = array<i32>} : memref<61440x128xf32, #tpu.memory_space<vmem>>, vector<60x128xf32>,
    %swap3A_3050 = arith.constant 54600 : index
    %swap3A_3051 = arith.constant 0 : index
    %swap3A_3052 = vector.load %arg7[%swap3A_3050, %swap3A_3051] : memref<61440x128xf32, #tpu.memory_space<vmem>>, vector<60x128xf32>
    tpu.vector_store %arg7[%swap3A_3050, %swap3A_3051], %concatenate3A {strides = array<i32>} : memref<61440x128xf32, #tpu.memory_space<vmem>>, vector<60x128xf32>,
    %swap3A_3053 = arith.constant 54660 : index
    %swap3A_3054 = arith.constant 0 : index
    %swap3A_3055 = vector.load %arg7[%swap3A_3053, %swap3A_3054] : memref<61440x128xf32, #tpu.memory_space<vmem>>, vector<60x128xf32>
    tpu.vector_store %arg7[%swap3A_3053, %swap3A_3054], %concatenate3A {strides = array<i32>} : memref<61440x128xf32, #tpu.memory_space<vmem>>, vector<60x128xf32>,
    %swap3A_3056 = arith.constant 54720 : index
    %swap3A_3057 = arith.constant 0 : index
    %swap3A_3058 = vector.load %arg7[%swap3A_3056, %swap3A_3057] : memref<61440x128xf32, #tpu.memory_space<vmem>>, vector<60x128xf32>
    tpu.vector_store %arg7[%swap3A_3056, %swap3A_3057], %concatenate3A {strides = array<i32>} : memref<61440x128xf32, #tpu.memory_space<vmem>>, vector<60x128xf32>,
    %swap3A_3059 = arith.constant 54780 : index
    %swap3A_3060 = arith.constant 0 : index
    %swap3A_3061 = vector.load %arg7[%swap3A_3059, %swap3A_3060] : memref<61440x128xf32, #tpu.memory_space<vmem>>, vector<60x128xf32>
    tpu.vector_store %arg7[%swap3A_3059, %swap3A_3060], %concatenate3A {strides = array<i32>} : memref<61440x128xf32, #tpu.memory_space<vmem>>, vector<60x128xf32>,
    %swap3A_3062 = arith.constant 54840 : index
    %swap3A_3063 = arith.constant 0 : index
    %swap3A_3064 = vector.load %arg7[%swap3A_3062, %swap3A_3063] : memref<61440x128xf32, #tpu.memory_space<vmem>>, vector<60x128xf32>
    tpu.vector_store %arg7[%swap3A_3062, %swap3A_3063], %concatenate3A {strides = array<i32>} : memref<61440x128xf32, #tpu.memory_space<vmem>>, vector<60x128xf32>,
    %swap3A_3065 = arith.constant 54900 : index
    %swap3A_3066 = arith.constant 0 : index
    %swap3A_3067 = vector.load %arg7[%swap3A_3065, %swap3A_3066] : memref<61440x128xf32, #tpu.memory_space<vmem>>, vector<60x128xf32>
    tpu.vector_store %arg7[%swap3A_3065, %swap3A_3066], %concatenate3A {strides = array<i32>} : memref<61440x128xf32, #tpu.memory_space<vmem>>, vector<60x128xf32>,
    %swap3A_3068 = arith.constant 54960 : index
    %swap3A_3069 = arith.constant 0 : index
    %swap3A_3070 = vector.load %arg7[%swap3A_3068, %swap3A_3069] : memref<61440x128xf32, #tpu.memory_space<vmem>>, vector<60x128xf32>
    tpu.vector_store %arg7[%swap3A_3068, %swap3A_3069], %concatenate3A {strides = array<i32>} : memref<61440x128xf32, #tpu.memory_space<vmem>>, vector<60x128xf32>,
    %swap3A_3071 = arith.constant 55020 : index
    %swap3A_3072 = arith.constant 0 : index
    %swap3A_3073 = vector.load %arg7[%swap3A_3071, %swap3A_3072] : memref<61440x128xf32, #tpu.memory_space<vmem>>, vector<60x128xf32>
    tpu.vector_store %arg7[%swap3A_3071, %swap3A_3072], %concatenate3A {strides = array<i32>} : memref<61440x128xf32, #tpu.memory_space<vmem>>, vector<60x128xf32>,
    %swap3A_3074 = arith.constant 55080 : index
    %swap3A_3075 = arith.constant 0 : index
    %swap3A_3076 = vector.load %arg7[%swap3A_3074, %swap3A_3075] : memref<61440x128xf32, #tpu.memory_space<vmem>>, vector<60x128xf32>
    tpu.vector_store %arg7[%swap3A_3074, %swap3A_3075], %concatenate3A {strides = array<i32>} : memref<61440x128xf32, #tpu.memory_space<vmem>>, vector<60x128xf32>,
    %swap3A_3077 = arith.constant 55140 : index
    %swap3A_3078 = arith.constant 0 : index
    %swap3A_3079 = vector.load %arg7[%swap3A_3077, %swap3A_3078] : memref<61440x128xf32, #tpu.memory_space<vmem>>, vector<60x128xf32>
    tpu.vector_store %arg7[%swap3A_3077, %swap3A_3078], %concatenate3A {strides = array<i32>} : memref<61440x128xf32, #tpu.memory_space<vmem>>, vector<60x128xf32>,
    %swap3A_3080 = arith.constant 55200 : index
    %swap3A_3081 = arith.constant 0 : index
    %swap3A_3082 = vector.load %arg7[%swap3A_3080, %swap3A_3081] : memref<61440x128xf32, #tpu.memory_space<vmem>>, vector<60x128xf32>
    tpu.vector_store %arg7[%swap3A_3080, %swap3A_3081], %concatenate3A {strides = array<i32>} : memref<61440x128xf32, #tpu.memory_space<vmem>>, vector<60x128xf32>,
    %swap3A_3083 = arith.constant 55260 : index
    %swap3A_3084 = arith.constant 0 : index
    %swap3A_3085 = vector.load %arg7[%swap3A_3083, %swap3A_3084] : memref<61440x128xf32, #tpu.memory_space<vmem>>, vector<60x128xf32>
    tpu.vector_store %arg7[%swap3A_3083, %swap3A_3084], %concatenate3A {strides = array<i32>} : memref<61440x128xf32, #tpu.memory_space<vmem>>, vector<60x128xf32>,
    %swap3A_3086 = arith.constant 55320 : index
    %swap3A_3087 = arith.constant 0 : index
    %swap3A_3088 = vector.load %arg7[%swap3A_3086, %swap3A_3087] : memref<61440x128xf32, #tpu.memory_space<vmem>>, vector<60x128xf32>
    tpu.vector_store %arg7[%swap3A_3086, %swap3A_3087], %concatenate3A {strides = array<i32>} : memref<61440x128xf32, #tpu.memory_space<vmem>>, vector<60x128xf32>,
    %swap3A_3089 = arith.constant 55380 : index
    %swap3A_3090 = arith.constant 0 : index
    %swap3A_3091 = vector.load %arg7[%swap3A_3089, %swap3A_3090] : memref<61440x128xf32, #tpu.memory_space<vmem>>, vector<60x128xf32>
    tpu.vector_store %arg7[%swap3A_3089, %swap3A_3090], %concatenate3A {strides = array<i32>} : memref<61440x128xf32, #tpu.memory_space<vmem>>, vector<60x128xf32>,
    %swap3A_3092 = arith.constant 55440 : index
    %swap3A_3093 = arith.constant 0 : index
    %swap3A_3094 = vector.load %arg7[%swap3A_3092, %swap3A_3093] : memref<61440x128xf32, #tpu.memory_space<vmem>>, vector<60x128xf32>
    tpu.vector_store %arg7[%swap3A_3092, %swap3A_3093], %concatenate3A {strides = array<i32>} : memref<61440x128xf32, #tpu.memory_space<vmem>>, vector<60x128xf32>,
    %swap3A_3095 = arith.constant 55500 : index
    %swap3A_3096 = arith.constant 0 : index
    %swap3A_3097 = vector.load %arg7[%swap3A_3095, %swap3A_3096] : memref<61440x128xf32, #tpu.memory_space<vmem>>, vector<60x128xf32>
    tpu.vector_store %arg7[%swap3A_3095, %swap3A_3096], %concatenate3A {strides = array<i32>} : memref<61440x128xf32, #tpu.memory_space<vmem>>, vector<60x128xf32>,
    %swap3A_3098 = arith.constant 55560 : index
    %swap3A_3099 = arith.constant 0 : index
    %swap3A_3100 = vector.load %arg7[%swap3A_3098, %swap3A_3099] : memref<61440x128xf32, #tpu.memory_space<vmem>>, vector<60x128xf32>
    tpu.vector_store %arg7[%swap3A_3098, %swap3A_3099], %concatenate3A {strides = array<i32>} : memref<61440x128xf32, #tpu.memory_space<vmem>>, vector<60x128xf32>,
    %swap3A_3101 = arith.constant 55620 : index
    %swap3A_3102 = arith.constant 0 : index
    %swap3A_3103 = vector.load %arg7[%swap3A_3101, %swap3A_3102] : memref<61440x128xf32, #tpu.memory_space<vmem>>, vector<60x128xf32>
    tpu.vector_store %arg7[%swap3A_3101, %swap3A_3102], %concatenate3A {strides = array<i32>} : memref<61440x128xf32, #tpu.memory_space<vmem>>, vector<60x128xf32>,
    %swap3A_3104 = arith.constant 55680 : index
    %swap3A_3105 = arith.constant 0 : index
    %swap3A_3106 = vector.load %arg7[%swap3A_3104, %swap3A_3105] : memref<61440x128xf32, #tpu.memory_space<vmem>>, vector<60x128xf32>
    tpu.vector_store %arg7[%swap3A_3104, %swap3A_3105], %concatenate3A {strides = array<i32>} : memref<61440x128xf32, #tpu.memory_space<vmem>>, vector<60x128xf32>,
    %swap3A_3107 = arith.constant 55740 : index
    %swap3A_3108 = arith.constant 0 : index
    %swap3A_3109 = vector.load %arg7[%swap3A_3107, %swap3A_3108] : memref<61440x128xf32, #tpu.memory_space<vmem>>, vector<60x128xf32>
    tpu.vector_store %arg7[%swap3A_3107, %swap3A_3108], %concatenate3A {strides = array<i32>} : memref<61440x128xf32, #tpu.memory_space<vmem>>, vector<60x128xf32>,
    %swap3A_3110 = arith.constant 55800 : index
    %swap3A_3111 = arith.constant 0 : index
    %swap3A_3112 = vector.load %arg7[%swap3A_3110, %swap3A_3111] : memref<61440x128xf32, #tpu.memory_space<vmem>>, vector<60x128xf32>
    tpu.vector_store %arg7[%swap3A_3110, %swap3A_3111], %concatenate3A {strides = array<i32>} : memref<61440x128xf32, #tpu.memory_space<vmem>>, vector<60x128xf32>,
    %swap3A_3113 = arith.constant 55860 : index
    %swap3A_3114 = arith.constant 0 : index
    %swap3A_3115 = vector.load %arg7[%swap3A_3113, %swap3A_3114] : memref<61440x128xf32, #tpu.memory_space<vmem>>, vector<60x128xf32>
    tpu.vector_store %arg7[%swap3A_3113, %swap3A_3114], %concatenate3A {strides = array<i32>} : memref<61440x128xf32, #tpu.memory_space<vmem>>, vector<60x128xf32>,
    %swap3A_3116 = arith.constant 55920 : index
    %swap3A_3117 = arith.constant 0 : index
    %swap3A_3118 = vector.load %arg7[%swap3A_3116, %swap3A_3117] : memref<61440x128xf32, #tpu.memory_space<vmem>>, vector<60x128xf32>
    tpu.vector_store %arg7[%swap3A_3116, %swap3A_3117], %concatenate3A {strides = array<i32>} : memref<61440x128xf32, #tpu.memory_space<vmem>>, vector<60x128xf32>,
    %swap3A_3119 = arith.constant 55980 : index
    %swap3A_3120 = arith.constant 0 : index
    %swap3A_3121 = vector.load %arg7[%swap3A_3119, %swap3A_3120] : memref<61440x128xf32, #tpu.memory_space<vmem>>, vector<60x128xf32>
    tpu.vector_store %arg7[%swap3A_3119, %swap3A_3120], %concatenate3A {strides = array<i32>} : memref<61440x128xf32, #tpu.memory_space<vmem>>, vector<60x128xf32>,
    %swap3A_3122 = arith.constant 56040 : index
    %swap3A_3123 = arith.constant 0 : index
    %swap3A_3124 = vector.load %arg7[%swap3A_3122, %swap3A_3123] : memref<61440x128xf32, #tpu.memory_space<vmem>>, vector<60x128xf32>
    tpu.vector_store %arg7[%swap3A_3122, %swap3A_3123], %concatenate3A {strides = array<i32>} : memref<61440x128xf32, #tpu.memory_space<vmem>>, vector<60x128xf32>,
    %swap3A_3125 = arith.constant 56100 : index
    %swap3A_3126 = arith.constant 0 : index
    %swap3A_3127 = vector.load %arg7[%swap3A_3125, %swap3A_3126] : memref<61440x128xf32, #tpu.memory_space<vmem>>, vector<60x128xf32>
    tpu.vector_store %arg7[%swap3A_3125, %swap3A_3126], %concatenate3A {strides = array<i32>} : memref<61440x128xf32, #tpu.memory_space<vmem>>, vector<60x128xf32>,
    %swap3A_3128 = arith.constant 56160 : index
    %swap3A_3129 = arith.constant 0 : index
    %swap3A_3130 = vector.load %arg7[%swap3A_3128, %swap3A_3129] : memref<61440x128xf32, #tpu.memory_space<vmem>>, vector<60x128xf32>
    tpu.vector_store %arg7[%swap3A_3128, %swap3A_3129], %concatenate3A {strides = array<i32>} : memref<61440x128xf32, #tpu.memory_space<vmem>>, vector<60x128xf32>,
    %swap3A_3131 = arith.constant 56220 : index
    %swap3A_3132 = arith.constant 0 : index
    %swap3A_3133 = vector.load %arg7[%swap3A_3131, %swap3A_3132] : memref<61440x128xf32, #tpu.memory_space<vmem>>, vector<60x128xf32>
    tpu.vector_store %arg7[%swap3A_3131, %swap3A_3132], %concatenate3A {strides = array<i32>} : memref<61440x128xf32, #tpu.memory_space<vmem>>, vector<60x128xf32>,
    %swap3A_3134 = arith.constant 56280 : index
    %swap3A_3135 = arith.constant 0 : index
    %swap3A_3136 = vector.load %arg7[%swap3A_3134, %swap3A_3135] : memref<61440x128xf32, #tpu.memory_space<vmem>>, vector<60x128xf32>
    tpu.vector_store %arg7[%swap3A_3134, %swap3A_3135], %concatenate3A {strides = array<i32>} : memref<61440x128xf32, #tpu.memory_space<vmem>>, vector<60x128xf32>,
    %swap3A_3137 = arith.constant 56340 : index
    %swap3A_3138 = arith.constant 0 : index
    %swap3A_3139 = vector.load %arg7[%swap3A_3137, %swap3A_3138] : memref<61440x128xf32, #tpu.memory_space<vmem>>, vector<60x128xf32>
    tpu.vector_store %arg7[%swap3A_3137, %swap3A_3138], %concatenate3A {strides = array<i32>} : memref<61440x128xf32, #tpu.memory_space<vmem>>, vector<60x128xf32>,
    %swap3A_3140 = arith.constant 56400 : index
    %swap3A_3141 = arith.constant 0 : index
    %swap3A_3142 = vector.load %arg7[%swap3A_3140, %swap3A_3141] : memref<61440x128xf32, #tpu.memory_space<vmem>>, vector<60x128xf32>
    tpu.vector_store %arg7[%swap3A_3140, %swap3A_3141], %concatenate3A {strides = array<i32>} : memref<61440x128xf32, #tpu.memory_space<vmem>>, vector<60x128xf32>,
    %swap3A_3143 = arith.constant 56460 : index
    %swap3A_3144 = arith.constant 0 : index
    %swap3A_3145 = vector.load %arg7[%swap3A_3143, %swap3A_3144] : memref<61440x128xf32, #tpu.memory_space<vmem>>, vector<60x128xf32>
    tpu.vector_store %arg7[%swap3A_3143, %swap3A_3144], %concatenate3A {strides = array<i32>} : memref<61440x128xf32, #tpu.memory_space<vmem>>, vector<60x128xf32>,
    %swap3A_3146 = arith.constant 56520 : index
    %swap3A_3147 = arith.constant 0 : index
    %swap3A_3148 = vector.load %arg7[%swap3A_3146, %swap3A_3147] : memref<61440x128xf32, #tpu.memory_space<vmem>>, vector<60x128xf32>
    tpu.vector_store %arg7[%swap3A_3146, %swap3A_3147], %concatenate3A {strides = array<i32>} : memref<61440x128xf32, #tpu.memory_space<vmem>>, vector<60x128xf32>,
    %swap3A_3149 = arith.constant 56580 : index
    %swap3A_3150 = arith.constant 0 : index
    %swap3A_3151 = vector.load %arg7[%swap3A_3149, %swap3A_3150] : memref<61440x128xf32, #tpu.memory_space<vmem>>, vector<60x128xf32>
    tpu.vector_store %arg7[%swap3A_3149, %swap3A_3150], %concatenate3A {strides = array<i32>} : memref<61440x128xf32, #tpu.memory_space<vmem>>, vector<60x128xf32>,
    %swap3A_3152 = arith.constant 56640 : index
    %swap3A_3153 = arith.constant 0 : index
    %swap3A_3154 = vector.load %arg7[%swap3A_3152, %swap3A_3153] : memref<61440x128xf32, #tpu.memory_space<vmem>>, vector<60x128xf32>
    tpu.vector_store %arg7[%swap3A_3152, %swap3A_3153], %concatenate3A {strides = array<i32>} : memref<61440x128xf32, #tpu.memory_space<vmem>>, vector<60x128xf32>,
    %swap3A_3155 = arith.constant 56700 : index
    %swap3A_3156 = arith.constant 0 : index
    %swap3A_3157 = vector.load %arg7[%swap3A_3155, %swap3A_3156] : memref<61440x128xf32, #tpu.memory_space<vmem>>, vector<60x128xf32>
    tpu.vector_store %arg7[%swap3A_3155, %swap3A_3156], %concatenate3A {strides = array<i32>} : memref<61440x128xf32, #tpu.memory_space<vmem>>, vector<60x128xf32>,
    %swap3A_3158 = arith.constant 56760 : index
    %swap3A_3159 = arith.constant 0 : index
    %swap3A_3160 = vector.load %arg7[%swap3A_3158, %swap3A_3159] : memref<61440x128xf32, #tpu.memory_space<vmem>>, vector<60x128xf32>
    tpu.vector_store %arg7[%swap3A_3158, %swap3A_3159], %concatenate3A {strides = array<i32>} : memref<61440x128xf32, #tpu.memory_space<vmem>>, vector<60x128xf32>,
    %swap3A_3161 = arith.constant 56820 : index
    %swap3A_3162 = arith.constant 0 : index
    %swap3A_3163 = vector.load %arg7[%swap3A_3161, %swap3A_3162] : memref<61440x128xf32, #tpu.memory_space<vmem>>, vector<60x128xf32>
    tpu.vector_store %arg7[%swap3A_3161, %swap3A_3162], %concatenate3A {strides = array<i32>} : memref<61440x128xf32, #tpu.memory_space<vmem>>, vector<60x128xf32>,
    %swap3A_3164 = arith.constant 56880 : index
    %swap3A_3165 = arith.constant 0 : index
    %swap3A_3166 = vector.load %arg7[%swap3A_3164, %swap3A_3165] : memref<61440x128xf32, #tpu.memory_space<vmem>>, vector<60x128xf32>
    tpu.vector_store %arg7[%swap3A_3164, %swap3A_3165], %concatenate3A {strides = array<i32>} : memref<61440x128xf32, #tpu.memory_space<vmem>>, vector<60x128xf32>,
    %swap3A_3167 = arith.constant 56940 : index
    %swap3A_3168 = arith.constant 0 : index
    %swap3A_3169 = vector.load %arg7[%swap3A_3167, %swap3A_3168] : memref<61440x128xf32, #tpu.memory_space<vmem>>, vector<60x128xf32>
    tpu.vector_store %arg7[%swap3A_3167, %swap3A_3168], %concatenate3A {strides = array<i32>} : memref<61440x128xf32, #tpu.memory_space<vmem>>, vector<60x128xf32>,
    %swap3A_3170 = arith.constant 57000 : index
    %swap3A_3171 = arith.constant 0 : index
    %swap3A_3172 = vector.load %arg7[%swap3A_3170, %swap3A_3171] : memref<61440x128xf32, #tpu.memory_space<vmem>>, vector<60x128xf32>
    tpu.vector_store %arg7[%swap3A_3170, %swap3A_3171], %concatenate3A {strides = array<i32>} : memref<61440x128xf32, #tpu.memory_space<vmem>>, vector<60x128xf32>,
    %swap3A_3173 = arith.constant 57060 : index
    %swap3A_3174 = arith.constant 0 : index
    %swap3A_3175 = vector.load %arg7[%swap3A_3173, %swap3A_3174] : memref<61440x128xf32, #tpu.memory_space<vmem>>, vector<60x128xf32>
    tpu.vector_store %arg7[%swap3A_3173, %swap3A_3174], %concatenate3A {strides = array<i32>} : memref<61440x128xf32, #tpu.memory_space<vmem>>, vector<60x128xf32>,
    %swap3A_3176 = arith.constant 57120 : index
    %swap3A_3177 = arith.constant 0 : index
    %swap3A_3178 = vector.load %arg7[%swap3A_3176, %swap3A_3177] : memref<61440x128xf32, #tpu.memory_space<vmem>>, vector<60x128xf32>
    tpu.vector_store %arg7[%swap3A_3176, %swap3A_3177], %concatenate3A {strides = array<i32>} : memref<61440x128xf32, #tpu.memory_space<vmem>>, vector<60x128xf32>,
    %swap3A_3179 = arith.constant 57180 : index
    %swap3A_3180 = arith.constant 0 : index
    %swap3A_3181 = vector.load %arg7[%swap3A_3179, %swap3A_3180] : memref<61440x128xf32, #tpu.memory_space<vmem>>, vector<60x128xf32>
    tpu.vector_store %arg7[%swap3A_3179, %swap3A_3180], %concatenate3A {strides = array<i32>} : memref<61440x128xf32, #tpu.memory_space<vmem>>, vector<60x128xf32>,
    %swap3A_3182 = arith.constant 57240 : index
    %swap3A_3183 = arith.constant 0 : index
    %swap3A_3184 = vector.load %arg7[%swap3A_3182, %swap3A_3183] : memref<61440x128xf32, #tpu.memory_space<vmem>>, vector<60x128xf32>
    tpu.vector_store %arg7[%swap3A_3182, %swap3A_3183], %concatenate3A {strides = array<i32>} : memref<61440x128xf32, #tpu.memory_space<vmem>>, vector<60x128xf32>,
    %swap3A_3185 = arith.constant 57300 : index
    %swap3A_3186 = arith.constant 0 : index
    %swap3A_3187 = vector.load %arg7[%swap3A_3185, %swap3A_3186] : memref<61440x128xf32, #tpu.memory_space<vmem>>, vector<60x128xf32>
    tpu.vector_store %arg7[%swap3A_3185, %swap3A_3186], %concatenate3A {strides = array<i32>} : memref<61440x128xf32, #tpu.memory_space<vmem>>, vector<60x128xf32>,
    %swap3A_3188 = arith.constant 57360 : index
    %swap3A_3189 = arith.constant 0 : index
    %swap3A_3190 = vector.load %arg7[%swap3A_3188, %swap3A_3189] : memref<61440x128xf32, #tpu.memory_space<vmem>>, vector<60x128xf32>
    tpu.vector_store %arg7[%swap3A_3188, %swap3A_3189], %concatenate3A {strides = array<i32>} : memref<61440x128xf32, #tpu.memory_space<vmem>>, vector<60x128xf32>,
    %swap3A_3191 = arith.constant 57420 : index
    %swap3A_3192 = arith.constant 0 : index
    %swap3A_3193 = vector.load %arg7[%swap3A_3191, %swap3A_3192] : memref<61440x128xf32, #tpu.memory_space<vmem>>, vector<60x128xf32>
    tpu.vector_store %arg7[%swap3A_3191, %swap3A_3192], %concatenate3A {strides = array<i32>} : memref<61440x128xf32, #tpu.memory_space<vmem>>, vector<60x128xf32>,
    %swap3A_3194 = arith.constant 57480 : index
    %swap3A_3195 = arith.constant 0 : index
    %swap3A_3196 = vector.load %arg7[%swap3A_3194, %swap3A_3195] : memref<61440x128xf32, #tpu.memory_space<vmem>>, vector<60x128xf32>
    tpu.vector_store %arg7[%swap3A_3194, %swap3A_3195], %concatenate3A {strides = array<i32>} : memref<61440x128xf32, #tpu.memory_space<vmem>>, vector<60x128xf32>,
    %swap3A_3197 = arith.constant 57540 : index
    %swap3A_3198 = arith.constant 0 : index
    %swap3A_3199 = vector.load %arg7[%swap3A_3197, %swap3A_3198] : memref<61440x128xf32, #tpu.memory_space<vmem>>, vector<60x128xf32>
    tpu.vector_store %arg7[%swap3A_3197, %swap3A_3198], %concatenate3A {strides = array<i32>} : memref<61440x128xf32, #tpu.memory_space<vmem>>, vector<60x128xf32>,
    %swap3A_3200 = arith.constant 57600 : index
    %swap3A_3201 = arith.constant 0 : index
    %swap3A_3202 = vector.load %arg7[%swap3A_3200, %swap3A_3201] : memref<61440x128xf32, #tpu.memory_space<vmem>>, vector<60x128xf32>
    tpu.vector_store %arg7[%swap3A_3200, %swap3A_3201], %concatenate3A {strides = array<i32>} : memref<61440x128xf32, #tpu.memory_space<vmem>>, vector<60x128xf32>,
    %swap3A_3203 = arith.constant 57660 : index
    %swap3A_3204 = arith.constant 0 : index
    %swap3A_3205 = vector.load %arg7[%swap3A_3203, %swap3A_3204] : memref<61440x128xf32, #tpu.memory_space<vmem>>, vector<60x128xf32>
    tpu.vector_store %arg7[%swap3A_3203, %swap3A_3204], %concatenate3A {strides = array<i32>} : memref<61440x128xf32, #tpu.memory_space<vmem>>, vector<60x128xf32>,
    %swap3A_3206 = arith.constant 57720 : index
    %swap3A_3207 = arith.constant 0 : index
    %swap3A_3208 = vector.load %arg7[%swap3A_3206, %swap3A_3207] : memref<61440x128xf32, #tpu.memory_space<vmem>>, vector<60x128xf32>
    tpu.vector_store %arg7[%swap3A_3206, %swap3A_3207], %concatenate3A {strides = array<i32>} : memref<61440x128xf32, #tpu.memory_space<vmem>>, vector<60x128xf32>,
    %swap3A_3209 = arith.constant 57780 : index
    %swap3A_3210 = arith.constant 0 : index
    %swap3A_3211 = vector.load %arg7[%swap3A_3209, %swap3A_3210] : memref<61440x128xf32, #tpu.memory_space<vmem>>, vector<60x128xf32>
    tpu.vector_store %arg7[%swap3A_3209, %swap3A_3210], %concatenate3A {strides = array<i32>} : memref<61440x128xf32, #tpu.memory_space<vmem>>, vector<60x128xf32>,
    %swap3A_3212 = arith.constant 57840 : index
    %swap3A_3213 = arith.constant 0 : index
    %swap3A_3214 = vector.load %arg7[%swap3A_3212, %swap3A_3213] : memref<61440x128xf32, #tpu.memory_space<vmem>>, vector<60x128xf32>
    tpu.vector_store %arg7[%swap3A_3212, %swap3A_3213], %concatenate3A {strides = array<i32>} : memref<61440x128xf32, #tpu.memory_space<vmem>>, vector<60x128xf32>,
    %swap3A_3215 = arith.constant 57900 : index
    %swap3A_3216 = arith.constant 0 : index
    %swap3A_3217 = vector.load %arg7[%swap3A_3215, %swap3A_3216] : memref<61440x128xf32, #tpu.memory_space<vmem>>, vector<60x128xf32>
    tpu.vector_store %arg7[%swap3A_3215, %swap3A_3216], %concatenate3A {strides = array<i32>} : memref<61440x128xf32, #tpu.memory_space<vmem>>, vector<60x128xf32>,
    %swap3A_3218 = arith.constant 57960 : index
    %swap3A_3219 = arith.constant 0 : index
    %swap3A_3220 = vector.load %arg7[%swap3A_3218, %swap3A_3219] : memref<61440x128xf32, #tpu.memory_space<vmem>>, vector<60x128xf32>
    tpu.vector_store %arg7[%swap3A_3218, %swap3A_3219], %concatenate3A {strides = array<i32>} : memref<61440x128xf32, #tpu.memory_space<vmem>>, vector<60x128xf32>,
    %swap3A_3221 = arith.constant 58020 : index
    %swap3A_3222 = arith.constant 0 : index
    %swap3A_3223 = vector.load %arg7[%swap3A_3221, %swap3A_3222] : memref<61440x128xf32, #tpu.memory_space<vmem>>, vector<60x128xf32>
    tpu.vector_store %arg7[%swap3A_3221, %swap3A_3222], %concatenate3A {strides = array<i32>} : memref<61440x128xf32, #tpu.memory_space<vmem>>, vector<60x128xf32>,
    %swap3A_3224 = arith.constant 58080 : index
    %swap3A_3225 = arith.constant 0 : index
    %swap3A_3226 = vector.load %arg7[%swap3A_3224, %swap3A_3225] : memref<61440x128xf32, #tpu.memory_space<vmem>>, vector<60x128xf32>
    tpu.vector_store %arg7[%swap3A_3224, %swap3A_3225], %concatenate3A {strides = array<i32>} : memref<61440x128xf32, #tpu.memory_space<vmem>>, vector<60x128xf32>,
    %swap3A_3227 = arith.constant 58140 : index
    %swap3A_3228 = arith.constant 0 : index
    %swap3A_3229 = vector.load %arg7[%swap3A_3227, %swap3A_3228] : memref<61440x128xf32, #tpu.memory_space<vmem>>, vector<60x128xf32>
    tpu.vector_store %arg7[%swap3A_3227, %swap3A_3228], %concatenate3A {strides = array<i32>} : memref<61440x128xf32, #tpu.memory_space<vmem>>, vector<60x128xf32>,
    %swap3A_3230 = arith.constant 58200 : index
    %swap3A_3231 = arith.constant 0 : index
    %swap3A_3232 = vector.load %arg7[%swap3A_3230, %swap3A_3231] : memref<61440x128xf32, #tpu.memory_space<vmem>>, vector<60x128xf32>
    tpu.vector_store %arg7[%swap3A_3230, %swap3A_3231], %concatenate3A {strides = array<i32>} : memref<61440x128xf32, #tpu.memory_space<vmem>>, vector<60x128xf32>,
    %swap3A_3233 = arith.constant 58260 : index
    %swap3A_3234 = arith.constant 0 : index
    %swap3A_3235 = vector.load %arg7[%swap3A_3233, %swap3A_3234] : memref<61440x128xf32, #tpu.memory_space<vmem>>, vector<60x128xf32>
    tpu.vector_store %arg7[%swap3A_3233, %swap3A_3234], %concatenate3A {strides = array<i32>} : memref<61440x128xf32, #tpu.memory_space<vmem>>, vector<60x128xf32>,
    %swap3A_3236 = arith.constant 58320 : index
    %swap3A_3237 = arith.constant 0 : index
    %swap3A_3238 = vector.load %arg7[%swap3A_3236, %swap3A_3237] : memref<61440x128xf32, #tpu.memory_space<vmem>>, vector<60x128xf32>
    tpu.vector_store %arg7[%swap3A_3236, %swap3A_3237], %concatenate3A {strides = array<i32>} : memref<61440x128xf32, #tpu.memory_space<vmem>>, vector<60x128xf32>,
    %swap3A_3239 = arith.constant 58380 : index
    %swap3A_3240 = arith.constant 0 : index
    %swap3A_3241 = vector.load %arg7[%swap3A_3239, %swap3A_3240] : memref<61440x128xf32, #tpu.memory_space<vmem>>, vector<60x128xf32>
    tpu.vector_store %arg7[%swap3A_3239, %swap3A_3240], %concatenate3A {strides = array<i32>} : memref<61440x128xf32, #tpu.memory_space<vmem>>, vector<60x128xf32>,
    %swap3A_3242 = arith.constant 58440 : index
    %swap3A_3243 = arith.constant 0 : index
    %swap3A_3244 = vector.load %arg7[%swap3A_3242, %swap3A_3243] : memref<61440x128xf32, #tpu.memory_space<vmem>>, vector<60x128xf32>
    tpu.vector_store %arg7[%swap3A_3242, %swap3A_3243], %concatenate3A {strides = array<i32>} : memref<61440x128xf32, #tpu.memory_space<vmem>>, vector<60x128xf32>,
    %swap3A_3245 = arith.constant 58500 : index
    %swap3A_3246 = arith.constant 0 : index
    %swap3A_3247 = vector.load %arg7[%swap3A_3245, %swap3A_3246] : memref<61440x128xf32, #tpu.memory_space<vmem>>, vector<60x128xf32>
    tpu.vector_store %arg7[%swap3A_3245, %swap3A_3246], %concatenate3A {strides = array<i32>} : memref<61440x128xf32, #tpu.memory_space<vmem>>, vector<60x128xf32>,
    %swap3A_3248 = arith.constant 58560 : index
    %swap3A_3249 = arith.constant 0 : index
    %swap3A_3250 = vector.load %arg7[%swap3A_3248, %swap3A_3249] : memref<61440x128xf32, #tpu.memory_space<vmem>>, vector<60x128xf32>
    tpu.vector_store %arg7[%swap3A_3248, %swap3A_3249], %concatenate3A {strides = array<i32>} : memref<61440x128xf32, #tpu.memory_space<vmem>>, vector<60x128xf32>,
    %swap3A_3251 = arith.constant 58620 : index
    %swap3A_3252 = arith.constant 0 : index
    %swap3A_3253 = vector.load %arg7[%swap3A_3251, %swap3A_3252] : memref<61440x128xf32, #tpu.memory_space<vmem>>, vector<60x128xf32>
    tpu.vector_store %arg7[%swap3A_3251, %swap3A_3252], %concatenate3A {strides = array<i32>} : memref<61440x128xf32, #tpu.memory_space<vmem>>, vector<60x128xf32>,
    %swap3A_3254 = arith.constant 58680 : index
    %swap3A_3255 = arith.constant 0 : index
    %swap3A_3256 = vector.load %arg7[%swap3A_3254, %swap3A_3255] : memref<61440x128xf32, #tpu.memory_space<vmem>>, vector<60x128xf32>
    tpu.vector_store %arg7[%swap3A_3254, %swap3A_3255], %concatenate3A {strides = array<i32>} : memref<61440x128xf32, #tpu.memory_space<vmem>>, vector<60x128xf32>,
    %swap3A_3257 = arith.constant 58740 : index
    %swap3A_3258 = arith.constant 0 : index
    %swap3A_3259 = vector.load %arg7[%swap3A_3257, %swap3A_3258] : memref<61440x128xf32, #tpu.memory_space<vmem>>, vector<60x128xf32>
    tpu.vector_store %arg7[%swap3A_3257, %swap3A_3258], %concatenate3A {strides = array<i32>} : memref<61440x128xf32, #tpu.memory_space<vmem>>, vector<60x128xf32>,
    %swap3A_3260 = arith.constant 58800 : index
    %swap3A_3261 = arith.constant 0 : index
    %swap3A_3262 = vector.load %arg7[%swap3A_3260, %swap3A_3261] : memref<61440x128xf32, #tpu.memory_space<vmem>>, vector<60x128xf32>
    tpu.vector_store %arg7[%swap3A_3260, %swap3A_3261], %concatenate3A {strides = array<i32>} : memref<61440x128xf32, #tpu.memory_space<vmem>>, vector<60x128xf32>,
    %swap3A_3263 = arith.constant 58860 : index
    %swap3A_3264 = arith.constant 0 : index
    %swap3A_3265 = vector.load %arg7[%swap3A_3263, %swap3A_3264] : memref<61440x128xf32, #tpu.memory_space<vmem>>, vector<60x128xf32>
    tpu.vector_store %arg7[%swap3A_3263, %swap3A_3264], %concatenate3A {strides = array<i32>} : memref<61440x128xf32, #tpu.memory_space<vmem>>, vector<60x128xf32>,
    %swap3A_3266 = arith.constant 58920 : index
    %swap3A_3267 = arith.constant 0 : index
    %swap3A_3268 = vector.load %arg7[%swap3A_3266, %swap3A_3267] : memref<61440x128xf32, #tpu.memory_space<vmem>>, vector<60x128xf32>
    tpu.vector_store %arg7[%swap3A_3266, %swap3A_3267], %concatenate3A {strides = array<i32>} : memref<61440x128xf32, #tpu.memory_space<vmem>>, vector<60x128xf32>,
    %swap3A_3269 = arith.constant 58980 : index
    %swap3A_3270 = arith.constant 0 : index
    %swap3A_3271 = vector.load %arg7[%swap3A_3269, %swap3A_3270] : memref<61440x128xf32, #tpu.memory_space<vmem>>, vector<60x128xf32>
    tpu.vector_store %arg7[%swap3A_3269, %swap3A_3270], %concatenate3A {strides = array<i32>} : memref<61440x128xf32, #tpu.memory_space<vmem>>, vector<60x128xf32>,
    %swap3A_3272 = arith.constant 59040 : index
    %swap3A_3273 = arith.constant 0 : index
    %swap3A_3274 = vector.load %arg7[%swap3A_3272, %swap3A_3273] : memref<61440x128xf32, #tpu.memory_space<vmem>>, vector<60x128xf32>
    tpu.vector_store %arg7[%swap3A_3272, %swap3A_3273], %concatenate3A {strides = array<i32>} : memref<61440x128xf32, #tpu.memory_space<vmem>>, vector<60x128xf32>,
    %swap3A_3275 = arith.constant 59100 : index
    %swap3A_3276 = arith.constant 0 : index
    %swap3A_3277 = vector.load %arg7[%swap3A_3275, %swap3A_3276] : memref<61440x128xf32, #tpu.memory_space<vmem>>, vector<60x128xf32>
    tpu.vector_store %arg7[%swap3A_3275, %swap3A_3276], %concatenate3A {strides = array<i32>} : memref<61440x128xf32, #tpu.memory_space<vmem>>, vector<60x128xf32>,
    %swap3A_3278 = arith.constant 59160 : index
    %swap3A_3279 = arith.constant 0 : index
    %swap3A_3280 = vector.load %arg7[%swap3A_3278, %swap3A_3279] : memref<61440x128xf32, #tpu.memory_space<vmem>>, vector<60x128xf32>
    tpu.vector_store %arg7[%swap3A_3278, %swap3A_3279], %concatenate3A {strides = array<i32>} : memref<61440x128xf32, #tpu.memory_space<vmem>>, vector<60x128xf32>,
    %swap3A_3281 = arith.constant 59220 : index
    %swap3A_3282 = arith.constant 0 : index
    %swap3A_3283 = vector.load %arg7[%swap3A_3281, %swap3A_3282] : memref<61440x128xf32, #tpu.memory_space<vmem>>, vector<60x128xf32>
    tpu.vector_store %arg7[%swap3A_3281, %swap3A_3282], %concatenate3A {strides = array<i32>} : memref<61440x128xf32, #tpu.memory_space<vmem>>, vector<60x128xf32>,
    %swap3A_3284 = arith.constant 59280 : index
    %swap3A_3285 = arith.constant 0 : index
    %swap3A_3286 = vector.load %arg7[%swap3A_3284, %swap3A_3285] : memref<61440x128xf32, #tpu.memory_space<vmem>>, vector<60x128xf32>
    tpu.vector_store %arg7[%swap3A_3284, %swap3A_3285], %concatenate3A {strides = array<i32>} : memref<61440x128xf32, #tpu.memory_space<vmem>>, vector<60x128xf32>,
    %swap3A_3287 = arith.constant 59340 : index
    %swap3A_3288 = arith.constant 0 : index
    %swap3A_3289 = vector.load %arg7[%swap3A_3287, %swap3A_3288] : memref<61440x128xf32, #tpu.memory_space<vmem>>, vector<60x128xf32>
    tpu.vector_store %arg7[%swap3A_3287, %swap3A_3288], %concatenate3A {strides = array<i32>} : memref<61440x128xf32, #tpu.memory_space<vmem>>, vector<60x128xf32>,
    %swap3A_3290 = arith.constant 59400 : index
    %swap3A_3291 = arith.constant 0 : index
    %swap3A_3292 = vector.load %arg7[%swap3A_3290, %swap3A_3291] : memref<61440x128xf32, #tpu.memory_space<vmem>>, vector<60x128xf32>
    tpu.vector_store %arg7[%swap3A_3290, %swap3A_3291], %concatenate3A {strides = array<i32>} : memref<61440x128xf32, #tpu.memory_space<vmem>>, vector<60x128xf32>,
    %swap3A_3293 = arith.constant 59460 : index
    %swap3A_3294 = arith.constant 0 : index
    %swap3A_3295 = vector.load %arg7[%swap3A_3293, %swap3A_3294] : memref<61440x128xf32, #tpu.memory_space<vmem>>, vector<60x128xf32>
    tpu.vector_store %arg7[%swap3A_3293, %swap3A_3294], %concatenate3A {strides = array<i32>} : memref<61440x128xf32, #tpu.memory_space<vmem>>, vector<60x128xf32>,
    %swap3A_3296 = arith.constant 59520 : index
    %swap3A_3297 = arith.constant 0 : index
    %swap3A_3298 = vector.load %arg7[%swap3A_3296, %swap3A_3297] : memref<61440x128xf32, #tpu.memory_space<vmem>>, vector<60x128xf32>
    tpu.vector_store %arg7[%swap3A_3296, %swap3A_3297], %concatenate3A {strides = array<i32>} : memref<61440x128xf32, #tpu.memory_space<vmem>>, vector<60x128xf32>,
    %swap3A_3299 = arith.constant 59580 : index
    %swap3A_3300 = arith.constant 0 : index
    %swap3A_3301 = vector.load %arg7[%swap3A_3299, %swap3A_3300] : memref<61440x128xf32, #tpu.memory_space<vmem>>, vector<60x128xf32>
    tpu.vector_store %arg7[%swap3A_3299, %swap3A_3300], %concatenate3A {strides = array<i32>} : memref<61440x128xf32, #tpu.memory_space<vmem>>, vector<60x128xf32>,
    %swap3A_3302 = arith.constant 59640 : index
    %swap3A_3303 = arith.constant 0 : index
    %swap3A_3304 = vector.load %arg7[%swap3A_3302, %swap3A_3303] : memref<61440x128xf32, #tpu.memory_space<vmem>>, vector<60x128xf32>
    tpu.vector_store %arg7[%swap3A_3302, %swap3A_3303], %concatenate3A {strides = array<i32>} : memref<61440x128xf32, #tpu.memory_space<vmem>>, vector<60x128xf32>,
    %swap3A_3305 = arith.constant 59700 : index
    %swap3A_3306 = arith.constant 0 : index
    %swap3A_3307 = vector.load %arg7[%swap3A_3305, %swap3A_3306] : memref<61440x128xf32, #tpu.memory_space<vmem>>, vector<60x128xf32>
    tpu.vector_store %arg7[%swap3A_3305, %swap3A_3306], %concatenate3A {strides = array<i32>} : memref<61440x128xf32, #tpu.memory_space<vmem>>, vector<60x128xf32>,
    %swap3A_3308 = arith.constant 59760 : index
    %swap3A_3309 = arith.constant 0 : index
    %swap3A_3310 = vector.load %arg7[%swap3A_3308, %swap3A_3309] : memref<61440x128xf32, #tpu.memory_space<vmem>>, vector<60x128xf32>
    tpu.vector_store %arg7[%swap3A_3308, %swap3A_3309], %concatenate3A {strides = array<i32>} : memref<61440x128xf32, #tpu.memory_space<vmem>>, vector<60x128xf32>,
    %swap3A_3311 = arith.constant 59820 : index
    %swap3A_3312 = arith.constant 0 : index
    %swap3A_3313 = vector.load %arg7[%swap3A_3311, %swap3A_3312] : memref<61440x128xf32, #tpu.memory_space<vmem>>, vector<60x128xf32>
    tpu.vector_store %arg7[%swap3A_3311, %swap3A_3312], %concatenate3A {strides = array<i32>} : memref<61440x128xf32, #tpu.memory_space<vmem>>, vector<60x128xf32>,
    %swap3A_3314 = arith.constant 59880 : index
    %swap3A_3315 = arith.constant 0 : index
    %swap3A_3316 = vector.load %arg7[%swap3A_3314, %swap3A_3315] : memref<61440x128xf32, #tpu.memory_space<vmem>>, vector<60x128xf32>
    tpu.vector_store %arg7[%swap3A_3314, %swap3A_3315], %concatenate3A {strides = array<i32>} : memref<61440x128xf32, #tpu.memory_space<vmem>>, vector<60x128xf32>,
    %swap3A_3317 = arith.constant 59940 : index
    %swap3A_3318 = arith.constant 0 : index
    %swap3A_3319 = vector.load %arg7[%swap3A_3317, %swap3A_3318] : memref<61440x128xf32, #tpu.memory_space<vmem>>, vector<60x128xf32>
    tpu.vector_store %arg7[%swap3A_3317, %swap3A_3318], %concatenate3A {strides = array<i32>} : memref<61440x128xf32, #tpu.memory_space<vmem>>, vector<60x128xf32>,
    %swap3A_3320 = arith.constant 60000 : index
    %swap3A_3321 = arith.constant 0 : index
    %swap3A_3322 = vector.load %arg7[%swap3A_3320, %swap3A_3321] : memref<61440x128xf32, #tpu.memory_space<vmem>>, vector<60x128xf32>
    tpu.vector_store %arg7[%swap3A_3320, %swap3A_3321], %concatenate3A {strides = array<i32>} : memref<61440x128xf32, #tpu.memory_space<vmem>>, vector<60x128xf32>,
    %swap3A_3323 = arith.constant 60060 : index
    %swap3A_3324 = arith.constant 0 : index
    %swap3A_3325 = vector.load %arg7[%swap3A_3323, %swap3A_3324] : memref<61440x128xf32, #tpu.memory_space<vmem>>, vector<60x128xf32>
    tpu.vector_store %arg7[%swap3A_3323, %swap3A_3324], %concatenate3A {strides = array<i32>} : memref<61440x128xf32, #tpu.memory_space<vmem>>, vector<60x128xf32>,
    %swap3A_3326 = arith.constant 60120 : index
    %swap3A_3327 = arith.constant 0 : index
    %swap3A_3328 = vector.load %arg7[%swap3A_3326, %swap3A_3327] : memref<61440x128xf32, #tpu.memory_space<vmem>>, vector<60x128xf32>
    tpu.vector_store %arg7[%swap3A_3326, %swap3A_3327], %concatenate3A {strides = array<i32>} : memref<61440x128xf32, #tpu.memory_space<vmem>>, vector<60x128xf32>,
    %swap3A_3329 = arith.constant 60180 : index
    %swap3A_3330 = arith.constant 0 : index
    %swap3A_3331 = vector.load %arg7[%swap3A_3329, %swap3A_3330] : memref<61440x128xf32, #tpu.memory_space<vmem>>, vector<60x128xf32>
    tpu.vector_store %arg7[%swap3A_3329, %swap3A_3330], %concatenate3A {strides = array<i32>} : memref<61440x128xf32, #tpu.memory_space<vmem>>, vector<60x128xf32>,
    %swap3A_3332 = arith.constant 60240 : index
    %swap3A_3333 = arith.constant 0 : index
    %swap3A_3334 = vector.load %arg7[%swap3A_3332, %swap3A_3333] : memref<61440x128xf32, #tpu.memory_space<vmem>>, vector<60x128xf32>
    tpu.vector_store %arg7[%swap3A_3332, %swap3A_3333], %concatenate3A {strides = array<i32>} : memref<61440x128xf32, #tpu.memory_space<vmem>>, vector<60x128xf32>,
    %swap3A_3335 = arith.constant 60300 : index
    %swap3A_3336 = arith.constant 0 : index
    %swap3A_3337 = vector.load %arg7[%swap3A_3335, %swap3A_3336] : memref<61440x128xf32, #tpu.memory_space<vmem>>, vector<60x128xf32>
    tpu.vector_store %arg7[%swap3A_3335, %swap3A_3336], %concatenate3A {strides = array<i32>} : memref<61440x128xf32, #tpu.memory_space<vmem>>, vector<60x128xf32>,
    %swap3A_3338 = arith.constant 60360 : index
    %swap3A_3339 = arith.constant 0 : index
    %swap3A_3340 = vector.load %arg7[%swap3A_3338, %swap3A_3339] : memref<61440x128xf32, #tpu.memory_space<vmem>>, vector<60x128xf32>
    tpu.vector_store %arg7[%swap3A_3338, %swap3A_3339], %concatenate3A {strides = array<i32>} : memref<61440x128xf32, #tpu.memory_space<vmem>>, vector<60x128xf32>,
    %swap3A_3341 = arith.constant 60420 : index
    %swap3A_3342 = arith.constant 0 : index
    %swap3A_3343 = vector.load %arg7[%swap3A_3341, %swap3A_3342] : memref<61440x128xf32, #tpu.memory_space<vmem>>, vector<60x128xf32>
    tpu.vector_store %arg7[%swap3A_3341, %swap3A_3342], %concatenate3A {strides = array<i32>} : memref<61440x128xf32, #tpu.memory_space<vmem>>, vector<60x128xf32>,
    %swap3A_3344 = arith.constant 60480 : index
    %swap3A_3345 = arith.constant 0 : index
    %swap3A_3346 = vector.load %arg7[%swap3A_3344, %swap3A_3345] : memref<61440x128xf32, #tpu.memory_space<vmem>>, vector<60x128xf32>
    tpu.vector_store %arg7[%swap3A_3344, %swap3A_3345], %concatenate3A {strides = array<i32>} : memref<61440x128xf32, #tpu.memory_space<vmem>>, vector<60x128xf32>,
    %swap3A_3347 = arith.constant 60540 : index
    %swap3A_3348 = arith.constant 0 : index
    %swap3A_3349 = vector.load %arg7[%swap3A_3347, %swap3A_3348] : memref<61440x128xf32, #tpu.memory_space<vmem>>, vector<60x128xf32>
    tpu.vector_store %arg7[%swap3A_3347, %swap3A_3348], %concatenate3A {strides = array<i32>} : memref<61440x128xf32, #tpu.memory_space<vmem>>, vector<60x128xf32>,
    %swap3A_3350 = arith.constant 60600 : index
    %swap3A_3351 = arith.constant 0 : index
    %swap3A_3352 = vector.load %arg7[%swap3A_3350, %swap3A_3351] : memref<61440x128xf32, #tpu.memory_space<vmem>>, vector<60x128xf32>
    tpu.vector_store %arg7[%swap3A_3350, %swap3A_3351], %concatenate3A {strides = array<i32>} : memref<61440x128xf32, #tpu.memory_space<vmem>>, vector<60x128xf32>,
    %swap3A_3353 = arith.constant 60660 : index
    %swap3A_3354 = arith.constant 0 : index
    %swap3A_3355 = vector.load %arg7[%swap3A_3353, %swap3A_3354] : memref<61440x128xf32, #tpu.memory_space<vmem>>, vector<60x128xf32>
    tpu.vector_store %arg7[%swap3A_3353, %swap3A_3354], %concatenate3A {strides = array<i32>} : memref<61440x128xf32, #tpu.memory_space<vmem>>, vector<60x128xf32>,
    %swap3A_3356 = arith.constant 60720 : index
    %swap3A_3357 = arith.constant 0 : index
    %swap3A_3358 = vector.load %arg7[%swap3A_3356, %swap3A_3357] : memref<61440x128xf32, #tpu.memory_space<vmem>>, vector<60x128xf32>
    tpu.vector_store %arg7[%swap3A_3356, %swap3A_3357], %concatenate3A {strides = array<i32>} : memref<61440x128xf32, #tpu.memory_space<vmem>>, vector<60x128xf32>,
    %swap3A_3359 = arith.constant 60780 : index
    %swap3A_3360 = arith.constant 0 : index
    %swap3A_3361 = vector.load %arg7[%swap3A_3359, %swap3A_3360] : memref<61440x128xf32, #tpu.memory_space<vmem>>, vector<60x128xf32>
    tpu.vector_store %arg7[%swap3A_3359, %swap3A_3360], %concatenate3A {strides = array<i32>} : memref<61440x128xf32, #tpu.memory_space<vmem>>, vector<60x128xf32>,
    %swap3A_3362 = arith.constant 60840 : index
    %swap3A_3363 = arith.constant 0 : index
    %swap3A_3364 = vector.load %arg7[%swap3A_3362, %swap3A_3363] : memref<61440x128xf32, #tpu.memory_space<vmem>>, vector<60x128xf32>
    tpu.vector_store %arg7[%swap3A_3362, %swap3A_3363], %concatenate3A {strides = array<i32>} : memref<61440x128xf32, #tpu.memory_space<vmem>>, vector<60x128xf32>,
    %swap3A_3365 = arith.constant 60900 : index
    %swap3A_3366 = arith.constant 0 : index
    %swap3A_3367 = vector.load %arg7[%swap3A_3365, %swap3A_3366] : memref<61440x128xf32, #tpu.memory_space<vmem>>, vector<60x128xf32>
    tpu.vector_store %arg7[%swap3A_3365, %swap3A_3366], %concatenate3A {strides = array<i32>} : memref<61440x128xf32, #tpu.memory_space<vmem>>, vector<60x128xf32>,
    %swap3A_3368 = arith.constant 60960 : index
    %swap3A_3369 = arith.constant 0 : index
    %swap3A_3370 = vector.load %arg7[%swap3A_3368, %swap3A_3369] : memref<61440x128xf32, #tpu.memory_space<vmem>>, vector<60x128xf32>
    tpu.vector_store %arg7[%swap3A_3368, %swap3A_3369], %concatenate3A {strides = array<i32>} : memref<61440x128xf32, #tpu.memory_space<vmem>>, vector<60x128xf32>,
    %swap3A_3371 = arith.constant 61020 : index
    %swap3A_3372 = arith.constant 0 : index
    %swap3A_3373 = vector.load %arg7[%swap3A_3371, %swap3A_3372] : memref<61440x128xf32, #tpu.memory_space<vmem>>, vector<60x128xf32>
    tpu.vector_store %arg7[%swap3A_3371, %swap3A_3372], %concatenate3A {strides = array<i32>} : memref<61440x128xf32, #tpu.memory_space<vmem>>, vector<60x128xf32>,
    %swap3A_3374 = arith.constant 61080 : index
    %swap3A_3375 = arith.constant 0 : index
    %swap3A_3376 = vector.load %arg7[%swap3A_3374, %swap3A_3375] : memref<61440x128xf32, #tpu.memory_space<vmem>>, vector<60x128xf32>
    tpu.vector_store %arg7[%swap3A_3374, %swap3A_3375], %concatenate3A {strides = array<i32>} : memref<61440x128xf32, #tpu.memory_space<vmem>>, vector<60x128xf32>,
    %swap3A_3377 = arith.constant 61140 : index
    %swap3A_3378 = arith.constant 0 : index
    %swap3A_3379 = vector.load %arg7[%swap3A_3377, %swap3A_3378] : memref<61440x128xf32, #tpu.memory_space<vmem>>, vector<60x128xf32>
    tpu.vector_store %arg7[%swap3A_3377, %swap3A_3378], %concatenate3A {strides = array<i32>} : memref<61440x128xf32, #tpu.memory_space<vmem>>, vector<60x128xf32>,
    %swap3A_3380 = arith.constant 61200 : index
    %swap3A_3381 = arith.constant 0 : index
    %swap3A_3382 = vector.load %arg7[%swap3A_3380, %swap3A_3381] : memref<61440x128xf32, #tpu.memory_space<vmem>>, vector<60x128xf32>
    tpu.vector_store %arg7[%swap3A_3380, %swap3A_3381], %concatenate3A {strides = array<i32>} : memref<61440x128xf32, #tpu.memory_space<vmem>>, vector<60x128xf32>,
    %swap3A_3383 = arith.constant 61260 : index
    %swap3A_3384 = arith.constant 0 : index
    %swap3A_3385 = vector.load %arg7[%swap3A_3383, %swap3A_3384] : memref<61440x128xf32, #tpu.memory_space<vmem>>, vector<60x128xf32>
    tpu.vector_store %arg7[%swap3A_3383, %swap3A_3384], %concatenate3A {strides = array<i32>} : memref<61440x128xf32, #tpu.memory_space<vmem>>, vector<60x128xf32>,
    %swap3A_3386 = arith.constant 61320 : index
    %swap3A_3387 = arith.constant 0 : index
    %swap3A_3388 = vector.load %arg7[%swap3A_3386, %swap3A_3387] : memref<61440x128xf32, #tpu.memory_space<vmem>>, vector<60x128xf32>
    tpu.vector_store %arg7[%swap3A_3386, %swap3A_3387], %concatenate3A {strides = array<i32>} : memref<61440x128xf32, #tpu.memory_space<vmem>>, vector<60x128xf32>,
    %swap3A_3389 = arith.constant 61380 : index
    %swap3A_3390 = arith.constant 0 : index
    %swap3A_3391 = vector.load %arg7[%swap3A_3389, %swap3A_3390] : memref<61440x128xf32, #tpu.memory_space<vmem>>, vector<60x128xf32>
    tpu.vector_store %arg7[%swap3A_3389, %swap3A_3390], %concatenate3A {strides = array<i32>} : memref<61440x128xf32, #tpu.memory_space<vmem>>, vector<60x128xf32>,
    return
  }
}

</mosaic_0001>

<sc_bundles>
// kernel: kernel.4.cloned.1.call-start
scs
__scs_entry_jumppad:
0x0: {  	(pc) =	sbr.rel $0x88, $3  }
0x1: {  	(tag) =	ssettag $0x0;
	lr =	simm.s32 $0x1  }
0x2: {  	[smem:$0x3F9D] =	sst lr;
	_ =	strace $0xD0000000  }
0x3: {  	_ = 	snop  }
0x4: {  	_ = 	snop  }
0x5: {  	_ = 	snop  }
0x6: {  	_ = 	snop  }
0x7: {  	_ = 	snop  }
__scs_overlays_trampoline_lowered:
0x8: {  	[smem:$0x3FAC] =	sst s0  }
0x9: {  	[smem:$0x3FAD] =	sst s1  }
0xa: {  	[smem:$0x3FAE] =	sst s2  }
0xb: {  	[smem:$0x3FAF] =	sst s3  }
0xc: {  	[smem:$0x3FB0] =	sst s4  }
0xd: {  	[smem:$0x3FB1] =	sst s5  }
0xe: {  	[smem:$0x3FB2] =	sst s6  }
0xf: {  	[smem:$0x3FB3] =	sst s7  }
0x10: {  	[smem:$0x3FB4] =	sst s8  }
0x11: {  	[smem:$0x3FB5] =	sst s9;
	s0 =	simm.s32 @!p0 $0x0  }
0x12: {  	s1 =	sld [smem:$0x3F9B];
	s0 =	simm.s32 @p0 $0x1  }
0x13: {  	[smem:$0x3FB6] =	sst s0;
	s0 =	simm.s32 @!p1 $0x0  }
0x14: {  	s2 =	sld [smem:$0x3F9A];
	s0 =	simm.s32 @p1 $0x1  }
0x15: {  	[smem:$0x3FB7] =	sst s0;
	s0 =	simm.s32 @!p2 $0x0  }
0x16: {  	s3 =	sld [smem:$0x3FDB];
	s0 =	simm.s32 @p2 $0x1  }
0x17: {  	s4 =	simm.s32 $0x1BF5;
	[smem:$0x3FB9] =	sst s0  }
0x18: {  	s0 =	sld [smem:$0x3F9C];
	_ =	swait.ge [sflag:s4], $0x0  }
0x19: {  	s7 =	sld [smem:$0x3F9D]  }
0x1a: {  	s8 =	sadd.s32 $0xFFFFE003, lr  }
0x1b: {  	s9 =	sadd.s32 $0xFFFFFEF7, lr;
	s5 =	simm.s32 $0xFFFFFFFF;
	p2 =	slt.u32 s8, $0xFFFFF086  }
0x1c: {  	p1 =	slt.u32 s9, $0xF7A;
	s5 =	simm.s32 @!p2 $0x0  }
0x1d: {  	s5 =	simm.s32 @p1 $0x1;
	p0 =	seq.s32 s7, s2  }
0x1e: {  	s7 =	smul.u32 @!p0 $0xF7A, s2;
	p2 =	seq.s32 @!p0 s5, $0x0  }
0x1f: {  	s9 =	smul.u32 $0xF7A, s1;
	s8 =	simm.s32 @!p0 $0x1BF5;
	p2 =	por !p2, p0  }
0x20: {  	[sflag:s8] =	ssyncset.s32 @!p0 $0xFFFFF086;
	s6 =	sadd.s32 @!p0 s3, s7;
	s7 =	simm.s32 @!p0 $0x108  }
0x21: {  	s3 =	sadd.s32 s3, s9;
	s6 =	sadd.s32 @!p0 $0x88, s6;
	s7 =	simm.s32 @p2 $0x1082  }
0x22: {  	[simem:s7], [sflag:s8] =	dma.local @!p0 [hbm:s6], $0xF7A  }
0x23: {  	s9 =	sor.u32 $0xD0000000, s2;
	s6 =	simm.s32 $0x108;
	_ =	swait.ge @!p0 [sflag:s8], $0x0  }
0x24: {  	s3 =	sadd.s32 $0x88, s3;
	s6 =	simm.s32 @!p1 $0x1082;
	[sflag:s4] =	ssyncset.s32 $0xFFFFF086  }
0x25: {  	[simem:s6], [sflag:s4] =	dma.local [hbm:s3], $0xF7A  }
0x26: {  	[smem:$0x3F9D] =	sst s1;
	(tag) =	ssettag s2;
	_ =	strace s9  }
0x27: {  	s1 =	sld [smem:$0x3FAD]  }
0x28: {  	s2 =	sld [smem:$0x3FAE]  }
0x29: {  	s4 =	sld [smem:$0x3FB0]  }
0x2a: {  	p0 =	seq.s32 s5, $0x0;
	s5 =	sld [smem:$0x3FB1]  }
0x2b: {  	s6 =	sld [smem:$0x3FB2]  }
0x2c: {  	s7 =	sld [smem:$0x3FB3]  }
0x2d: {  	s3 =	simm.s32 $0x108;
	s8 =	sld [smem:$0x3FB4]  }
0x2e: {  	s3 =	simm.s32 @!p0 $0x1082;
	s9 =	sld [smem:$0x3FB5]  }
0x2f: {  	lr =	sadd.s32 s0, s3;
	s0 =	sld [smem:$0x3FAC]  }
0x30: {  	s3 =	sld [smem:$0x3FAF]  }
0x31: {  	[smem:$0x3FB8] =	sst s10  }
0x32: {  	s10 =	sld [smem:$0x3FB6];
	_ =	sdelay $0x3  }
0x33: {  	p0 =	seq.s32 s10, $0x1;
	s10 =	sld [smem:$0x3FB8];
	_ =	sdelay $0x3  }
0x34: {  	[smem:$0x3FB8] =	sst s10  }
0x35: {  	s10 =	sld [smem:$0x3FB7];
	_ =	sdelay $0x3  }
0x36: {  	p1 =	seq.s32 s10, $0x1;
	s10 =	sld [smem:$0x3FB8];
	_ =	sdelay $0x3  }
0x37: {  	[smem:$0x3FB8] =	sst s10  }
0x38: {  	s10 =	sld [smem:$0x3FB9]  }
0x39: {  	_ = 	snop;
	(pc) =	sbr.ind lr, $3  }
0x3a: {  	_ = 	snop  }
0x3b: {  	_ = 	snop  }
0x3c: {  	p2 =	seq.s32 s10, $0x1;
	s10 =	sld [smem:$0x3FB8]  }
0x3d: {  	_ =	shalt  }
0x3e: {  	_ =	shalt  }
0x3f: {  	_ =	shalt  }
0x40: {  	_ =	shalt  }
0x41: {  	_ =	shalt  }
0x42: {  	_ =	shalt  }
0x43: {  	_ =	shalt  }
0x44: {  	_ =	shalt  }
0x45: {  	_ =	shalt  }
0x46: {  	_ =	shalt  }
0x47: {  	_ =	shalt  }
0x48: {  	_ =	shalt  }
0x49: {  	_ =	shalt  }
0x4a: {  	_ =	shalt  }
0x4b: {  	_ =	shalt  }
0x4c: {  	_ =	shalt  }
0x4d: {  	_ =	shalt  }
0x4e: {  	_ =	shalt  }
0x4f: {  	_ =	shalt  }
0x50: {  	_ =	shalt  }
0x51: {  	_ =	shalt  }
0x52: {  	_ =	shalt  }
0x53: {  	_ =	shalt  }
0x54: {  	_ =	shalt  }
0x55: {  	_ =	shalt  }
0x56: {  	_ =	shalt  }
0x57: {  	_ =	shalt  }
0x58: {  	_ =	shalt  }
0x59: {  	_ =	shalt  }
0x5a: {  	_ =	shalt  }
0x5b: {  	_ =	shalt  }
0x5c: {  	_ =	shalt  }
0x5d: {  	_ =	shalt  }
0x5e: {  	_ =	shalt  }
0x5f: {  	_ =	shalt  }
0x60: {  	_ =	shalt  }
0x61: {  	_ =	shalt  }
0x62: {  	_ =	shalt  }
0x63: {  	_ =	shalt  }
0x64: {  	_ =	shalt  }
0x65: {  	_ =	shalt  }
0x66: {  	_ =	shalt  }
0x67: {  	_ =	shalt  }
0x68: {  	_ =	shalt  }
0x69: {  	_ =	shalt  }
0x6a: {  	_ =	shalt  }
0x6b: {  	_ =	shalt  }
0x6c: {  	_ =	shalt  }
0x6d: {  	_ =	shalt  }
0x6e: {  	_ =	shalt  }
0x6f: {  	_ =	shalt  }
0x70: {  	_ =	shalt  }
0x71: {  	_ =	shalt  }
0x72: {  	_ =	shalt  }
0x73: {  	_ =	shalt  }
0x74: {  	_ =	shalt  }
0x75: {  	_ =	shalt  }
0x76: {  	_ =	shalt  }
0x77: {  	_ =	shalt  }
0x78: {  	_ =	shalt  }
0x79: {  	_ =	shalt  }
0x7a: {  	_ =	shalt  }
0x7b: {  	_ =	shalt  }
0x7c: {  	_ =	shalt  }
0x7d: {  	_ =	shalt  }
0x7e: {  	_ =	shalt  }
0x7f: {  	_ =	shalt  }
0x80: {  	_ =	shalt  }
0x81: {  	_ =	shalt  }
0x82: {  	_ =	shalt  }
0x83: {  	_ =	shalt  }
0x84: {  	_ =	shalt  }
0x85: {  	_ =	shalt  }
0x86: {  	_ =	shalt  }
0x87: {  	_ =	shalt  }
.Lfunc_end0:
.L_simem_size_0:
called_computation_lowered:
.L_overlay_start_0:
0x88: {  	s2 =	sld [smem:$0x3FD9]  }
0x89: {  	s3 =	sld [smem:$0x3FFE];
	_ =	sdelay $0x1  }
0x8a: {  	s1 =	srdreg.scid  }
0x8b: {  	s0 =	sand.u32 $0x1, s1  }
0x8c: {  	s17 =	sshll.u32 s0, $0xA;
	s2 =	sadd.s32 s3, s2  }
0x8d: {  	s2 =	sadd.s32 s2, s17  }
0x8e: {  	[smem:$0x3FC4] =	sst s2  }
0x8f: {  	_ = 	snop  }
0x90: {  	s2 =	sld [smem:$0x3FD0];
	(tm) =	ssettm $0x1  }
0x91: {  	s18 =	sld [smem:$0x3FFB];
	_ =	sdelay $0x3  }
0x92: {  	_ =	strace s18  }
0x93: {  	s3 =	sld [smem:$0x3FFC];
	_ =	sdelay $0x3  }
0x94: {  	_ =	strace s3  }
0x95: {  	s3 =	sld [smem:$0x3FFD];
	_ =	sdelay $0x3  }
0x96: {  	_ =	strace s3  }
0x97: {  	_ =	strace $0x8FFFFFFF  }
0x98: {  	s19 =	sld [smem:$0x3FDB];
	_ =	sdelay $0x1  }
0x99: {  	s4 =	simm.s32 $_scs_section_size  }
0x9a: {  	s5 =	simm.s32 $_size__tile_overlayer_lowered;
	s6 =	simm.s32 $_tile_overlayer_lowered  }
0x9b: {  	s22 =	simm.s32 $0x1BFF;
	s21 =	sshll.u32 s6, $0x1;
	s3 =	sadd.s32 s4, s19  }
0x9c: {  	s7 =	simm.s32 $0x0;
	s20 =	sshll.u32 s5, $0x1;
	s5 =	sadd.s32 s21, s3  }
0x9d: {  	[timem:s7], [sflag:s22] =	dma.local [hbm:s5], s20  }
0x9e: {  	_ =	swait.ge [sflag:s22], s20  }
0x9f: {  	s4 =	ssub.s32 $0x0, s20;
	[sflag:s22] =	ssyncset.done $0x0  }
0xa0: {  	[sflag:s22] =	ssyncadd.s32 s4;
	_ =	sdelay $0x1  }
0xa1: {  	s23 =	simm.s32 $0x1B8B  }
0xa2: {  	_ =	swait.ge [sflag:s23], $0x1  }
0xa3: {  	[sflag:s23] =	ssyncset.done $0x0  }
0xa4: {  	s25 =	simm.s32 $0x1B8E;
	s24 =	sld [smem:$0x3FFE];
	[sflag:s23] =	ssyncadd.s32 $0xFFFFFFFF  }
0xa5: {  	s26 =	simm.s32 $execute0_lowered;
	[smem:$0x3FD2] =	sst s25  }
0xa6: {  	s5 =	sshll.u32 s26, $0x1;
	_ =	strace $0x80000046;
	[dreg:$0x1] =	wrdreg $0xFFFFFFFF  }
0xa7: {  	s28 =	simm.s32 $_size_execute0_lowered;
	s3 =	sadd.s32 s3, s5;
	[dreg:$0x0] =	wrdreg $0x0  }
0xa8: {  	s5 =	sshll.u32 s28, $0x1;
	[dreg:$0x2] =	wrdreg s3  }
0xa9: {  	[dreg:$0x3] =	wrdreg s5  }
0xaa: {  	[dreg:$0x4] =	wrdreg $0xC0  }
0xab: {  	_ =	task [dreg:s7], $0x5FFFF  }
0xac: {  	[dreg:$0x1] =	wrdreg $0xFFFFFFFF  }
0xad: {  	[dreg:$0x0] =	wrdreg $0x60  }
0xae: {  	[dreg:$0x2] =	wrdreg s24  }
0xaf: {  	[dreg:$0x3] =	wrdreg s2  }
0xb0: {  	[dreg:$0x4] =	wrdreg $0x9  }
0xb1: {  	_ =	task.clear_ibuf [dreg:s7], $0x5FFFF;
	_ =	strace $0x90000046  }
0xb2: {  	s29 =	simm.s32 $0x9;
	_ =	strace $0x80000048  }
0xb3: {  	_ =	swait.ge [sflag:s29], $0x1  }
0xb4: {  	[sflag:s29] =	ssyncadd.s32 $0xFFFFFFFF  }
0xb5: {  	_ =	strace $0x90000048  }
0xb6: {  	_ =	sfence  }
0xb7: {  	s30 =	sld [smem:$0x0];
	_ =	sdelay $0x2  }
0xb8: {  	s31 =	sshll.u32 s1, $0xD;
	s1 =	sshrl.u32 s1, $0x2  }
0xb9: {  	s3 =	sand.u32 $0x4000, s31;
	s1 =	sadd.s32 s1, s30  }
0xba: {  	s0 =	sor.u32 s3, s0;
	s1 =	sshll.u32 s1, $0x11  }
0xbb: {  	s0 =	sor.u32 s1, s0  }
0xbc: {  	s0 =	sadd.s32 $0x8F2B, s0  }
0xbd: {  	[sflag:s0] =	ssyncadd.remote.s32 $0x1  }
0xbe: {  	_ =	sfence.sel $0xFFFF  }
0xbf: {  	[dreg:$0x0] =	wrdreg $0xFFFFFFFF;
	(pc) =	sbr.abs _section_cstart, $3  }
0xc0: {  	[dreg:$0x1] =	wrdreg $0xFFFFFFFF  }
0xc1: {  	_ =	task.clear_ibuf [dreg:s7], $0x2FFFF;
	_ =	strace $0x9FFFFFFF  }
0xc2: {  	(tm) =	ssettm $0x7FFFFFFF  }
0xc3: {  	_ =	shalt  }
tec
execute0_lowered:
.L_overlay_start_1:
0x0: {  	(tag) =	ssettag $0x1  }
0x1: {  	s0 =	srdreg.scid;
	s1 =	rddreg [dreg:$0x0]  }
0x2: {  	s10 =	stileid.u32;
	s7 =	rddreg [dreg:$0x1]  }
0x3: {  	s29 =	simm.s32 $0x0;
	s11 =	simm.s32 $0x80;
	s18 =	simm.s32 $0x4  }
0x4: {  	s19 =	simm.s32 $0x5;
	s20 =	simm.s32 $0x6;
	s21 =	simm.s32 $0x0  }
0x5: {  	s0 =	sand.u32 $0x1, s0;
	s2 =	sshll.u32 s10, $0x1;
	[smem:$0x7FF] =	sst s29  }
0x6: {  	s30 =	smul.u32 $0x4E, s10;
	p0 =	seq.s32 s10, $0x0;
	s3 =	sor.u32 s0, s2  }
0x7: {  	s6 =	ssub.s32 $0x2, s0;
	s0 =	smul.u32 $0x27, s0;
	_ =	strace $0x80000047  }
0x8: {  	s4 =	smul.u32 $0x27, s3;
	s5 =	smin.u32 s3, $0x2;
	s8 =	sshrl.u32 s6, $0x1  }
0x9: {  	s3 =	simm.s32 $0x28;
	s6 =	ssub.s32 s6, s8;
	s0 =	sadd.s32 s0, s30  }
0xa: {  	s3 =	simm.s32 @!p0 $0x27;
	p0 =	sne.s32 s10, $0x0;
	s4 =	sadd.s32 s5, s4  }
0xb: {  	s10 =	simm.s32 $0x7;
	s0 =	sadd.s32 s5, s0;
	s4 =	sshll.u32 s4, $0x5  }
0xc: {  	s6 =	smax.u32 s6, $0x1;
	s0 =	sshll.u32 s0, $0xC;
	s9 =	sadd.s32 s4, s1  }
0xd: {  	s7 =	sadd.s32 s0, s7;
	s31 =	sadd.s32 $0xF0000, s9;
	s5 =	sadd.s32 $0xF04E0, s9  }
0xe: {  	s8 =	sadd.s32 $0x1000, s7;
	s9 =	sadd.s32 $0x2000, s7;
	[dreg:$0x3] =	wrdreg s31  }
.LBB2_1:
0xf: {  	s2 =	simm.s32 $0x0;
	s0 =	rddreg [dreg:$0x3]  }
0x10: {  	[tilespmem:s2], [sflag:$0x7] =	stream.linear.gather [hbm4b:s0+s2], $0x2700, $0x38;
	[tilespmem:$0x1A800] =	vst v63  }
0x11: {  	_ =	swait.ge [sflag:s10], $0x2700  }
0x12: {  	[sflag:s10] =	ssyncset.done $0x0  }
0x13: {  	s12 =	simm.s32 @!p0 $0x2700;
	s0 =	simm.s32 @!p0 $0x0;
	[sflag:s10] =	ssyncadd.s32 $0xFFFFD900  }
0x14: {  	[tilespmem:s12], [sflag:$0x7] =	stream.linear.gather @!p0 [hbm4b:s5+s0], $0x100, $0x38;
	[tilespmem:$0x1A800] =	vst v63  }
0x15: {  	s0 =	simm.s32 @!p0 $0x7  }
0x16: {  	_ =	swait.ge @!p0 [sflag:s0], $0x100  }
0x17: {  	[sflag:s0] =	ssyncset.done @!p0 $0x0  }
0x18: {  	s17 =	simm.s32 $0x2800;
	[sflag:s0] =	ssyncadd.s32 @!p0 $0xFFFFFF00  }
0x19: {  	[tilespmem:s17], [sflag:$0x1] =	stream.indirect.gather [hbm4b:s1+s11], $0x80, s2, s11, $0xb8;
	[tilespmem:$0x1A800] =	vst v63  }
0x1a: {  	s22 =	simm.s32 $0x6800;
	s23 =	simm.s32 $0x100  }
0x1b: {  	[tilespmem:s22], [sflag:$0x1] =	stream.indirect.gather [hbm4b:s1+s11], $0x80, s11, s11, $0xb8;
	[tilespmem:$0x1A800] =	vst v63  }
0x1c: {  	s24 =	simm.s32 $0xA800;
	s25 =	simm.s32 $0x180;
	p1 =	sle.u32 s3, $0x0  }
0x1d: {  	[tilespmem:s24], [sflag:$0x2] =	stream.indirect.gather [hbm4b:s1+s11], $0x80, s23, s11, $0xb8;
	[tilespmem:$0x1A800] =	vst v63  }
0x1e: {  	s26 =	simm.s32 $0xE800;
	p2 =	por $0x1, $0x1;
	s0 =	simm.s32 @!p1 $0x1  }
0x1f: {  	[tilespmem:s26], [sflag:$0x2] =	stream.indirect.gather [hbm4b:s1+s11], $0x80, s25, s11, $0xb8;
	[tilespmem:$0x1A800] =	vst v63  }
0x20: {  	p3 =	sle.u32 @!p2 s3, $0x2;
	_ =	swait.ge @!p1 [sflag:s0], $0x8000  }
0x21: {  	p3 =	por p3, p2;
	[sflag:s0] =	ssyncset.done @!p1 $0x0  }
0x22: {  	s12 =	simm.s32 @!p1 $0x2800;
	[sflag:s0] =	ssyncadd.s32 @!p1 $0xFFFF8000;
	s0 =	simm.s32 @!p1 $0x0  }
0x23: {  	[hbm4b:s7+s0] =	stream.linear.scatter @!p1 [tilespmem:s12], [sflag:$0x4], $0x8000, $0x38;
	[tilespmem:$0x1A800] =	vst v63  }
0x24: {  	s0 =	simm.s32 @!p3 $0x6  }
0x25: {  	p1 =	sle.u32 s3, $0x2;
	_ =	swait.ge @!p3 [sflag:s0], $0x8000  }
0x26: {  	p2 =	sle.u32 s3, $0x1;
	s12 =	simm.s32 @!p1 $0x12800;
	[sflag:s0] =	ssyncset.done @!p3 $0x0  }
0x27: {  	s13 =	simm.s32 @!p1 $0x200;
	s14 =	simm.s32 @!p1 $0x80;
	[sflag:s0] =	ssyncadd.s32 @!p3 $0xFFFF8000  }
0x28: {  	[tilespmem:s12], [sflag:$0x3] =	stream.indirect.gather @!p1 [hbm4b:s1+s14], $0x80, s13, s14, $0xb8;
	[tilespmem:$0x1A800] =	vst v63  }
0x29: {  	s15 =	simm.s32 @!p2 $0x2;
	s0 =	simm.s32 @!p1 $0x280;
	s13 =	simm.s32 @!p1 $0x16800  }
0x2a: {  	[tilespmem:s13], [sflag:$0x3] =	stream.indirect.gather @!p1 [hbm4b:s1+s14], $0x80, s0, s14, $0xb8;
	[tilespmem:$0x1A800] =	vst v63  }
0x2b: {  	s30 =	simm.s32 $0x3;
	s31 =	simm.s32 $0x4;
	_ =	swait.ge @!p2 [sflag:s15], $0x8000  }
0x2c: {  	p3 =	sle.u32 s3, $0x3;
	s0 =	simm.s32 @!p2 $0x0;
	[sflag:s15] =	ssyncset.done @!p2 $0x0  }
0x2d: {  	s13 =	simm.s32 @!p2 $0xA800;
	s14 =	simm.s32 @!p3 $0x4;
	[sflag:s15] =	ssyncadd.s32 @!p2 $0xFFFF8000  }
0x2e: {  	[hbm4b:s8+s0] =	stream.linear.scatter @!p2 [tilespmem:s13], [sflag:$0x5], $0x8000, $0x38;
	[tilespmem:$0x1A800] =	vst v63  }
0x2f: {  	s29 =	simm.s32 $0x6;
	s28 =	sadd.s32 $0x3000, s7;
	_ =	swait.ge @!p3 [sflag:s14], $0x8000  }
0x30: {  	s22 =	simm.s32 $0xC00;
	s15 =	simm.s32 @!p3 $0x2800;
	[sflag:s14] =	ssyncset.done @!p3 $0x0  }
0x31: {  	s0 =	simm.s32 @!p3 $0x300;
	s13 =	simm.s32 @!p3 $0x80;
	[sflag:s14] =	ssyncadd.s32 @!p3 $0xFFFF8000  }
0x32: {  	[tilespmem:s15], [sflag:$0x1] =	stream.indirect.gather @!p3 [hbm4b:s1+s13], $0x80, s0, s13, $0xb8;
	[tilespmem:$0x1A800] =	vst v63  }
0x33: {  	s14 =	simm.s32 @!p3 $0x6800;
	s0 =	simm.s32 @!p3 $0x380;
	s15 =	simm.s32 @!p1 $0x3  }
0x34: {  	[tilespmem:s14], [sflag:$0x1] =	stream.indirect.gather @!p3 [hbm4b:s1+s13], $0x80, s0, s13, $0xb8;
	[tilespmem:$0x1A800] =	vst v63  }
0x35: {  	s23 =	simm.s32 $0x7;
	s24 =	sadd.s32 $0x3000, s9;
	_ =	swait.ge @!p1 [sflag:s15], $0x8000  }
0x36: {  	s26 =	simm.s32 $0x1800;
	p3 =	sle.u32 s3, $0x4;
	[sflag:s15] =	ssyncset.done @!p1 $0x0  }
0x37: {  	s0 =	simm.s32 @!p1 $0x0;
	s14 =	simm.s32 @!p3 $0x5;
	[sflag:s15] =	ssyncadd.s32 @!p1 $0xFFFF8000  }
0x38: {  	[hbm4b:s9+s0] =	stream.linear.scatter @!p1 [tilespmem:s12], [sflag:$0x6], $0x8000, $0x38;
	[tilespmem:$0x1A800] =	vst v63  }
0x39: {  	s25 =	sadd.s32 $0x3000, s8;
	s13 =	simm.s32 @!p3 $0x80;
	_ =	swait.ge @!p3 [sflag:s14], $0x8000  }
0x3a: {  	s15 =	simm.s32 @!p3 $0xE800;
	s0 =	simm.s32 @!p3 $0x400;
	[sflag:s14] =	ssyncset.done @!p3 $0x0  }
0x3b: {  	s12 =	simm.s32 @!p3 $0xA800;
	[sflag:s14] =	ssyncadd.s32 @!p3 $0xFFFF8000;
	s14 =	simm.s32 @!p3 $0x480  }
0x3c: {  	[tilespmem:s12], [sflag:$0x2] =	stream.indirect.gather @!p3 [hbm4b:s1+s13], $0x80, s0, s13, $0xb8;
	[tilespmem:$0x1A800] =	vst v63  }
.LBB2_2:
0x3d: {  	p1 =	sge.u32 s30, s3;
	s0 =	smov.u32 s22;
	s22 =	smov.u32 s26  }
0x3e: {  	s26 =	sadd.s32 $0xC00, s26;
	s12 =	smov.u32 s23;
	s23 =	sadd.s32 $0x3, s23  }
0x3f: {  	[tilespmem:s15], [sflag:$0x2] =	stream.indirect.gather @!p3 [hbm4b:s1+s13], $0x80, s14, s13, $0xb8;
	[tilespmem:$0x1A800] =	vst v63  }
0x40: {  	s30 =	sadd.s32 $0xFFFFFFFC, s23;
	s14 =	sadd.s32 $0xFFFFFFFD, s23;
	s13 =	simm.s32 @!p1 $0x1  }
0x41: {  	p2 =	seq.s32 s0, $0x0;
	s15 =	sadd.s32 $0xFFFFFFFE, s12;
	_ =	swait.ge @!p1 [sflag:s13], $0x8000  }
0x42: {  	s16 =	simm.s32 @!p1 $0x2800;
	p3 =	sge.u32 @!p2 s15, s3;
	[sflag:s13] =	ssyncset.done @!p1 $0x0  }
0x43: {  	p2 =	por p3, p2;
	[sflag:s13] =	ssyncadd.s32 @!p1 $0xFFFF8000;
	s13 =	simm.s32 @!p1 $0x0  }
0x44: {  	[hbm4b:s28+s13] =	stream.linear.scatter @!p1 [tilespmem:s16], [sflag:$0x4], $0x8000, $0x38;
	[tilespmem:$0x1A800] =	vst v63  }
0x45: {  	p3 =	sge.u32 s31, s3;
	s16 =	simm.s32 @!p2 $0x6;
	p1 =	sge.u32 s15, s3  }
0x46: {  	s15 =	sshra.s32 @!p1 s0, $0x2;
	s13 =	simm.s32 @!p1 $0x12800;
	_ =	swait.ge @!p2 [sflag:s16], $0x8000  }
0x47: {  	s17 =	simm.s32 @!p1 $0x80;
	s31 =	sadd.s32 @!p1 $0x200, s15;
	[sflag:s16] =	ssyncset.done @!p2 $0x0  }
0x48: {  	s15 =	sadd.s32 @!p1 $0x280, s15;
	[sflag:s16] =	ssyncadd.s32 @!p2 $0xFFFF8000;
	s16 =	simm.s32 @!p1 $0x16800  }
0x49: {  	[tilespmem:s13], [sflag:$0x3] =	stream.indirect.gather @!p1 [hbm4b:s1+s17], $0x80, s31, s17, $0xb8;
	[tilespmem:$0x1A800] =	vst v63  }
0x4a: {  	s2 =	sadd.s32 $0xFFFFFFFF, s23;
	s4 =	simm.s32 @!p3 $0x2;
	p2 =	sne.s32 s26, $0xA800  }
0x4b: {  	[tilespmem:s16], [sflag:$0x3] =	stream.indirect.gather @!p1 [hbm4b:s1+s17], $0x80, s15, s17, $0xb8;
	[tilespmem:$0x1A800] =	vst v63  }
0x4c: {  	p4 =	sge.u32 s29, s3;
	s31 =	smov.u32 s14;
	_ =	swait.ge @!p3 [sflag:s4], $0x8000  }
0x4d: {  	s14 =	simm.s32 @!p3 $0x0;
	s15 =	simm.s32 @!p3 $0xA800;
	[sflag:s4] =	ssyncset.done @!p3 $0x0  }
0x4e: {  	s16 =	sshra.s32 @!p4 s0, $0x2;
	[sflag:s4] =	ssyncadd.s32 @!p3 $0xFFFF8000;
	s4 =	simm.s32 @!p4 $0x4  }
0x4f: {  	[hbm4b:s25+s14] =	stream.linear.scatter @!p3 [tilespmem:s15], [sflag:$0x5], $0x8000, $0x38;
	[tilespmem:$0x1A800] =	vst v63  }
0x50: {  	s14 =	sadd.s32 @!p4 $0x300, s16;
	s15 =	sadd.s32 @!p4 $0x380, s16;
	_ =	swait.ge @!p4 [sflag:s4], $0x8000  }
0x51: {  	s17 =	simm.s32 @!p4 $0x2800;
	s16 =	simm.s32 @!p4 $0x80;
	[sflag:s4] =	ssyncset.done @!p4 $0x0  }
0x52: {  	s29 =	smov.u32 s2;
	[sflag:s4] =	ssyncadd.s32 @!p4 $0xFFFF8000;
	s4 =	simm.s32 @!p4 $0x6800  }
0x53: {  	[tilespmem:s17], [sflag:$0x1] =	stream.indirect.gather @!p4 [hbm4b:s1+s16], $0x80, s14, s16, $0xb8;
	[tilespmem:$0x1A800] =	vst v63  }
0x54: {  	s2 =	simm.s32 @!p1 $0x3;
	s14 =	smov.u32 s24  }
0x55: {  	[tilespmem:s4], [sflag:$0x1] =	stream.indirect.gather @!p4 [hbm4b:s1+s16], $0x80, s15, s16, $0xb8;
	[tilespmem:$0x1A800] =	vst v63  }
0x56: {  	s25 =	sadd.s32 $0x3000, s25;
	s24 =	sadd.s32 $0x3000, s24;
	_ =	swait.ge @!p1 [sflag:s2], $0x8000  }
0x57: {  	p3 =	sge.u32 s12, s3;
	s4 =	simm.s32 @!p1 $0x0;
	[sflag:s2] =	ssyncset.done @!p1 $0x0  }
0x58: {  	s0 =	sshra.s32 @!p3 s0, $0x2;
	[sflag:s2] =	ssyncadd.s32 @!p1 $0xFFFF8000;
	s2 =	simm.s32 @!p3 $0x5  }
0x59: {  	[hbm4b:s14+s4] =	stream.linear.scatter @!p1 [tilespmem:s13], [sflag:$0x6], $0x8000, $0x38;
	[tilespmem:$0x1A800] =	vst v63  }
.Ltmp0:
0x5a: {  	_ = 	snop;
	(pc) =	sbr.rel @p2 .LBB2_2-.Ltmp0, $4  }
0x5b: {  	s4 =	sadd.s32 @!p3 $0x400, s0;
	s14 =	sadd.s32 @!p3 $0x480, s0;
	_ =	swait.ge @!p3 [sflag:s2], $0x8000  }
0x5c: {  	s13 =	simm.s32 @!p3 $0x80;
	s0 =	simm.s32 @!p3 $0xA800;
	[sflag:s2] =	ssyncset.done @!p3 $0x0  }
0x5d: {  	s28 =	sadd.s32 $0x3000, s28;
	s15 =	simm.s32 @!p3 $0xE800;
	[sflag:s2] =	ssyncadd.s32 @!p3 $0xFFFF8000  }
0x5e: {  	[tilespmem:s0], [sflag:$0x2] =	stream.indirect.gather @!p3 [hbm4b:s1+s13], $0x80, s4, s13, $0xb8;
	[tilespmem:$0x1A800] =	vst v63  }
0x5f: {  	p1 =	sge.u32 s30, s3  }
0x60: {  	[tilespmem:s15], [sflag:$0x2] =	stream.indirect.gather @!p3 [hbm4b:s1+s13], $0x80, s14, s13, $0xb8;
	[tilespmem:$0x1A800] =	vst v63  }
0x61: {  	s0 =	simm.s32 @!p1 $0x1  }
0x62: {  	p2 =	seq.s32 s22, $0x0;
	s2 =	sadd.s32 $0xFFFFFFFE, s23;
	_ =	swait.ge @!p1 [sflag:s0], $0x8000  }
0x63: {  	s4 =	simm.s32 @!p1 $0x2800;
	p3 =	sge.u32 @!p2 s2, s3;
	[sflag:s0] =	ssyncset.done @!p1 $0x0  }
0x64: {  	p3 =	por p3, p2;
	[sflag:s0] =	ssyncadd.s32 @!p1 $0xFFFF8000;
	s0 =	simm.s32 @!p1 $0x0  }
0x65: {  	[hbm4b:s28+s0] =	stream.linear.scatter @!p1 [tilespmem:s4], [sflag:$0x4], $0x8000, $0x38;
	[tilespmem:$0x1A800] =	vst v63  }
0x66: {  	s0 =	simm.s32 @!p3 $0x6  }
0x67: {  	p2 =	sge.u32 s31, s3;
	p1 =	sge.u32 s2, s3;
	_ =	swait.ge @!p3 [sflag:s0], $0x8000  }
0x68: {  	s2 =	sshra.s32 @!p1 s22, $0x2;
	s4 =	simm.s32 @!p1 $0x12800;
	[sflag:s0] =	ssyncset.done @!p3 $0x0  }
0x69: {  	s13 =	simm.s32 @!p1 $0x80;
	s12 =	sadd.s32 @!p1 $0x200, s2;
	[sflag:s0] =	ssyncadd.s32 @!p3 $0xFFFF8000  }
0x6a: {  	[tilespmem:s4], [sflag:$0x3] =	stream.indirect.gather @!p1 [hbm4b:s1+s13], $0x80, s12, s13, $0xb8;
	[tilespmem:$0x1A800] =	vst v63  }
0x6b: {  	s0 =	sadd.s32 @!p1 $0x280, s2;
	s2 =	simm.s32 @!p1 $0x16800;
	s12 =	simm.s32 @!p2 $0x2  }
0x6c: {  	[tilespmem:s2], [sflag:$0x3] =	stream.indirect.gather @!p1 [hbm4b:s1+s13], $0x80, s0, s13, $0xb8;
	[tilespmem:$0x1A800] =	vst v63  }
0x6d: {  	_ =	swait.ge @!p2 [sflag:s12], $0x8000  }
0x6e: {  	p3 =	sge.u32 s29, s3;
	s0 =	simm.s32 @!p2 $0x0;
	[sflag:s12] =	ssyncset.done @!p2 $0x0  }
0x6f: {  	s2 =	simm.s32 @!p2 $0xA800;
	[sflag:s12] =	ssyncadd.s32 @!p2 $0xFFFF8000;
	s12 =	simm.s32 @!p3 $0x4  }
0x70: {  	[hbm4b:s25+s0] =	stream.linear.scatter @!p2 [tilespmem:s2], [sflag:$0x5], $0x8000, $0x38;
	[tilespmem:$0x1A800] =	vst v63  }
0x71: {  	_ =	swait.ge @!p3 [sflag:s12], $0x8000  }
0x72: {  	s14 =	simm.s32 @!p3 $0x2800;
	s0 =	sshra.s32 @!p3 s22, $0x2;
	[sflag:s12] =	ssyncset.done @!p3 $0x0  }
0x73: {  	s13 =	simm.s32 @!p3 $0x80;
	s2 =	sadd.s32 @!p3 $0x300, s0;
	[sflag:s12] =	ssyncadd.s32 @!p3 $0xFFFF8000  }
0x74: {  	[tilespmem:s14], [sflag:$0x1] =	stream.indirect.gather @!p3 [hbm4b:s1+s13], $0x80, s2, s13, $0xb8;
	[tilespmem:$0x1A800] =	vst v63  }
0x75: {  	s0 =	sadd.s32 @!p3 $0x380, s0;
	s12 =	simm.s32 @!p1 $0x3;
	s2 =	simm.s32 @!p3 $0x6800  }
0x76: {  	[tilespmem:s2], [sflag:$0x1] =	stream.indirect.gather @!p3 [hbm4b:s1+s13], $0x80, s0, s13, $0xb8;
	[tilespmem:$0x1A800] =	vst v63  }
0x77: {  	_ =	swait.ge @!p1 [sflag:s12], $0x8000  }
0x78: {  	p2 =	sge.u32 s23, s3;
	[sflag:s12] =	ssyncset.done @!p1 $0x0  }
0x79: {  	s0 =	simm.s32 @!p1 $0x0;
	s2 =	simm.s32 @!p2 $0x5;
	[sflag:s12] =	ssyncadd.s32 @!p1 $0xFFFF8000  }
0x7a: {  	[hbm4b:s24+s0] =	stream.linear.scatter @!p1 [tilespmem:s4], [sflag:$0x6], $0x8000, $0x38;
	[tilespmem:$0x1A800] =	vst v63  }
0x7b: {  	_ =	swait.ge @!p2 [sflag:s2], $0x8000  }
0x7c: {  	s13 =	simm.s32 @!p2 $0xA800;
	s0 =	sshra.s32 @!p2 s22, $0x2;
	[sflag:s2] =	ssyncset.done @!p2 $0x0  }
0x7d: {  	s12 =	simm.s32 @!p2 $0x80;
	s4 =	sadd.s32 @!p2 $0x400, s0;
	[sflag:s2] =	ssyncadd.s32 @!p2 $0xFFFF8000  }
0x7e: {  	[tilespmem:s13], [sflag:$0x2] =	stream.indirect.gather @!p2 [hbm4b:s1+s12], $0x80, s4, s12, $0xb8;
	[tilespmem:$0x1A800] =	vst v63  }
0x7f: {  	s0 =	sadd.s32 @!p2 $0x480, s0;
	s2 =	simm.s32 @!p2 $0xE800  }
0x80: {  	[tilespmem:s2], [sflag:$0x2] =	stream.indirect.gather @!p2 [hbm4b:s1+s12], $0x80, s0, s12, $0xb8;
	[tilespmem:$0x1A800] =	vst v63  }
0x81: {  	_ =	swait.ge [sflag:s18], $0x8000  }
0x82: {  	[sflag:s18] =	ssyncset.done $0x0  }
0x83: {  	s21 =	sadd.s32 $0x1, s21;
	[sflag:s18] =	ssyncadd.s32 $0xFFFF8000  }
0x84: {  	p1 =	sne.s32 s21, s6;
	_ =	swait.ge [sflag:s19], $0x8000  }
.Ltmp1:
0x85: {  	[sflag:s19] =	ssyncset.done $0x0;
	(pc) =	sbr.rel @p1 .LBB2_1-.Ltmp1, $4  }
0x86: {  	[sflag:s19] =	ssyncadd.s32 $0xFFFF8000  }
0x87: {  	_ =	swait.ge [sflag:s20], $0x8000  }
0x88: {  	[sflag:s20] =	ssyncset.done $0x0  }
0x89: {  	[sflag:s20] =	ssyncadd.s32 $0xFFFF8000  }
0x8a: {  	_ =	sfence.sel $0x180000  }
0x8b: {  	[bflag:$0x0] =	sbarrier.arrive $0xFFFF  }
0x8c: {  	_ =	strace $0x90000047  }
0x8d: {  	[bflag:$0x2] =	sbarrier.arrive $0xFFFF  }
0x8e: {  	s0 =	rddreg [dreg:$0x2]  }
0x8f: {  	s0 =	sadd.s32 @!p0 $0x100000, s0  }
0x90: {  	[sflag:s0] =	ssyncadd.tile.s32 @!p0 $0x1;
	_ =	shalt  }
.Lfunc_end2:
_tile_overlayer_lowered:
.L_overlay_start_2:
0x91: {  	(tag) =	ssettag $0x2  }
0x92: {  	s0 =	rddreg [dreg:$0x0];
	s2 =	stileid.u32  }
0x93: {  	s1 =	rddreg [dreg:$0x1];
	p0 =	sne.s32 s2, $0x0  }
0x94: {  	s3 =	rddreg [dreg:$0x2];
	[bflag:$0x3] =	sbarrier.arrive $0xFFFF;
	s2 =	simm.s32 @!p0 $0x1C07  }
0x95: {  	[timem:s3], [sflag:s2] =	dma.local @!p0 [hbm:s0], s1  }
0x96: {  	s0 =	simm.s32 @!p0 $0x7  }
0x97: {  	_ =	swait.ge @!p0 [sflag:s0], s1  }
0x98: {  	s1 =	ssub.s32 @!p0 $0x0, s1;
	[sflag:s0] =	ssyncset.done @!p0 $0x0  }
0x99: {  	[sflag:s0] =	ssyncadd.s32 @!p0 s1  }
0x9a: {  	[bflag:$0x3] =	sbarrier.arrive $0xFFFF  }
0x9b: {  	_ =	shalt  }

</sc_bundles>
